<compile_context>
chip_gen: v7x
topology: tpu7x:2x2x1
jax: 0.10.2.dev20260603
libtpu: 0.0.44.dev20260713+nightly
codegen_flags: <defaults>
</compile_context>

<pallas_src>
import functools

import jax
import jax.numpy as jnp
from jax import lax
from jax.experimental import pallas as pl
from jax.experimental.pallas import tpu as pltpu
from jax.experimental.pallas import tpu_sc as plsc

N = 10000
D = 128
E = 320000
N_AG = 64
N_TASK = 256

NC = 2
NS = 16
NW = NC * NS
EPW = E // NW
C = 40
NCH = EPW // C
NPAD = 10240
RPT = NPAD // NS
RZ = 64
DPT = NPAD // NS



NB = 5
NGRP = NCH // NB

NPAD3 = NPAD * 3
CH = 80
NCHH = EPW // CH
NBH = 5
HPT = NPAD3 // NS


def _sc_mesh():
    return plsc.VectorSubcoreMesh(core_axis_name="c", subcore_axis_name="s",
                                  num_cores=NC, num_subcores=NS)


NSEL = 512
SPT = NSEL // NS


def _sc_agg_build(gather):
    if gather:
        out_type = [jax.ShapeDtypeStruct((NC, NSEL, D), jnp.float32),
                    jax.ShapeDtypeStruct((NSEL, D), jnp.float32),
                    jax.ShapeDtypeStruct((NSEL,), jnp.float32)]
    else:
        out_type = [jax.ShapeDtypeStruct((NC, NPAD, D), jnp.float32)]
    scratch = [
        pltpu.VMEM_SHARED((NPAD, D), jnp.float32),
        pltpu.VMEM((RZ, D), jnp.float32),
    ]
    scratch += [pltpu.VMEM((2 * NB, C), jnp.int32) for _ in range(2)]
    scratch += [pltpu.VMEM((C, D), jnp.float32) for _ in range(NB)]
    scratch += [pltpu.SemaphoreType.DMA for _ in range(2 * NB + 2)]
    if gather:
        scratch += [pltpu.VMEM((SPT,), jnp.int32),
                    pltpu.VMEM((SPT, D), jnp.float32),
                    pltpu.VMEM((SPT,), jnp.float32)]

    def body(h_hbm, sd_hbm, *rest):
        if gather:
            (sel_hbm, deg_hbm, msel_out, hsel_out, dsel_out,
             m_sh, zbuf, *tail) = rest
            selbuf, grow, drow = tail[3 * NB + 4:]
        else:
            (m_out, m_sh, zbuf, *tail) = rest
        gbuf = tail[:2]
        rows = tail[2:2 + NB]
        gsem = tail[2 + NB:2 + 2 * NB]
        ssem = tail[2 + 2 * NB:2 + 3 * NB]
        glsem = tail[2 + 3 * NB:2 + 3 * NB + 2]
        cid = lax.axis_index("c")
        sid = lax.axis_index("s")
        wid = cid * NS + sid

        def zb(i, _):
            zbuf[i >> 3, pl.ds((i & 7) * 16, 16)] = jnp.zeros((16,), jnp.float32)
            return 0
        lax.fori_loop(0, RZ * (D // 16), zb, 0)
        for j in range(RPT // RZ):
            pltpu.sync_copy(zbuf, m_sh.at[pl.ds(sid * RPT + j * RZ, RZ)])
        plsc.subcore_barrier()

        pltpu.async_copy(sd_hbm.at[wid, 0], gbuf[0], glsem[0])

        def group(k, p, _):
            gg = 2 * k + p
            pltpu.make_async_copy(sd_hbm.at[wid, 0], gbuf[p], glsem[p]).wait()
            gath = []
            for b in range(NB):
                def swait():
                    pltpu.make_async_copy(rows[b], m_sh.at[gbuf[p].at[NB + b]],
                                          ssem[b]).wait()
                if p == 0:
                    pl.when(k > 0)(swait)
                else:
                    swait()
                gath.append(pltpu.async_copy(h_hbm.at[gbuf[p].at[b]],
                                             rows[b], gsem[b]))
            def gload():
                pltpu.async_copy(sd_hbm.at[wid, gg + 1], gbuf[1 - p],
                                 glsem[1 - p])
            if p == 0:
                gload()
            else:
                pl.when(k < NGRP // 2 - 1)(gload)
            for b in range(NB):
                gath[b].wait()
                pltpu.async_copy(rows[b], m_sh.at[gbuf[p].at[NB + b]],
                                 ssem[b], add=True)
            return 0

        def pair(k, c):
            c = group(k, 0, c)
            c = group(k, 1, c)
            return c
        lax.fori_loop(0, NGRP // 2, pair, 0)
        for b in range(NB):
            pltpu.make_async_copy(rows[b], m_sh.at[gbuf[1].at[NB + b]],
                                  ssem[b]).wait()
        plsc.subcore_barrier()

        if gather:
            pltpu.sync_copy(sel_hbm.at[pl.ds(sid * SPT, SPT)], selbuf)
            pltpu.async_copy(m_sh.at[selbuf], grow, gsem[0]).wait()
            pltpu.sync_copy(grow, msel_out.at[cid, pl.ds(sid * SPT, SPT)])

            @pl.when(cid == 0)
            def _():
                pltpu.async_copy(h_hbm.at[selbuf], grow, gsem[0]).wait()
                pltpu.sync_copy(grow, hsel_out.at[pl.ds(sid * SPT, SPT)])
                pltpu.async_copy(deg_hbm.at[selbuf], drow, gsem[0]).wait()
                pltpu.sync_copy(drow, dsel_out.at[pl.ds(sid * SPT, SPT)])
        else:
            pltpu.sync_copy(m_sh.at[pl.ds(sid * RPT, RPT)],
                            m_out.at[cid, pl.ds(sid * RPT, RPT)])

    return pl.kernel(body, out_type=out_type, mesh=_sc_mesh(),
                     scratch_types=scratch)


def _sc_hist_build():
    out_type = [jax.ShapeDtypeStruct((NC, NPAD3), jnp.float32)]
    scratch = [
        pltpu.VMEM_SHARED((NPAD3,), jnp.float32),
        pltpu.VMEM((HPT,), jnp.float32),
        pltpu.VMEM((CH,), jnp.float32),
        pltpu.VMEM((NCHH, CH), jnp.int32),
        pltpu.VMEM((NCHH, CH), jnp.int32),
    ]
    scratch += [pltpu.VMEM((CH,), jnp.int32) for _ in range(NBH)]
    scratch += [pltpu.VMEM((CH,), jnp.int32) for _ in range(NBH)]
    scratch += [pltpu.SemaphoreType.DMA for _ in range(2 * NBH)]

    def body(nt_hbm, srch_hbm, dsth_hbm, cnt_out, cnt_sh, zstage, ones,
             sidx2, didx2, *tail):
        tsrc = tail[:NBH]
        fidx = tail[NBH:2 * NBH]
        gsem = tail[2 * NBH:3 * NBH]
        ssem = tail[3 * NBH:4 * NBH]
        cid = lax.axis_index("c")
        sid = lax.axis_index("s")
        wid = cid * NS + sid

        pltpu.sync_copy(srch_hbm.at[wid], sidx2)
        pltpu.sync_copy(dsth_hbm.at[wid], didx2)

        def zb(i, _):
            zstage[pl.ds(i * 16, 16)] = jnp.zeros((16,), jnp.float32)
            return 0
        lax.fori_loop(0, HPT // 16, zb, 0)

        def ob(i, _):
            ones[pl.ds(i * 16, 16)] = jnp.ones((16,), jnp.float32)
            return 0
        lax.fori_loop(0, CH // 16, ob, 0)
        pltpu.sync_copy(zstage, cnt_sh.at[pl.ds(sid * HPT, HPT)])
        plsc.subcore_barrier()

        for b in range(NBH):
            pltpu.async_copy(nt_hbm.at[sidx2.at[b]], tsrc[b], gsem[b])

        def outer(k, _):
            for b in range(NBH):
                it = k * NBH + b
                pltpu.make_async_copy(nt_hbm.at[sidx2.at[0]], tsrc[b],
                                      gsem[b]).wait()

                def swait():
                    pltpu.make_async_copy(ones, cnt_sh.at[fidx[b]],
                                          ssem[b]).wait()
                pl.when(k > 0)(swait)

                def fx(j, _):
                    sl = pl.ds(j * 16, 16)
                    fidx[b][sl] = didx2[it, sl] * 3 + tsrc[b][sl]
                    return 0
                lax.fori_loop(0, CH // 16, fx, 0)
                pltpu.async_copy(ones, cnt_sh.at[fidx[b]], ssem[b], add=True)

                @pl.when(it + NBH < NCHH)
                def _():
                    pltpu.async_copy(nt_hbm.at[sidx2.at[it + NBH]], tsrc[b],
                                     gsem[b])
            return 0
        lax.fori_loop(0, NCHH // NBH, outer, 0)
        for b in range(NBH):
            pltpu.make_async_copy(ones, cnt_sh.at[fidx[b]], ssem[b]).wait()
        plsc.subcore_barrier()

        pltpu.sync_copy(cnt_sh.at[pl.ds(sid * HPT, HPT)],
                        cnt_out.at[cid, pl.ds(sid * HPT, HPT)])

    return pl.kernel(body, out_type=out_type, mesh=_sc_mesh(),
                     scratch_types=scratch)


@functools.lru_cache(maxsize=None)
def _sc_agg_get(gather=False):
    return _sc_agg_build(gather)


@functools.lru_cache(maxsize=None)
def _sc_hist_get():
    return _sc_hist_build()


def _hist(nt, srch, dsth):
    return _sc_hist_get()(nt, srch, dsth)[0]


def _agg(h, sd):
    return _sc_agg_get()(h, sd)[0]


def _agg_gather(h, sd, sel, deg_flat):
    return _sc_agg_get(True)(h, sd, sel, deg_flat)



def _update1_body(t_ref, c0_ref, c1_ref, wemb_ref, bemb_ref, w_ref, b_ref,
                  out_ref, deg_ref):
    f32 = jnp.float32
    t = t_ref[...]
    nf = jnp.where(t == 0, wemb_ref[0:1, :],
                   jnp.where(t == 1, wemb_ref[1:2, :],
                             wemb_ref[2:3, :])) + bemb_ref[...]
    cnts = c0_ref[0] + c1_ref[0]
    deg_raw = jnp.sum(cnts, axis=1, keepdims=True)
    msum = (jnp.dot(cnts, wemb_ref[...], preferred_element_type=f32)
            + deg_raw * bemb_ref[...])
    deg = jnp.maximum(deg_raw, 1.0)
    acc = jnp.dot(msum / deg, w_ref[...], preferred_element_type=f32) + b_ref[...]
    out_ref[...] = nf + jnp.maximum(acc, 0.0)
    deg_ref[...] = deg


def _update1(t, cnt, w_emb, bemb2, w, b2):
    r = 1000
    return pl.pallas_call(
        _update1_body,
        grid=(N // r,),
        in_specs=[
            pl.BlockSpec((r, 1), lambda i: (i, 0)),
            pl.BlockSpec((1, r, 3), lambda i: (0, i, 0)),
            pl.BlockSpec((1, r, 3), lambda i: (1, i, 0)),
            pl.BlockSpec((3, D), lambda i: (0, 0)),
            pl.BlockSpec((1, D), lambda i: (0, 0)),
            pl.BlockSpec((D, D), lambda i: (0, 0)),
            pl.BlockSpec((1, D), lambda i: (0, 0)),
        ],
        out_specs=[pl.BlockSpec((r, D), lambda i: (i, 0)),
                   pl.BlockSpec((r, 1), lambda i: (i, 0))],
        out_shape=[jax.ShapeDtypeStruct((N, D), jnp.float32),
                   jax.ShapeDtypeStruct((N, 1), jnp.float32)],
    )(t, cnt, cnt, w_emb, bemb2, w, b2)


def _update_body(h_ref, m0_ref, m1_ref, deg_ref, w_ref, b_ref, out_ref):
    m = (m0_ref[0] + m1_ref[0]) / deg_ref[...]
    acc = jnp.dot(m, w_ref[...], preferred_element_type=jnp.float32) + b_ref[...]
    out_ref[...] = h_ref[...] + jnp.maximum(acc, 0.0)


def _update(h, m, deg, w, b2):
    r = 1000
    return pl.pallas_call(
        _update_body,
        grid=(N // r,),
        in_specs=[
            pl.BlockSpec((r, D), lambda i: (i, 0)),
            pl.BlockSpec((1, r, D), lambda i: (0, i, 0)),
            pl.BlockSpec((1, r, D), lambda i: (1, i, 0)),
            pl.BlockSpec((r, 1), lambda i: (i, 0)),
            pl.BlockSpec((D, D), lambda i: (0, 0)),
            pl.BlockSpec((1, D), lambda i: (0, 0)),
        ],
        out_specs=pl.BlockSpec((r, D), lambda i: (i, 0)),
        out_shape=jax.ShapeDtypeStruct((N, D), jnp.float32),
    )(h, m, m, deg, w, b2)



def _policy_body(hs_ref, ms0_ref, ms1_ref, ds_ref,
                 w2_ref, b2_ref, wbi_ref, wag_ref, tf_ref, g1_ref, g2_ref,
                 outa_ref, outb_ref):
    f32 = jnp.float32
    m = (ms0_ref[0] + ms1_ref[0]) / ds_ref[...]
    nf3 = hs_ref[...] + jnp.maximum(
        jnp.dot(m, w2_ref[...], preferred_element_type=f32) + b2_ref[...], 0.0)
    ag_nf = nf3[0:N_AG]
    t_nf = nf3[N_AG:N_AG + N_TASK]

    s_a = jnp.dot(ag_nf, wbi_ref[...], preferred_element_type=f32)
    scores = lax.dot_general(s_a, t_nf, (((1,), (1,)), ((), ())),
                             preferred_element_type=f32)
    smax = jnp.max(scores, axis=1, keepdims=True)
    sexp = jnp.exp(scores - smax)
    jp0 = sexp / jnp.sum(sexp, axis=1, keepdims=True)
    jp0 = jnp.where(tf_ref[...] != 0, 0.0, jp0)

    av = lax.dot_general(wag_ref[...], ag_nf, (((1,), (1,)), ((), ())),
                         preferred_element_type=f32)
    amax = jnp.max(av, axis=1, keepdims=True)
    aexp = jnp.exp(av - amax)
    ap0 = aexp / jnp.sum(aexp, axis=1, keepdims=True)

    iota64 = lax.broadcasted_iota(jnp.int32, (1, N_AG), 1)
    iota64c = lax.broadcasted_iota(jnp.int32, (N_AG, 1), 0)
    iota256 = lax.broadcasted_iota(jnp.int32, (1, N_TASK), 1)
    big = jnp.int32(2 ** 30)
    eps = 1e-20

    la0 = jnp.log(ap0 + eps)
    lj0 = jnp.log(jp0 + eps)
    lzero = jnp.log(jnp.zeros((1, 1), f32) + eps)

    def step(itr, carry):
        lap, ljp, outa, outb = carry
        la = lap + g1_ref[pl.ds(itr, 1), :]
        lamax = jnp.max(la, axis=1, keepdims=True)
        aidx = jnp.min(jnp.where(la == lamax, iota64, big),
                       axis=1, keepdims=True)
        afirst = iota64 == aidx
        row = jnp.sum(jnp.where(iota64c == aidx, ljp, 0.0),
                      axis=0, keepdims=True)
        lt = row + g2_ref[pl.ds(itr, 1), :]
        ltmax = jnp.max(lt, axis=1, keepdims=True)
        tidx = jnp.min(jnp.where(lt == ltmax, iota256, big),
                       axis=1, keepdims=True)
        tfirst = iota256 == tidx
        lap = jnp.where(afirst, lzero, lap)
        ljp = jnp.where(tfirst, lzero, ljp)
        sel = iota64 == itr
        outa = jnp.where(sel, jnp.broadcast_to(aidx, (1, N_AG)), outa)
        outb = jnp.where(sel, jnp.broadcast_to(tidx, (1, N_AG)), outb)
        return lap, ljp, outa, outb

    init = (la0, lj0,
            jnp.zeros((1, N_AG), jnp.int32), jnp.zeros((1, N_AG), jnp.int32))
    _, _, outa, outb = lax.fori_loop(0, N_AG, step, init)
    outa_ref[...] = outa
    outb_ref[...] = outb


def _policy(hsel, msel, dsel, w2, b2, wbi, wag, tf, g1, g2):
    full = lambda s: pl.BlockSpec(s, lambda i: tuple(0 for _ in s))
    return pl.pallas_call(
        _policy_body,
        grid=(1,),
        in_specs=[
            full((NSEL, D)),
            pl.BlockSpec((1, NSEL, D), lambda i: (0, 0, 0)),
            pl.BlockSpec((1, NSEL, D), lambda i: (1, 0, 0)),
            full((NSEL, 1)),
            full((D, D)), full((1, D)), full((D, D)), full((1, D)),
            full((1, N_TASK)), full((N_AG, N_AG)), full((N_AG, N_TASK)),
        ],
        out_specs=[full((1, N_AG)), full((1, N_AG))],
        out_shape=[jax.ShapeDtypeStruct((1, N_AG), jnp.int32),
                   jax.ShapeDtypeStruct((1, N_AG), jnp.int32)],
    )(hsel, msel, msel, dsel, w2, b2, wbi, wag, tf, g1, g2)



def kernel(node_types, edge_index, task_finished, ag_node_indices,
           task_node_indices, W_emb, b_emb, gnn_W, gnn_b, W_bi, w_ag):
    t = node_types.astype(jnp.int32).reshape(N, 1)
    nt = node_types.astype(jnp.int32)
    e32 = edge_index.astype(jnp.int32)
    sd = (e32.reshape(2, NW, NGRP, NB, C)
          .transpose(1, 2, 0, 3, 4)
          .reshape(NW, NGRP, 2 * NB, C))
    srch = e32[0].reshape(NW, NCHH, CH)
    dsth = e32[1].reshape(NW, NCHH, CH)
    b2 = b_emb.reshape(1, D).astype(jnp.float32)

    cnt = _hist(nt, srch, dsth).reshape(NC, NPAD, 3)
    h1, deg = _update1(t, cnt, W_emb.astype(jnp.float32), b2,
                       gnn_W[0], gnn_b[0].reshape(1, D))
    m2p = _agg(h1, sd)
    h2 = _update(h1, m2p, deg, gnn_W[1], gnn_b[1].reshape(1, D))
    sel = jnp.concatenate([
        ag_node_indices.astype(jnp.int32),
        task_node_indices.astype(jnp.int32),
        jnp.zeros((NSEL - N_AG - N_TASK,), jnp.int32)])
    msel, hsel, dsel = _agg_gather(h2, sd, sel, deg.reshape(N))

    skey = jax.random.key(42)
    its = jnp.arange(N_AG)
    k1 = jax.vmap(lambda i: jax.random.fold_in(skey, 2 * i))(its)
    k2 = jax.vmap(lambda i: jax.random.fold_in(skey, 2 * i + 1))(its)
    g1 = jax.vmap(lambda k: jax.random.gumbel(k, (N_AG,), jnp.float32))(k1)
    g2 = jax.vmap(lambda k: jax.random.gumbel(k, (N_TASK,), jnp.float32))(k2)

    tf = task_finished.astype(jnp.int32).reshape(1, N_TASK)

    outa, outb = _policy(hsel, msel, dsel.reshape(NSEL, 1),
                         gnn_W[2], gnn_b[2].reshape(1, D), W_bi,
                         w_ag.reshape(1, D), tf, g1, g2)
    return outa.reshape(N_AG), outb.reshape(N_AG)

# --- scband reference (transcript-rebuilt; emitter-appended) ---
"""Pipeline reference for scband-agent-44014824849869 (READ-ONLY COPY).

The authoritative reference and input builder live on the scoring server;
editing this copy changes nothing except your own understanding.
"""

import jax, jax.numpy as jnp
import numpy as np

N = 10000
E = 320000
D = 128
N_AG = 64
N_TASK = 256
L = 3


def setup_inputs(seed: int = 0) -> dict:
    key = jax.random.key(seed)
    ks = jax.random.split(key, 12)
    node_types = jax.random.randint(ks[0], (N,), 0, 3)
    edge_index = jax.random.randint(ks[1], (2, E), 0, N)
    task_finished = jnp.zeros((N_TASK,), dtype=bool)
    ag_node_indices = jax.random.randint(ks[2], (N_AG,), 0, N)
    task_node_indices = jax.random.randint(ks[3], (N_TASK,), 0, N)
    W_emb = jax.random.normal(ks[4], (3, D), dtype=jnp.float32) * 0.1
    b_emb = jnp.zeros((D,), dtype=jnp.float32)
    gnn_W = jax.random.normal(ks[5], (L, D, D), dtype=jnp.float32) * (1.0 / np.sqrt(D))
    gnn_b = jnp.zeros((L, D), dtype=jnp.float32)
    W_bi = jax.random.normal(ks[6], (D, D), dtype=jnp.float32) * (1.0 / np.sqrt(D))
    w_ag = jax.random.normal(ks[7], (D,), dtype=jnp.float32) * (1.0 / np.sqrt(D))
    return {
        'node_types': node_types,
        'edge_index': edge_index,
        'task_finished': task_finished,
        'ag_node_indices': ag_node_indices,
        'task_node_indices': task_node_indices,
        'W_emb': W_emb,
        'b_emb': b_emb,
        'gnn_W': gnn_W,
        'gnn_b': gnn_b,
        'W_bi': W_bi,
        'w_ag': w_ag,
    }


def reference(node_types, edge_index, task_finished, ag_node_indices, task_node_indices,
              W_emb, b_emb, gnn_W, gnn_b, W_bi, w_ag):
    # generate_feature: one-hot of node type (3 types)
    feature = jnp.eye(3, dtype=jnp.float32)[node_types]
    # embedding: Linear(3 -> D)
    nf = feature @ W_emb + b_emb
    # GNN: gnn_layers rounds of mean message passing with residual
    src = edge_index[0]
    dst = edge_index[1]
    n_nodes = nf.shape[0]
    deg = jax.ops.segment_sum(jnp.ones_like(src, dtype=jnp.float32), dst, num_segments=n_nodes)
    deg = jnp.maximum(deg, 1.0)[:, None]
    h = nf
    for l in range(gnn_W.shape[0]):
        m = jax.ops.segment_sum(h[src], dst, num_segments=n_nodes)
        m = m / deg
        upd = jax.nn.relu(m @ gnn_W[l] + gnn_b[l])
        h = h + upd  # residual
    # Bipartite policy: agent-task scores -> softmax per agent; agent prior policy
    ag_nf = h[ag_node_indices]
    task_nf = h[task_node_indices]
    scores = (ag_nf @ W_bi) @ task_nf.T
    joint_policy = jax.nn.softmax(scores, axis=-1)
    ag_policy = jax.nn.softmax(ag_nf @ w_ag)
    # joint_policy[:, task_finished] = -0 (i.e. zero out finished tasks)
    joint_policy = jnp.where(task_finished[None, :], 0.0, joint_policy)
    # Sequential sampling without replacement over agents and tasks
    jp = joint_policy
    ap = ag_policy
    n_ag = jp.shape[0]
    n_task = task_finished.shape[0]
    skey = jax.random.key(42)
    eps = 1e-20

    def body(carry, itr):
        ap, jp = carry
        k1 = jax.random.fold_in(skey, 2 * itr)
        k2 = jax.random.fold_in(skey, 2 * itr + 1)
        agent_idx = jax.random.categorical(k1, jnp.log(ap + eps))
        action = jax.random.categorical(k2, jnp.log(jp[agent_idx] + eps))
        ap = ap.at[agent_idx].set(0.0)
        jp = jp.at[:, action].set(0.0)
        return (ap, jp), (agent_idx.astype(jnp.int32), action.astype(jnp.int32))

    (ap, jp), (selected_ag, out_action) = jax.lax.scan(
        body, (ap, jp), jnp.arange(min(n_ag, n_task)))
    return (selected_ag, out_action)

if __name__ == "__main__":
    import jax
    _d = setup_inputs()
    print(jax.jit(kernel)(*tuple(_d.values())))

</pallas_src>

<mosaic_0001>
#map = affine_map<(d0, d1) -> (0)>
#map1 = affine_map<(d0, d1) -> (0, 0, 0)>
#map2 = affine_map<(d0, d1) -> (0, 0)>
module attributes {stable_mosaic.version = 14 : i64} {
  func.func @body(%arg0: i32, %arg1: i32, %arg2: memref<10000xi32, #tpu.memory_space<hbm>>, %arg3: memref<32x125x80xi32, #tpu.memory_space<hbm>>, %arg4: memref<32x125x80xi32, #tpu.memory_space<hbm>>, %arg5: memref<2x30720xf32, #tpu.memory_space<hbm>>, %arg6: memref<30720xf32, #tpu.memory_space<vmem_shared>>, %arg7: memref<1920xf32, #tpu.memory_space<vmem>>, %arg8: memref<80xf32, #tpu.memory_space<vmem>>, %arg9: memref<125x80xi32, #tpu.memory_space<vmem>>, %arg10: memref<125x80xi32, #tpu.memory_space<vmem>>, %arg11: memref<80xi32, #tpu.memory_space<vmem>>, %arg12: memref<80xi32, #tpu.memory_space<vmem>>, %arg13: memref<80xi32, #tpu.memory_space<vmem>>, %arg14: memref<80xi32, #tpu.memory_space<vmem>>, %arg15: memref<80xi32, #tpu.memory_space<vmem>>, %arg16: memref<80xi32, #tpu.memory_space<vmem>>, %arg17: memref<80xi32, #tpu.memory_space<vmem>>, %arg18: memref<80xi32, #tpu.memory_space<vmem>>, %arg19: memref<80xi32, #tpu.memory_space<vmem>>, %arg20: memref<80xi32, #tpu.memory_space<vmem>>, %arg21: memref<!tpu.dma_semaphore, #tpu.memory_space<semaphore_mem>>, %arg22: memref<!tpu.dma_semaphore, #tpu.memory_space<semaphore_mem>>, %arg23: memref<!tpu.dma_semaphore, #tpu.memory_space<semaphore_mem>>, %arg24: memref<!tpu.dma_semaphore, #tpu.memory_space<semaphore_mem>>, %arg25: memref<!tpu.dma_semaphore, #tpu.memory_space<semaphore_mem>>, %arg26: memref<!tpu.dma_semaphore, #tpu.memory_space<semaphore_mem>>, %arg27: memref<!tpu.dma_semaphore, #tpu.memory_space<semaphore_mem>>, %arg28: memref<!tpu.dma_semaphore, #tpu.memory_space<semaphore_mem>>, %arg29: memref<!tpu.dma_semaphore, #tpu.memory_space<semaphore_mem>>, %arg30: memref<!tpu.dma_semaphore, #tpu.memory_space<semaphore_mem>>) attributes {dimension_semantics = [#tpu.dimension_semantics<core_parallel>, #tpu.dimension_semantics<subcore_parallel>], iteration_bounds = array<i64: 2, 16>, scalar_prefetch = 0 : i64, scratch_operands = 25 : i64, tpu.core_type = #tpu.core_type<sc_vector_subcore>, window_params = [{transform_indices = #map}, {transform_indices = #map1}, {transform_indices = #map1}, {transform_indices = #map2}]} {
    %mul3A = arith.constant 16 : i32
    %mul3A_0 = arith.muli %arg0, %mul3A : i32
    %add3A = arith.addi %mul3A_0, %arg1 : i32
    "tpu.region"() ({
      %run_scoped3A = tpu.sem_alloc : memref<!tpu.dma_semaphore, #tpu.memory_space<semaphore_mem>>
      %dma_start3A_66 = arith.constant 0 : i32
      %dma_start3A_67 = arith.constant 0 : i32
      %dma_start3A_68 = tpu.memref_slice %arg3[%add3A, %dma_start3A_66, %dma_start3A_67] : memref<32x125x80xi32, #tpu.memory_space<hbm>> -> memref<1x125x80xi32, #tpu.memory_space<hbm>>
      %dma_start3A_69 = tpu.memref_squeeze %dma_start3A_68 : memref<1x125x80xi32, #tpu.memory_space<hbm>> -> memref<125x80xi32, #tpu.memory_space<hbm>>
      %dma_start3A_70 = arith.constant 0 : i32
      %dma_start3A_71 = arith.constant 0 : i32
      %dma_start3A_72 = tpu.memref_slice %arg3[%add3A, %dma_start3A_70, %dma_start3A_71] : memref<32x125x80xi32, #tpu.memory_space<hbm>> -> memref<1x125x80xi32, #tpu.memory_space<hbm>>
      %dma_start3A_73 = tpu.memref_squeeze %dma_start3A_72 : memref<1x125x80xi32, #tpu.memory_space<hbm>> -> memref<125x80xi32, #tpu.memory_space<hbm>>
      tpu.enqueue_dma source(%dma_start3A_73 : memref<125x80xi32, #tpu.memory_space<hbm>>) target(%arg9 : memref<125x80xi32, #tpu.memory_space<vmem>>) target_semaphore(%run_scoped3A : memref<!tpu.dma_semaphore, #tpu.memory_space<semaphore_mem>>)
      %dma_wait3A_74 = arith.constant 0 : i32
      %dma_wait3A_75 = arith.constant 0 : i32
      %dma_wait3A_76 = tpu.memref_slice %arg3[%add3A, %dma_wait3A_74, %dma_wait3A_75] : memref<32x125x80xi32, #tpu.memory_space<hbm>> -> memref<1x125x80xi32, #tpu.memory_space<hbm>>
      %dma_wait3A_77 = tpu.memref_squeeze %dma_wait3A_76 : memref<1x125x80xi32, #tpu.memory_space<hbm>> -> memref<125x80xi32, #tpu.memory_space<hbm>>
      %dma_wait3A_78 = arith.constant 0 : i32
      %dma_wait3A_79 = arith.constant 0 : i32
      %dma_wait3A_80 = tpu.memref_slice %arg3[%add3A, %dma_wait3A_78, %dma_wait3A_79] : memref<32x125x80xi32, #tpu.memory_space<hbm>> -> memref<1x125x80xi32, #tpu.memory_space<hbm>>
      %dma_wait3A_81 = tpu.memref_squeeze %dma_wait3A_80 : memref<1x125x80xi32, #tpu.memory_space<hbm>> -> memref<125x80xi32, #tpu.memory_space<hbm>>
      tpu.wait_dma2 semaphore(%run_scoped3A : memref<!tpu.dma_semaphore, #tpu.memory_space<semaphore_mem>>) src(%dma_wait3A_81 : memref<125x80xi32, #tpu.memory_space<hbm>>) dst(%arg9 : memref<125x80xi32, #tpu.memory_space<vmem>>)
      tpu.yield
    }) : () -> ()
    "tpu.region"() ({
      %run_scoped3A = tpu.sem_alloc : memref<!tpu.dma_semaphore, #tpu.memory_space<semaphore_mem>>
      %dma_start3A_66 = arith.constant 0 : i32
      %dma_start3A_67 = arith.constant 0 : i32
      %dma_start3A_68 = tpu.memref_slice %arg4[%add3A, %dma_start3A_66, %dma_start3A_67] : memref<32x125x80xi32, #tpu.memory_space<hbm>> -> memref<1x125x80xi32, #tpu.memory_space<hbm>>
      %dma_start3A_69 = tpu.memref_squeeze %dma_start3A_68 : memref<1x125x80xi32, #tpu.memory_space<hbm>> -> memref<125x80xi32, #tpu.memory_space<hbm>>
      %dma_start3A_70 = arith.constant 0 : i32
      %dma_start3A_71 = arith.constant 0 : i32
      %dma_start3A_72 = tpu.memref_slice %arg4[%add3A, %dma_start3A_70, %dma_start3A_71] : memref<32x125x80xi32, #tpu.memory_space<hbm>> -> memref<1x125x80xi32, #tpu.memory_space<hbm>>
      %dma_start3A_73 = tpu.memref_squeeze %dma_start3A_72 : memref<1x125x80xi32, #tpu.memory_space<hbm>> -> memref<125x80xi32, #tpu.memory_space<hbm>>
      tpu.enqueue_dma source(%dma_start3A_73 : memref<125x80xi32, #tpu.memory_space<hbm>>) target(%arg10 : memref<125x80xi32, #tpu.memory_space<vmem>>) target_semaphore(%run_scoped3A : memref<!tpu.dma_semaphore, #tpu.memory_space<semaphore_mem>>)
      %dma_wait3A_74 = arith.constant 0 : i32
      %dma_wait3A_75 = arith.constant 0 : i32
      %dma_wait3A_76 = tpu.memref_slice %arg4[%add3A, %dma_wait3A_74, %dma_wait3A_75] : memref<32x125x80xi32, #tpu.memory_space<hbm>> -> memref<1x125x80xi32, #tpu.memory_space<hbm>>
      %dma_wait3A_77 = tpu.memref_squeeze %dma_wait3A_76 : memref<1x125x80xi32, #tpu.memory_space<hbm>> -> memref<125x80xi32, #tpu.memory_space<hbm>>
      %dma_wait3A_78 = arith.constant 0 : i32
      %dma_wait3A_79 = arith.constant 0 : i32
      %dma_wait3A_80 = tpu.memref_slice %arg4[%add3A, %dma_wait3A_78, %dma_wait3A_79] : memref<32x125x80xi32, #tpu.memory_space<hbm>> -> memref<1x125x80xi32, #tpu.memory_space<hbm>>
      %dma_wait3A_81 = tpu.memref_squeeze %dma_wait3A_80 : memref<1x125x80xi32, #tpu.memory_space<hbm>> -> memref<125x80xi32, #tpu.memory_space<hbm>>
      tpu.wait_dma2 semaphore(%run_scoped3A : memref<!tpu.dma_semaphore, #tpu.memory_space<semaphore_mem>>) src(%dma_wait3A_81 : memref<125x80xi32, #tpu.memory_space<hbm>>) dst(%arg10 : memref<125x80xi32, #tpu.memory_space<vmem>>)
      tpu.yield
    }) : () -> ()
    %scan3A = arith.constant 0 : i32
    %scan3A_1 = arith.constant 0 : i32
    %scan3A_2 = arith.constant 120 : i32
    %scan3A_3 = arith.addi %scan3A_1, %scan3A_2 : i32
    %scan3A_4 = arith.constant 1 : i32
    %scan3A_5 = scf.for %scan3A_66 = %scan3A_1 to %scan3A_3 step %scan3A_4 iter_args(%scan3A_67 = %scan3A) -> (i32)  : i32 {
      %broadcast_in_dim3A = arith.constant 0.000000e+00 : f32
      %broadcast_in_dim3A_68 = vector.broadcast %broadcast_in_dim3A : f32 to vector<16xf32>
      %mul3A_69 = arith.constant 16 : i32
      %mul3A_70 = arith.muli %scan3A_66, %mul3A_69 : i32
      %swap3A = arith.index_cast %mul3A_70 : i32 to index
      %swap3A_71 = tpu.vector_load %arg7[%swap3A] {strides = array<i32>} : memref<1920xf32, #tpu.memory_space<vmem>>, vector<16xf32>,
      %swap3A_72 = vector.shape_cast %swap3A_71 : vector<16xf32> to vector<16xf32>
      %swap3A_73 = vector.shape_cast %broadcast_in_dim3A_68 : vector<16xf32> to vector<16xf32>
      tpu.vector_store %arg7[%swap3A], %swap3A_73 {strides = array<i32>} : memref<1920xf32, #tpu.memory_space<vmem>>, vector<16xf32>,
      %scan3A_74 = arith.constant 0 : i32
      scf.yield %scan3A_74 : i32
    }
    %scan3A_6 = arith.constant 120 : i32
    %scan3A_7 = arith.constant 0 : i32
    %scan3A_8 = arith.constant 0 : i32
    %scan3A_9 = arith.constant 5 : i32
    %scan3A_10 = arith.addi %scan3A_8, %scan3A_9 : i32
    %scan3A_11 = arith.constant 1 : i32
    %scan3A_12 = scf.for %scan3A_66 = %scan3A_8 to %scan3A_10 step %scan3A_11 iter_args(%scan3A_67 = %scan3A_7) -> (i32)  : i32 {
      %broadcast_in_dim3A = arith.constant 1.000000e+00 : f32
      %broadcast_in_dim3A_68 = vector.broadcast %broadcast_in_dim3A : f32 to vector<16xf32>
      %mul3A_69 = arith.constant 16 : i32
      %mul3A_70 = arith.muli %scan3A_66, %mul3A_69 : i32
      %swap3A = arith.index_cast %mul3A_70 : i32 to index
      %swap3A_71 = tpu.vector_load %arg8[%swap3A] {strides = array<i32>} : memref<80xf32, #tpu.memory_space<vmem>>, vector<16xf32>,
      %swap3A_72 = vector.shape_cast %swap3A_71 : vector<16xf32> to vector<16xf32>
      %swap3A_73 = vector.shape_cast %broadcast_in_dim3A_68 : vector<16xf32> to vector<16xf32>
      tpu.vector_store %arg8[%swap3A], %swap3A_73 {strides = array<i32>} : memref<80xf32, #tpu.memory_space<vmem>>, vector<16xf32>,
      %scan3A_74 = arith.constant 0 : i32
      scf.yield %scan3A_74 : i32
    }
    %scan3A_13 = arith.constant 5 : i32
    %mul3A_14 = arith.constant 1920 : i32
    %mul3A_15 = arith.muli %arg1, %mul3A_14 : i32
    "tpu.region"() ({
      %run_scoped3A = tpu.sem_alloc : memref<!tpu.dma_semaphore, #tpu.memory_space<semaphore_mem>>
      %dma_start3A_66 = tpu.memref_slice %arg6[%mul3A_15] : memref<30720xf32, #tpu.memory_space<vmem_shared>> -> memref<1920xf32, #tpu.memory_space<vmem_shared>>
      %dma_start3A_67 = tpu.memref_slice %arg6[%mul3A_15] : memref<30720xf32, #tpu.memory_space<vmem_shared>> -> memref<1920xf32, #tpu.memory_space<vmem_shared>>
      tpu.enqueue_dma source(%arg7 : memref<1920xf32, #tpu.memory_space<vmem>>) target(%dma_start3A_67 : memref<1920xf32, #tpu.memory_space<vmem_shared>>) target_semaphore(%run_scoped3A : memref<!tpu.dma_semaphore, #tpu.memory_space<semaphore_mem>>)
      %dma_wait3A_68 = tpu.memref_slice %arg6[%mul3A_15] : memref<30720xf32, #tpu.memory_space<vmem_shared>> -> memref<1920xf32, #tpu.memory_space<vmem_shared>>
      %dma_wait3A_69 = tpu.memref_slice %arg6[%mul3A_15] : memref<30720xf32, #tpu.memory_space<vmem_shared>> -> memref<1920xf32, #tpu.memory_space<vmem_shared>>
      tpu.wait_dma2 semaphore(%run_scoped3A : memref<!tpu.dma_semaphore, #tpu.memory_space<semaphore_mem>>) src(%arg7 : memref<1920xf32, #tpu.memory_space<vmem>>) dst(%dma_wait3A_69 : memref<1920xf32, #tpu.memory_space<vmem_shared>>)
      tpu.yield
    }) : () -> ()
    %barrier3A = arith.constant 0 : index
    tpu.barrier barrier_id(%barrier3A)
    %dma_start3A = arith.constant 0 : i32
    %dma_start3A_16 = arith.constant 0 : i32
    %dma_start3A_17 = tpu.memref_slice %arg9[%dma_start3A, %dma_start3A_16] : memref<125x80xi32, #tpu.memory_space<vmem>> -> memref<1x80xi32, #tpu.memory_space<vmem>>
    %dma_start3A_18 = tpu.memref_squeeze %dma_start3A_17 : memref<1x80xi32, #tpu.memory_space<vmem>> -> memref<80xi32, #tpu.memory_space<vmem>>
    %dma_start3A_19 = arith.constant 0 : i32
    %dma_start3A_20 = tpu.memref_slice %arg2[%dma_start3A_19] : memref<10000xi32, #tpu.memory_space<hbm>> -> memref<10000xi32, #tpu.memory_space<hbm>>
    tpu.enqueue_indirect_dma source(%dma_start3A_20 : memref<10000xi32, #tpu.memory_space<hbm>>) target(%arg11 : memref<80xi32, #tpu.memory_space<vmem>>) offsets(%dma_start3A_18 : memref<80xi32, #tpu.memory_space<vmem>>) semaphore(%arg21 : memref<!tpu.dma_semaphore, #tpu.memory_space<semaphore_mem>>)
    %dma_start3A_21 = arith.constant 1 : i32
    %dma_start3A_22 = arith.constant 0 : i32
    %dma_start3A_23 = tpu.memref_slice %arg9[%dma_start3A_21, %dma_start3A_22] : memref<125x80xi32, #tpu.memory_space<vmem>> -> memref<1x80xi32, #tpu.memory_space<vmem>>
    %dma_start3A_24 = tpu.memref_squeeze %dma_start3A_23 : memref<1x80xi32, #tpu.memory_space<vmem>> -> memref<80xi32, #tpu.memory_space<vmem>>
    %dma_start3A_25 = arith.constant 0 : i32
    %dma_start3A_26 = tpu.memref_slice %arg2[%dma_start3A_25] : memref<10000xi32, #tpu.memory_space<hbm>> -> memref<10000xi32, #tpu.memory_space<hbm>>
    tpu.enqueue_indirect_dma source(%dma_start3A_26 : memref<10000xi32, #tpu.memory_space<hbm>>) target(%arg12 : memref<80xi32, #tpu.memory_space<vmem>>) offsets(%dma_start3A_24 : memref<80xi32, #tpu.memory_space<vmem>>) semaphore(%arg22 : memref<!tpu.dma_semaphore, #tpu.memory_space<semaphore_mem>>)
    %dma_start3A_27 = arith.constant 2 : i32
    %dma_start3A_28 = arith.constant 0 : i32
    %dma_start3A_29 = tpu.memref_slice %arg9[%dma_start3A_27, %dma_start3A_28] : memref<125x80xi32, #tpu.memory_space<vmem>> -> memref<1x80xi32, #tpu.memory_space<vmem>>
    %dma_start3A_30 = tpu.memref_squeeze %dma_start3A_29 : memref<1x80xi32, #tpu.memory_space<vmem>> -> memref<80xi32, #tpu.memory_space<vmem>>
    %dma_start3A_31 = arith.constant 0 : i32
    %dma_start3A_32 = tpu.memref_slice %arg2[%dma_start3A_31] : memref<10000xi32, #tpu.memory_space<hbm>> -> memref<10000xi32, #tpu.memory_space<hbm>>
    tpu.enqueue_indirect_dma source(%dma_start3A_32 : memref<10000xi32, #tpu.memory_space<hbm>>) target(%arg13 : memref<80xi32, #tpu.memory_space<vmem>>) offsets(%dma_start3A_30 : memref<80xi32, #tpu.memory_space<vmem>>) semaphore(%arg23 : memref<!tpu.dma_semaphore, #tpu.memory_space<semaphore_mem>>)
    %dma_start3A_33 = arith.constant 3 : i32
    %dma_start3A_34 = arith.constant 0 : i32
    %dma_start3A_35 = tpu.memref_slice %arg9[%dma_start3A_33, %dma_start3A_34] : memref<125x80xi32, #tpu.memory_space<vmem>> -> memref<1x80xi32, #tpu.memory_space<vmem>>
    %dma_start3A_36 = tpu.memref_squeeze %dma_start3A_35 : memref<1x80xi32, #tpu.memory_space<vmem>> -> memref<80xi32, #tpu.memory_space<vmem>>
    %dma_start3A_37 = arith.constant 0 : i32
    %dma_start3A_38 = tpu.memref_slice %arg2[%dma_start3A_37] : memref<10000xi32, #tpu.memory_space<hbm>> -> memref<10000xi32, #tpu.memory_space<hbm>>
    tpu.enqueue_indirect_dma source(%dma_start3A_38 : memref<10000xi32, #tpu.memory_space<hbm>>) target(%arg14 : memref<80xi32, #tpu.memory_space<vmem>>) offsets(%dma_start3A_36 : memref<80xi32, #tpu.memory_space<vmem>>) semaphore(%arg24 : memref<!tpu.dma_semaphore, #tpu.memory_space<semaphore_mem>>)
    %dma_start3A_39 = arith.constant 4 : i32
    %dma_start3A_40 = arith.constant 0 : i32
    %dma_start3A_41 = tpu.memref_slice %arg9[%dma_start3A_39, %dma_start3A_40] : memref<125x80xi32, #tpu.memory_space<vmem>> -> memref<1x80xi32, #tpu.memory_space<vmem>>
    %dma_start3A_42 = tpu.memref_squeeze %dma_start3A_41 : memref<1x80xi32, #tpu.memory_space<vmem>> -> memref<80xi32, #tpu.memory_space<vmem>>
    %dma_start3A_43 = arith.constant 0 : i32
    %dma_start3A_44 = tpu.memref_slice %arg2[%dma_start3A_43] : memref<10000xi32, #tpu.memory_space<hbm>> -> memref<10000xi32, #tpu.memory_space<hbm>>
    tpu.enqueue_indirect_dma source(%dma_start3A_44 : memref<10000xi32, #tpu.memory_space<hbm>>) target(%arg15 : memref<80xi32, #tpu.memory_space<vmem>>) offsets(%dma_start3A_42 : memref<80xi32, #tpu.memory_space<vmem>>) semaphore(%arg25 : memref<!tpu.dma_semaphore, #tpu.memory_space<semaphore_mem>>)
    %scan3A_45 = arith.constant 0 : i32
    %scan3A_46 = arith.constant 0 : i32
    %scan3A_47 = arith.constant 25 : i32
    %scan3A_48 = arith.addi %scan3A_46, %scan3A_47 : i32
    %scan3A_49 = arith.constant 1 : i32
    %scan3A_50 = scf.for %scan3A_66 = %scan3A_46 to %scan3A_48 step %scan3A_49 iter_args(%scan3A_67 = %scan3A_45) -> (i32)  : i32 {
      %mul3A_68 = arith.constant 5 : i32
      %mul3A_69 = arith.muli %scan3A_66, %mul3A_68 : i32
      %add3A_70 = arith.constant 0 : i32
      %add3A_71 = arith.addi %mul3A_69, %add3A_70 : i32
      %dma_wait3A_72 = arith.constant 0 : i32
      %dma_wait3A_73 = arith.constant 0 : i32
      %dma_wait3A_74 = tpu.memref_slice %arg9[%dma_wait3A_72, %dma_wait3A_73] : memref<125x80xi32, #tpu.memory_space<vmem>> -> memref<1x80xi32, #tpu.memory_space<vmem>>
      %dma_wait3A_75 = tpu.memref_squeeze %dma_wait3A_74 : memref<1x80xi32, #tpu.memory_space<vmem>> -> memref<80xi32, #tpu.memory_space<vmem>>
      %dma_wait3A_76 = arith.constant 0 : i32
      %dma_wait3A_77 = tpu.memref_slice %arg2[%dma_wait3A_76] : memref<10000xi32, #tpu.memory_space<hbm>> -> memref<10000xi32, #tpu.memory_space<hbm>>
      tpu.wait_indirect_dma semaphore(%arg21 : memref<!tpu.dma_semaphore, #tpu.memory_space<semaphore_mem>>) src(%dma_wait3A_77 : memref<10000xi32, #tpu.memory_space<hbm>>) dst(%arg11 : memref<80xi32, #tpu.memory_space<vmem>>)
      %gt3A = arith.constant 0 : i32
      %gt3A_78 = arith.cmpi sgt, %scan3A_66, %gt3A : i32
      %convert_element_type3A = arith.extui %gt3A_78 : i1 to i32
      %cond3A = arith.constant 0 : i32
      %cond3A_79 = arith.cmpi ne, %convert_element_type3A, %cond3A : i32
      scf.if %cond3A_79 {
        %dma_wait3A_220 = arith.constant 0 : i32
        %dma_wait3A_221 = tpu.memref_slice %arg6[%dma_wait3A_220] : memref<30720xf32, #tpu.memory_space<vmem_shared>> -> memref<30720xf32, #tpu.memory_space<vmem_shared>>
        tpu.wait_indirect_dma semaphore(%arg26 : memref<!tpu.dma_semaphore, #tpu.memory_space<semaphore_mem>>) src(%arg8 : memref<80xf32, #tpu.memory_space<vmem>>) dst(%dma_wait3A_221 : memref<30720xf32, #tpu.memory_space<vmem_shared>>)
      } else {
      }
      %scan3A_80 = arith.constant 0 : i32
      %scan3A_81 = arith.constant 0 : i32
      %scan3A_82 = arith.constant 5 : i32
      %scan3A_83 = arith.addi %scan3A_81, %scan3A_82 : i32
      %scan3A_84 = arith.constant 1 : i32
      %scan3A_85 = scf.for %scan3A_220 = %scan3A_81 to %scan3A_83 step %scan3A_84 iter_args(%scan3A_221 = %scan3A_80) -> (i32)  : i32 {
        %mul3A_222 = arith.constant 16 : i32
        %mul3A_223 = arith.muli %scan3A_220, %mul3A_222 : i32
        %get3A = arith.index_cast %add3A_71 : i32 to index
        %get3A_224 = arith.index_cast %mul3A_223 : i32 to index
        %get3A_225 = tpu.vector_load %arg10[%get3A, %get3A_224] {strides = array<i32>} : memref<125x80xi32, #tpu.memory_space<vmem>>, vector<1x16xi32>,
        %get3A_226 = vector.shape_cast %get3A_225 : vector<1x16xi32> to vector<16xi32>
        %mul3A_227 = arith.constant 3 : i32
        %mul3A_228 = vector.broadcast %mul3A_227 : i32 to vector<16xi32>
        %mul3A_229 = arith.muli %get3A_226, %mul3A_228 : vector<16xi32>
        %get3A_230 = arith.index_cast %mul3A_223 : i32 to index
        %get3A_231 = tpu.vector_load %arg11[%get3A_230] {strides = array<i32>} : memref<80xi32, #tpu.memory_space<vmem>>, vector<16xi32>,
        %get3A_232 = vector.shape_cast %get3A_231 : vector<16xi32> to vector<16xi32>
        %add3A_233 = arith.addi %mul3A_229, %get3A_232 : vector<16xi32>
        %swap3A = arith.index_cast %mul3A_223 : i32 to index
        %swap3A_234 = tpu.vector_load %arg16[%swap3A] {strides = array<i32>} : memref<80xi32, #tpu.memory_space<vmem>>, vector<16xi32>,
        %swap3A_235 = vector.shape_cast %swap3A_234 : vector<16xi32> to vector<16xi32>
        %swap3A_236 = vector.shape_cast %add3A_233 : vector<16xi32> to vector<16xi32>
        tpu.vector_store %arg16[%swap3A], %swap3A_236 {strides = array<i32>} : memref<80xi32, #tpu.memory_space<vmem>>, vector<16xi32>,
        %scan3A_237 = arith.constant 0 : i32
        scf.yield %scan3A_237 : i32
      }
      %scan3A_86 = arith.constant 5 : i32
      %dma_start3A_87 = arith.constant 0 : i32
      %dma_start3A_88 = tpu.memref_slice %arg6[%dma_start3A_87] : memref<30720xf32, #tpu.memory_space<vmem_shared>> -> memref<30720xf32, #tpu.memory_space<vmem_shared>>
      tpu.enqueue_indirect_dma source(%arg8 : memref<80xf32, #tpu.memory_space<vmem>>) target(%dma_start3A_88 : memref<30720xf32, #tpu.memory_space<vmem_shared>>) offsets(%arg16 : memref<80xi32, #tpu.memory_space<vmem>>) semaphore(%arg26 : memref<!tpu.dma_semaphore, #tpu.memory_space<semaphore_mem>>) {add = true}
      %add3A_89 = arith.constant 5 : i32
      %add3A_90 = arith.addi %add3A_71, %add3A_89 : i32
      %lt3A = arith.constant 125 : i32
      %lt3A_91 = arith.cmpi slt, %add3A_90, %lt3A : i32
      %convert_element_type3A_92 = arith.extui %lt3A_91 : i1 to i32
      %cond3A_93 = arith.constant 0 : i32
      %cond3A_94 = arith.cmpi ne, %convert_element_type3A_92, %cond3A_93 : i32
      scf.if %cond3A_94 {
        %add3A_220 = arith.constant 5 : i32
        %add3A_221 = arith.addi %add3A_71, %add3A_220 : i32
        %dma_start3A_222 = arith.constant 0 : i32
        %dma_start3A_223 = tpu.memref_slice %arg9[%add3A_221, %dma_start3A_222] : memref<125x80xi32, #tpu.memory_space<vmem>> -> memref<1x80xi32, #tpu.memory_space<vmem>>
        %dma_start3A_224 = tpu.memref_squeeze %dma_start3A_223 : memref<1x80xi32, #tpu.memory_space<vmem>> -> memref<80xi32, #tpu.memory_space<vmem>>
        %dma_start3A_225 = arith.constant 0 : i32
        %dma_start3A_226 = tpu.memref_slice %arg2[%dma_start3A_225] : memref<10000xi32, #tpu.memory_space<hbm>> -> memref<10000xi32, #tpu.memory_space<hbm>>
        tpu.enqueue_indirect_dma source(%dma_start3A_226 : memref<10000xi32, #tpu.memory_space<hbm>>) target(%arg11 : memref<80xi32, #tpu.memory_space<vmem>>) offsets(%dma_start3A_224 : memref<80xi32, #tpu.memory_space<vmem>>) semaphore(%arg21 : memref<!tpu.dma_semaphore, #tpu.memory_space<semaphore_mem>>)
      } else {
      }
      %mul3A_95 = arith.constant 5 : i32
      %mul3A_96 = arith.muli %scan3A_66, %mul3A_95 : i32
      %add3A_97 = arith.constant 1 : i32
      %add3A_98 = arith.addi %mul3A_96, %add3A_97 : i32
      %dma_wait3A_99 = arith.constant 0 : i32
      %dma_wait3A_100 = arith.constant 0 : i32
      %dma_wait3A_101 = tpu.memref_slice %arg9[%dma_wait3A_99, %dma_wait3A_100] : memref<125x80xi32, #tpu.memory_space<vmem>> -> memref<1x80xi32, #tpu.memory_space<vmem>>
      %dma_wait3A_102 = tpu.memref_squeeze %dma_wait3A_101 : memref<1x80xi32, #tpu.memory_space<vmem>> -> memref<80xi32, #tpu.memory_space<vmem>>
      %dma_wait3A_103 = arith.constant 0 : i32
      %dma_wait3A_104 = tpu.memref_slice %arg2[%dma_wait3A_103] : memref<10000xi32, #tpu.memory_space<hbm>> -> memref<10000xi32, #tpu.memory_space<hbm>>
      tpu.wait_indirect_dma semaphore(%arg22 : memref<!tpu.dma_semaphore, #tpu.memory_space<semaphore_mem>>) src(%dma_wait3A_104 : memref<10000xi32, #tpu.memory_space<hbm>>) dst(%arg12 : memref<80xi32, #tpu.memory_space<vmem>>)
      %gt3A_105 = arith.constant 0 : i32
      %gt3A_106 = arith.cmpi sgt, %scan3A_66, %gt3A_105 : i32
      %convert_element_type3A_107 = arith.extui %gt3A_106 : i1 to i32
      %cond3A_108 = arith.constant 0 : i32
      %cond3A_109 = arith.cmpi ne, %convert_element_type3A_107, %cond3A_108 : i32
      scf.if %cond3A_109 {
        %dma_wait3A_220 = arith.constant 0 : i32
        %dma_wait3A_221 = tpu.memref_slice %arg6[%dma_wait3A_220] : memref<30720xf32, #tpu.memory_space<vmem_shared>> -> memref<30720xf32, #tpu.memory_space<vmem_shared>>
        tpu.wait_indirect_dma semaphore(%arg27 : memref<!tpu.dma_semaphore, #tpu.memory_space<semaphore_mem>>) src(%arg8 : memref<80xf32, #tpu.memory_space<vmem>>) dst(%dma_wait3A_221 : memref<30720xf32, #tpu.memory_space<vmem_shared>>)
      } else {
      }
      %scan3A_110 = arith.constant 0 : i32
      %scan3A_111 = arith.constant 0 : i32
      %scan3A_112 = arith.constant 5 : i32
      %scan3A_113 = arith.addi %scan3A_111, %scan3A_112 : i32
      %scan3A_114 = arith.constant 1 : i32
      %scan3A_115 = scf.for %scan3A_220 = %scan3A_111 to %scan3A_113 step %scan3A_114 iter_args(%scan3A_221 = %scan3A_110) -> (i32)  : i32 {
        %mul3A_222 = arith.constant 16 : i32
        %mul3A_223 = arith.muli %scan3A_220, %mul3A_222 : i32
        %get3A = arith.index_cast %add3A_98 : i32 to index
        %get3A_224 = arith.index_cast %mul3A_223 : i32 to index
        %get3A_225 = tpu.vector_load %arg10[%get3A, %get3A_224] {strides = array<i32>} : memref<125x80xi32, #tpu.memory_space<vmem>>, vector<1x16xi32>,
        %get3A_226 = vector.shape_cast %get3A_225 : vector<1x16xi32> to vector<16xi32>
        %mul3A_227 = arith.constant 3 : i32
        %mul3A_228 = vector.broadcast %mul3A_227 : i32 to vector<16xi32>
        %mul3A_229 = arith.muli %get3A_226, %mul3A_228 : vector<16xi32>
        %get3A_230 = arith.index_cast %mul3A_223 : i32 to index
        %get3A_231 = tpu.vector_load %arg12[%get3A_230] {strides = array<i32>} : memref<80xi32, #tpu.memory_space<vmem>>, vector<16xi32>,
        %get3A_232 = vector.shape_cast %get3A_231 : vector<16xi32> to vector<16xi32>
        %add3A_233 = arith.addi %mul3A_229, %get3A_232 : vector<16xi32>
        %swap3A = arith.index_cast %mul3A_223 : i32 to index
        %swap3A_234 = tpu.vector_load %arg17[%swap3A] {strides = array<i32>} : memref<80xi32, #tpu.memory_space<vmem>>, vector<16xi32>,
        %swap3A_235 = vector.shape_cast %swap3A_234 : vector<16xi32> to vector<16xi32>
        %swap3A_236 = vector.shape_cast %add3A_233 : vector<16xi32> to vector<16xi32>
        tpu.vector_store %arg17[%swap3A], %swap3A_236 {strides = array<i32>} : memref<80xi32, #tpu.memory_space<vmem>>, vector<16xi32>,
        %scan3A_237 = arith.constant 0 : i32
        scf.yield %scan3A_237 : i32
      }
      %scan3A_116 = arith.constant 5 : i32
      %dma_start3A_117 = arith.constant 0 : i32
      %dma_start3A_118 = tpu.memref_slice %arg6[%dma_start3A_117] : memref<30720xf32, #tpu.memory_space<vmem_shared>> -> memref<30720xf32, #tpu.memory_space<vmem_shared>>
      tpu.enqueue_indirect_dma source(%arg8 : memref<80xf32, #tpu.memory_space<vmem>>) target(%dma_start3A_118 : memref<30720xf32, #tpu.memory_space<vmem_shared>>) offsets(%arg17 : memref<80xi32, #tpu.memory_space<vmem>>) semaphore(%arg27 : memref<!tpu.dma_semaphore, #tpu.memory_space<semaphore_mem>>) {add = true}
      %add3A_119 = arith.constant 5 : i32
      %add3A_120 = arith.addi %add3A_98, %add3A_119 : i32
      %lt3A_121 = arith.constant 125 : i32
      %lt3A_122 = arith.cmpi slt, %add3A_120, %lt3A_121 : i32
      %convert_element_type3A_123 = arith.extui %lt3A_122 : i1 to i32
      %cond3A_124 = arith.constant 0 : i32
      %cond3A_125 = arith.cmpi ne, %convert_element_type3A_123, %cond3A_124 : i32
      scf.if %cond3A_125 {
        %add3A_220 = arith.constant 5 : i32
        %add3A_221 = arith.addi %add3A_98, %add3A_220 : i32
        %dma_start3A_222 = arith.constant 0 : i32
        %dma_start3A_223 = tpu.memref_slice %arg9[%add3A_221, %dma_start3A_222] : memref<125x80xi32, #tpu.memory_space<vmem>> -> memref<1x80xi32, #tpu.memory_space<vmem>>
        %dma_start3A_224 = tpu.memref_squeeze %dma_start3A_223 : memref<1x80xi32, #tpu.memory_space<vmem>> -> memref<80xi32, #tpu.memory_space<vmem>>
        %dma_start3A_225 = arith.constant 0 : i32
        %dma_start3A_226 = tpu.memref_slice %arg2[%dma_start3A_225] : memref<10000xi32, #tpu.memory_space<hbm>> -> memref<10000xi32, #tpu.memory_space<hbm>>
        tpu.enqueue_indirect_dma source(%dma_start3A_226 : memref<10000xi32, #tpu.memory_space<hbm>>) target(%arg12 : memref<80xi32, #tpu.memory_space<vmem>>) offsets(%dma_start3A_224 : memref<80xi32, #tpu.memory_space<vmem>>) semaphore(%arg22 : memref<!tpu.dma_semaphore, #tpu.memory_space<semaphore_mem>>)
      } else {
      }
      %mul3A_126 = arith.constant 5 : i32
      %mul3A_127 = arith.muli %scan3A_66, %mul3A_126 : i32
      %add3A_128 = arith.constant 2 : i32
      %add3A_129 = arith.addi %mul3A_127, %add3A_128 : i32
      %dma_wait3A_130 = arith.constant 0 : i32
      %dma_wait3A_131 = arith.constant 0 : i32
      %dma_wait3A_132 = tpu.memref_slice %arg9[%dma_wait3A_130, %dma_wait3A_131] : memref<125x80xi32, #tpu.memory_space<vmem>> -> memref<1x80xi32, #tpu.memory_space<vmem>>
      %dma_wait3A_133 = tpu.memref_squeeze %dma_wait3A_132 : memref<1x80xi32, #tpu.memory_space<vmem>> -> memref<80xi32, #tpu.memory_space<vmem>>
      %dma_wait3A_134 = arith.constant 0 : i32
      %dma_wait3A_135 = tpu.memref_slice %arg2[%dma_wait3A_134] : memref<10000xi32, #tpu.memory_space<hbm>> -> memref<10000xi32, #tpu.memory_space<hbm>>
      tpu.wait_indirect_dma semaphore(%arg23 : memref<!tpu.dma_semaphore, #tpu.memory_space<semaphore_mem>>) src(%dma_wait3A_135 : memref<10000xi32, #tpu.memory_space<hbm>>) dst(%arg13 : memref<80xi32, #tpu.memory_space<vmem>>)
      %gt3A_136 = arith.constant 0 : i32
      %gt3A_137 = arith.cmpi sgt, %scan3A_66, %gt3A_136 : i32
      %convert_element_type3A_138 = arith.extui %gt3A_137 : i1 to i32
      %cond3A_139 = arith.constant 0 : i32
      %cond3A_140 = arith.cmpi ne, %convert_element_type3A_138, %cond3A_139 : i32
      scf.if %cond3A_140 {
        %dma_wait3A_220 = arith.constant 0 : i32
        %dma_wait3A_221 = tpu.memref_slice %arg6[%dma_wait3A_220] : memref<30720xf32, #tpu.memory_space<vmem_shared>> -> memref<30720xf32, #tpu.memory_space<vmem_shared>>
        tpu.wait_indirect_dma semaphore(%arg28 : memref<!tpu.dma_semaphore, #tpu.memory_space<semaphore_mem>>) src(%arg8 : memref<80xf32, #tpu.memory_space<vmem>>) dst(%dma_wait3A_221 : memref<30720xf32, #tpu.memory_space<vmem_shared>>)
      } else {
      }
      %scan3A_141 = arith.constant 0 : i32
      %scan3A_142 = arith.constant 0 : i32
      %scan3A_143 = arith.constant 5 : i32
      %scan3A_144 = arith.addi %scan3A_142, %scan3A_143 : i32
      %scan3A_145 = arith.constant 1 : i32
      %scan3A_146 = scf.for %scan3A_220 = %scan3A_142 to %scan3A_144 step %scan3A_145 iter_args(%scan3A_221 = %scan3A_141) -> (i32)  : i32 {
        %mul3A_222 = arith.constant 16 : i32
        %mul3A_223 = arith.muli %scan3A_220, %mul3A_222 : i32
        %get3A = arith.index_cast %add3A_129 : i32 to index
        %get3A_224 = arith.index_cast %mul3A_223 : i32 to index
        %get3A_225 = tpu.vector_load %arg10[%get3A, %get3A_224] {strides = array<i32>} : memref<125x80xi32, #tpu.memory_space<vmem>>, vector<1x16xi32>,
        %get3A_226 = vector.shape_cast %get3A_225 : vector<1x16xi32> to vector<16xi32>
        %mul3A_227 = arith.constant 3 : i32
        %mul3A_228 = vector.broadcast %mul3A_227 : i32 to vector<16xi32>
        %mul3A_229 = arith.muli %get3A_226, %mul3A_228 : vector<16xi32>
        %get3A_230 = arith.index_cast %mul3A_223 : i32 to index
        %get3A_231 = tpu.vector_load %arg13[%get3A_230] {strides = array<i32>} : memref<80xi32, #tpu.memory_space<vmem>>, vector<16xi32>,
        %get3A_232 = vector.shape_cast %get3A_231 : vector<16xi32> to vector<16xi32>
        %add3A_233 = arith.addi %mul3A_229, %get3A_232 : vector<16xi32>
        %swap3A = arith.index_cast %mul3A_223 : i32 to index
        %swap3A_234 = tpu.vector_load %arg18[%swap3A] {strides = array<i32>} : memref<80xi32, #tpu.memory_space<vmem>>, vector<16xi32>,
        %swap3A_235 = vector.shape_cast %swap3A_234 : vector<16xi32> to vector<16xi32>
        %swap3A_236 = vector.shape_cast %add3A_233 : vector<16xi32> to vector<16xi32>
        tpu.vector_store %arg18[%swap3A], %swap3A_236 {strides = array<i32>} : memref<80xi32, #tpu.memory_space<vmem>>, vector<16xi32>,
        %scan3A_237 = arith.constant 0 : i32
        scf.yield %scan3A_237 : i32
      }
      %scan3A_147 = arith.constant 5 : i32
      %dma_start3A_148 = arith.constant 0 : i32
      %dma_start3A_149 = tpu.memref_slice %arg6[%dma_start3A_148] : memref<30720xf32, #tpu.memory_space<vmem_shared>> -> memref<30720xf32, #tpu.memory_space<vmem_shared>>
      tpu.enqueue_indirect_dma source(%arg8 : memref<80xf32, #tpu.memory_space<vmem>>) target(%dma_start3A_149 : memref<30720xf32, #tpu.memory_space<vmem_shared>>) offsets(%arg18 : memref<80xi32, #tpu.memory_space<vmem>>) semaphore(%arg28 : memref<!tpu.dma_semaphore, #tpu.memory_space<semaphore_mem>>) {add = true}
      %add3A_150 = arith.constant 5 : i32
      %add3A_151 = arith.addi %add3A_129, %add3A_150 : i32
      %lt3A_152 = arith.constant 125 : i32
      %lt3A_153 = arith.cmpi slt, %add3A_151, %lt3A_152 : i32
      %convert_element_type3A_154 = arith.extui %lt3A_153 : i1 to i32
      %cond3A_155 = arith.constant 0 : i32
      %cond3A_156 = arith.cmpi ne, %convert_element_type3A_154, %cond3A_155 : i32
      scf.if %cond3A_156 {
        %add3A_220 = arith.constant 5 : i32
        %add3A_221 = arith.addi %add3A_129, %add3A_220 : i32
        %dma_start3A_222 = arith.constant 0 : i32
        %dma_start3A_223 = tpu.memref_slice %arg9[%add3A_221, %dma_start3A_222] : memref<125x80xi32, #tpu.memory_space<vmem>> -> memref<1x80xi32, #tpu.memory_space<vmem>>
        %dma_start3A_224 = tpu.memref_squeeze %dma_start3A_223 : memref<1x80xi32, #tpu.memory_space<vmem>> -> memref<80xi32, #tpu.memory_space<vmem>>
        %dma_start3A_225 = arith.constant 0 : i32
        %dma_start3A_226 = tpu.memref_slice %arg2[%dma_start3A_225] : memref<10000xi32, #tpu.memory_space<hbm>> -> memref<10000xi32, #tpu.memory_space<hbm>>
        tpu.enqueue_indirect_dma source(%dma_start3A_226 : memref<10000xi32, #tpu.memory_space<hbm>>) target(%arg13 : memref<80xi32, #tpu.memory_space<vmem>>) offsets(%dma_start3A_224 : memref<80xi32, #tpu.memory_space<vmem>>) semaphore(%arg23 : memref<!tpu.dma_semaphore, #tpu.memory_space<semaphore_mem>>)
      } else {
      }
      %mul3A_157 = arith.constant 5 : i32
      %mul3A_158 = arith.muli %scan3A_66, %mul3A_157 : i32
      %add3A_159 = arith.constant 3 : i32
      %add3A_160 = arith.addi %mul3A_158, %add3A_159 : i32
      %dma_wait3A_161 = arith.constant 0 : i32
      %dma_wait3A_162 = arith.constant 0 : i32
      %dma_wait3A_163 = tpu.memref_slice %arg9[%dma_wait3A_161, %dma_wait3A_162] : memref<125x80xi32, #tpu.memory_space<vmem>> -> memref<1x80xi32, #tpu.memory_space<vmem>>
      %dma_wait3A_164 = tpu.memref_squeeze %dma_wait3A_163 : memref<1x80xi32, #tpu.memory_space<vmem>> -> memref<80xi32, #tpu.memory_space<vmem>>
      %dma_wait3A_165 = arith.constant 0 : i32
      %dma_wait3A_166 = tpu.memref_slice %arg2[%dma_wait3A_165] : memref<10000xi32, #tpu.memory_space<hbm>> -> memref<10000xi32, #tpu.memory_space<hbm>>
      tpu.wait_indirect_dma semaphore(%arg24 : memref<!tpu.dma_semaphore, #tpu.memory_space<semaphore_mem>>) src(%dma_wait3A_166 : memref<10000xi32, #tpu.memory_space<hbm>>) dst(%arg14 : memref<80xi32, #tpu.memory_space<vmem>>)
      %gt3A_167 = arith.constant 0 : i32
      %gt3A_168 = arith.cmpi sgt, %scan3A_66, %gt3A_167 : i32
      %convert_element_type3A_169 = arith.extui %gt3A_168 : i1 to i32
      %cond3A_170 = arith.constant 0 : i32
      %cond3A_171 = arith.cmpi ne, %convert_element_type3A_169, %cond3A_170 : i32
      scf.if %cond3A_171 {
        %dma_wait3A_220 = arith.constant 0 : i32
        %dma_wait3A_221 = tpu.memref_slice %arg6[%dma_wait3A_220] : memref<30720xf32, #tpu.memory_space<vmem_shared>> -> memref<30720xf32, #tpu.memory_space<vmem_shared>>
        tpu.wait_indirect_dma semaphore(%arg29 : memref<!tpu.dma_semaphore, #tpu.memory_space<semaphore_mem>>) src(%arg8 : memref<80xf32, #tpu.memory_space<vmem>>) dst(%dma_wait3A_221 : memref<30720xf32, #tpu.memory_space<vmem_shared>>)
      } else {
      }
      %scan3A_172 = arith.constant 0 : i32
      %scan3A_173 = arith.constant 0 : i32
      %scan3A_174 = arith.constant 5 : i32
      %scan3A_175 = arith.addi %scan3A_173, %scan3A_174 : i32
      %scan3A_176 = arith.constant 1 : i32
      %scan3A_177 = scf.for %scan3A_220 = %scan3A_173 to %scan3A_175 step %scan3A_176 iter_args(%scan3A_221 = %scan3A_172) -> (i32)  : i32 {
        %mul3A_222 = arith.constant 16 : i32
        %mul3A_223 = arith.muli %scan3A_220, %mul3A_222 : i32
        %get3A = arith.index_cast %add3A_160 : i32 to index
        %get3A_224 = arith.index_cast %mul3A_223 : i32 to index
        %get3A_225 = tpu.vector_load %arg10[%get3A, %get3A_224] {strides = array<i32>} : memref<125x80xi32, #tpu.memory_space<vmem>>, vector<1x16xi32>,
        %get3A_226 = vector.shape_cast %get3A_225 : vector<1x16xi32> to vector<16xi32>
        %mul3A_227 = arith.constant 3 : i32
        %mul3A_228 = vector.broadcast %mul3A_227 : i32 to vector<16xi32>
        %mul3A_229 = arith.muli %get3A_226, %mul3A_228 : vector<16xi32>
        %get3A_230 = arith.index_cast %mul3A_223 : i32 to index
        %get3A_231 = tpu.vector_load %arg14[%get3A_230] {strides = array<i32>} : memref<80xi32, #tpu.memory_space<vmem>>, vector<16xi32>,
        %get3A_232 = vector.shape_cast %get3A_231 : vector<16xi32> to vector<16xi32>
        %add3A_233 = arith.addi %mul3A_229, %get3A_232 : vector<16xi32>
        %swap3A = arith.index_cast %mul3A_223 : i32 to index
        %swap3A_234 = tpu.vector_load %arg19[%swap3A] {strides = array<i32>} : memref<80xi32, #tpu.memory_space<vmem>>, vector<16xi32>,
        %swap3A_235 = vector.shape_cast %swap3A_234 : vector<16xi32> to vector<16xi32>
        %swap3A_236 = vector.shape_cast %add3A_233 : vector<16xi32> to vector<16xi32>
        tpu.vector_store %arg19[%swap3A], %swap3A_236 {strides = array<i32>} : memref<80xi32, #tpu.memory_space<vmem>>, vector<16xi32>,
        %scan3A_237 = arith.constant 0 : i32
        scf.yield %scan3A_237 : i32
      }
      %scan3A_178 = arith.constant 5 : i32
      %dma_start3A_179 = arith.constant 0 : i32
      %dma_start3A_180 = tpu.memref_slice %arg6[%dma_start3A_179] : memref<30720xf32, #tpu.memory_space<vmem_shared>> -> memref<30720xf32, #tpu.memory_space<vmem_shared>>
      tpu.enqueue_indirect_dma source(%arg8 : memref<80xf32, #tpu.memory_space<vmem>>) target(%dma_start3A_180 : memref<30720xf32, #tpu.memory_space<vmem_shared>>) offsets(%arg19 : memref<80xi32, #tpu.memory_space<vmem>>) semaphore(%arg29 : memref<!tpu.dma_semaphore, #tpu.memory_space<semaphore_mem>>) {add = true}
      %add3A_181 = arith.constant 5 : i32
      %add3A_182 = arith.addi %add3A_160, %add3A_181 : i32
      %lt3A_183 = arith.constant 125 : i32
      %lt3A_184 = arith.cmpi slt, %add3A_182, %lt3A_183 : i32
      %convert_element_type3A_185 = arith.extui %lt3A_184 : i1 to i32
      %cond3A_186 = arith.constant 0 : i32
      %cond3A_187 = arith.cmpi ne, %convert_element_type3A_185, %cond3A_186 : i32
      scf.if %cond3A_187 {
        %add3A_220 = arith.constant 5 : i32
        %add3A_221 = arith.addi %add3A_160, %add3A_220 : i32
        %dma_start3A_222 = arith.constant 0 : i32
        %dma_start3A_223 = tpu.memref_slice %arg9[%add3A_221, %dma_start3A_222] : memref<125x80xi32, #tpu.memory_space<vmem>> -> memref<1x80xi32, #tpu.memory_space<vmem>>
        %dma_start3A_224 = tpu.memref_squeeze %dma_start3A_223 : memref<1x80xi32, #tpu.memory_space<vmem>> -> memref<80xi32, #tpu.memory_space<vmem>>
        %dma_start3A_225 = arith.constant 0 : i32
        %dma_start3A_226 = tpu.memref_slice %arg2[%dma_start3A_225] : memref<10000xi32, #tpu.memory_space<hbm>> -> memref<10000xi32, #tpu.memory_space<hbm>>
        tpu.enqueue_indirect_dma source(%dma_start3A_226 : memref<10000xi32, #tpu.memory_space<hbm>>) target(%arg14 : memref<80xi32, #tpu.memory_space<vmem>>) offsets(%dma_start3A_224 : memref<80xi32, #tpu.memory_space<vmem>>) semaphore(%arg24 : memref<!tpu.dma_semaphore, #tpu.memory_space<semaphore_mem>>)
      } else {
      }
      %mul3A_188 = arith.constant 5 : i32
      %mul3A_189 = arith.muli %scan3A_66, %mul3A_188 : i32
      %add3A_190 = arith.constant 4 : i32
      %add3A_191 = arith.addi %mul3A_189, %add3A_190 : i32
      %dma_wait3A_192 = arith.constant 0 : i32
      %dma_wait3A_193 = arith.constant 0 : i32
      %dma_wait3A_194 = tpu.memref_slice %arg9[%dma_wait3A_192, %dma_wait3A_193] : memref<125x80xi32, #tpu.memory_space<vmem>> -> memref<1x80xi32, #tpu.memory_space<vmem>>
      %dma_wait3A_195 = tpu.memref_squeeze %dma_wait3A_194 : memref<1x80xi32, #tpu.memory_space<vmem>> -> memref<80xi32, #tpu.memory_space<vmem>>
      %dma_wait3A_196 = arith.constant 0 : i32
      %dma_wait3A_197 = tpu.memref_slice %arg2[%dma_wait3A_196] : memref<10000xi32, #tpu.memory_space<hbm>> -> memref<10000xi32, #tpu.memory_space<hbm>>
      tpu.wait_indirect_dma semaphore(%arg25 : memref<!tpu.dma_semaphore, #tpu.memory_space<semaphore_mem>>) src(%dma_wait3A_197 : memref<10000xi32, #tpu.memory_space<hbm>>) dst(%arg15 : memref<80xi32, #tpu.memory_space<vmem>>)
      %gt3A_198 = arith.constant 0 : i32
      %gt3A_199 = arith.cmpi sgt, %scan3A_66, %gt3A_198 : i32
      %convert_element_type3A_200 = arith.extui %gt3A_199 : i1 to i32
      %cond3A_201 = arith.constant 0 : i32
      %cond3A_202 = arith.cmpi ne, %convert_element_type3A_200, %cond3A_201 : i32
      scf.if %cond3A_202 {
        %dma_wait3A_220 = arith.constant 0 : i32
        %dma_wait3A_221 = tpu.memref_slice %arg6[%dma_wait3A_220] : memref<30720xf32, #tpu.memory_space<vmem_shared>> -> memref<30720xf32, #tpu.memory_space<vmem_shared>>
        tpu.wait_indirect_dma semaphore(%arg30 : memref<!tpu.dma_semaphore, #tpu.memory_space<semaphore_mem>>) src(%arg8 : memref<80xf32, #tpu.memory_space<vmem>>) dst(%dma_wait3A_221 : memref<30720xf32, #tpu.memory_space<vmem_shared>>)
      } else {
      }
      %scan3A_203 = arith.constant 0 : i32
      %scan3A_204 = arith.constant 0 : i32
      %scan3A_205 = arith.constant 5 : i32
      %scan3A_206 = arith.addi %scan3A_204, %scan3A_205 : i32
      %scan3A_207 = arith.constant 1 : i32
      %scan3A_208 = scf.for %scan3A_220 = %scan3A_204 to %scan3A_206 step %scan3A_207 iter_args(%scan3A_221 = %scan3A_203) -> (i32)  : i32 {
        %mul3A_222 = arith.constant 16 : i32
        %mul3A_223 = arith.muli %scan3A_220, %mul3A_222 : i32
        %get3A = arith.index_cast %add3A_191 : i32 to index
        %get3A_224 = arith.index_cast %mul3A_223 : i32 to index
        %get3A_225 = tpu.vector_load %arg10[%get3A, %get3A_224] {strides = array<i32>} : memref<125x80xi32, #tpu.memory_space<vmem>>, vector<1x16xi32>,
        %get3A_226 = vector.shape_cast %get3A_225 : vector<1x16xi32> to vector<16xi32>
        %mul3A_227 = arith.constant 3 : i32
        %mul3A_228 = vector.broadcast %mul3A_227 : i32 to vector<16xi32>
        %mul3A_229 = arith.muli %get3A_226, %mul3A_228 : vector<16xi32>
        %get3A_230 = arith.index_cast %mul3A_223 : i32 to index
        %get3A_231 = tpu.vector_load %arg15[%get3A_230] {strides = array<i32>} : memref<80xi32, #tpu.memory_space<vmem>>, vector<16xi32>,
        %get3A_232 = vector.shape_cast %get3A_231 : vector<16xi32> to vector<16xi32>
        %add3A_233 = arith.addi %mul3A_229, %get3A_232 : vector<16xi32>
        %swap3A = arith.index_cast %mul3A_223 : i32 to index
        %swap3A_234 = tpu.vector_load %arg20[%swap3A] {strides = array<i32>} : memref<80xi32, #tpu.memory_space<vmem>>, vector<16xi32>,
        %swap3A_235 = vector.shape_cast %swap3A_234 : vector<16xi32> to vector<16xi32>
        %swap3A_236 = vector.shape_cast %add3A_233 : vector<16xi32> to vector<16xi32>
        tpu.vector_store %arg20[%swap3A], %swap3A_236 {strides = array<i32>} : memref<80xi32, #tpu.memory_space<vmem>>, vector<16xi32>,
        %scan3A_237 = arith.constant 0 : i32
        scf.yield %scan3A_237 : i32
      }
      %scan3A_209 = arith.constant 5 : i32
      %dma_start3A_210 = arith.constant 0 : i32
      %dma_start3A_211 = tpu.memref_slice %arg6[%dma_start3A_210] : memref<30720xf32, #tpu.memory_space<vmem_shared>> -> memref<30720xf32, #tpu.memory_space<vmem_shared>>
      tpu.enqueue_indirect_dma source(%arg8 : memref<80xf32, #tpu.memory_space<vmem>>) target(%dma_start3A_211 : memref<30720xf32, #tpu.memory_space<vmem_shared>>) offsets(%arg20 : memref<80xi32, #tpu.memory_space<vmem>>) semaphore(%arg30 : memref<!tpu.dma_semaphore, #tpu.memory_space<semaphore_mem>>) {add = true}
      %add3A_212 = arith.constant 5 : i32
      %add3A_213 = arith.addi %add3A_191, %add3A_212 : i32
      %lt3A_214 = arith.constant 125 : i32
      %lt3A_215 = arith.cmpi slt, %add3A_213, %lt3A_214 : i32
      %convert_element_type3A_216 = arith.extui %lt3A_215 : i1 to i32
      %cond3A_217 = arith.constant 0 : i32
      %cond3A_218 = arith.cmpi ne, %convert_element_type3A_216, %cond3A_217 : i32
      scf.if %cond3A_218 {
        %add3A_220 = arith.constant 5 : i32
        %add3A_221 = arith.addi %add3A_191, %add3A_220 : i32
        %dma_start3A_222 = arith.constant 0 : i32
        %dma_start3A_223 = tpu.memref_slice %arg9[%add3A_221, %dma_start3A_222] : memref<125x80xi32, #tpu.memory_space<vmem>> -> memref<1x80xi32, #tpu.memory_space<vmem>>
        %dma_start3A_224 = tpu.memref_squeeze %dma_start3A_223 : memref<1x80xi32, #tpu.memory_space<vmem>> -> memref<80xi32, #tpu.memory_space<vmem>>
        %dma_start3A_225 = arith.constant 0 : i32
        %dma_start3A_226 = tpu.memref_slice %arg2[%dma_start3A_225] : memref<10000xi32, #tpu.memory_space<hbm>> -> memref<10000xi32, #tpu.memory_space<hbm>>
        tpu.enqueue_indirect_dma source(%dma_start3A_226 : memref<10000xi32, #tpu.memory_space<hbm>>) target(%arg15 : memref<80xi32, #tpu.memory_space<vmem>>) offsets(%dma_start3A_224 : memref<80xi32, #tpu.memory_space<vmem>>) semaphore(%arg25 : memref<!tpu.dma_semaphore, #tpu.memory_space<semaphore_mem>>)
      } else {
      }
      %scan3A_219 = arith.constant 0 : i32
      scf.yield %scan3A_219 : i32
    }
    %scan3A_51 = arith.constant 25 : i32
    %dma_wait3A = arith.constant 0 : i32
    %dma_wait3A_52 = tpu.memref_slice %arg6[%dma_wait3A] : memref<30720xf32, #tpu.memory_space<vmem_shared>> -> memref<30720xf32, #tpu.memory_space<vmem_shared>>
    tpu.wait_indirect_dma semaphore(%arg26 : memref<!tpu.dma_semaphore, #tpu.memory_space<semaphore_mem>>) src(%arg8 : memref<80xf32, #tpu.memory_space<vmem>>) dst(%dma_wait3A_52 : memref<30720xf32, #tpu.memory_space<vmem_shared>>)
    %dma_wait3A_53 = arith.constant 0 : i32
    %dma_wait3A_54 = tpu.memref_slice %arg6[%dma_wait3A_53] : memref<30720xf32, #tpu.memory_space<vmem_shared>> -> memref<30720xf32, #tpu.memory_space<vmem_shared>>
    tpu.wait_indirect_dma semaphore(%arg27 : memref<!tpu.dma_semaphore, #tpu.memory_space<semaphore_mem>>) src(%arg8 : memref<80xf32, #tpu.memory_space<vmem>>) dst(%dma_wait3A_54 : memref<30720xf32, #tpu.memory_space<vmem_shared>>)
    %dma_wait3A_55 = arith.constant 0 : i32
    %dma_wait3A_56 = tpu.memref_slice %arg6[%dma_wait3A_55] : memref<30720xf32, #tpu.memory_space<vmem_shared>> -> memref<30720xf32, #tpu.memory_space<vmem_shared>>
    tpu.wait_indirect_dma semaphore(%arg28 : memref<!tpu.dma_semaphore, #tpu.memory_space<semaphore_mem>>) src(%arg8 : memref<80xf32, #tpu.memory_space<vmem>>) dst(%dma_wait3A_56 : memref<30720xf32, #tpu.memory_space<vmem_shared>>)
    %dma_wait3A_57 = arith.constant 0 : i32
    %dma_wait3A_58 = tpu.memref_slice %arg6[%dma_wait3A_57] : memref<30720xf32, #tpu.memory_space<vmem_shared>> -> memref<30720xf32, #tpu.memory_space<vmem_shared>>
    tpu.wait_indirect_dma semaphore(%arg29 : memref<!tpu.dma_semaphore, #tpu.memory_space<semaphore_mem>>) src(%arg8 : memref<80xf32, #tpu.memory_space<vmem>>) dst(%dma_wait3A_58 : memref<30720xf32, #tpu.memory_space<vmem_shared>>)
    %dma_wait3A_59 = arith.constant 0 : i32
    %dma_wait3A_60 = tpu.memref_slice %arg6[%dma_wait3A_59] : memref<30720xf32, #tpu.memory_space<vmem_shared>> -> memref<30720xf32, #tpu.memory_space<vmem_shared>>
    tpu.wait_indirect_dma semaphore(%arg30 : memref<!tpu.dma_semaphore, #tpu.memory_space<semaphore_mem>>) src(%arg8 : memref<80xf32, #tpu.memory_space<vmem>>) dst(%dma_wait3A_60 : memref<30720xf32, #tpu.memory_space<vmem_shared>>)
    %barrier3A_61 = arith.constant 0 : index
    tpu.barrier barrier_id(%barrier3A_61)
    %mul3A_62 = arith.constant 1920 : i32
    %mul3A_63 = arith.muli %arg1, %mul3A_62 : i32
    %mul3A_64 = arith.constant 1920 : i32
    %mul3A_65 = arith.muli %arg1, %mul3A_64 : i32
    "tpu.region"() ({
      %run_scoped3A = tpu.sem_alloc : memref<!tpu.dma_semaphore, #tpu.memory_space<semaphore_mem>>
      %dma_start3A_66 = tpu.memref_slice %arg5[%arg0, %mul3A_65] : memref<2x30720xf32, #tpu.memory_space<hbm>> -> memref<1x1920xf32, #tpu.memory_space<hbm>>
      %dma_start3A_67 = tpu.memref_squeeze %dma_start3A_66 : memref<1x1920xf32, #tpu.memory_space<hbm>> -> memref<1920xf32, #tpu.memory_space<hbm>>
      %dma_start3A_68 = tpu.memref_slice %arg6[%mul3A_63] : memref<30720xf32, #tpu.memory_space<vmem_shared>> -> memref<1920xf32, #tpu.memory_space<vmem_shared>>
      tpu.enqueue_dma source(%dma_start3A_68 : memref<1920xf32, #tpu.memory_space<vmem_shared>>) target(%dma_start3A_67 : memref<1920xf32, #tpu.memory_space<hbm>>) target_semaphore(%run_scoped3A : memref<!tpu.dma_semaphore, #tpu.memory_space<semaphore_mem>>)
      %dma_wait3A_69 = tpu.memref_slice %arg5[%arg0, %mul3A_65] : memref<2x30720xf32, #tpu.memory_space<hbm>> -> memref<1x1920xf32, #tpu.memory_space<hbm>>
      %dma_wait3A_70 = tpu.memref_squeeze %dma_wait3A_69 : memref<1x1920xf32, #tpu.memory_space<hbm>> -> memref<1920xf32, #tpu.memory_space<hbm>>
      %dma_wait3A_71 = tpu.memref_slice %arg6[%mul3A_63] : memref<30720xf32, #tpu.memory_space<vmem_shared>> -> memref<1920xf32, #tpu.memory_space<vmem_shared>>
      tpu.wait_dma2 semaphore(%run_scoped3A : memref<!tpu.dma_semaphore, #tpu.memory_space<semaphore_mem>>) src(%dma_wait3A_71 : memref<1920xf32, #tpu.memory_space<vmem_shared>>) dst(%dma_wait3A_70 : memref<1920xf32, #tpu.memory_space<hbm>>)
      tpu.yield
    }) : () -> ()
    return
  }
}

#map = affine_map<(d0, d1) -> (0, 0)>
#map1 = affine_map<(d0, d1) -> (0, 0, 0, 0)>
#map2 = affine_map<(d0, d1) -> (0)>
#map3 = affine_map<(d0, d1) -> (0, 0, 0)>
module attributes {stable_mosaic.version = 14 : i64} {
  func.func @body(%arg0: i32, %arg1: i32, %arg2: memref<10000x128xf32, #tpu.memory_space<hbm>>, %arg3: memref<32x50x10x40xi32, #tpu.memory_space<hbm>>, %arg4: memref<512xi32, #tpu.memory_space<hbm>>, %arg5: memref<10000xf32, #tpu.memory_space<hbm>>, %arg6: memref<2x512x128xf32, #tpu.memory_space<hbm>>, %arg7: memref<512x128xf32, #tpu.memory_space<hbm>>, %arg8: memref<512xf32, #tpu.memory_space<hbm>>, %arg9: memref<10240x128xf32, #tpu.memory_space<vmem_shared>>, %arg10: memref<64x128xf32, #tpu.memory_space<vmem>>, %arg11: memref<10x40xi32, #tpu.memory_space<vmem>>, %arg12: memref<10x40xi32, #tpu.memory_space<vmem>>, %arg13: memref<40x128xf32, #tpu.memory_space<vmem>>, %arg14: memref<40x128xf32, #tpu.memory_space<vmem>>, %arg15: memref<40x128xf32, #tpu.memory_space<vmem>>, %arg16: memref<40x128xf32, #tpu.memory_space<vmem>>, %arg17: memref<40x128xf32, #tpu.memory_space<vmem>>, %arg18: memref<!tpu.dma_semaphore, #tpu.memory_space<semaphore_mem>>, %arg19: memref<!tpu.dma_semaphore, #tpu.memory_space<semaphore_mem>>, %arg20: memref<!tpu.dma_semaphore, #tpu.memory_space<semaphore_mem>>, %arg21: memref<!tpu.dma_semaphore, #tpu.memory_space<semaphore_mem>>, %arg22: memref<!tpu.dma_semaphore, #tpu.memory_space<semaphore_mem>>, %arg23: memref<!tpu.dma_semaphore, #tpu.memory_space<semaphore_mem>>, %arg24: memref<!tpu.dma_semaphore, #tpu.memory_space<semaphore_mem>>, %arg25: memref<!tpu.dma_semaphore, #tpu.memory_space<semaphore_mem>>, %arg26: memref<!tpu.dma_semaphore, #tpu.memory_space<semaphore_mem>>, %arg27: memref<!tpu.dma_semaphore, #tpu.memory_space<semaphore_mem>>, %arg28: memref<!tpu.dma_semaphore, #tpu.memory_space<semaphore_mem>>, %arg29: memref<!tpu.dma_semaphore, #tpu.memory_space<semaphore_mem>>, %arg30: memref<32xi32, #tpu.memory_space<vmem>>, %arg31: memref<32x128xf32, #tpu.memory_space<vmem>>, %arg32: memref<32xf32, #tpu.memory_space<vmem>>) attributes {dimension_semantics = [#tpu.dimension_semantics<core_parallel>, #tpu.dimension_semantics<subcore_parallel>], iteration_bounds = array<i64: 2, 16>, scalar_prefetch = 0 : i64, scratch_operands = 24 : i64, tpu.core_type = #tpu.core_type<sc_vector_subcore>, window_params = [{transform_indices = #map}, {transform_indices = #map1}, {transform_indices = #map2}, {transform_indices = #map2}, {transform_indices = #map3}, {transform_indices = #map}, {transform_indices = #map2}]} {
    %mul3A = arith.constant 16 : i32
    %mul3A_0 = arith.muli %arg0, %mul3A : i32
    %add3A = arith.addi %mul3A_0, %arg1 : i32
    %scan3A = arith.constant 0 : i32
    %scan3A_1 = arith.constant 0 : i32
    %scan3A_2 = arith.constant 512 : i32
    %scan3A_3 = arith.addi %scan3A_1, %scan3A_2 : i32
    %scan3A_4 = arith.constant 1 : i32
    %scan3A_5 = scf.for %scan3A_109 = %scan3A_1 to %scan3A_3 step %scan3A_4 iter_args(%scan3A_110 = %scan3A) -> (i32)  : i32 {
      %broadcast_in_dim3A = arith.constant 0.000000e+00 : f32
      %broadcast_in_dim3A_111 = vector.broadcast %broadcast_in_dim3A : f32 to vector<16xf32>
      %shift_right_arithmetic3A = arith.constant 3 : i32
      %shift_right_arithmetic3A_112 = arith.shrsi %scan3A_109, %shift_right_arithmetic3A : i32
      %and3A = arith.constant 7 : i32
      %and3A_113 = arith.andi %scan3A_109, %and3A : i32
      %mul3A_114 = arith.constant 16 : i32
      %mul3A_115 = arith.muli %and3A_113, %mul3A_114 : i32
      %swap3A = arith.index_cast %shift_right_arithmetic3A_112 : i32 to index
      %swap3A_116 = arith.index_cast %mul3A_115 : i32 to index
      %swap3A_117 = tpu.vector_load %arg10[%swap3A, %swap3A_116] {strides = array<i32>} : memref<64x128xf32, #tpu.memory_space<vmem>>, vector<1x16xf32>,
      %swap3A_118 = vector.shape_cast %swap3A_117 : vector<1x16xf32> to vector<16xf32>
      %swap3A_119 = vector.shape_cast %broadcast_in_dim3A_111 : vector<16xf32> to vector<1x16xf32>
      tpu.vector_store %arg10[%swap3A, %swap3A_116], %swap3A_119 {strides = array<i32>} : memref<64x128xf32, #tpu.memory_space<vmem>>, vector<1x16xf32>,
      %scan3A_120 = arith.constant 0 : i32
      scf.yield %scan3A_120 : i32
    }
    %scan3A_6 = arith.constant 512 : i32
    %mul3A_7 = arith.constant 640 : i32
    %mul3A_8 = arith.muli %arg1, %mul3A_7 : i32
    %add3A_9 = arith.constant 0 : i32
    %add3A_10 = arith.addi %mul3A_8, %add3A_9 : i32
    "tpu.region"() ({
      %run_scoped3A = tpu.sem_alloc : memref<!tpu.dma_semaphore, #tpu.memory_space<semaphore_mem>>
      %dma_start3A_109 = arith.constant 0 : i32
      %dma_start3A_110 = tpu.memref_slice %arg9[%add3A_10, %dma_start3A_109] : memref<10240x128xf32, #tpu.memory_space<vmem_shared>> -> memref<64x128xf32, #tpu.memory_space<vmem_shared>>
      %dma_start3A_111 = arith.constant 0 : i32
      %dma_start3A_112 = tpu.memref_slice %arg9[%add3A_10, %dma_start3A_111] : memref<10240x128xf32, #tpu.memory_space<vmem_shared>> -> memref<64x128xf32, #tpu.memory_space<vmem_shared>>
      tpu.enqueue_dma source(%arg10 : memref<64x128xf32, #tpu.memory_space<vmem>>) target(%dma_start3A_112 : memref<64x128xf32, #tpu.memory_space<vmem_shared>>) target_semaphore(%run_scoped3A : memref<!tpu.dma_semaphore, #tpu.memory_space<semaphore_mem>>)
      %dma_wait3A_113 = arith.constant 0 : i32
      %dma_wait3A_114 = tpu.memref_slice %arg9[%add3A_10, %dma_wait3A_113] : memref<10240x128xf32, #tpu.memory_space<vmem_shared>> -> memref<64x128xf32, #tpu.memory_space<vmem_shared>>
      %dma_wait3A_115 = arith.constant 0 : i32
      %dma_wait3A_116 = tpu.memref_slice %arg9[%add3A_10, %dma_wait3A_115] : memref<10240x128xf32, #tpu.memory_space<vmem_shared>> -> memref<64x128xf32, #tpu.memory_space<vmem_shared>>
      tpu.wait_dma2 semaphore(%run_scoped3A : memref<!tpu.dma_semaphore, #tpu.memory_space<semaphore_mem>>) src(%arg10 : memref<64x128xf32, #tpu.memory_space<vmem>>) dst(%dma_wait3A_116 : memref<64x128xf32, #tpu.memory_space<vmem_shared>>)
      tpu.yield
    }) : () -> ()
    %mul3A_11 = arith.constant 640 : i32
    %mul3A_12 = arith.muli %arg1, %mul3A_11 : i32
    %add3A_13 = arith.constant 64 : i32
    %add3A_14 = arith.addi %mul3A_12, %add3A_13 : i32
    "tpu.region"() ({
      %run_scoped3A = tpu.sem_alloc : memref<!tpu.dma_semaphore, #tpu.memory_space<semaphore_mem>>
      %dma_start3A_109 = arith.constant 0 : i32
      %dma_start3A_110 = tpu.memref_slice %arg9[%add3A_14, %dma_start3A_109] : memref<10240x128xf32, #tpu.memory_space<vmem_shared>> -> memref<64x128xf32, #tpu.memory_space<vmem_shared>>
      %dma_start3A_111 = arith.constant 0 : i32
      %dma_start3A_112 = tpu.memref_slice %arg9[%add3A_14, %dma_start3A_111] : memref<10240x128xf32, #tpu.memory_space<vmem_shared>> -> memref<64x128xf32, #tpu.memory_space<vmem_shared>>
      tpu.enqueue_dma source(%arg10 : memref<64x128xf32, #tpu.memory_space<vmem>>) target(%dma_start3A_112 : memref<64x128xf32, #tpu.memory_space<vmem_shared>>) target_semaphore(%run_scoped3A : memref<!tpu.dma_semaphore, #tpu.memory_space<semaphore_mem>>)
      %dma_wait3A_113 = arith.constant 0 : i32
      %dma_wait3A_114 = tpu.memref_slice %arg9[%add3A_14, %dma_wait3A_113] : memref<10240x128xf32, #tpu.memory_space<vmem_shared>> -> memref<64x128xf32, #tpu.memory_space<vmem_shared>>
      %dma_wait3A_115 = arith.constant 0 : i32
      %dma_wait3A_116 = tpu.memref_slice %arg9[%add3A_14, %dma_wait3A_115] : memref<10240x128xf32, #tpu.memory_space<vmem_shared>> -> memref<64x128xf32, #tpu.memory_space<vmem_shared>>
      tpu.wait_dma2 semaphore(%run_scoped3A : memref<!tpu.dma_semaphore, #tpu.memory_space<semaphore_mem>>) src(%arg10 : memref<64x128xf32, #tpu.memory_space<vmem>>) dst(%dma_wait3A_116 : memref<64x128xf32, #tpu.memory_space<vmem_shared>>)
      tpu.yield
    }) : () -> ()
    %mul3A_15 = arith.constant 640 : i32
    %mul3A_16 = arith.muli %arg1, %mul3A_15 : i32
    %add3A_17 = arith.constant 128 : i32
    %add3A_18 = arith.addi %mul3A_16, %add3A_17 : i32
    "tpu.region"() ({
      %run_scoped3A = tpu.sem_alloc : memref<!tpu.dma_semaphore, #tpu.memory_space<semaphore_mem>>
      %dma_start3A_109 = arith.constant 0 : i32
      %dma_start3A_110 = tpu.memref_slice %arg9[%add3A_18, %dma_start3A_109] : memref<10240x128xf32, #tpu.memory_space<vmem_shared>> -> memref<64x128xf32, #tpu.memory_space<vmem_shared>>
      %dma_start3A_111 = arith.constant 0 : i32
      %dma_start3A_112 = tpu.memref_slice %arg9[%add3A_18, %dma_start3A_111] : memref<10240x128xf32, #tpu.memory_space<vmem_shared>> -> memref<64x128xf32, #tpu.memory_space<vmem_shared>>
      tpu.enqueue_dma source(%arg10 : memref<64x128xf32, #tpu.memory_space<vmem>>) target(%dma_start3A_112 : memref<64x128xf32, #tpu.memory_space<vmem_shared>>) target_semaphore(%run_scoped3A : memref<!tpu.dma_semaphore, #tpu.memory_space<semaphore_mem>>)
      %dma_wait3A_113 = arith.constant 0 : i32
      %dma_wait3A_114 = tpu.memref_slice %arg9[%add3A_18, %dma_wait3A_113] : memref<10240x128xf32, #tpu.memory_space<vmem_shared>> -> memref<64x128xf32, #tpu.memory_space<vmem_shared>>
      %dma_wait3A_115 = arith.constant 0 : i32
      %dma_wait3A_116 = tpu.memref_slice %arg9[%add3A_18, %dma_wait3A_115] : memref<10240x128xf32, #tpu.memory_space<vmem_shared>> -> memref<64x128xf32, #tpu.memory_space<vmem_shared>>
      tpu.wait_dma2 semaphore(%run_scoped3A : memref<!tpu.dma_semaphore, #tpu.memory_space<semaphore_mem>>) src(%arg10 : memref<64x128xf32, #tpu.memory_space<vmem>>) dst(%dma_wait3A_116 : memref<64x128xf32, #tpu.memory_space<vmem_shared>>)
      tpu.yield
    }) : () -> ()
    %mul3A_19 = arith.constant 640 : i32
    %mul3A_20 = arith.muli %arg1, %mul3A_19 : i32
    %add3A_21 = arith.constant 192 : i32
    %add3A_22 = arith.addi %mul3A_20, %add3A_21 : i32
    "tpu.region"() ({
      %run_scoped3A = tpu.sem_alloc : memref<!tpu.dma_semaphore, #tpu.memory_space<semaphore_mem>>
      %dma_start3A_109 = arith.constant 0 : i32
      %dma_start3A_110 = tpu.memref_slice %arg9[%add3A_22, %dma_start3A_109] : memref<10240x128xf32, #tpu.memory_space<vmem_shared>> -> memref<64x128xf32, #tpu.memory_space<vmem_shared>>
      %dma_start3A_111 = arith.constant 0 : i32
      %dma_start3A_112 = tpu.memref_slice %arg9[%add3A_22, %dma_start3A_111] : memref<10240x128xf32, #tpu.memory_space<vmem_shared>> -> memref<64x128xf32, #tpu.memory_space<vmem_shared>>
      tpu.enqueue_dma source(%arg10 : memref<64x128xf32, #tpu.memory_space<vmem>>) target(%dma_start3A_112 : memref<64x128xf32, #tpu.memory_space<vmem_shared>>) target_semaphore(%run_scoped3A : memref<!tpu.dma_semaphore, #tpu.memory_space<semaphore_mem>>)
      %dma_wait3A_113 = arith.constant 0 : i32
      %dma_wait3A_114 = tpu.memref_slice %arg9[%add3A_22, %dma_wait3A_113] : memref<10240x128xf32, #tpu.memory_space<vmem_shared>> -> memref<64x128xf32, #tpu.memory_space<vmem_shared>>
      %dma_wait3A_115 = arith.constant 0 : i32
      %dma_wait3A_116 = tpu.memref_slice %arg9[%add3A_22, %dma_wait3A_115] : memref<10240x128xf32, #tpu.memory_space<vmem_shared>> -> memref<64x128xf32, #tpu.memory_space<vmem_shared>>
      tpu.wait_dma2 semaphore(%run_scoped3A : memref<!tpu.dma_semaphore, #tpu.memory_space<semaphore_mem>>) src(%arg10 : memref<64x128xf32, #tpu.memory_space<vmem>>) dst(%dma_wait3A_116 : memref<64x128xf32, #tpu.memory_space<vmem_shared>>)
      tpu.yield
    }) : () -> ()
    %mul3A_23 = arith.constant 640 : i32
    %mul3A_24 = arith.muli %arg1, %mul3A_23 : i32
    %add3A_25 = arith.constant 256 : i32
    %add3A_26 = arith.addi %mul3A_24, %add3A_25 : i32
    "tpu.region"() ({
      %run_scoped3A = tpu.sem_alloc : memref<!tpu.dma_semaphore, #tpu.memory_space<semaphore_mem>>
      %dma_start3A_109 = arith.constant 0 : i32
      %dma_start3A_110 = tpu.memref_slice %arg9[%add3A_26, %dma_start3A_109] : memref<10240x128xf32, #tpu.memory_space<vmem_shared>> -> memref<64x128xf32, #tpu.memory_space<vmem_shared>>
      %dma_start3A_111 = arith.constant 0 : i32
      %dma_start3A_112 = tpu.memref_slice %arg9[%add3A_26, %dma_start3A_111] : memref<10240x128xf32, #tpu.memory_space<vmem_shared>> -> memref<64x128xf32, #tpu.memory_space<vmem_shared>>
      tpu.enqueue_dma source(%arg10 : memref<64x128xf32, #tpu.memory_space<vmem>>) target(%dma_start3A_112 : memref<64x128xf32, #tpu.memory_space<vmem_shared>>) target_semaphore(%run_scoped3A : memref<!tpu.dma_semaphore, #tpu.memory_space<semaphore_mem>>)
      %dma_wait3A_113 = arith.constant 0 : i32
      %dma_wait3A_114 = tpu.memref_slice %arg9[%add3A_26, %dma_wait3A_113] : memref<10240x128xf32, #tpu.memory_space<vmem_shared>> -> memref<64x128xf32, #tpu.memory_space<vmem_shared>>
      %dma_wait3A_115 = arith.constant 0 : i32
      %dma_wait3A_116 = tpu.memref_slice %arg9[%add3A_26, %dma_wait3A_115] : memref<10240x128xf32, #tpu.memory_space<vmem_shared>> -> memref<64x128xf32, #tpu.memory_space<vmem_shared>>
      tpu.wait_dma2 semaphore(%run_scoped3A : memref<!tpu.dma_semaphore, #tpu.memory_space<semaphore_mem>>) src(%arg10 : memref<64x128xf32, #tpu.memory_space<vmem>>) dst(%dma_wait3A_116 : memref<64x128xf32, #tpu.memory_space<vmem_shared>>)
      tpu.yield
    }) : () -> ()
    %mul3A_27 = arith.constant 640 : i32
    %mul3A_28 = arith.muli %arg1, %mul3A_27 : i32
    %add3A_29 = arith.constant 320 : i32
    %add3A_30 = arith.addi %mul3A_28, %add3A_29 : i32
    "tpu.region"() ({
      %run_scoped3A = tpu.sem_alloc : memref<!tpu.dma_semaphore, #tpu.memory_space<semaphore_mem>>
      %dma_start3A_109 = arith.constant 0 : i32
      %dma_start3A_110 = tpu.memref_slice %arg9[%add3A_30, %dma_start3A_109] : memref<10240x128xf32, #tpu.memory_space<vmem_shared>> -> memref<64x128xf32, #tpu.memory_space<vmem_shared>>
      %dma_start3A_111 = arith.constant 0 : i32
      %dma_start3A_112 = tpu.memref_slice %arg9[%add3A_30, %dma_start3A_111] : memref<10240x128xf32, #tpu.memory_space<vmem_shared>> -> memref<64x128xf32, #tpu.memory_space<vmem_shared>>
      tpu.enqueue_dma source(%arg10 : memref<64x128xf32, #tpu.memory_space<vmem>>) target(%dma_start3A_112 : memref<64x128xf32, #tpu.memory_space<vmem_shared>>) target_semaphore(%run_scoped3A : memref<!tpu.dma_semaphore, #tpu.memory_space<semaphore_mem>>)
      %dma_wait3A_113 = arith.constant 0 : i32
      %dma_wait3A_114 = tpu.memref_slice %arg9[%add3A_30, %dma_wait3A_113] : memref<10240x128xf32, #tpu.memory_space<vmem_shared>> -> memref<64x128xf32, #tpu.memory_space<vmem_shared>>
      %dma_wait3A_115 = arith.constant 0 : i32
      %dma_wait3A_116 = tpu.memref_slice %arg9[%add3A_30, %dma_wait3A_115] : memref<10240x128xf32, #tpu.memory_space<vmem_shared>> -> memref<64x128xf32, #tpu.memory_space<vmem_shared>>
      tpu.wait_dma2 semaphore(%run_scoped3A : memref<!tpu.dma_semaphore, #tpu.memory_space<semaphore_mem>>) src(%arg10 : memref<64x128xf32, #tpu.memory_space<vmem>>) dst(%dma_wait3A_116 : memref<64x128xf32, #tpu.memory_space<vmem_shared>>)
      tpu.yield
    }) : () -> ()
    %mul3A_31 = arith.constant 640 : i32
    %mul3A_32 = arith.muli %arg1, %mul3A_31 : i32
    %add3A_33 = arith.constant 384 : i32
    %add3A_34 = arith.addi %mul3A_32, %add3A_33 : i32
    "tpu.region"() ({
      %run_scoped3A = tpu.sem_alloc : memref<!tpu.dma_semaphore, #tpu.memory_space<semaphore_mem>>
      %dma_start3A_109 = arith.constant 0 : i32
      %dma_start3A_110 = tpu.memref_slice %arg9[%add3A_34, %dma_start3A_109] : memref<10240x128xf32, #tpu.memory_space<vmem_shared>> -> memref<64x128xf32, #tpu.memory_space<vmem_shared>>
      %dma_start3A_111 = arith.constant 0 : i32
      %dma_start3A_112 = tpu.memref_slice %arg9[%add3A_34, %dma_start3A_111] : memref<10240x128xf32, #tpu.memory_space<vmem_shared>> -> memref<64x128xf32, #tpu.memory_space<vmem_shared>>
      tpu.enqueue_dma source(%arg10 : memref<64x128xf32, #tpu.memory_space<vmem>>) target(%dma_start3A_112 : memref<64x128xf32, #tpu.memory_space<vmem_shared>>) target_semaphore(%run_scoped3A : memref<!tpu.dma_semaphore, #tpu.memory_space<semaphore_mem>>)
      %dma_wait3A_113 = arith.constant 0 : i32
      %dma_wait3A_114 = tpu.memref_slice %arg9[%add3A_34, %dma_wait3A_113] : memref<10240x128xf32, #tpu.memory_space<vmem_shared>> -> memref<64x128xf32, #tpu.memory_space<vmem_shared>>
      %dma_wait3A_115 = arith.constant 0 : i32
      %dma_wait3A_116 = tpu.memref_slice %arg9[%add3A_34, %dma_wait3A_115] : memref<10240x128xf32, #tpu.memory_space<vmem_shared>> -> memref<64x128xf32, #tpu.memory_space<vmem_shared>>
      tpu.wait_dma2 semaphore(%run_scoped3A : memref<!tpu.dma_semaphore, #tpu.memory_space<semaphore_mem>>) src(%arg10 : memref<64x128xf32, #tpu.memory_space<vmem>>) dst(%dma_wait3A_116 : memref<64x128xf32, #tpu.memory_space<vmem_shared>>)
      tpu.yield
    }) : () -> ()
    %mul3A_35 = arith.constant 640 : i32
    %mul3A_36 = arith.muli %arg1, %mul3A_35 : i32
    %add3A_37 = arith.constant 448 : i32
    %add3A_38 = arith.addi %mul3A_36, %add3A_37 : i32
    "tpu.region"() ({
      %run_scoped3A = tpu.sem_alloc : memref<!tpu.dma_semaphore, #tpu.memory_space<semaphore_mem>>
      %dma_start3A_109 = arith.constant 0 : i32
      %dma_start3A_110 = tpu.memref_slice %arg9[%add3A_38, %dma_start3A_109] : memref<10240x128xf32, #tpu.memory_space<vmem_shared>> -> memref<64x128xf32, #tpu.memory_space<vmem_shared>>
      %dma_start3A_111 = arith.constant 0 : i32
      %dma_start3A_112 = tpu.memref_slice %arg9[%add3A_38, %dma_start3A_111] : memref<10240x128xf32, #tpu.memory_space<vmem_shared>> -> memref<64x128xf32, #tpu.memory_space<vmem_shared>>
      tpu.enqueue_dma source(%arg10 : memref<64x128xf32, #tpu.memory_space<vmem>>) target(%dma_start3A_112 : memref<64x128xf32, #tpu.memory_space<vmem_shared>>) target_semaphore(%run_scoped3A : memref<!tpu.dma_semaphore, #tpu.memory_space<semaphore_mem>>)
      %dma_wait3A_113 = arith.constant 0 : i32
      %dma_wait3A_114 = tpu.memref_slice %arg9[%add3A_38, %dma_wait3A_113] : memref<10240x128xf32, #tpu.memory_space<vmem_shared>> -> memref<64x128xf32, #tpu.memory_space<vmem_shared>>
      %dma_wait3A_115 = arith.constant 0 : i32
      %dma_wait3A_116 = tpu.memref_slice %arg9[%add3A_38, %dma_wait3A_115] : memref<10240x128xf32, #tpu.memory_space<vmem_shared>> -> memref<64x128xf32, #tpu.memory_space<vmem_shared>>
      tpu.wait_dma2 semaphore(%run_scoped3A : memref<!tpu.dma_semaphore, #tpu.memory_space<semaphore_mem>>) src(%arg10 : memref<64x128xf32, #tpu.memory_space<vmem>>) dst(%dma_wait3A_116 : memref<64x128xf32, #tpu.memory_space<vmem_shared>>)
      tpu.yield
    }) : () -> ()
    %mul3A_39 = arith.constant 640 : i32
    %mul3A_40 = arith.muli %arg1, %mul3A_39 : i32
    %add3A_41 = arith.constant 512 : i32
    %add3A_42 = arith.addi %mul3A_40, %add3A_41 : i32
    "tpu.region"() ({
      %run_scoped3A = tpu.sem_alloc : memref<!tpu.dma_semaphore, #tpu.memory_space<semaphore_mem>>
      %dma_start3A_109 = arith.constant 0 : i32
      %dma_start3A_110 = tpu.memref_slice %arg9[%add3A_42, %dma_start3A_109] : memref<10240x128xf32, #tpu.memory_space<vmem_shared>> -> memref<64x128xf32, #tpu.memory_space<vmem_shared>>
      %dma_start3A_111 = arith.constant 0 : i32
      %dma_start3A_112 = tpu.memref_slice %arg9[%add3A_42, %dma_start3A_111] : memref<10240x128xf32, #tpu.memory_space<vmem_shared>> -> memref<64x128xf32, #tpu.memory_space<vmem_shared>>
      tpu.enqueue_dma source(%arg10 : memref<64x128xf32, #tpu.memory_space<vmem>>) target(%dma_start3A_112 : memref<64x128xf32, #tpu.memory_space<vmem_shared>>) target_semaphore(%run_scoped3A : memref<!tpu.dma_semaphore, #tpu.memory_space<semaphore_mem>>)
      %dma_wait3A_113 = arith.constant 0 : i32
      %dma_wait3A_114 = tpu.memref_slice %arg9[%add3A_42, %dma_wait3A_113] : memref<10240x128xf32, #tpu.memory_space<vmem_shared>> -> memref<64x128xf32, #tpu.memory_space<vmem_shared>>
      %dma_wait3A_115 = arith.constant 0 : i32
      %dma_wait3A_116 = tpu.memref_slice %arg9[%add3A_42, %dma_wait3A_115] : memref<10240x128xf32, #tpu.memory_space<vmem_shared>> -> memref<64x128xf32, #tpu.memory_space<vmem_shared>>
      tpu.wait_dma2 semaphore(%run_scoped3A : memref<!tpu.dma_semaphore, #tpu.memory_space<semaphore_mem>>) src(%arg10 : memref<64x128xf32, #tpu.memory_space<vmem>>) dst(%dma_wait3A_116 : memref<64x128xf32, #tpu.memory_space<vmem_shared>>)
      tpu.yield
    }) : () -> ()
    %mul3A_43 = arith.constant 640 : i32
    %mul3A_44 = arith.muli %arg1, %mul3A_43 : i32
    %add3A_45 = arith.constant 576 : i32
    %add3A_46 = arith.addi %mul3A_44, %add3A_45 : i32
    "tpu.region"() ({
      %run_scoped3A = tpu.sem_alloc : memref<!tpu.dma_semaphore, #tpu.memory_space<semaphore_mem>>
      %dma_start3A_109 = arith.constant 0 : i32
      %dma_start3A_110 = tpu.memref_slice %arg9[%add3A_46, %dma_start3A_109] : memref<10240x128xf32, #tpu.memory_space<vmem_shared>> -> memref<64x128xf32, #tpu.memory_space<vmem_shared>>
      %dma_start3A_111 = arith.constant 0 : i32
      %dma_start3A_112 = tpu.memref_slice %arg9[%add3A_46, %dma_start3A_111] : memref<10240x128xf32, #tpu.memory_space<vmem_shared>> -> memref<64x128xf32, #tpu.memory_space<vmem_shared>>
      tpu.enqueue_dma source(%arg10 : memref<64x128xf32, #tpu.memory_space<vmem>>) target(%dma_start3A_112 : memref<64x128xf32, #tpu.memory_space<vmem_shared>>) target_semaphore(%run_scoped3A : memref<!tpu.dma_semaphore, #tpu.memory_space<semaphore_mem>>)
      %dma_wait3A_113 = arith.constant 0 : i32
      %dma_wait3A_114 = tpu.memref_slice %arg9[%add3A_46, %dma_wait3A_113] : memref<10240x128xf32, #tpu.memory_space<vmem_shared>> -> memref<64x128xf32, #tpu.memory_space<vmem_shared>>
      %dma_wait3A_115 = arith.constant 0 : i32
      %dma_wait3A_116 = tpu.memref_slice %arg9[%add3A_46, %dma_wait3A_115] : memref<10240x128xf32, #tpu.memory_space<vmem_shared>> -> memref<64x128xf32, #tpu.memory_space<vmem_shared>>
      tpu.wait_dma2 semaphore(%run_scoped3A : memref<!tpu.dma_semaphore, #tpu.memory_space<semaphore_mem>>) src(%arg10 : memref<64x128xf32, #tpu.memory_space<vmem>>) dst(%dma_wait3A_116 : memref<64x128xf32, #tpu.memory_space<vmem_shared>>)
      tpu.yield
    }) : () -> ()
    %barrier3A = arith.constant 0 : index
    tpu.barrier barrier_id(%barrier3A)
    %dma_start3A = arith.constant 0 : i32
    %dma_start3A_47 = arith.constant 0 : i32
    %dma_start3A_48 = arith.constant 0 : i32
    %dma_start3A_49 = tpu.memref_slice %arg3[%add3A, %dma_start3A, %dma_start3A_47, %dma_start3A_48] : memref<32x50x10x40xi32, #tpu.memory_space<hbm>> -> memref<1x1x10x40xi32, #tpu.memory_space<hbm>>
    %dma_start3A_50 = tpu.memref_squeeze %dma_start3A_49 : memref<1x1x10x40xi32, #tpu.memory_space<hbm>> -> memref<10x40xi32, #tpu.memory_space<hbm>>
    %dma_start3A_51 = arith.constant 0 : i32
    %dma_start3A_52 = arith.constant 0 : i32
    %dma_start3A_53 = tpu.memref_slice %arg3[%add3A, %dma_start3A, %dma_start3A_51, %dma_start3A_52] : memref<32x50x10x40xi32, #tpu.memory_space<hbm>> -> memref<1x1x10x40xi32, #tpu.memory_space<hbm>>
    %dma_start3A_54 = tpu.memref_squeeze %dma_start3A_53 : memref<1x1x10x40xi32, #tpu.memory_space<hbm>> -> memref<10x40xi32, #tpu.memory_space<hbm>>
    tpu.enqueue_dma source(%dma_start3A_54 : memref<10x40xi32, #tpu.memory_space<hbm>>) target(%arg11 : memref<10x40xi32, #tpu.memory_space<vmem>>) target_semaphore(%arg28 : memref<!tpu.dma_semaphore, #tpu.memory_space<semaphore_mem>>)
    %scan3A_55 = arith.constant 0 : i32
    %scan3A_56 = arith.constant 0 : i32
    %scan3A_57 = arith.constant 25 : i32
    %scan3A_58 = arith.addi %scan3A_56, %scan3A_57 : i32
    %scan3A_59 = arith.constant 1 : i32
    %scan3A_60 = scf.for %scan3A_109 = %scan3A_56 to %scan3A_58 step %scan3A_59 iter_args(%scan3A_110 = %scan3A_55) -> (i32)  : i32 {
      %mul3A_111 = arith.constant 2 : i32
      %mul3A_112 = arith.muli %mul3A_111, %scan3A_109 : i32
      %add3A_113 = arith.constant 0 : i32
      %add3A_114 = arith.addi %mul3A_112, %add3A_113 : i32
      %dma_wait3A_115 = arith.constant 0 : i32
      %dma_wait3A_116 = arith.constant 0 : i32
      %dma_wait3A_117 = arith.constant 0 : i32
      %dma_wait3A_118 = tpu.memref_slice %arg3[%add3A, %dma_wait3A_115, %dma_wait3A_116, %dma_wait3A_117] : memref<32x50x10x40xi32, #tpu.memory_space<hbm>> -> memref<1x1x10x40xi32, #tpu.memory_space<hbm>>
      %dma_wait3A_119 = tpu.memref_squeeze %dma_wait3A_118 : memref<1x1x10x40xi32, #tpu.memory_space<hbm>> -> memref<10x40xi32, #tpu.memory_space<hbm>>
      %dma_wait3A_120 = arith.constant 0 : i32
      %dma_wait3A_121 = arith.constant 0 : i32
      %dma_wait3A_122 = tpu.memref_slice %arg3[%add3A, %dma_wait3A_115, %dma_wait3A_120, %dma_wait3A_121] : memref<32x50x10x40xi32, #tpu.memory_space<hbm>> -> memref<1x1x10x40xi32, #tpu.memory_space<hbm>>
      %dma_wait3A_123 = tpu.memref_squeeze %dma_wait3A_122 : memref<1x1x10x40xi32, #tpu.memory_space<hbm>> -> memref<10x40xi32, #tpu.memory_space<hbm>>
      tpu.wait_dma2 semaphore(%arg28 : memref<!tpu.dma_semaphore, #tpu.memory_space<semaphore_mem>>) src(%dma_wait3A_123 : memref<10x40xi32, #tpu.memory_space<hbm>>) dst(%arg11 : memref<10x40xi32, #tpu.memory_space<vmem>>)
      %gt3A = arith.constant 0 : i32
      %gt3A_124 = arith.cmpi sgt, %scan3A_109, %gt3A : i32
      %convert_element_type3A_125 = arith.extui %gt3A_124 : i1 to i32
      %cond3A_126 = arith.constant 0 : i32
      %cond3A_127 = arith.cmpi ne, %convert_element_type3A_125, %cond3A_126 : i32
      scf.if %cond3A_127 {
        %dma_wait3A_421 = arith.constant 5 : i32
        %dma_wait3A_422 = arith.constant 0 : i32
        %dma_wait3A_423 = tpu.memref_slice %arg11[%dma_wait3A_421, %dma_wait3A_422] : memref<10x40xi32, #tpu.memory_space<vmem>> -> memref<1x40xi32, #tpu.memory_space<vmem>>
        %dma_wait3A_424 = tpu.memref_squeeze %dma_wait3A_423 : memref<1x40xi32, #tpu.memory_space<vmem>> -> memref<40xi32, #tpu.memory_space<vmem>>
        %dma_wait3A_425 = arith.constant 0 : i32
        %dma_wait3A_426 = arith.constant 0 : i32
        %dma_wait3A_427 = tpu.memref_slice %arg9[%dma_wait3A_425, %dma_wait3A_426] : memref<10240x128xf32, #tpu.memory_space<vmem_shared>> -> memref<10240x128xf32, #tpu.memory_space<vmem_shared>>
        tpu.wait_indirect_dma semaphore(%arg23 : memref<!tpu.dma_semaphore, #tpu.memory_space<semaphore_mem>>) src(%arg13 : memref<40x128xf32, #tpu.memory_space<vmem>>) dst(%dma_wait3A_427 : memref<10240x128xf32, #tpu.memory_space<vmem_shared>>)
      } else {
      }
      %dma_start3A_128 = arith.constant 0 : i32
      %dma_start3A_129 = arith.constant 0 : i32
      %dma_start3A_130 = tpu.memref_slice %arg11[%dma_start3A_128, %dma_start3A_129] : memref<10x40xi32, #tpu.memory_space<vmem>> -> memref<1x40xi32, #tpu.memory_space<vmem>>
      %dma_start3A_131 = tpu.memref_squeeze %dma_start3A_130 : memref<1x40xi32, #tpu.memory_space<vmem>> -> memref<40xi32, #tpu.memory_space<vmem>>
      %dma_start3A_132 = arith.constant 0 : i32
      %dma_start3A_133 = arith.constant 0 : i32
      %dma_start3A_134 = tpu.memref_slice %arg2[%dma_start3A_132, %dma_start3A_133] : memref<10000x128xf32, #tpu.memory_space<hbm>> -> memref<10000x128xf32, #tpu.memory_space<hbm>>
      tpu.enqueue_indirect_dma source(%dma_start3A_134 : memref<10000x128xf32, #tpu.memory_space<hbm>>) target(%arg13 : memref<40x128xf32, #tpu.memory_space<vmem>>) offsets(%dma_start3A_131 : memref<40xi32, #tpu.memory_space<vmem>>) semaphore(%arg18 : memref<!tpu.dma_semaphore, #tpu.memory_space<semaphore_mem>>)
      %gt3A_135 = arith.constant 0 : i32
      %gt3A_136 = arith.cmpi sgt, %scan3A_109, %gt3A_135 : i32
      %convert_element_type3A_137 = arith.extui %gt3A_136 : i1 to i32
      %cond3A_138 = arith.constant 0 : i32
      %cond3A_139 = arith.cmpi ne, %convert_element_type3A_137, %cond3A_138 : i32
      scf.if %cond3A_139 {
        %dma_wait3A_421 = arith.constant 6 : i32
        %dma_wait3A_422 = arith.constant 0 : i32
        %dma_wait3A_423 = tpu.memref_slice %arg11[%dma_wait3A_421, %dma_wait3A_422] : memref<10x40xi32, #tpu.memory_space<vmem>> -> memref<1x40xi32, #tpu.memory_space<vmem>>
        %dma_wait3A_424 = tpu.memref_squeeze %dma_wait3A_423 : memref<1x40xi32, #tpu.memory_space<vmem>> -> memref<40xi32, #tpu.memory_space<vmem>>
        %dma_wait3A_425 = arith.constant 0 : i32
        %dma_wait3A_426 = arith.constant 0 : i32
        %dma_wait3A_427 = tpu.memref_slice %arg9[%dma_wait3A_425, %dma_wait3A_426] : memref<10240x128xf32, #tpu.memory_space<vmem_shared>> -> memref<10240x128xf32, #tpu.memory_space<vmem_shared>>
        tpu.wait_indirect_dma semaphore(%arg24 : memref<!tpu.dma_semaphore, #tpu.memory_space<semaphore_mem>>) src(%arg14 : memref<40x128xf32, #tpu.memory_space<vmem>>) dst(%dma_wait3A_427 : memref<10240x128xf32, #tpu.memory_space<vmem_shared>>)
      } else {
      }
      %dma_start3A_140 = arith.constant 1 : i32
      %dma_start3A_141 = arith.constant 0 : i32
      %dma_start3A_142 = tpu.memref_slice %arg11[%dma_start3A_140, %dma_start3A_141] : memref<10x40xi32, #tpu.memory_space<vmem>> -> memref<1x40xi32, #tpu.memory_space<vmem>>
      %dma_start3A_143 = tpu.memref_squeeze %dma_start3A_142 : memref<1x40xi32, #tpu.memory_space<vmem>> -> memref<40xi32, #tpu.memory_space<vmem>>
      %dma_start3A_144 = arith.constant 0 : i32
      %dma_start3A_145 = arith.constant 0 : i32
      %dma_start3A_146 = tpu.memref_slice %arg2[%dma_start3A_144, %dma_start3A_145] : memref<10000x128xf32, #tpu.memory_space<hbm>> -> memref<10000x128xf32, #tpu.memory_space<hbm>>
      tpu.enqueue_indirect_dma source(%dma_start3A_146 : memref<10000x128xf32, #tpu.memory_space<hbm>>) target(%arg14 : memref<40x128xf32, #tpu.memory_space<vmem>>) offsets(%dma_start3A_143 : memref<40xi32, #tpu.memory_space<vmem>>) semaphore(%arg19 : memref<!tpu.dma_semaphore, #tpu.memory_space<semaphore_mem>>)
      %gt3A_147 = arith.constant 0 : i32
      %gt3A_148 = arith.cmpi sgt, %scan3A_109, %gt3A_147 : i32
      %convert_element_type3A_149 = arith.extui %gt3A_148 : i1 to i32
      %cond3A_150 = arith.constant 0 : i32
      %cond3A_151 = arith.cmpi ne, %convert_element_type3A_149, %cond3A_150 : i32
      scf.if %cond3A_151 {
        %dma_wait3A_421 = arith.constant 7 : i32
        %dma_wait3A_422 = arith.constant 0 : i32
        %dma_wait3A_423 = tpu.memref_slice %arg11[%dma_wait3A_421, %dma_wait3A_422] : memref<10x40xi32, #tpu.memory_space<vmem>> -> memref<1x40xi32, #tpu.memory_space<vmem>>
        %dma_wait3A_424 = tpu.memref_squeeze %dma_wait3A_423 : memref<1x40xi32, #tpu.memory_space<vmem>> -> memref<40xi32, #tpu.memory_space<vmem>>
        %dma_wait3A_425 = arith.constant 0 : i32
        %dma_wait3A_426 = arith.constant 0 : i32
        %dma_wait3A_427 = tpu.memref_slice %arg9[%dma_wait3A_425, %dma_wait3A_426] : memref<10240x128xf32, #tpu.memory_space<vmem_shared>> -> memref<10240x128xf32, #tpu.memory_space<vmem_shared>>
        tpu.wait_indirect_dma semaphore(%arg25 : memref<!tpu.dma_semaphore, #tpu.memory_space<semaphore_mem>>) src(%arg15 : memref<40x128xf32, #tpu.memory_space<vmem>>) dst(%dma_wait3A_427 : memref<10240x128xf32, #tpu.memory_space<vmem_shared>>)
      } else {
      }
      %dma_start3A_152 = arith.constant 2 : i32
      %dma_start3A_153 = arith.constant 0 : i32
      %dma_start3A_154 = tpu.memref_slice %arg11[%dma_start3A_152, %dma_start3A_153] : memref<10x40xi32, #tpu.memory_space<vmem>> -> memref<1x40xi32, #tpu.memory_space<vmem>>
      %dma_start3A_155 = tpu.memref_squeeze %dma_start3A_154 : memref<1x40xi32, #tpu.memory_space<vmem>> -> memref<40xi32, #tpu.memory_space<vmem>>
      %dma_start3A_156 = arith.constant 0 : i32
      %dma_start3A_157 = arith.constant 0 : i32
      %dma_start3A_158 = tpu.memref_slice %arg2[%dma_start3A_156, %dma_start3A_157] : memref<10000x128xf32, #tpu.memory_space<hbm>> -> memref<10000x128xf32, #tpu.memory_space<hbm>>
      tpu.enqueue_indirect_dma source(%dma_start3A_158 : memref<10000x128xf32, #tpu.memory_space<hbm>>) target(%arg15 : memref<40x128xf32, #tpu.memory_space<vmem>>) offsets(%dma_start3A_155 : memref<40xi32, #tpu.memory_space<vmem>>) semaphore(%arg20 : memref<!tpu.dma_semaphore, #tpu.memory_space<semaphore_mem>>)
      %gt3A_159 = arith.constant 0 : i32
      %gt3A_160 = arith.cmpi sgt, %scan3A_109, %gt3A_159 : i32
      %convert_element_type3A_161 = arith.extui %gt3A_160 : i1 to i32
      %cond3A_162 = arith.constant 0 : i32
      %cond3A_163 = arith.cmpi ne, %convert_element_type3A_161, %cond3A_162 : i32
      scf.if %cond3A_163 {
        %dma_wait3A_421 = arith.constant 8 : i32
        %dma_wait3A_422 = arith.constant 0 : i32
        %dma_wait3A_423 = tpu.memref_slice %arg11[%dma_wait3A_421, %dma_wait3A_422] : memref<10x40xi32, #tpu.memory_space<vmem>> -> memref<1x40xi32, #tpu.memory_space<vmem>>
        %dma_wait3A_424 = tpu.memref_squeeze %dma_wait3A_423 : memref<1x40xi32, #tpu.memory_space<vmem>> -> memref<40xi32, #tpu.memory_space<vmem>>
        %dma_wait3A_425 = arith.constant 0 : i32
        %dma_wait3A_426 = arith.constant 0 : i32
        %dma_wait3A_427 = tpu.memref_slice %arg9[%dma_wait3A_425, %dma_wait3A_426] : memref<10240x128xf32, #tpu.memory_space<vmem_shared>> -> memref<10240x128xf32, #tpu.memory_space<vmem_shared>>
        tpu.wait_indirect_dma semaphore(%arg26 : memref<!tpu.dma_semaphore, #tpu.memory_space<semaphore_mem>>) src(%arg16 : memref<40x128xf32, #tpu.memory_space<vmem>>) dst(%dma_wait3A_427 : memref<10240x128xf32, #tpu.memory_space<vmem_shared>>)
      } else {
      }
      %dma_start3A_164 = arith.constant 3 : i32
      %dma_start3A_165 = arith.constant 0 : i32
      %dma_start3A_166 = tpu.memref_slice %arg11[%dma_start3A_164, %dma_start3A_165] : memref<10x40xi32, #tpu.memory_space<vmem>> -> memref<1x40xi32, #tpu.memory_space<vmem>>
      %dma_start3A_167 = tpu.memref_squeeze %dma_start3A_166 : memref<1x40xi32, #tpu.memory_space<vmem>> -> memref<40xi32, #tpu.memory_space<vmem>>
      %dma_start3A_168 = arith.constant 0 : i32
      %dma_start3A_169 = arith.constant 0 : i32
      %dma_start3A_170 = tpu.memref_slice %arg2[%dma_start3A_168, %dma_start3A_169] : memref<10000x128xf32, #tpu.memory_space<hbm>> -> memref<10000x128xf32, #tpu.memory_space<hbm>>
      tpu.enqueue_indirect_dma source(%dma_start3A_170 : memref<10000x128xf32, #tpu.memory_space<hbm>>) target(%arg16 : memref<40x128xf32, #tpu.memory_space<vmem>>) offsets(%dma_start3A_167 : memref<40xi32, #tpu.memory_space<vmem>>) semaphore(%arg21 : memref<!tpu.dma_semaphore, #tpu.memory_space<semaphore_mem>>)
      %gt3A_171 = arith.constant 0 : i32
      %gt3A_172 = arith.cmpi sgt, %scan3A_109, %gt3A_171 : i32
      %convert_element_type3A_173 = arith.extui %gt3A_172 : i1 to i32
      %cond3A_174 = arith.constant 0 : i32
      %cond3A_175 = arith.cmpi ne, %convert_element_type3A_173, %cond3A_174 : i32
      scf.if %cond3A_175 {
        %dma_wait3A_421 = arith.constant 9 : i32
        %dma_wait3A_422 = arith.constant 0 : i32
        %dma_wait3A_423 = tpu.memref_slice %arg11[%dma_wait3A_421, %dma_wait3A_422] : memref<10x40xi32, #tpu.memory_space<vmem>> -> memref<1x40xi32, #tpu.memory_space<vmem>>
        %dma_wait3A_424 = tpu.memref_squeeze %dma_wait3A_423 : memref<1x40xi32, #tpu.memory_space<vmem>> -> memref<40xi32, #tpu.memory_space<vmem>>
        %dma_wait3A_425 = arith.constant 0 : i32
        %dma_wait3A_426 = arith.constant 0 : i32
        %dma_wait3A_427 = tpu.memref_slice %arg9[%dma_wait3A_425, %dma_wait3A_426] : memref<10240x128xf32, #tpu.memory_space<vmem_shared>> -> memref<10240x128xf32, #tpu.memory_space<vmem_shared>>
        tpu.wait_indirect_dma semaphore(%arg27 : memref<!tpu.dma_semaphore, #tpu.memory_space<semaphore_mem>>) src(%arg17 : memref<40x128xf32, #tpu.memory_space<vmem>>) dst(%dma_wait3A_427 : memref<10240x128xf32, #tpu.memory_space<vmem_shared>>)
      } else {
      }
      %dma_start3A_176 = arith.constant 4 : i32
      %dma_start3A_177 = arith.constant 0 : i32
      %dma_start3A_178 = tpu.memref_slice %arg11[%dma_start3A_176, %dma_start3A_177] : memref<10x40xi32, #tpu.memory_space<vmem>> -> memref<1x40xi32, #tpu.memory_space<vmem>>
      %dma_start3A_179 = tpu.memref_squeeze %dma_start3A_178 : memref<1x40xi32, #tpu.memory_space<vmem>> -> memref<40xi32, #tpu.memory_space<vmem>>
      %dma_start3A_180 = arith.constant 0 : i32
      %dma_start3A_181 = arith.constant 0 : i32
      %dma_start3A_182 = tpu.memref_slice %arg2[%dma_start3A_180, %dma_start3A_181] : memref<10000x128xf32, #tpu.memory_space<hbm>> -> memref<10000x128xf32, #tpu.memory_space<hbm>>
      tpu.enqueue_indirect_dma source(%dma_start3A_182 : memref<10000x128xf32, #tpu.memory_space<hbm>>) target(%arg17 : memref<40x128xf32, #tpu.memory_space<vmem>>) offsets(%dma_start3A_179 : memref<40xi32, #tpu.memory_space<vmem>>) semaphore(%arg22 : memref<!tpu.dma_semaphore, #tpu.memory_space<semaphore_mem>>)
      %add3A_183 = arith.constant 1 : i32
      %add3A_184 = arith.addi %add3A_114, %add3A_183 : i32
      %dma_start3A_185 = arith.constant 0 : i32
      %dma_start3A_186 = arith.constant 0 : i32
      %dma_start3A_187 = tpu.memref_slice %arg3[%add3A, %add3A_184, %dma_start3A_185, %dma_start3A_186] : memref<32x50x10x40xi32, #tpu.memory_space<hbm>> -> memref<1x1x10x40xi32, #tpu.memory_space<hbm>>
      %dma_start3A_188 = tpu.memref_squeeze %dma_start3A_187 : memref<1x1x10x40xi32, #tpu.memory_space<hbm>> -> memref<10x40xi32, #tpu.memory_space<hbm>>
      %dma_start3A_189 = arith.constant 0 : i32
      %dma_start3A_190 = arith.constant 0 : i32
      %dma_start3A_191 = tpu.memref_slice %arg3[%add3A, %add3A_184, %dma_start3A_189, %dma_start3A_190] : memref<32x50x10x40xi32, #tpu.memory_space<hbm>> -> memref<1x1x10x40xi32, #tpu.memory_space<hbm>>
      %dma_start3A_192 = tpu.memref_squeeze %dma_start3A_191 : memref<1x1x10x40xi32, #tpu.memory_space<hbm>> -> memref<10x40xi32, #tpu.memory_space<hbm>>
      tpu.enqueue_dma source(%dma_start3A_192 : memref<10x40xi32, #tpu.memory_space<hbm>>) target(%arg12 : memref<10x40xi32, #tpu.memory_space<vmem>>) target_semaphore(%arg29 : memref<!tpu.dma_semaphore, #tpu.memory_space<semaphore_mem>>)
      %dma_wait3A_193 = arith.constant 0 : i32
      %dma_wait3A_194 = arith.constant 0 : i32
      %dma_wait3A_195 = tpu.memref_slice %arg11[%dma_wait3A_193, %dma_wait3A_194] : memref<10x40xi32, #tpu.memory_space<vmem>> -> memref<1x40xi32, #tpu.memory_space<vmem>>
      %dma_wait3A_196 = tpu.memref_squeeze %dma_wait3A_195 : memref<1x40xi32, #tpu.memory_space<vmem>> -> memref<40xi32, #tpu.memory_space<vmem>>
      %dma_wait3A_197 = arith.constant 0 : i32
      %dma_wait3A_198 = arith.constant 0 : i32
      %dma_wait3A_199 = tpu.memref_slice %arg2[%dma_wait3A_197, %dma_wait3A_198] : memref<10000x128xf32, #tpu.memory_space<hbm>> -> memref<10000x128xf32, #tpu.memory_space<hbm>>
      tpu.wait_indirect_dma semaphore(%arg18 : memref<!tpu.dma_semaphore, #tpu.memory_space<semaphore_mem>>) src(%dma_wait3A_199 : memref<10000x128xf32, #tpu.memory_space<hbm>>) dst(%arg13 : memref<40x128xf32, #tpu.memory_space<vmem>>)
      %dma_start3A_200 = arith.constant 5 : i32
      %dma_start3A_201 = arith.constant 0 : i32
      %dma_start3A_202 = tpu.memref_slice %arg11[%dma_start3A_200, %dma_start3A_201] : memref<10x40xi32, #tpu.memory_space<vmem>> -> memref<1x40xi32, #tpu.memory_space<vmem>>
      %dma_start3A_203 = tpu.memref_squeeze %dma_start3A_202 : memref<1x40xi32, #tpu.memory_space<vmem>> -> memref<40xi32, #tpu.memory_space<vmem>>
      %dma_start3A_204 = arith.constant 0 : i32
      %dma_start3A_205 = arith.constant 0 : i32
      %dma_start3A_206 = tpu.memref_slice %arg9[%dma_start3A_204, %dma_start3A_205] : memref<10240x128xf32, #tpu.memory_space<vmem_shared>> -> memref<10240x128xf32, #tpu.memory_space<vmem_shared>>
      tpu.enqueue_indirect_dma source(%arg13 : memref<40x128xf32, #tpu.memory_space<vmem>>) target(%dma_start3A_206 : memref<10240x128xf32, #tpu.memory_space<vmem_shared>>) offsets(%dma_start3A_203 : memref<40xi32, #tpu.memory_space<vmem>>) semaphore(%arg23 : memref<!tpu.dma_semaphore, #tpu.memory_space<semaphore_mem>>) {add = true}
      %dma_wait3A_207 = arith.constant 1 : i32
      %dma_wait3A_208 = arith.constant 0 : i32
      %dma_wait3A_209 = tpu.memref_slice %arg11[%dma_wait3A_207, %dma_wait3A_208] : memref<10x40xi32, #tpu.memory_space<vmem>> -> memref<1x40xi32, #tpu.memory_space<vmem>>
      %dma_wait3A_210 = tpu.memref_squeeze %dma_wait3A_209 : memref<1x40xi32, #tpu.memory_space<vmem>> -> memref<40xi32, #tpu.memory_space<vmem>>
      %dma_wait3A_211 = arith.constant 0 : i32
      %dma_wait3A_212 = arith.constant 0 : i32
      %dma_wait3A_213 = tpu.memref_slice %arg2[%dma_wait3A_211, %dma_wait3A_212] : memref<10000x128xf32, #tpu.memory_space<hbm>> -> memref<10000x128xf32, #tpu.memory_space<hbm>>
      tpu.wait_indirect_dma semaphore(%arg19 : memref<!tpu.dma_semaphore, #tpu.memory_space<semaphore_mem>>) src(%dma_wait3A_213 : memref<10000x128xf32, #tpu.memory_space<hbm>>) dst(%arg14 : memref<40x128xf32, #tpu.memory_space<vmem>>)
      %dma_start3A_214 = arith.constant 6 : i32
      %dma_start3A_215 = arith.constant 0 : i32
      %dma_start3A_216 = tpu.memref_slice %arg11[%dma_start3A_214, %dma_start3A_215] : memref<10x40xi32, #tpu.memory_space<vmem>> -> memref<1x40xi32, #tpu.memory_space<vmem>>
      %dma_start3A_217 = tpu.memref_squeeze %dma_start3A_216 : memref<1x40xi32, #tpu.memory_space<vmem>> -> memref<40xi32, #tpu.memory_space<vmem>>
      %dma_start3A_218 = arith.constant 0 : i32
      %dma_start3A_219 = arith.constant 0 : i32
      %dma_start3A_220 = tpu.memref_slice %arg9[%dma_start3A_218, %dma_start3A_219] : memref<10240x128xf32, #tpu.memory_space<vmem_shared>> -> memref<10240x128xf32, #tpu.memory_space<vmem_shared>>
      tpu.enqueue_indirect_dma source(%arg14 : memref<40x128xf32, #tpu.memory_space<vmem>>) target(%dma_start3A_220 : memref<10240x128xf32, #tpu.memory_space<vmem_shared>>) offsets(%dma_start3A_217 : memref<40xi32, #tpu.memory_space<vmem>>) semaphore(%arg24 : memref<!tpu.dma_semaphore, #tpu.memory_space<semaphore_mem>>) {add = true}
      %dma_wait3A_221 = arith.constant 2 : i32
      %dma_wait3A_222 = arith.constant 0 : i32
      %dma_wait3A_223 = tpu.memref_slice %arg11[%dma_wait3A_221, %dma_wait3A_222] : memref<10x40xi32, #tpu.memory_space<vmem>> -> memref<1x40xi32, #tpu.memory_space<vmem>>
      %dma_wait3A_224 = tpu.memref_squeeze %dma_wait3A_223 : memref<1x40xi32, #tpu.memory_space<vmem>> -> memref<40xi32, #tpu.memory_space<vmem>>
      %dma_wait3A_225 = arith.constant 0 : i32
      %dma_wait3A_226 = arith.constant 0 : i32
      %dma_wait3A_227 = tpu.memref_slice %arg2[%dma_wait3A_225, %dma_wait3A_226] : memref<10000x128xf32, #tpu.memory_space<hbm>> -> memref<10000x128xf32, #tpu.memory_space<hbm>>
      tpu.wait_indirect_dma semaphore(%arg20 : memref<!tpu.dma_semaphore, #tpu.memory_space<semaphore_mem>>) src(%dma_wait3A_227 : memref<10000x128xf32, #tpu.memory_space<hbm>>) dst(%arg15 : memref<40x128xf32, #tpu.memory_space<vmem>>)
      %dma_start3A_228 = arith.constant 7 : i32
      %dma_start3A_229 = arith.constant 0 : i32
      %dma_start3A_230 = tpu.memref_slice %arg11[%dma_start3A_228, %dma_start3A_229] : memref<10x40xi32, #tpu.memory_space<vmem>> -> memref<1x40xi32, #tpu.memory_space<vmem>>
      %dma_start3A_231 = tpu.memref_squeeze %dma_start3A_230 : memref<1x40xi32, #tpu.memory_space<vmem>> -> memref<40xi32, #tpu.memory_space<vmem>>
      %dma_start3A_232 = arith.constant 0 : i32
      %dma_start3A_233 = arith.constant 0 : i32
      %dma_start3A_234 = tpu.memref_slice %arg9[%dma_start3A_232, %dma_start3A_233] : memref<10240x128xf32, #tpu.memory_space<vmem_shared>> -> memref<10240x128xf32, #tpu.memory_space<vmem_shared>>
      tpu.enqueue_indirect_dma source(%arg15 : memref<40x128xf32, #tpu.memory_space<vmem>>) target(%dma_start3A_234 : memref<10240x128xf32, #tpu.memory_space<vmem_shared>>) offsets(%dma_start3A_231 : memref<40xi32, #tpu.memory_space<vmem>>) semaphore(%arg25 : memref<!tpu.dma_semaphore, #tpu.memory_space<semaphore_mem>>) {add = true}
      %dma_wait3A_235 = arith.constant 3 : i32
      %dma_wait3A_236 = arith.constant 0 : i32
      %dma_wait3A_237 = tpu.memref_slice %arg11[%dma_wait3A_235, %dma_wait3A_236] : memref<10x40xi32, #tpu.memory_space<vmem>> -> memref<1x40xi32, #tpu.memory_space<vmem>>
      %dma_wait3A_238 = tpu.memref_squeeze %dma_wait3A_237 : memref<1x40xi32, #tpu.memory_space<vmem>> -> memref<40xi32, #tpu.memory_space<vmem>>
      %dma_wait3A_239 = arith.constant 0 : i32
      %dma_wait3A_240 = arith.constant 0 : i32
      %dma_wait3A_241 = tpu.memref_slice %arg2[%dma_wait3A_239, %dma_wait3A_240] : memref<10000x128xf32, #tpu.memory_space<hbm>> -> memref<10000x128xf32, #tpu.memory_space<hbm>>
      tpu.wait_indirect_dma semaphore(%arg21 : memref<!tpu.dma_semaphore, #tpu.memory_space<semaphore_mem>>) src(%dma_wait3A_241 : memref<10000x128xf32, #tpu.memory_space<hbm>>) dst(%arg16 : memref<40x128xf32, #tpu.memory_space<vmem>>)
      %dma_start3A_242 = arith.constant 8 : i32
      %dma_start3A_243 = arith.constant 0 : i32
      %dma_start3A_244 = tpu.memref_slice %arg11[%dma_start3A_242, %dma_start3A_243] : memref<10x40xi32, #tpu.memory_space<vmem>> -> memref<1x40xi32, #tpu.memory_space<vmem>>
      %dma_start3A_245 = tpu.memref_squeeze %dma_start3A_244 : memref<1x40xi32, #tpu.memory_space<vmem>> -> memref<40xi32, #tpu.memory_space<vmem>>
      %dma_start3A_246 = arith.constant 0 : i32
      %dma_start3A_247 = arith.constant 0 : i32
      %dma_start3A_248 = tpu.memref_slice %arg9[%dma_start3A_246, %dma_start3A_247] : memref<10240x128xf32, #tpu.memory_space<vmem_shared>> -> memref<10240x128xf32, #tpu.memory_space<vmem_shared>>
      tpu.enqueue_indirect_dma source(%arg16 : memref<40x128xf32, #tpu.memory_space<vmem>>) target(%dma_start3A_248 : memref<10240x128xf32, #tpu.memory_space<vmem_shared>>) offsets(%dma_start3A_245 : memref<40xi32, #tpu.memory_space<vmem>>) semaphore(%arg26 : memref<!tpu.dma_semaphore, #tpu.memory_space<semaphore_mem>>) {add = true}
      %dma_wait3A_249 = arith.constant 4 : i32
      %dma_wait3A_250 = arith.constant 0 : i32
      %dma_wait3A_251 = tpu.memref_slice %arg11[%dma_wait3A_249, %dma_wait3A_250] : memref<10x40xi32, #tpu.memory_space<vmem>> -> memref<1x40xi32, #tpu.memory_space<vmem>>
      %dma_wait3A_252 = tpu.memref_squeeze %dma_wait3A_251 : memref<1x40xi32, #tpu.memory_space<vmem>> -> memref<40xi32, #tpu.memory_space<vmem>>
      %dma_wait3A_253 = arith.constant 0 : i32
      %dma_wait3A_254 = arith.constant 0 : i32
      %dma_wait3A_255 = tpu.memref_slice %arg2[%dma_wait3A_253, %dma_wait3A_254] : memref<10000x128xf32, #tpu.memory_space<hbm>> -> memref<10000x128xf32, #tpu.memory_space<hbm>>
      tpu.wait_indirect_dma semaphore(%arg22 : memref<!tpu.dma_semaphore, #tpu.memory_space<semaphore_mem>>) src(%dma_wait3A_255 : memref<10000x128xf32, #tpu.memory_space<hbm>>) dst(%arg17 : memref<40x128xf32, #tpu.memory_space<vmem>>)
      %dma_start3A_256 = arith.constant 9 : i32
      %dma_start3A_257 = arith.constant 0 : i32
      %dma_start3A_258 = tpu.memref_slice %arg11[%dma_start3A_256, %dma_start3A_257] : memref<10x40xi32, #tpu.memory_space<vmem>> -> memref<1x40xi32, #tpu.memory_space<vmem>>
      %dma_start3A_259 = tpu.memref_squeeze %dma_start3A_258 : memref<1x40xi32, #tpu.memory_space<vmem>> -> memref<40xi32, #tpu.memory_space<vmem>>
      %dma_start3A_260 = arith.constant 0 : i32
      %dma_start3A_261 = arith.constant 0 : i32
      %dma_start3A_262 = tpu.memref_slice %arg9[%dma_start3A_260, %dma_start3A_261] : memref<10240x128xf32, #tpu.memory_space<vmem_shared>> -> memref<10240x128xf32, #tpu.memory_space<vmem_shared>>
      tpu.enqueue_indirect_dma source(%arg17 : memref<40x128xf32, #tpu.memory_space<vmem>>) target(%dma_start3A_262 : memref<10240x128xf32, #tpu.memory_space<vmem_shared>>) offsets(%dma_start3A_259 : memref<40xi32, #tpu.memory_space<vmem>>) semaphore(%arg27 : memref<!tpu.dma_semaphore, #tpu.memory_space<semaphore_mem>>) {add = true}
      %mul3A_263 = arith.constant 2 : i32
      %mul3A_264 = arith.muli %mul3A_263, %scan3A_109 : i32
      %add3A_265 = arith.constant 1 : i32
      %add3A_266 = arith.addi %mul3A_264, %add3A_265 : i32
      %dma_wait3A_267 = arith.constant 0 : i32
      %dma_wait3A_268 = arith.constant 0 : i32
      %dma_wait3A_269 = arith.constant 0 : i32
      %dma_wait3A_270 = tpu.memref_slice %arg3[%add3A, %dma_wait3A_267, %dma_wait3A_268, %dma_wait3A_269] : memref<32x50x10x40xi32, #tpu.memory_space<hbm>> -> memref<1x1x10x40xi32, #tpu.memory_space<hbm>>
      %dma_wait3A_271 = tpu.memref_squeeze %dma_wait3A_270 : memref<1x1x10x40xi32, #tpu.memory_space<hbm>> -> memref<10x40xi32, #tpu.memory_space<hbm>>
      %dma_wait3A_272 = arith.constant 0 : i32
      %dma_wait3A_273 = arith.constant 0 : i32
      %dma_wait3A_274 = tpu.memref_slice %arg3[%add3A, %dma_wait3A_267, %dma_wait3A_272, %dma_wait3A_273] : memref<32x50x10x40xi32, #tpu.memory_space<hbm>> -> memref<1x1x10x40xi32, #tpu.memory_space<hbm>>
      %dma_wait3A_275 = tpu.memref_squeeze %dma_wait3A_274 : memref<1x1x10x40xi32, #tpu.memory_space<hbm>> -> memref<10x40xi32, #tpu.memory_space<hbm>>
      tpu.wait_dma2 semaphore(%arg29 : memref<!tpu.dma_semaphore, #tpu.memory_space<semaphore_mem>>) src(%dma_wait3A_275 : memref<10x40xi32, #tpu.memory_space<hbm>>) dst(%arg12 : memref<10x40xi32, #tpu.memory_space<vmem>>)
      %dma_wait3A_276 = arith.constant 5 : i32
      %dma_wait3A_277 = arith.constant 0 : i32
      %dma_wait3A_278 = tpu.memref_slice %arg12[%dma_wait3A_276, %dma_wait3A_277] : memref<10x40xi32, #tpu.memory_space<vmem>> -> memref<1x40xi32, #tpu.memory_space<vmem>>
      %dma_wait3A_279 = tpu.memref_squeeze %dma_wait3A_278 : memref<1x40xi32, #tpu.memory_space<vmem>> -> memref<40xi32, #tpu.memory_space<vmem>>
      %dma_wait3A_280 = arith.constant 0 : i32
      %dma_wait3A_281 = arith.constant 0 : i32
      %dma_wait3A_282 = tpu.memref_slice %arg9[%dma_wait3A_280, %dma_wait3A_281] : memref<10240x128xf32, #tpu.memory_space<vmem_shared>> -> memref<10240x128xf32, #tpu.memory_space<vmem_shared>>
      tpu.wait_indirect_dma semaphore(%arg23 : memref<!tpu.dma_semaphore, #tpu.memory_space<semaphore_mem>>) src(%arg13 : memref<40x128xf32, #tpu.memory_space<vmem>>) dst(%dma_wait3A_282 : memref<10240x128xf32, #tpu.memory_space<vmem_shared>>)
      %dma_start3A_283 = arith.constant 0 : i32
      %dma_start3A_284 = arith.constant 0 : i32
      %dma_start3A_285 = tpu.memref_slice %arg12[%dma_start3A_283, %dma_start3A_284] : memref<10x40xi32, #tpu.memory_space<vmem>> -> memref<1x40xi32, #tpu.memory_space<vmem>>
      %dma_start3A_286 = tpu.memref_squeeze %dma_start3A_285 : memref<1x40xi32, #tpu.memory_space<vmem>> -> memref<40xi32, #tpu.memory_space<vmem>>
      %dma_start3A_287 = arith.constant 0 : i32
      %dma_start3A_288 = arith.constant 0 : i32
      %dma_start3A_289 = tpu.memref_slice %arg2[%dma_start3A_287, %dma_start3A_288] : memref<10000x128xf32, #tpu.memory_space<hbm>> -> memref<10000x128xf32, #tpu.memory_space<hbm>>
      tpu.enqueue_indirect_dma source(%dma_start3A_289 : memref<10000x128xf32, #tpu.memory_space<hbm>>) target(%arg13 : memref<40x128xf32, #tpu.memory_space<vmem>>) offsets(%dma_start3A_286 : memref<40xi32, #tpu.memory_space<vmem>>) semaphore(%arg18 : memref<!tpu.dma_semaphore, #tpu.memory_space<semaphore_mem>>)
      %dma_wait3A_290 = arith.constant 6 : i32
      %dma_wait3A_291 = arith.constant 0 : i32
      %dma_wait3A_292 = tpu.memref_slice %arg12[%dma_wait3A_290, %dma_wait3A_291] : memref<10x40xi32, #tpu.memory_space<vmem>> -> memref<1x40xi32, #tpu.memory_space<vmem>>
      %dma_wait3A_293 = tpu.memref_squeeze %dma_wait3A_292 : memref<1x40xi32, #tpu.memory_space<vmem>> -> memref<40xi32, #tpu.memory_space<vmem>>
      %dma_wait3A_294 = arith.constant 0 : i32
      %dma_wait3A_295 = arith.constant 0 : i32
      %dma_wait3A_296 = tpu.memref_slice %arg9[%dma_wait3A_294, %dma_wait3A_295] : memref<10240x128xf32, #tpu.memory_space<vmem_shared>> -> memref<10240x128xf32, #tpu.memory_space<vmem_shared>>
      tpu.wait_indirect_dma semaphore(%arg24 : memref<!tpu.dma_semaphore, #tpu.memory_space<semaphore_mem>>) src(%arg14 : memref<40x128xf32, #tpu.memory_space<vmem>>) dst(%dma_wait3A_296 : memref<10240x128xf32, #tpu.memory_space<vmem_shared>>)
      %dma_start3A_297 = arith.constant 1 : i32
      %dma_start3A_298 = arith.constant 0 : i32
      %dma_start3A_299 = tpu.memref_slice %arg12[%dma_start3A_297, %dma_start3A_298] : memref<10x40xi32, #tpu.memory_space<vmem>> -> memref<1x40xi32, #tpu.memory_space<vmem>>
      %dma_start3A_300 = tpu.memref_squeeze %dma_start3A_299 : memref<1x40xi32, #tpu.memory_space<vmem>> -> memref<40xi32, #tpu.memory_space<vmem>>
      %dma_start3A_301 = arith.constant 0 : i32
      %dma_start3A_302 = arith.constant 0 : i32
      %dma_start3A_303 = tpu.memref_slice %arg2[%dma_start3A_301, %dma_start3A_302] : memref<10000x128xf32, #tpu.memory_space<hbm>> -> memref<10000x128xf32, #tpu.memory_space<hbm>>
      tpu.enqueue_indirect_dma source(%dma_start3A_303 : memref<10000x128xf32, #tpu.memory_space<hbm>>) target(%arg14 : memref<40x128xf32, #tpu.memory_space<vmem>>) offsets(%dma_start3A_300 : memref<40xi32, #tpu.memory_space<vmem>>) semaphore(%arg19 : memref<!tpu.dma_semaphore, #tpu.memory_space<semaphore_mem>>)
      %dma_wait3A_304 = arith.constant 7 : i32
      %dma_wait3A_305 = arith.constant 0 : i32
      %dma_wait3A_306 = tpu.memref_slice %arg12[%dma_wait3A_304, %dma_wait3A_305] : memref<10x40xi32, #tpu.memory_space<vmem>> -> memref<1x40xi32, #tpu.memory_space<vmem>>
      %dma_wait3A_307 = tpu.memref_squeeze %dma_wait3A_306 : memref<1x40xi32, #tpu.memory_space<vmem>> -> memref<40xi32, #tpu.memory_space<vmem>>
      %dma_wait3A_308 = arith.constant 0 : i32
      %dma_wait3A_309 = arith.constant 0 : i32
      %dma_wait3A_310 = tpu.memref_slice %arg9[%dma_wait3A_308, %dma_wait3A_309] : memref<10240x128xf32, #tpu.memory_space<vmem_shared>> -> memref<10240x128xf32, #tpu.memory_space<vmem_shared>>
      tpu.wait_indirect_dma semaphore(%arg25 : memref<!tpu.dma_semaphore, #tpu.memory_space<semaphore_mem>>) src(%arg15 : memref<40x128xf32, #tpu.memory_space<vmem>>) dst(%dma_wait3A_310 : memref<10240x128xf32, #tpu.memory_space<vmem_shared>>)
      %dma_start3A_311 = arith.constant 2 : i32
      %dma_start3A_312 = arith.constant 0 : i32
      %dma_start3A_313 = tpu.memref_slice %arg12[%dma_start3A_311, %dma_start3A_312] : memref<10x40xi32, #tpu.memory_space<vmem>> -> memref<1x40xi32, #tpu.memory_space<vmem>>
      %dma_start3A_314 = tpu.memref_squeeze %dma_start3A_313 : memref<1x40xi32, #tpu.memory_space<vmem>> -> memref<40xi32, #tpu.memory_space<vmem>>
      %dma_start3A_315 = arith.constant 0 : i32
      %dma_start3A_316 = arith.constant 0 : i32
      %dma_start3A_317 = tpu.memref_slice %arg2[%dma_start3A_315, %dma_start3A_316] : memref<10000x128xf32, #tpu.memory_space<hbm>> -> memref<10000x128xf32, #tpu.memory_space<hbm>>
      tpu.enqueue_indirect_dma source(%dma_start3A_317 : memref<10000x128xf32, #tpu.memory_space<hbm>>) target(%arg15 : memref<40x128xf32, #tpu.memory_space<vmem>>) offsets(%dma_start3A_314 : memref<40xi32, #tpu.memory_space<vmem>>) semaphore(%arg20 : memref<!tpu.dma_semaphore, #tpu.memory_space<semaphore_mem>>)
      %dma_wait3A_318 = arith.constant 8 : i32
      %dma_wait3A_319 = arith.constant 0 : i32
      %dma_wait3A_320 = tpu.memref_slice %arg12[%dma_wait3A_318, %dma_wait3A_319] : memref<10x40xi32, #tpu.memory_space<vmem>> -> memref<1x40xi32, #tpu.memory_space<vmem>>
      %dma_wait3A_321 = tpu.memref_squeeze %dma_wait3A_320 : memref<1x40xi32, #tpu.memory_space<vmem>> -> memref<40xi32, #tpu.memory_space<vmem>>
      %dma_wait3A_322 = arith.constant 0 : i32
      %dma_wait3A_323 = arith.constant 0 : i32
      %dma_wait3A_324 = tpu.memref_slice %arg9[%dma_wait3A_322, %dma_wait3A_323] : memref<10240x128xf32, #tpu.memory_space<vmem_shared>> -> memref<10240x128xf32, #tpu.memory_space<vmem_shared>>
      tpu.wait_indirect_dma semaphore(%arg26 : memref<!tpu.dma_semaphore, #tpu.memory_space<semaphore_mem>>) src(%arg16 : memref<40x128xf32, #tpu.memory_space<vmem>>) dst(%dma_wait3A_324 : memref<10240x128xf32, #tpu.memory_space<vmem_shared>>)
      %dma_start3A_325 = arith.constant 3 : i32
      %dma_start3A_326 = arith.constant 0 : i32
      %dma_start3A_327 = tpu.memref_slice %arg12[%dma_start3A_325, %dma_start3A_326] : memref<10x40xi32, #tpu.memory_space<vmem>> -> memref<1x40xi32, #tpu.memory_space<vmem>>
      %dma_start3A_328 = tpu.memref_squeeze %dma_start3A_327 : memref<1x40xi32, #tpu.memory_space<vmem>> -> memref<40xi32, #tpu.memory_space<vmem>>
      %dma_start3A_329 = arith.constant 0 : i32
      %dma_start3A_330 = arith.constant 0 : i32
      %dma_start3A_331 = tpu.memref_slice %arg2[%dma_start3A_329, %dma_start3A_330] : memref<10000x128xf32, #tpu.memory_space<hbm>> -> memref<10000x128xf32, #tpu.memory_space<hbm>>
      tpu.enqueue_indirect_dma source(%dma_start3A_331 : memref<10000x128xf32, #tpu.memory_space<hbm>>) target(%arg16 : memref<40x128xf32, #tpu.memory_space<vmem>>) offsets(%dma_start3A_328 : memref<40xi32, #tpu.memory_space<vmem>>) semaphore(%arg21 : memref<!tpu.dma_semaphore, #tpu.memory_space<semaphore_mem>>)
      %dma_wait3A_332 = arith.constant 9 : i32
      %dma_wait3A_333 = arith.constant 0 : i32
      %dma_wait3A_334 = tpu.memref_slice %arg12[%dma_wait3A_332, %dma_wait3A_333] : memref<10x40xi32, #tpu.memory_space<vmem>> -> memref<1x40xi32, #tpu.memory_space<vmem>>
      %dma_wait3A_335 = tpu.memref_squeeze %dma_wait3A_334 : memref<1x40xi32, #tpu.memory_space<vmem>> -> memref<40xi32, #tpu.memory_space<vmem>>
      %dma_wait3A_336 = arith.constant 0 : i32
      %dma_wait3A_337 = arith.constant 0 : i32
      %dma_wait3A_338 = tpu.memref_slice %arg9[%dma_wait3A_336, %dma_wait3A_337] : memref<10240x128xf32, #tpu.memory_space<vmem_shared>> -> memref<10240x128xf32, #tpu.memory_space<vmem_shared>>
      tpu.wait_indirect_dma semaphore(%arg27 : memref<!tpu.dma_semaphore, #tpu.memory_space<semaphore_mem>>) src(%arg17 : memref<40x128xf32, #tpu.memory_space<vmem>>) dst(%dma_wait3A_338 : memref<10240x128xf32, #tpu.memory_space<vmem_shared>>)
      %dma_start3A_339 = arith.constant 4 : i32
      %dma_start3A_340 = arith.constant 0 : i32
      %dma_start3A_341 = tpu.memref_slice %arg12[%dma_start3A_339, %dma_start3A_340] : memref<10x40xi32, #tpu.memory_space<vmem>> -> memref<1x40xi32, #tpu.memory_space<vmem>>
      %dma_start3A_342 = tpu.memref_squeeze %dma_start3A_341 : memref<1x40xi32, #tpu.memory_space<vmem>> -> memref<40xi32, #tpu.memory_space<vmem>>
      %dma_start3A_343 = arith.constant 0 : i32
      %dma_start3A_344 = arith.constant 0 : i32
      %dma_start3A_345 = tpu.memref_slice %arg2[%dma_start3A_343, %dma_start3A_344] : memref<10000x128xf32, #tpu.memory_space<hbm>> -> memref<10000x128xf32, #tpu.memory_space<hbm>>
      tpu.enqueue_indirect_dma source(%dma_start3A_345 : memref<10000x128xf32, #tpu.memory_space<hbm>>) target(%arg17 : memref<40x128xf32, #tpu.memory_space<vmem>>) offsets(%dma_start3A_342 : memref<40xi32, #tpu.memory_space<vmem>>) semaphore(%arg22 : memref<!tpu.dma_semaphore, #tpu.memory_space<semaphore_mem>>)
      %lt3A = arith.constant 24 : i32
      %lt3A_346 = arith.cmpi slt, %scan3A_109, %lt3A : i32
      %convert_element_type3A_347 = arith.extui %lt3A_346 : i1 to i32
      %cond3A_348 = arith.constant 0 : i32
      %cond3A_349 = arith.cmpi ne, %convert_element_type3A_347, %cond3A_348 : i32
      scf.if %cond3A_349 {
        %add3A_421 = arith.constant 1 : i32
        %add3A_422 = arith.addi %add3A_266, %add3A_421 : i32
        %dma_start3A_423 = arith.constant 0 : i32
        %dma_start3A_424 = arith.constant 0 : i32
        %dma_start3A_425 = tpu.memref_slice %arg3[%add3A, %add3A_422, %dma_start3A_423, %dma_start3A_424] : memref<32x50x10x40xi32, #tpu.memory_space<hbm>> -> memref<1x1x10x40xi32, #tpu.memory_space<hbm>>
        %dma_start3A_426 = tpu.memref_squeeze %dma_start3A_425 : memref<1x1x10x40xi32, #tpu.memory_space<hbm>> -> memref<10x40xi32, #tpu.memory_space<hbm>>
        %dma_start3A_427 = arith.constant 0 : i32
        %dma_start3A_428 = arith.constant 0 : i32
        %dma_start3A_429 = tpu.memref_slice %arg3[%add3A, %add3A_422, %dma_start3A_427, %dma_start3A_428] : memref<32x50x10x40xi32, #tpu.memory_space<hbm>> -> memref<1x1x10x40xi32, #tpu.memory_space<hbm>>
        %dma_start3A_430 = tpu.memref_squeeze %dma_start3A_429 : memref<1x1x10x40xi32, #tpu.memory_space<hbm>> -> memref<10x40xi32, #tpu.memory_space<hbm>>
        tpu.enqueue_dma source(%dma_start3A_430 : memref<10x40xi32, #tpu.memory_space<hbm>>) target(%arg11 : memref<10x40xi32, #tpu.memory_space<vmem>>) target_semaphore(%arg28 : memref<!tpu.dma_semaphore, #tpu.memory_space<semaphore_mem>>)
      } else {
      }
      %dma_wait3A_350 = arith.constant 0 : i32
      %dma_wait3A_351 = arith.constant 0 : i32
      %dma_wait3A_352 = tpu.memref_slice %arg12[%dma_wait3A_350, %dma_wait3A_351] : memref<10x40xi32, #tpu.memory_space<vmem>> -> memref<1x40xi32, #tpu.memory_space<vmem>>
      %dma_wait3A_353 = tpu.memref_squeeze %dma_wait3A_352 : memref<1x40xi32, #tpu.memory_space<vmem>> -> memref<40xi32, #tpu.memory_space<vmem>>
      %dma_wait3A_354 = arith.constant 0 : i32
      %dma_wait3A_355 = arith.constant 0 : i32
      %dma_wait3A_356 = tpu.memref_slice %arg2[%dma_wait3A_354, %dma_wait3A_355] : memref<10000x128xf32, #tpu.memory_space<hbm>> -> memref<10000x128xf32, #tpu.memory_space<hbm>>
      tpu.wait_indirect_dma semaphore(%arg18 : memref<!tpu.dma_semaphore, #tpu.memory_space<semaphore_mem>>) src(%dma_wait3A_356 : memref<10000x128xf32, #tpu.memory_space<hbm>>) dst(%arg13 : memref<40x128xf32, #tpu.memory_space<vmem>>)
      %dma_start3A_357 = arith.constant 5 : i32
      %dma_start3A_358 = arith.constant 0 : i32
      %dma_start3A_359 = tpu.memref_slice %arg12[%dma_start3A_357, %dma_start3A_358] : memref<10x40xi32, #tpu.memory_space<vmem>> -> memref<1x40xi32, #tpu.memory_space<vmem>>
      %dma_start3A_360 = tpu.memref_squeeze %dma_start3A_359 : memref<1x40xi32, #tpu.memory_space<vmem>> -> memref<40xi32, #tpu.memory_space<vmem>>
      %dma_start3A_361 = arith.constant 0 : i32
      %dma_start3A_362 = arith.constant 0 : i32
      %dma_start3A_363 = tpu.memref_slice %arg9[%dma_start3A_361, %dma_start3A_362] : memref<10240x128xf32, #tpu.memory_space<vmem_shared>> -> memref<10240x128xf32, #tpu.memory_space<vmem_shared>>
      tpu.enqueue_indirect_dma source(%arg13 : memref<40x128xf32, #tpu.memory_space<vmem>>) target(%dma_start3A_363 : memref<10240x128xf32, #tpu.memory_space<vmem_shared>>) offsets(%dma_start3A_360 : memref<40xi32, #tpu.memory_space<vmem>>) semaphore(%arg23 : memref<!tpu.dma_semaphore, #tpu.memory_space<semaphore_mem>>) {add = true}
      %dma_wait3A_364 = arith.constant 1 : i32
      %dma_wait3A_365 = arith.constant 0 : i32
      %dma_wait3A_366 = tpu.memref_slice %arg12[%dma_wait3A_364, %dma_wait3A_365] : memref<10x40xi32, #tpu.memory_space<vmem>> -> memref<1x40xi32, #tpu.memory_space<vmem>>
      %dma_wait3A_367 = tpu.memref_squeeze %dma_wait3A_366 : memref<1x40xi32, #tpu.memory_space<vmem>> -> memref<40xi32, #tpu.memory_space<vmem>>
      %dma_wait3A_368 = arith.constant 0 : i32
      %dma_wait3A_369 = arith.constant 0 : i32
      %dma_wait3A_370 = tpu.memref_slice %arg2[%dma_wait3A_368, %dma_wait3A_369] : memref<10000x128xf32, #tpu.memory_space<hbm>> -> memref<10000x128xf32, #tpu.memory_space<hbm>>
      tpu.wait_indirect_dma semaphore(%arg19 : memref<!tpu.dma_semaphore, #tpu.memory_space<semaphore_mem>>) src(%dma_wait3A_370 : memref<10000x128xf32, #tpu.memory_space<hbm>>) dst(%arg14 : memref<40x128xf32, #tpu.memory_space<vmem>>)
      %dma_start3A_371 = arith.constant 6 : i32
      %dma_start3A_372 = arith.constant 0 : i32
      %dma_start3A_373 = tpu.memref_slice %arg12[%dma_start3A_371, %dma_start3A_372] : memref<10x40xi32, #tpu.memory_space<vmem>> -> memref<1x40xi32, #tpu.memory_space<vmem>>
      %dma_start3A_374 = tpu.memref_squeeze %dma_start3A_373 : memref<1x40xi32, #tpu.memory_space<vmem>> -> memref<40xi32, #tpu.memory_space<vmem>>
      %dma_start3A_375 = arith.constant 0 : i32
      %dma_start3A_376 = arith.constant 0 : i32
      %dma_start3A_377 = tpu.memref_slice %arg9[%dma_start3A_375, %dma_start3A_376] : memref<10240x128xf32, #tpu.memory_space<vmem_shared>> -> memref<10240x128xf32, #tpu.memory_space<vmem_shared>>
      tpu.enqueue_indirect_dma source(%arg14 : memref<40x128xf32, #tpu.memory_space<vmem>>) target(%dma_start3A_377 : memref<10240x128xf32, #tpu.memory_space<vmem_shared>>) offsets(%dma_start3A_374 : memref<40xi32, #tpu.memory_space<vmem>>) semaphore(%arg24 : memref<!tpu.dma_semaphore, #tpu.memory_space<semaphore_mem>>) {add = true}
      %dma_wait3A_378 = arith.constant 2 : i32
      %dma_wait3A_379 = arith.constant 0 : i32
      %dma_wait3A_380 = tpu.memref_slice %arg12[%dma_wait3A_378, %dma_wait3A_379] : memref<10x40xi32, #tpu.memory_space<vmem>> -> memref<1x40xi32, #tpu.memory_space<vmem>>
      %dma_wait3A_381 = tpu.memref_squeeze %dma_wait3A_380 : memref<1x40xi32, #tpu.memory_space<vmem>> -> memref<40xi32, #tpu.memory_space<vmem>>
      %dma_wait3A_382 = arith.constant 0 : i32
      %dma_wait3A_383 = arith.constant 0 : i32
      %dma_wait3A_384 = tpu.memref_slice %arg2[%dma_wait3A_382, %dma_wait3A_383] : memref<10000x128xf32, #tpu.memory_space<hbm>> -> memref<10000x128xf32, #tpu.memory_space<hbm>>
      tpu.wait_indirect_dma semaphore(%arg20 : memref<!tpu.dma_semaphore, #tpu.memory_space<semaphore_mem>>) src(%dma_wait3A_384 : memref<10000x128xf32, #tpu.memory_space<hbm>>) dst(%arg15 : memref<40x128xf32, #tpu.memory_space<vmem>>)
      %dma_start3A_385 = arith.constant 7 : i32
      %dma_start3A_386 = arith.constant 0 : i32
      %dma_start3A_387 = tpu.memref_slice %arg12[%dma_start3A_385, %dma_start3A_386] : memref<10x40xi32, #tpu.memory_space<vmem>> -> memref<1x40xi32, #tpu.memory_space<vmem>>
      %dma_start3A_388 = tpu.memref_squeeze %dma_start3A_387 : memref<1x40xi32, #tpu.memory_space<vmem>> -> memref<40xi32, #tpu.memory_space<vmem>>
      %dma_start3A_389 = arith.constant 0 : i32
      %dma_start3A_390 = arith.constant 0 : i32
      %dma_start3A_391 = tpu.memref_slice %arg9[%dma_start3A_389, %dma_start3A_390] : memref<10240x128xf32, #tpu.memory_space<vmem_shared>> -> memref<10240x128xf32, #tpu.memory_space<vmem_shared>>
      tpu.enqueue_indirect_dma source(%arg15 : memref<40x128xf32, #tpu.memory_space<vmem>>) target(%dma_start3A_391 : memref<10240x128xf32, #tpu.memory_space<vmem_shared>>) offsets(%dma_start3A_388 : memref<40xi32, #tpu.memory_space<vmem>>) semaphore(%arg25 : memref<!tpu.dma_semaphore, #tpu.memory_space<semaphore_mem>>) {add = true}
      %dma_wait3A_392 = arith.constant 3 : i32
      %dma_wait3A_393 = arith.constant 0 : i32
      %dma_wait3A_394 = tpu.memref_slice %arg12[%dma_wait3A_392, %dma_wait3A_393] : memref<10x40xi32, #tpu.memory_space<vmem>> -> memref<1x40xi32, #tpu.memory_space<vmem>>
      %dma_wait3A_395 = tpu.memref_squeeze %dma_wait3A_394 : memref<1x40xi32, #tpu.memory_space<vmem>> -> memref<40xi32, #tpu.memory_space<vmem>>
      %dma_wait3A_396 = arith.constant 0 : i32
      %dma_wait3A_397 = arith.constant 0 : i32
      %dma_wait3A_398 = tpu.memref_slice %arg2[%dma_wait3A_396, %dma_wait3A_397] : memref<10000x128xf32, #tpu.memory_space<hbm>> -> memref<10000x128xf32, #tpu.memory_space<hbm>>
      tpu.wait_indirect_dma semaphore(%arg21 : memref<!tpu.dma_semaphore, #tpu.memory_space<semaphore_mem>>) src(%dma_wait3A_398 : memref<10000x128xf32, #tpu.memory_space<hbm>>) dst(%arg16 : memref<40x128xf32, #tpu.memory_space<vmem>>)
      %dma_start3A_399 = arith.constant 8 : i32
      %dma_start3A_400 = arith.constant 0 : i32
      %dma_start3A_401 = tpu.memref_slice %arg12[%dma_start3A_399, %dma_start3A_400] : memref<10x40xi32, #tpu.memory_space<vmem>> -> memref<1x40xi32, #tpu.memory_space<vmem>>
      %dma_start3A_402 = tpu.memref_squeeze %dma_start3A_401 : memref<1x40xi32, #tpu.memory_space<vmem>> -> memref<40xi32, #tpu.memory_space<vmem>>
      %dma_start3A_403 = arith.constant 0 : i32
      %dma_start3A_404 = arith.constant 0 : i32
      %dma_start3A_405 = tpu.memref_slice %arg9[%dma_start3A_403, %dma_start3A_404] : memref<10240x128xf32, #tpu.memory_space<vmem_shared>> -> memref<10240x128xf32, #tpu.memory_space<vmem_shared>>
      tpu.enqueue_indirect_dma source(%arg16 : memref<40x128xf32, #tpu.memory_space<vmem>>) target(%dma_start3A_405 : memref<10240x128xf32, #tpu.memory_space<vmem_shared>>) offsets(%dma_start3A_402 : memref<40xi32, #tpu.memory_space<vmem>>) semaphore(%arg26 : memref<!tpu.dma_semaphore, #tpu.memory_space<semaphore_mem>>) {add = true}
      %dma_wait3A_406 = arith.constant 4 : i32
      %dma_wait3A_407 = arith.constant 0 : i32
      %dma_wait3A_408 = tpu.memref_slice %arg12[%dma_wait3A_406, %dma_wait3A_407] : memref<10x40xi32, #tpu.memory_space<vmem>> -> memref<1x40xi32, #tpu.memory_space<vmem>>
      %dma_wait3A_409 = tpu.memref_squeeze %dma_wait3A_408 : memref<1x40xi32, #tpu.memory_space<vmem>> -> memref<40xi32, #tpu.memory_space<vmem>>
      %dma_wait3A_410 = arith.constant 0 : i32
      %dma_wait3A_411 = arith.constant 0 : i32
      %dma_wait3A_412 = tpu.memref_slice %arg2[%dma_wait3A_410, %dma_wait3A_411] : memref<10000x128xf32, #tpu.memory_space<hbm>> -> memref<10000x128xf32, #tpu.memory_space<hbm>>
      tpu.wait_indirect_dma semaphore(%arg22 : memref<!tpu.dma_semaphore, #tpu.memory_space<semaphore_mem>>) src(%dma_wait3A_412 : memref<10000x128xf32, #tpu.memory_space<hbm>>) dst(%arg17 : memref<40x128xf32, #tpu.memory_space<vmem>>)
      %dma_start3A_413 = arith.constant 9 : i32
      %dma_start3A_414 = arith.constant 0 : i32
      %dma_start3A_415 = tpu.memref_slice %arg12[%dma_start3A_413, %dma_start3A_414] : memref<10x40xi32, #tpu.memory_space<vmem>> -> memref<1x40xi32, #tpu.memory_space<vmem>>
      %dma_start3A_416 = tpu.memref_squeeze %dma_start3A_415 : memref<1x40xi32, #tpu.memory_space<vmem>> -> memref<40xi32, #tpu.memory_space<vmem>>
      %dma_start3A_417 = arith.constant 0 : i32
      %dma_start3A_418 = arith.constant 0 : i32
      %dma_start3A_419 = tpu.memref_slice %arg9[%dma_start3A_417, %dma_start3A_418] : memref<10240x128xf32, #tpu.memory_space<vmem_shared>> -> memref<10240x128xf32, #tpu.memory_space<vmem_shared>>
      tpu.enqueue_indirect_dma source(%arg17 : memref<40x128xf32, #tpu.memory_space<vmem>>) target(%dma_start3A_419 : memref<10240x128xf32, #tpu.memory_space<vmem_shared>>) offsets(%dma_start3A_416 : memref<40xi32, #tpu.memory_space<vmem>>) semaphore(%arg27 : memref<!tpu.dma_semaphore, #tpu.memory_space<semaphore_mem>>) {add = true}
      %scan3A_420 = arith.constant 0 : i32
      scf.yield %scan3A_420 : i32
    }
    %scan3A_61 = arith.constant 25 : i32
    %dma_wait3A = arith.constant 5 : i32
    %dma_wait3A_62 = arith.constant 0 : i32
    %dma_wait3A_63 = tpu.memref_slice %arg12[%dma_wait3A, %dma_wait3A_62] : memref<10x40xi32, #tpu.memory_space<vmem>> -> memref<1x40xi32, #tpu.memory_space<vmem>>
    %dma_wait3A_64 = tpu.memref_squeeze %dma_wait3A_63 : memref<1x40xi32, #tpu.memory_space<vmem>> -> memref<40xi32, #tpu.memory_space<vmem>>
    %dma_wait3A_65 = arith.constant 0 : i32
    %dma_wait3A_66 = arith.constant 0 : i32
    %dma_wait3A_67 = tpu.memref_slice %arg9[%dma_wait3A_65, %dma_wait3A_66] : memref<10240x128xf32, #tpu.memory_space<vmem_shared>> -> memref<10240x128xf32, #tpu.memory_space<vmem_shared>>
    tpu.wait_indirect_dma semaphore(%arg23 : memref<!tpu.dma_semaphore, #tpu.memory_space<semaphore_mem>>) src(%arg13 : memref<40x128xf32, #tpu.memory_space<vmem>>) dst(%dma_wait3A_67 : memref<10240x128xf32, #tpu.memory_space<vmem_shared>>)
    %dma_wait3A_68 = arith.constant 6 : i32
    %dma_wait3A_69 = arith.constant 0 : i32
    %dma_wait3A_70 = tpu.memref_slice %arg12[%dma_wait3A_68, %dma_wait3A_69] : memref<10x40xi32, #tpu.memory_space<vmem>> -> memref<1x40xi32, #tpu.memory_space<vmem>>
    %dma_wait3A_71 = tpu.memref_squeeze %dma_wait3A_70 : memref<1x40xi32, #tpu.memory_space<vmem>> -> memref<40xi32, #tpu.memory_space<vmem>>
    %dma_wait3A_72 = arith.constant 0 : i32
    %dma_wait3A_73 = arith.constant 0 : i32
    %dma_wait3A_74 = tpu.memref_slice %arg9[%dma_wait3A_72, %dma_wait3A_73] : memref<10240x128xf32, #tpu.memory_space<vmem_shared>> -> memref<10240x128xf32, #tpu.memory_space<vmem_shared>>
    tpu.wait_indirect_dma semaphore(%arg24 : memref<!tpu.dma_semaphore, #tpu.memory_space<semaphore_mem>>) src(%arg14 : memref<40x128xf32, #tpu.memory_space<vmem>>) dst(%dma_wait3A_74 : memref<10240x128xf32, #tpu.memory_space<vmem_shared>>)
    %dma_wait3A_75 = arith.constant 7 : i32
    %dma_wait3A_76 = arith.constant 0 : i32
    %dma_wait3A_77 = tpu.memref_slice %arg12[%dma_wait3A_75, %dma_wait3A_76] : memref<10x40xi32, #tpu.memory_space<vmem>> -> memref<1x40xi32, #tpu.memory_space<vmem>>
    %dma_wait3A_78 = tpu.memref_squeeze %dma_wait3A_77 : memref<1x40xi32, #tpu.memory_space<vmem>> -> memref<40xi32, #tpu.memory_space<vmem>>
    %dma_wait3A_79 = arith.constant 0 : i32
    %dma_wait3A_80 = arith.constant 0 : i32
    %dma_wait3A_81 = tpu.memref_slice %arg9[%dma_wait3A_79, %dma_wait3A_80] : memref<10240x128xf32, #tpu.memory_space<vmem_shared>> -> memref<10240x128xf32, #tpu.memory_space<vmem_shared>>
    tpu.wait_indirect_dma semaphore(%arg25 : memref<!tpu.dma_semaphore, #tpu.memory_space<semaphore_mem>>) src(%arg15 : memref<40x128xf32, #tpu.memory_space<vmem>>) dst(%dma_wait3A_81 : memref<10240x128xf32, #tpu.memory_space<vmem_shared>>)
    %dma_wait3A_82 = arith.constant 8 : i32
    %dma_wait3A_83 = arith.constant 0 : i32
    %dma_wait3A_84 = tpu.memref_slice %arg12[%dma_wait3A_82, %dma_wait3A_83] : memref<10x40xi32, #tpu.memory_space<vmem>> -> memref<1x40xi32, #tpu.memory_space<vmem>>
    %dma_wait3A_85 = tpu.memref_squeeze %dma_wait3A_84 : memref<1x40xi32, #tpu.memory_space<vmem>> -> memref<40xi32, #tpu.memory_space<vmem>>
    %dma_wait3A_86 = arith.constant 0 : i32
    %dma_wait3A_87 = arith.constant 0 : i32
    %dma_wait3A_88 = tpu.memref_slice %arg9[%dma_wait3A_86, %dma_wait3A_87] : memref<10240x128xf32, #tpu.memory_space<vmem_shared>> -> memref<10240x128xf32, #tpu.memory_space<vmem_shared>>
    tpu.wait_indirect_dma semaphore(%arg26 : memref<!tpu.dma_semaphore, #tpu.memory_space<semaphore_mem>>) src(%arg16 : memref<40x128xf32, #tpu.memory_space<vmem>>) dst(%dma_wait3A_88 : memref<10240x128xf32, #tpu.memory_space<vmem_shared>>)
    %dma_wait3A_89 = arith.constant 9 : i32
    %dma_wait3A_90 = arith.constant 0 : i32
    %dma_wait3A_91 = tpu.memref_slice %arg12[%dma_wait3A_89, %dma_wait3A_90] : memref<10x40xi32, #tpu.memory_space<vmem>> -> memref<1x40xi32, #tpu.memory_space<vmem>>
    %dma_wait3A_92 = tpu.memref_squeeze %dma_wait3A_91 : memref<1x40xi32, #tpu.memory_space<vmem>> -> memref<40xi32, #tpu.memory_space<vmem>>
    %dma_wait3A_93 = arith.constant 0 : i32
    %dma_wait3A_94 = arith.constant 0 : i32
    %dma_wait3A_95 = tpu.memref_slice %arg9[%dma_wait3A_93, %dma_wait3A_94] : memref<10240x128xf32, #tpu.memory_space<vmem_shared>> -> memref<10240x128xf32, #tpu.memory_space<vmem_shared>>
    tpu.wait_indirect_dma semaphore(%arg27 : memref<!tpu.dma_semaphore, #tpu.memory_space<semaphore_mem>>) src(%arg17 : memref<40x128xf32, #tpu.memory_space<vmem>>) dst(%dma_wait3A_95 : memref<10240x128xf32, #tpu.memory_space<vmem_shared>>)
    %barrier3A_96 = arith.constant 0 : index
    tpu.barrier barrier_id(%barrier3A_96)
    %mul3A_97 = arith.constant 32 : i32
    %mul3A_98 = arith.muli %arg1, %mul3A_97 : i32
    "tpu.region"() ({
      %run_scoped3A = tpu.sem_alloc : memref<!tpu.dma_semaphore, #tpu.memory_space<semaphore_mem>>
      %dma_start3A_109 = tpu.memref_slice %arg4[%mul3A_98] : memref<512xi32, #tpu.memory_space<hbm>> -> memref<32xi32, #tpu.memory_space<hbm>>
      %dma_start3A_110 = tpu.memref_slice %arg4[%mul3A_98] : memref<512xi32, #tpu.memory_space<hbm>> -> memref<32xi32, #tpu.memory_space<hbm>>
      tpu.enqueue_dma source(%dma_start3A_110 : memref<32xi32, #tpu.memory_space<hbm>>) target(%arg30 : memref<32xi32, #tpu.memory_space<vmem>>) target_semaphore(%run_scoped3A : memref<!tpu.dma_semaphore, #tpu.memory_space<semaphore_mem>>)
      %dma_wait3A_111 = tpu.memref_slice %arg4[%mul3A_98] : memref<512xi32, #tpu.memory_space<hbm>> -> memref<32xi32, #tpu.memory_space<hbm>>
      %dma_wait3A_112 = tpu.memref_slice %arg4[%mul3A_98] : memref<512xi32, #tpu.memory_space<hbm>> -> memref<32xi32, #tpu.memory_space<hbm>>
      tpu.wait_dma2 semaphore(%run_scoped3A : memref<!tpu.dma_semaphore, #tpu.memory_space<semaphore_mem>>) src(%dma_wait3A_112 : memref<32xi32, #tpu.memory_space<hbm>>) dst(%arg30 : memref<32xi32, #tpu.memory_space<vmem>>)
      tpu.yield
    }) : () -> ()
    %dma_start3A_99 = arith.constant 0 : i32
    %dma_start3A_100 = arith.constant 0 : i32
    %dma_start3A_101 = tpu.memref_slice %arg9[%dma_start3A_99, %dma_start3A_100] : memref<10240x128xf32, #tpu.memory_space<vmem_shared>> -> memref<10240x128xf32, #tpu.memory_space<vmem_shared>>
    tpu.enqueue_indirect_dma source(%dma_start3A_101 : memref<10240x128xf32, #tpu.memory_space<vmem_shared>>) target(%arg31 : memref<32x128xf32, #tpu.memory_space<vmem>>) offsets(%arg30 : memref<32xi32, #tpu.memory_space<vmem>>) semaphore(%arg18 : memref<!tpu.dma_semaphore, #tpu.memory_space<semaphore_mem>>)
    %dma_wait3A_102 = arith.constant 0 : i32
    %dma_wait3A_103 = arith.constant 0 : i32
    %dma_wait3A_104 = tpu.memref_slice %arg9[%dma_wait3A_102, %dma_wait3A_103] : memref<10240x128xf32, #tpu.memory_space<vmem_shared>> -> memref<10240x128xf32, #tpu.memory_space<vmem_shared>>
    tpu.wait_indirect_dma semaphore(%arg18 : memref<!tpu.dma_semaphore, #tpu.memory_space<semaphore_mem>>) src(%dma_wait3A_104 : memref<10240x128xf32, #tpu.memory_space<vmem_shared>>) dst(%arg31 : memref<32x128xf32, #tpu.memory_space<vmem>>)
    %mul3A_105 = arith.constant 32 : i32
    %mul3A_106 = arith.muli %arg1, %mul3A_105 : i32
    "tpu.region"() ({
      %run_scoped3A = tpu.sem_alloc : memref<!tpu.dma_semaphore, #tpu.memory_space<semaphore_mem>>
      %dma_start3A_109 = arith.constant 0 : i32
      %dma_start3A_110 = tpu.memref_slice %arg6[%arg0, %mul3A_106, %dma_start3A_109] : memref<2x512x128xf32, #tpu.memory_space<hbm>> -> memref<1x32x128xf32, #tpu.memory_space<hbm>>
      %dma_start3A_111 = tpu.memref_squeeze %dma_start3A_110 : memref<1x32x128xf32, #tpu.memory_space<hbm>> -> memref<32x128xf32, #tpu.memory_space<hbm>>
      %dma_start3A_112 = arith.constant 0 : i32
      %dma_start3A_113 = tpu.memref_slice %arg6[%arg0, %mul3A_106, %dma_start3A_112] : memref<2x512x128xf32, #tpu.memory_space<hbm>> -> memref<1x32x128xf32, #tpu.memory_space<hbm>>
      %dma_start3A_114 = tpu.memref_squeeze %dma_start3A_113 : memref<1x32x128xf32, #tpu.memory_space<hbm>> -> memref<32x128xf32, #tpu.memory_space<hbm>>
      tpu.enqueue_dma source(%arg31 : memref<32x128xf32, #tpu.memory_space<vmem>>) target(%dma_start3A_114 : memref<32x128xf32, #tpu.memory_space<hbm>>) target_semaphore(%run_scoped3A : memref<!tpu.dma_semaphore, #tpu.memory_space<semaphore_mem>>)
      %dma_wait3A_115 = arith.constant 0 : i32
      %dma_wait3A_116 = tpu.memref_slice %arg6[%arg0, %mul3A_106, %dma_wait3A_115] : memref<2x512x128xf32, #tpu.memory_space<hbm>> -> memref<1x32x128xf32, #tpu.memory_space<hbm>>
      %dma_wait3A_117 = tpu.memref_squeeze %dma_wait3A_116 : memref<1x32x128xf32, #tpu.memory_space<hbm>> -> memref<32x128xf32, #tpu.memory_space<hbm>>
      %dma_wait3A_118 = arith.constant 0 : i32
      %dma_wait3A_119 = tpu.memref_slice %arg6[%arg0, %mul3A_106, %dma_wait3A_118] : memref<2x512x128xf32, #tpu.memory_space<hbm>> -> memref<1x32x128xf32, #tpu.memory_space<hbm>>
      %dma_wait3A_120 = tpu.memref_squeeze %dma_wait3A_119 : memref<1x32x128xf32, #tpu.memory_space<hbm>> -> memref<32x128xf32, #tpu.memory_space<hbm>>
      tpu.wait_dma2 semaphore(%run_scoped3A : memref<!tpu.dma_semaphore, #tpu.memory_space<semaphore_mem>>) src(%arg31 : memref<32x128xf32, #tpu.memory_space<vmem>>) dst(%dma_wait3A_120 : memref<32x128xf32, #tpu.memory_space<hbm>>)
      tpu.yield
    }) : () -> ()
    %eq3A = arith.constant 0 : i32
    %eq3A_107 = arith.cmpi eq, %arg0, %eq3A : i32
    %convert_element_type3A = arith.extui %eq3A_107 : i1 to i32
    %cond3A = arith.constant 0 : i32
    %cond3A_108 = arith.cmpi ne, %convert_element_type3A, %cond3A : i32
    scf.if %cond3A_108 {
      %dma_start3A_109 = arith.constant 0 : i32
      %dma_start3A_110 = arith.constant 0 : i32
      %dma_start3A_111 = tpu.memref_slice %arg2[%dma_start3A_109, %dma_start3A_110] : memref<10000x128xf32, #tpu.memory_space<hbm>> -> memref<10000x128xf32, #tpu.memory_space<hbm>>
      tpu.enqueue_indirect_dma source(%dma_start3A_111 : memref<10000x128xf32, #tpu.memory_space<hbm>>) target(%arg31 : memref<32x128xf32, #tpu.memory_space<vmem>>) offsets(%arg30 : memref<32xi32, #tpu.memory_space<vmem>>) semaphore(%arg18 : memref<!tpu.dma_semaphore, #tpu.memory_space<semaphore_mem>>)
      %dma_wait3A_112 = arith.constant 0 : i32
      %dma_wait3A_113 = arith.constant 0 : i32
      %dma_wait3A_114 = tpu.memref_slice %arg2[%dma_wait3A_112, %dma_wait3A_113] : memref<10000x128xf32, #tpu.memory_space<hbm>> -> memref<10000x128xf32, #tpu.memory_space<hbm>>
      tpu.wait_indirect_dma semaphore(%arg18 : memref<!tpu.dma_semaphore, #tpu.memory_space<semaphore_mem>>) src(%dma_wait3A_114 : memref<10000x128xf32, #tpu.memory_space<hbm>>) dst(%arg31 : memref<32x128xf32, #tpu.memory_space<vmem>>)
      %mul3A_115 = arith.constant 32 : i32
      %mul3A_116 = arith.muli %arg1, %mul3A_115 : i32
      "tpu.region"() ({
        %run_scoped3A = tpu.sem_alloc : memref<!tpu.dma_semaphore, #tpu.memory_space<semaphore_mem>>
        %dma_start3A_123 = arith.constant 0 : i32
        %dma_start3A_124 = tpu.memref_slice %arg7[%mul3A_116, %dma_start3A_123] : memref<512x128xf32, #tpu.memory_space<hbm>> -> memref<32x128xf32, #tpu.memory_space<hbm>>
        %dma_start3A_125 = arith.constant 0 : i32
        %dma_start3A_126 = tpu.memref_slice %arg7[%mul3A_116, %dma_start3A_125] : memref<512x128xf32, #tpu.memory_space<hbm>> -> memref<32x128xf32, #tpu.memory_space<hbm>>
        tpu.enqueue_dma source(%arg31 : memref<32x128xf32, #tpu.memory_space<vmem>>) target(%dma_start3A_126 : memref<32x128xf32, #tpu.memory_space<hbm>>) target_semaphore(%run_scoped3A : memref<!tpu.dma_semaphore, #tpu.memory_space<semaphore_mem>>)
        %dma_wait3A_127 = arith.constant 0 : i32
        %dma_wait3A_128 = tpu.memref_slice %arg7[%mul3A_116, %dma_wait3A_127] : memref<512x128xf32, #tpu.memory_space<hbm>> -> memref<32x128xf32, #tpu.memory_space<hbm>>
        %dma_wait3A_129 = arith.constant 0 : i32
        %dma_wait3A_130 = tpu.memref_slice %arg7[%mul3A_116, %dma_wait3A_129] : memref<512x128xf32, #tpu.memory_space<hbm>> -> memref<32x128xf32, #tpu.memory_space<hbm>>
        tpu.wait_dma2 semaphore(%run_scoped3A : memref<!tpu.dma_semaphore, #tpu.memory_space<semaphore_mem>>) src(%arg31 : memref<32x128xf32, #tpu.memory_space<vmem>>) dst(%dma_wait3A_130 : memref<32x128xf32, #tpu.memory_space<hbm>>)
        tpu.yield
      }) : () -> ()
      %dma_start3A_117 = arith.constant 0 : i32
      %dma_start3A_118 = tpu.memref_slice %arg5[%dma_start3A_117] : memref<10000xf32, #tpu.memory_space<hbm>> -> memref<10000xf32, #tpu.memory_space<hbm>>
      tpu.enqueue_indirect_dma source(%dma_start3A_118 : memref<10000xf32, #tpu.memory_space<hbm>>) target(%arg32 : memref<32xf32, #tpu.memory_space<vmem>>) offsets(%arg30 : memref<32xi32, #tpu.memory_space<vmem>>) semaphore(%arg18 : memref<!tpu.dma_semaphore, #tpu.memory_space<semaphore_mem>>)
      %dma_wait3A_119 = arith.constant 0 : i32
      %dma_wait3A_120 = tpu.memref_slice %arg5[%dma_wait3A_119] : memref<10000xf32, #tpu.memory_space<hbm>> -> memref<10000xf32, #tpu.memory_space<hbm>>
      tpu.wait_indirect_dma semaphore(%arg18 : memref<!tpu.dma_semaphore, #tpu.memory_space<semaphore_mem>>) src(%dma_wait3A_120 : memref<10000xf32, #tpu.memory_space<hbm>>) dst(%arg32 : memref<32xf32, #tpu.memory_space<vmem>>)
      %mul3A_121 = arith.constant 32 : i32
      %mul3A_122 = arith.muli %arg1, %mul3A_121 : i32
      "tpu.region"() ({
        %run_scoped3A = tpu.sem_alloc : memref<!tpu.dma_semaphore, #tpu.memory_space<semaphore_mem>>
        %dma_start3A_123 = tpu.memref_slice %arg8[%mul3A_122] : memref<512xf32, #tpu.memory_space<hbm>> -> memref<32xf32, #tpu.memory_space<hbm>>
        %dma_start3A_124 = tpu.memref_slice %arg8[%mul3A_122] : memref<512xf32, #tpu.memory_space<hbm>> -> memref<32xf32, #tpu.memory_space<hbm>>
        tpu.enqueue_dma source(%arg32 : memref<32xf32, #tpu.memory_space<vmem>>) target(%dma_start3A_124 : memref<32xf32, #tpu.memory_space<hbm>>) target_semaphore(%run_scoped3A : memref<!tpu.dma_semaphore, #tpu.memory_space<semaphore_mem>>)
        %dma_wait3A_125 = tpu.memref_slice %arg8[%mul3A_122] : memref<512xf32, #tpu.memory_space<hbm>> -> memref<32xf32, #tpu.memory_space<hbm>>
        %dma_wait3A_126 = tpu.memref_slice %arg8[%mul3A_122] : memref<512xf32, #tpu.memory_space<hbm>> -> memref<32xf32, #tpu.memory_space<hbm>>
        tpu.wait_dma2 semaphore(%run_scoped3A : memref<!tpu.dma_semaphore, #tpu.memory_space<semaphore_mem>>) src(%arg32 : memref<32xf32, #tpu.memory_space<vmem>>) dst(%dma_wait3A_126 : memref<32xf32, #tpu.memory_space<hbm>>)
        tpu.yield
      }) : () -> ()
    } else {
    }
    return
  }
}

#map = affine_map<(d0, d1) -> (0, 0)>
#map1 = affine_map<(d0, d1) -> (0, 0, 0, 0)>
#map2 = affine_map<(d0, d1) -> (0, 0, 0)>
module attributes {stable_mosaic.version = 14 : i64} {
  func.func @body(%arg0: i32, %arg1: i32, %arg2: memref<10000x128xf32, #tpu.memory_space<hbm>>, %arg3: memref<32x50x10x40xi32, #tpu.memory_space<hbm>>, %arg4: memref<2x10240x128xf32, #tpu.memory_space<hbm>>, %arg5: memref<10240x128xf32, #tpu.memory_space<vmem_shared>>, %arg6: memref<64x128xf32, #tpu.memory_space<vmem>>, %arg7: memref<10x40xi32, #tpu.memory_space<vmem>>, %arg8: memref<10x40xi32, #tpu.memory_space<vmem>>, %arg9: memref<40x128xf32, #tpu.memory_space<vmem>>, %arg10: memref<40x128xf32, #tpu.memory_space<vmem>>, %arg11: memref<40x128xf32, #tpu.memory_space<vmem>>, %arg12: memref<40x128xf32, #tpu.memory_space<vmem>>, %arg13: memref<40x128xf32, #tpu.memory_space<vmem>>, %arg14: memref<!tpu.dma_semaphore, #tpu.memory_space<semaphore_mem>>, %arg15: memref<!tpu.dma_semaphore, #tpu.memory_space<semaphore_mem>>, %arg16: memref<!tpu.dma_semaphore, #tpu.memory_space<semaphore_mem>>, %arg17: memref<!tpu.dma_semaphore, #tpu.memory_space<semaphore_mem>>, %arg18: memref<!tpu.dma_semaphore, #tpu.memory_space<semaphore_mem>>, %arg19: memref<!tpu.dma_semaphore, #tpu.memory_space<semaphore_mem>>, %arg20: memref<!tpu.dma_semaphore, #tpu.memory_space<semaphore_mem>>, %arg21: memref<!tpu.dma_semaphore, #tpu.memory_space<semaphore_mem>>, %arg22: memref<!tpu.dma_semaphore, #tpu.memory_space<semaphore_mem>>, %arg23: memref<!tpu.dma_semaphore, #tpu.memory_space<semaphore_mem>>, %arg24: memref<!tpu.dma_semaphore, #tpu.memory_space<semaphore_mem>>, %arg25: memref<!tpu.dma_semaphore, #tpu.memory_space<semaphore_mem>>) attributes {dimension_semantics = [#tpu.dimension_semantics<core_parallel>, #tpu.dimension_semantics<subcore_parallel>], iteration_bounds = array<i64: 2, 16>, scalar_prefetch = 0 : i64, scratch_operands = 21 : i64, tpu.core_type = #tpu.core_type<sc_vector_subcore>, window_params = [{transform_indices = #map}, {transform_indices = #map1}, {transform_indices = #map2}]} {
    %mul3A = arith.constant 16 : i32
    %mul3A_0 = arith.muli %arg0, %mul3A : i32
    %add3A = arith.addi %mul3A_0, %arg1 : i32
    %scan3A = arith.constant 0 : i32
    %scan3A_1 = arith.constant 0 : i32
    %scan3A_2 = arith.constant 512 : i32
    %scan3A_3 = arith.addi %scan3A_1, %scan3A_2 : i32
    %scan3A_4 = arith.constant 1 : i32
    %scan3A_5 = scf.for %scan3A_101 = %scan3A_1 to %scan3A_3 step %scan3A_4 iter_args(%scan3A_102 = %scan3A) -> (i32)  : i32 {
      %broadcast_in_dim3A = arith.constant 0.000000e+00 : f32
      %broadcast_in_dim3A_103 = vector.broadcast %broadcast_in_dim3A : f32 to vector<16xf32>
      %shift_right_arithmetic3A = arith.constant 3 : i32
      %shift_right_arithmetic3A_104 = arith.shrsi %scan3A_101, %shift_right_arithmetic3A : i32
      %and3A = arith.constant 7 : i32
      %and3A_105 = arith.andi %scan3A_101, %and3A : i32
      %mul3A_106 = arith.constant 16 : i32
      %mul3A_107 = arith.muli %and3A_105, %mul3A_106 : i32
      %swap3A = arith.index_cast %shift_right_arithmetic3A_104 : i32 to index
      %swap3A_108 = arith.index_cast %mul3A_107 : i32 to index
      %swap3A_109 = tpu.vector_load %arg6[%swap3A, %swap3A_108] {strides = array<i32>} : memref<64x128xf32, #tpu.memory_space<vmem>>, vector<1x16xf32>,
      %swap3A_110 = vector.shape_cast %swap3A_109 : vector<1x16xf32> to vector<16xf32>
      %swap3A_111 = vector.shape_cast %broadcast_in_dim3A_103 : vector<16xf32> to vector<1x16xf32>
      tpu.vector_store %arg6[%swap3A, %swap3A_108], %swap3A_111 {strides = array<i32>} : memref<64x128xf32, #tpu.memory_space<vmem>>, vector<1x16xf32>,
      %scan3A_112 = arith.constant 0 : i32
      scf.yield %scan3A_112 : i32
    }
    %scan3A_6 = arith.constant 512 : i32
    %mul3A_7 = arith.constant 640 : i32
    %mul3A_8 = arith.muli %arg1, %mul3A_7 : i32
    %add3A_9 = arith.constant 0 : i32
    %add3A_10 = arith.addi %mul3A_8, %add3A_9 : i32
    "tpu.region"() ({
      %run_scoped3A = tpu.sem_alloc : memref<!tpu.dma_semaphore, #tpu.memory_space<semaphore_mem>>
      %dma_start3A_101 = arith.constant 0 : i32
      %dma_start3A_102 = tpu.memref_slice %arg5[%add3A_10, %dma_start3A_101] : memref<10240x128xf32, #tpu.memory_space<vmem_shared>> -> memref<64x128xf32, #tpu.memory_space<vmem_shared>>
      %dma_start3A_103 = arith.constant 0 : i32
      %dma_start3A_104 = tpu.memref_slice %arg5[%add3A_10, %dma_start3A_103] : memref<10240x128xf32, #tpu.memory_space<vmem_shared>> -> memref<64x128xf32, #tpu.memory_space<vmem_shared>>
      tpu.enqueue_dma source(%arg6 : memref<64x128xf32, #tpu.memory_space<vmem>>) target(%dma_start3A_104 : memref<64x128xf32, #tpu.memory_space<vmem_shared>>) target_semaphore(%run_scoped3A : memref<!tpu.dma_semaphore, #tpu.memory_space<semaphore_mem>>)
      %dma_wait3A_105 = arith.constant 0 : i32
      %dma_wait3A_106 = tpu.memref_slice %arg5[%add3A_10, %dma_wait3A_105] : memref<10240x128xf32, #tpu.memory_space<vmem_shared>> -> memref<64x128xf32, #tpu.memory_space<vmem_shared>>
      %dma_wait3A_107 = arith.constant 0 : i32
      %dma_wait3A_108 = tpu.memref_slice %arg5[%add3A_10, %dma_wait3A_107] : memref<10240x128xf32, #tpu.memory_space<vmem_shared>> -> memref<64x128xf32, #tpu.memory_space<vmem_shared>>
      tpu.wait_dma2 semaphore(%run_scoped3A : memref<!tpu.dma_semaphore, #tpu.memory_space<semaphore_mem>>) src(%arg6 : memref<64x128xf32, #tpu.memory_space<vmem>>) dst(%dma_wait3A_108 : memref<64x128xf32, #tpu.memory_space<vmem_shared>>)
      tpu.yield
    }) : () -> ()
    %mul3A_11 = arith.constant 640 : i32
    %mul3A_12 = arith.muli %arg1, %mul3A_11 : i32
    %add3A_13 = arith.constant 64 : i32
    %add3A_14 = arith.addi %mul3A_12, %add3A_13 : i32
    "tpu.region"() ({
      %run_scoped3A = tpu.sem_alloc : memref<!tpu.dma_semaphore, #tpu.memory_space<semaphore_mem>>
      %dma_start3A_101 = arith.constant 0 : i32
      %dma_start3A_102 = tpu.memref_slice %arg5[%add3A_14, %dma_start3A_101] : memref<10240x128xf32, #tpu.memory_space<vmem_shared>> -> memref<64x128xf32, #tpu.memory_space<vmem_shared>>
      %dma_start3A_103 = arith.constant 0 : i32
      %dma_start3A_104 = tpu.memref_slice %arg5[%add3A_14, %dma_start3A_103] : memref<10240x128xf32, #tpu.memory_space<vmem_shared>> -> memref<64x128xf32, #tpu.memory_space<vmem_shared>>
      tpu.enqueue_dma source(%arg6 : memref<64x128xf32, #tpu.memory_space<vmem>>) target(%dma_start3A_104 : memref<64x128xf32, #tpu.memory_space<vmem_shared>>) target_semaphore(%run_scoped3A : memref<!tpu.dma_semaphore, #tpu.memory_space<semaphore_mem>>)
      %dma_wait3A_105 = arith.constant 0 : i32
      %dma_wait3A_106 = tpu.memref_slice %arg5[%add3A_14, %dma_wait3A_105] : memref<10240x128xf32, #tpu.memory_space<vmem_shared>> -> memref<64x128xf32, #tpu.memory_space<vmem_shared>>
      %dma_wait3A_107 = arith.constant 0 : i32
      %dma_wait3A_108 = tpu.memref_slice %arg5[%add3A_14, %dma_wait3A_107] : memref<10240x128xf32, #tpu.memory_space<vmem_shared>> -> memref<64x128xf32, #tpu.memory_space<vmem_shared>>
      tpu.wait_dma2 semaphore(%run_scoped3A : memref<!tpu.dma_semaphore, #tpu.memory_space<semaphore_mem>>) src(%arg6 : memref<64x128xf32, #tpu.memory_space<vmem>>) dst(%dma_wait3A_108 : memref<64x128xf32, #tpu.memory_space<vmem_shared>>)
      tpu.yield
    }) : () -> ()
    %mul3A_15 = arith.constant 640 : i32
    %mul3A_16 = arith.muli %arg1, %mul3A_15 : i32
    %add3A_17 = arith.constant 128 : i32
    %add3A_18 = arith.addi %mul3A_16, %add3A_17 : i32
    "tpu.region"() ({
      %run_scoped3A = tpu.sem_alloc : memref<!tpu.dma_semaphore, #tpu.memory_space<semaphore_mem>>
      %dma_start3A_101 = arith.constant 0 : i32
      %dma_start3A_102 = tpu.memref_slice %arg5[%add3A_18, %dma_start3A_101] : memref<10240x128xf32, #tpu.memory_space<vmem_shared>> -> memref<64x128xf32, #tpu.memory_space<vmem_shared>>
      %dma_start3A_103 = arith.constant 0 : i32
      %dma_start3A_104 = tpu.memref_slice %arg5[%add3A_18, %dma_start3A_103] : memref<10240x128xf32, #tpu.memory_space<vmem_shared>> -> memref<64x128xf32, #tpu.memory_space<vmem_shared>>
      tpu.enqueue_dma source(%arg6 : memref<64x128xf32, #tpu.memory_space<vmem>>) target(%dma_start3A_104 : memref<64x128xf32, #tpu.memory_space<vmem_shared>>) target_semaphore(%run_scoped3A : memref<!tpu.dma_semaphore, #tpu.memory_space<semaphore_mem>>)
      %dma_wait3A_105 = arith.constant 0 : i32
      %dma_wait3A_106 = tpu.memref_slice %arg5[%add3A_18, %dma_wait3A_105] : memref<10240x128xf32, #tpu.memory_space<vmem_shared>> -> memref<64x128xf32, #tpu.memory_space<vmem_shared>>
      %dma_wait3A_107 = arith.constant 0 : i32
      %dma_wait3A_108 = tpu.memref_slice %arg5[%add3A_18, %dma_wait3A_107] : memref<10240x128xf32, #tpu.memory_space<vmem_shared>> -> memref<64x128xf32, #tpu.memory_space<vmem_shared>>
      tpu.wait_dma2 semaphore(%run_scoped3A : memref<!tpu.dma_semaphore, #tpu.memory_space<semaphore_mem>>) src(%arg6 : memref<64x128xf32, #tpu.memory_space<vmem>>) dst(%dma_wait3A_108 : memref<64x128xf32, #tpu.memory_space<vmem_shared>>)
      tpu.yield
    }) : () -> ()
    %mul3A_19 = arith.constant 640 : i32
    %mul3A_20 = arith.muli %arg1, %mul3A_19 : i32
    %add3A_21 = arith.constant 192 : i32
    %add3A_22 = arith.addi %mul3A_20, %add3A_21 : i32
    "tpu.region"() ({
      %run_scoped3A = tpu.sem_alloc : memref<!tpu.dma_semaphore, #tpu.memory_space<semaphore_mem>>
      %dma_start3A_101 = arith.constant 0 : i32
      %dma_start3A_102 = tpu.memref_slice %arg5[%add3A_22, %dma_start3A_101] : memref<10240x128xf32, #tpu.memory_space<vmem_shared>> -> memref<64x128xf32, #tpu.memory_space<vmem_shared>>
      %dma_start3A_103 = arith.constant 0 : i32
      %dma_start3A_104 = tpu.memref_slice %arg5[%add3A_22, %dma_start3A_103] : memref<10240x128xf32, #tpu.memory_space<vmem_shared>> -> memref<64x128xf32, #tpu.memory_space<vmem_shared>>
      tpu.enqueue_dma source(%arg6 : memref<64x128xf32, #tpu.memory_space<vmem>>) target(%dma_start3A_104 : memref<64x128xf32, #tpu.memory_space<vmem_shared>>) target_semaphore(%run_scoped3A : memref<!tpu.dma_semaphore, #tpu.memory_space<semaphore_mem>>)
      %dma_wait3A_105 = arith.constant 0 : i32
      %dma_wait3A_106 = tpu.memref_slice %arg5[%add3A_22, %dma_wait3A_105] : memref<10240x128xf32, #tpu.memory_space<vmem_shared>> -> memref<64x128xf32, #tpu.memory_space<vmem_shared>>
      %dma_wait3A_107 = arith.constant 0 : i32
      %dma_wait3A_108 = tpu.memref_slice %arg5[%add3A_22, %dma_wait3A_107] : memref<10240x128xf32, #tpu.memory_space<vmem_shared>> -> memref<64x128xf32, #tpu.memory_space<vmem_shared>>
      tpu.wait_dma2 semaphore(%run_scoped3A : memref<!tpu.dma_semaphore, #tpu.memory_space<semaphore_mem>>) src(%arg6 : memref<64x128xf32, #tpu.memory_space<vmem>>) dst(%dma_wait3A_108 : memref<64x128xf32, #tpu.memory_space<vmem_shared>>)
      tpu.yield
    }) : () -> ()
    %mul3A_23 = arith.constant 640 : i32
    %mul3A_24 = arith.muli %arg1, %mul3A_23 : i32
    %add3A_25 = arith.constant 256 : i32
    %add3A_26 = arith.addi %mul3A_24, %add3A_25 : i32
    "tpu.region"() ({
      %run_scoped3A = tpu.sem_alloc : memref<!tpu.dma_semaphore, #tpu.memory_space<semaphore_mem>>
      %dma_start3A_101 = arith.constant 0 : i32
      %dma_start3A_102 = tpu.memref_slice %arg5[%add3A_26, %dma_start3A_101] : memref<10240x128xf32, #tpu.memory_space<vmem_shared>> -> memref<64x128xf32, #tpu.memory_space<vmem_shared>>
      %dma_start3A_103 = arith.constant 0 : i32
      %dma_start3A_104 = tpu.memref_slice %arg5[%add3A_26, %dma_start3A_103] : memref<10240x128xf32, #tpu.memory_space<vmem_shared>> -> memref<64x128xf32, #tpu.memory_space<vmem_shared>>
      tpu.enqueue_dma source(%arg6 : memref<64x128xf32, #tpu.memory_space<vmem>>) target(%dma_start3A_104 : memref<64x128xf32, #tpu.memory_space<vmem_shared>>) target_semaphore(%run_scoped3A : memref<!tpu.dma_semaphore, #tpu.memory_space<semaphore_mem>>)
      %dma_wait3A_105 = arith.constant 0 : i32
      %dma_wait3A_106 = tpu.memref_slice %arg5[%add3A_26, %dma_wait3A_105] : memref<10240x128xf32, #tpu.memory_space<vmem_shared>> -> memref<64x128xf32, #tpu.memory_space<vmem_shared>>
      %dma_wait3A_107 = arith.constant 0 : i32
      %dma_wait3A_108 = tpu.memref_slice %arg5[%add3A_26, %dma_wait3A_107] : memref<10240x128xf32, #tpu.memory_space<vmem_shared>> -> memref<64x128xf32, #tpu.memory_space<vmem_shared>>
      tpu.wait_dma2 semaphore(%run_scoped3A : memref<!tpu.dma_semaphore, #tpu.memory_space<semaphore_mem>>) src(%arg6 : memref<64x128xf32, #tpu.memory_space<vmem>>) dst(%dma_wait3A_108 : memref<64x128xf32, #tpu.memory_space<vmem_shared>>)
      tpu.yield
    }) : () -> ()
    %mul3A_27 = arith.constant 640 : i32
    %mul3A_28 = arith.muli %arg1, %mul3A_27 : i32
    %add3A_29 = arith.constant 320 : i32
    %add3A_30 = arith.addi %mul3A_28, %add3A_29 : i32
    "tpu.region"() ({
      %run_scoped3A = tpu.sem_alloc : memref<!tpu.dma_semaphore, #tpu.memory_space<semaphore_mem>>
      %dma_start3A_101 = arith.constant 0 : i32
      %dma_start3A_102 = tpu.memref_slice %arg5[%add3A_30, %dma_start3A_101] : memref<10240x128xf32, #tpu.memory_space<vmem_shared>> -> memref<64x128xf32, #tpu.memory_space<vmem_shared>>
      %dma_start3A_103 = arith.constant 0 : i32
      %dma_start3A_104 = tpu.memref_slice %arg5[%add3A_30, %dma_start3A_103] : memref<10240x128xf32, #tpu.memory_space<vmem_shared>> -> memref<64x128xf32, #tpu.memory_space<vmem_shared>>
      tpu.enqueue_dma source(%arg6 : memref<64x128xf32, #tpu.memory_space<vmem>>) target(%dma_start3A_104 : memref<64x128xf32, #tpu.memory_space<vmem_shared>>) target_semaphore(%run_scoped3A : memref<!tpu.dma_semaphore, #tpu.memory_space<semaphore_mem>>)
      %dma_wait3A_105 = arith.constant 0 : i32
      %dma_wait3A_106 = tpu.memref_slice %arg5[%add3A_30, %dma_wait3A_105] : memref<10240x128xf32, #tpu.memory_space<vmem_shared>> -> memref<64x128xf32, #tpu.memory_space<vmem_shared>>
      %dma_wait3A_107 = arith.constant 0 : i32
      %dma_wait3A_108 = tpu.memref_slice %arg5[%add3A_30, %dma_wait3A_107] : memref<10240x128xf32, #tpu.memory_space<vmem_shared>> -> memref<64x128xf32, #tpu.memory_space<vmem_shared>>
      tpu.wait_dma2 semaphore(%run_scoped3A : memref<!tpu.dma_semaphore, #tpu.memory_space<semaphore_mem>>) src(%arg6 : memref<64x128xf32, #tpu.memory_space<vmem>>) dst(%dma_wait3A_108 : memref<64x128xf32, #tpu.memory_space<vmem_shared>>)
      tpu.yield
    }) : () -> ()
    %mul3A_31 = arith.constant 640 : i32
    %mul3A_32 = arith.muli %arg1, %mul3A_31 : i32
    %add3A_33 = arith.constant 384 : i32
    %add3A_34 = arith.addi %mul3A_32, %add3A_33 : i32
    "tpu.region"() ({
      %run_scoped3A = tpu.sem_alloc : memref<!tpu.dma_semaphore, #tpu.memory_space<semaphore_mem>>
      %dma_start3A_101 = arith.constant 0 : i32
      %dma_start3A_102 = tpu.memref_slice %arg5[%add3A_34, %dma_start3A_101] : memref<10240x128xf32, #tpu.memory_space<vmem_shared>> -> memref<64x128xf32, #tpu.memory_space<vmem_shared>>
      %dma_start3A_103 = arith.constant 0 : i32
      %dma_start3A_104 = tpu.memref_slice %arg5[%add3A_34, %dma_start3A_103] : memref<10240x128xf32, #tpu.memory_space<vmem_shared>> -> memref<64x128xf32, #tpu.memory_space<vmem_shared>>
      tpu.enqueue_dma source(%arg6 : memref<64x128xf32, #tpu.memory_space<vmem>>) target(%dma_start3A_104 : memref<64x128xf32, #tpu.memory_space<vmem_shared>>) target_semaphore(%run_scoped3A : memref<!tpu.dma_semaphore, #tpu.memory_space<semaphore_mem>>)
      %dma_wait3A_105 = arith.constant 0 : i32
      %dma_wait3A_106 = tpu.memref_slice %arg5[%add3A_34, %dma_wait3A_105] : memref<10240x128xf32, #tpu.memory_space<vmem_shared>> -> memref<64x128xf32, #tpu.memory_space<vmem_shared>>
      %dma_wait3A_107 = arith.constant 0 : i32
      %dma_wait3A_108 = tpu.memref_slice %arg5[%add3A_34, %dma_wait3A_107] : memref<10240x128xf32, #tpu.memory_space<vmem_shared>> -> memref<64x128xf32, #tpu.memory_space<vmem_shared>>
      tpu.wait_dma2 semaphore(%run_scoped3A : memref<!tpu.dma_semaphore, #tpu.memory_space<semaphore_mem>>) src(%arg6 : memref<64x128xf32, #tpu.memory_space<vmem>>) dst(%dma_wait3A_108 : memref<64x128xf32, #tpu.memory_space<vmem_shared>>)
      tpu.yield
    }) : () -> ()
    %mul3A_35 = arith.constant 640 : i32
    %mul3A_36 = arith.muli %arg1, %mul3A_35 : i32
    %add3A_37 = arith.constant 448 : i32
    %add3A_38 = arith.addi %mul3A_36, %add3A_37 : i32
    "tpu.region"() ({
      %run_scoped3A = tpu.sem_alloc : memref<!tpu.dma_semaphore, #tpu.memory_space<semaphore_mem>>
      %dma_start3A_101 = arith.constant 0 : i32
      %dma_start3A_102 = tpu.memref_slice %arg5[%add3A_38, %dma_start3A_101] : memref<10240x128xf32, #tpu.memory_space<vmem_shared>> -> memref<64x128xf32, #tpu.memory_space<vmem_shared>>
      %dma_start3A_103 = arith.constant 0 : i32
      %dma_start3A_104 = tpu.memref_slice %arg5[%add3A_38, %dma_start3A_103] : memref<10240x128xf32, #tpu.memory_space<vmem_shared>> -> memref<64x128xf32, #tpu.memory_space<vmem_shared>>
      tpu.enqueue_dma source(%arg6 : memref<64x128xf32, #tpu.memory_space<vmem>>) target(%dma_start3A_104 : memref<64x128xf32, #tpu.memory_space<vmem_shared>>) target_semaphore(%run_scoped3A : memref<!tpu.dma_semaphore, #tpu.memory_space<semaphore_mem>>)
      %dma_wait3A_105 = arith.constant 0 : i32
      %dma_wait3A_106 = tpu.memref_slice %arg5[%add3A_38, %dma_wait3A_105] : memref<10240x128xf32, #tpu.memory_space<vmem_shared>> -> memref<64x128xf32, #tpu.memory_space<vmem_shared>>
      %dma_wait3A_107 = arith.constant 0 : i32
      %dma_wait3A_108 = tpu.memref_slice %arg5[%add3A_38, %dma_wait3A_107] : memref<10240x128xf32, #tpu.memory_space<vmem_shared>> -> memref<64x128xf32, #tpu.memory_space<vmem_shared>>
      tpu.wait_dma2 semaphore(%run_scoped3A : memref<!tpu.dma_semaphore, #tpu.memory_space<semaphore_mem>>) src(%arg6 : memref<64x128xf32, #tpu.memory_space<vmem>>) dst(%dma_wait3A_108 : memref<64x128xf32, #tpu.memory_space<vmem_shared>>)
      tpu.yield
    }) : () -> ()
    %mul3A_39 = arith.constant 640 : i32
    %mul3A_40 = arith.muli %arg1, %mul3A_39 : i32
    %add3A_41 = arith.constant 512 : i32
    %add3A_42 = arith.addi %mul3A_40, %add3A_41 : i32
    "tpu.region"() ({
      %run_scoped3A = tpu.sem_alloc : memref<!tpu.dma_semaphore, #tpu.memory_space<semaphore_mem>>
      %dma_start3A_101 = arith.constant 0 : i32
      %dma_start3A_102 = tpu.memref_slice %arg5[%add3A_42, %dma_start3A_101] : memref<10240x128xf32, #tpu.memory_space<vmem_shared>> -> memref<64x128xf32, #tpu.memory_space<vmem_shared>>
      %dma_start3A_103 = arith.constant 0 : i32
      %dma_start3A_104 = tpu.memref_slice %arg5[%add3A_42, %dma_start3A_103] : memref<10240x128xf32, #tpu.memory_space<vmem_shared>> -> memref<64x128xf32, #tpu.memory_space<vmem_shared>>
      tpu.enqueue_dma source(%arg6 : memref<64x128xf32, #tpu.memory_space<vmem>>) target(%dma_start3A_104 : memref<64x128xf32, #tpu.memory_space<vmem_shared>>) target_semaphore(%run_scoped3A : memref<!tpu.dma_semaphore, #tpu.memory_space<semaphore_mem>>)
      %dma_wait3A_105 = arith.constant 0 : i32
      %dma_wait3A_106 = tpu.memref_slice %arg5[%add3A_42, %dma_wait3A_105] : memref<10240x128xf32, #tpu.memory_space<vmem_shared>> -> memref<64x128xf32, #tpu.memory_space<vmem_shared>>
      %dma_wait3A_107 = arith.constant 0 : i32
      %dma_wait3A_108 = tpu.memref_slice %arg5[%add3A_42, %dma_wait3A_107] : memref<10240x128xf32, #tpu.memory_space<vmem_shared>> -> memref<64x128xf32, #tpu.memory_space<vmem_shared>>
      tpu.wait_dma2 semaphore(%run_scoped3A : memref<!tpu.dma_semaphore, #tpu.memory_space<semaphore_mem>>) src(%arg6 : memref<64x128xf32, #tpu.memory_space<vmem>>) dst(%dma_wait3A_108 : memref<64x128xf32, #tpu.memory_space<vmem_shared>>)
      tpu.yield
    }) : () -> ()
    %mul3A_43 = arith.constant 640 : i32
    %mul3A_44 = arith.muli %arg1, %mul3A_43 : i32
    %add3A_45 = arith.constant 576 : i32
    %add3A_46 = arith.addi %mul3A_44, %add3A_45 : i32
    "tpu.region"() ({
      %run_scoped3A = tpu.sem_alloc : memref<!tpu.dma_semaphore, #tpu.memory_space<semaphore_mem>>
      %dma_start3A_101 = arith.constant 0 : i32
      %dma_start3A_102 = tpu.memref_slice %arg5[%add3A_46, %dma_start3A_101] : memref<10240x128xf32, #tpu.memory_space<vmem_shared>> -> memref<64x128xf32, #tpu.memory_space<vmem_shared>>
      %dma_start3A_103 = arith.constant 0 : i32
      %dma_start3A_104 = tpu.memref_slice %arg5[%add3A_46, %dma_start3A_103] : memref<10240x128xf32, #tpu.memory_space<vmem_shared>> -> memref<64x128xf32, #tpu.memory_space<vmem_shared>>
      tpu.enqueue_dma source(%arg6 : memref<64x128xf32, #tpu.memory_space<vmem>>) target(%dma_start3A_104 : memref<64x128xf32, #tpu.memory_space<vmem_shared>>) target_semaphore(%run_scoped3A : memref<!tpu.dma_semaphore, #tpu.memory_space<semaphore_mem>>)
      %dma_wait3A_105 = arith.constant 0 : i32
      %dma_wait3A_106 = tpu.memref_slice %arg5[%add3A_46, %dma_wait3A_105] : memref<10240x128xf32, #tpu.memory_space<vmem_shared>> -> memref<64x128xf32, #tpu.memory_space<vmem_shared>>
      %dma_wait3A_107 = arith.constant 0 : i32
      %dma_wait3A_108 = tpu.memref_slice %arg5[%add3A_46, %dma_wait3A_107] : memref<10240x128xf32, #tpu.memory_space<vmem_shared>> -> memref<64x128xf32, #tpu.memory_space<vmem_shared>>
      tpu.wait_dma2 semaphore(%run_scoped3A : memref<!tpu.dma_semaphore, #tpu.memory_space<semaphore_mem>>) src(%arg6 : memref<64x128xf32, #tpu.memory_space<vmem>>) dst(%dma_wait3A_108 : memref<64x128xf32, #tpu.memory_space<vmem_shared>>)
      tpu.yield
    }) : () -> ()
    %barrier3A = arith.constant 0 : index
    tpu.barrier barrier_id(%barrier3A)
    %dma_start3A = arith.constant 0 : i32
    %dma_start3A_47 = arith.constant 0 : i32
    %dma_start3A_48 = arith.constant 0 : i32
    %dma_start3A_49 = tpu.memref_slice %arg3[%add3A, %dma_start3A, %dma_start3A_47, %dma_start3A_48] : memref<32x50x10x40xi32, #tpu.memory_space<hbm>> -> memref<1x1x10x40xi32, #tpu.memory_space<hbm>>
    %dma_start3A_50 = tpu.memref_squeeze %dma_start3A_49 : memref<1x1x10x40xi32, #tpu.memory_space<hbm>> -> memref<10x40xi32, #tpu.memory_space<hbm>>
    %dma_start3A_51 = arith.constant 0 : i32
    %dma_start3A_52 = arith.constant 0 : i32
    %dma_start3A_53 = tpu.memref_slice %arg3[%add3A, %dma_start3A, %dma_start3A_51, %dma_start3A_52] : memref<32x50x10x40xi32, #tpu.memory_space<hbm>> -> memref<1x1x10x40xi32, #tpu.memory_space<hbm>>
    %dma_start3A_54 = tpu.memref_squeeze %dma_start3A_53 : memref<1x1x10x40xi32, #tpu.memory_space<hbm>> -> memref<10x40xi32, #tpu.memory_space<hbm>>
    tpu.enqueue_dma source(%dma_start3A_54 : memref<10x40xi32, #tpu.memory_space<hbm>>) target(%arg7 : memref<10x40xi32, #tpu.memory_space<vmem>>) target_semaphore(%arg24 : memref<!tpu.dma_semaphore, #tpu.memory_space<semaphore_mem>>)
    %scan3A_55 = arith.constant 0 : i32
    %scan3A_56 = arith.constant 0 : i32
    %scan3A_57 = arith.constant 25 : i32
    %scan3A_58 = arith.addi %scan3A_56, %scan3A_57 : i32
    %scan3A_59 = arith.constant 1 : i32
    %scan3A_60 = scf.for %scan3A_101 = %scan3A_56 to %scan3A_58 step %scan3A_59 iter_args(%scan3A_102 = %scan3A_55) -> (i32)  : i32 {
      %mul3A_103 = arith.constant 2 : i32
      %mul3A_104 = arith.muli %mul3A_103, %scan3A_101 : i32
      %add3A_105 = arith.constant 0 : i32
      %add3A_106 = arith.addi %mul3A_104, %add3A_105 : i32
      %dma_wait3A_107 = arith.constant 0 : i32
      %dma_wait3A_108 = arith.constant 0 : i32
      %dma_wait3A_109 = arith.constant 0 : i32
      %dma_wait3A_110 = tpu.memref_slice %arg3[%add3A, %dma_wait3A_107, %dma_wait3A_108, %dma_wait3A_109] : memref<32x50x10x40xi32, #tpu.memory_space<hbm>> -> memref<1x1x10x40xi32, #tpu.memory_space<hbm>>
      %dma_wait3A_111 = tpu.memref_squeeze %dma_wait3A_110 : memref<1x1x10x40xi32, #tpu.memory_space<hbm>> -> memref<10x40xi32, #tpu.memory_space<hbm>>
      %dma_wait3A_112 = arith.constant 0 : i32
      %dma_wait3A_113 = arith.constant 0 : i32
      %dma_wait3A_114 = tpu.memref_slice %arg3[%add3A, %dma_wait3A_107, %dma_wait3A_112, %dma_wait3A_113] : memref<32x50x10x40xi32, #tpu.memory_space<hbm>> -> memref<1x1x10x40xi32, #tpu.memory_space<hbm>>
      %dma_wait3A_115 = tpu.memref_squeeze %dma_wait3A_114 : memref<1x1x10x40xi32, #tpu.memory_space<hbm>> -> memref<10x40xi32, #tpu.memory_space<hbm>>
      tpu.wait_dma2 semaphore(%arg24 : memref<!tpu.dma_semaphore, #tpu.memory_space<semaphore_mem>>) src(%dma_wait3A_115 : memref<10x40xi32, #tpu.memory_space<hbm>>) dst(%arg7 : memref<10x40xi32, #tpu.memory_space<vmem>>)
      %gt3A = arith.constant 0 : i32
      %gt3A_116 = arith.cmpi sgt, %scan3A_101, %gt3A : i32
      %convert_element_type3A = arith.extui %gt3A_116 : i1 to i32
      %cond3A = arith.constant 0 : i32
      %cond3A_117 = arith.cmpi ne, %convert_element_type3A, %cond3A : i32
      scf.if %cond3A_117 {
        %dma_wait3A_411 = arith.constant 5 : i32
        %dma_wait3A_412 = arith.constant 0 : i32
        %dma_wait3A_413 = tpu.memref_slice %arg7[%dma_wait3A_411, %dma_wait3A_412] : memref<10x40xi32, #tpu.memory_space<vmem>> -> memref<1x40xi32, #tpu.memory_space<vmem>>
        %dma_wait3A_414 = tpu.memref_squeeze %dma_wait3A_413 : memref<1x40xi32, #tpu.memory_space<vmem>> -> memref<40xi32, #tpu.memory_space<vmem>>
        %dma_wait3A_415 = arith.constant 0 : i32
        %dma_wait3A_416 = arith.constant 0 : i32
        %dma_wait3A_417 = tpu.memref_slice %arg5[%dma_wait3A_415, %dma_wait3A_416] : memref<10240x128xf32, #tpu.memory_space<vmem_shared>> -> memref<10240x128xf32, #tpu.memory_space<vmem_shared>>
        tpu.wait_indirect_dma semaphore(%arg19 : memref<!tpu.dma_semaphore, #tpu.memory_space<semaphore_mem>>) src(%arg9 : memref<40x128xf32, #tpu.memory_space<vmem>>) dst(%dma_wait3A_417 : memref<10240x128xf32, #tpu.memory_space<vmem_shared>>)
      } else {
      }
      %dma_start3A_118 = arith.constant 0 : i32
      %dma_start3A_119 = arith.constant 0 : i32
      %dma_start3A_120 = tpu.memref_slice %arg7[%dma_start3A_118, %dma_start3A_119] : memref<10x40xi32, #tpu.memory_space<vmem>> -> memref<1x40xi32, #tpu.memory_space<vmem>>
      %dma_start3A_121 = tpu.memref_squeeze %dma_start3A_120 : memref<1x40xi32, #tpu.memory_space<vmem>> -> memref<40xi32, #tpu.memory_space<vmem>>
      %dma_start3A_122 = arith.constant 0 : i32
      %dma_start3A_123 = arith.constant 0 : i32
      %dma_start3A_124 = tpu.memref_slice %arg2[%dma_start3A_122, %dma_start3A_123] : memref<10000x128xf32, #tpu.memory_space<hbm>> -> memref<10000x128xf32, #tpu.memory_space<hbm>>
      tpu.enqueue_indirect_dma source(%dma_start3A_124 : memref<10000x128xf32, #tpu.memory_space<hbm>>) target(%arg9 : memref<40x128xf32, #tpu.memory_space<vmem>>) offsets(%dma_start3A_121 : memref<40xi32, #tpu.memory_space<vmem>>) semaphore(%arg14 : memref<!tpu.dma_semaphore, #tpu.memory_space<semaphore_mem>>)
      %gt3A_125 = arith.constant 0 : i32
      %gt3A_126 = arith.cmpi sgt, %scan3A_101, %gt3A_125 : i32
      %convert_element_type3A_127 = arith.extui %gt3A_126 : i1 to i32
      %cond3A_128 = arith.constant 0 : i32
      %cond3A_129 = arith.cmpi ne, %convert_element_type3A_127, %cond3A_128 : i32
      scf.if %cond3A_129 {
        %dma_wait3A_411 = arith.constant 6 : i32
        %dma_wait3A_412 = arith.constant 0 : i32
        %dma_wait3A_413 = tpu.memref_slice %arg7[%dma_wait3A_411, %dma_wait3A_412] : memref<10x40xi32, #tpu.memory_space<vmem>> -> memref<1x40xi32, #tpu.memory_space<vmem>>
        %dma_wait3A_414 = tpu.memref_squeeze %dma_wait3A_413 : memref<1x40xi32, #tpu.memory_space<vmem>> -> memref<40xi32, #tpu.memory_space<vmem>>
        %dma_wait3A_415 = arith.constant 0 : i32
        %dma_wait3A_416 = arith.constant 0 : i32
        %dma_wait3A_417 = tpu.memref_slice %arg5[%dma_wait3A_415, %dma_wait3A_416] : memref<10240x128xf32, #tpu.memory_space<vmem_shared>> -> memref<10240x128xf32, #tpu.memory_space<vmem_shared>>
        tpu.wait_indirect_dma semaphore(%arg20 : memref<!tpu.dma_semaphore, #tpu.memory_space<semaphore_mem>>) src(%arg10 : memref<40x128xf32, #tpu.memory_space<vmem>>) dst(%dma_wait3A_417 : memref<10240x128xf32, #tpu.memory_space<vmem_shared>>)
      } else {
      }
      %dma_start3A_130 = arith.constant 1 : i32
      %dma_start3A_131 = arith.constant 0 : i32
      %dma_start3A_132 = tpu.memref_slice %arg7[%dma_start3A_130, %dma_start3A_131] : memref<10x40xi32, #tpu.memory_space<vmem>> -> memref<1x40xi32, #tpu.memory_space<vmem>>
      %dma_start3A_133 = tpu.memref_squeeze %dma_start3A_132 : memref<1x40xi32, #tpu.memory_space<vmem>> -> memref<40xi32, #tpu.memory_space<vmem>>
      %dma_start3A_134 = arith.constant 0 : i32
      %dma_start3A_135 = arith.constant 0 : i32
      %dma_start3A_136 = tpu.memref_slice %arg2[%dma_start3A_134, %dma_start3A_135] : memref<10000x128xf32, #tpu.memory_space<hbm>> -> memref<10000x128xf32, #tpu.memory_space<hbm>>
      tpu.enqueue_indirect_dma source(%dma_start3A_136 : memref<10000x128xf32, #tpu.memory_space<hbm>>) target(%arg10 : memref<40x128xf32, #tpu.memory_space<vmem>>) offsets(%dma_start3A_133 : memref<40xi32, #tpu.memory_space<vmem>>) semaphore(%arg15 : memref<!tpu.dma_semaphore, #tpu.memory_space<semaphore_mem>>)
      %gt3A_137 = arith.constant 0 : i32
      %gt3A_138 = arith.cmpi sgt, %scan3A_101, %gt3A_137 : i32
      %convert_element_type3A_139 = arith.extui %gt3A_138 : i1 to i32
      %cond3A_140 = arith.constant 0 : i32
      %cond3A_141 = arith.cmpi ne, %convert_element_type3A_139, %cond3A_140 : i32
      scf.if %cond3A_141 {
        %dma_wait3A_411 = arith.constant 7 : i32
        %dma_wait3A_412 = arith.constant 0 : i32
        %dma_wait3A_413 = tpu.memref_slice %arg7[%dma_wait3A_411, %dma_wait3A_412] : memref<10x40xi32, #tpu.memory_space<vmem>> -> memref<1x40xi32, #tpu.memory_space<vmem>>
        %dma_wait3A_414 = tpu.memref_squeeze %dma_wait3A_413 : memref<1x40xi32, #tpu.memory_space<vmem>> -> memref<40xi32, #tpu.memory_space<vmem>>
        %dma_wait3A_415 = arith.constant 0 : i32
        %dma_wait3A_416 = arith.constant 0 : i32
        %dma_wait3A_417 = tpu.memref_slice %arg5[%dma_wait3A_415, %dma_wait3A_416] : memref<10240x128xf32, #tpu.memory_space<vmem_shared>> -> memref<10240x128xf32, #tpu.memory_space<vmem_shared>>
        tpu.wait_indirect_dma semaphore(%arg21 : memref<!tpu.dma_semaphore, #tpu.memory_space<semaphore_mem>>) src(%arg11 : memref<40x128xf32, #tpu.memory_space<vmem>>) dst(%dma_wait3A_417 : memref<10240x128xf32, #tpu.memory_space<vmem_shared>>)
      } else {
      }
      %dma_start3A_142 = arith.constant 2 : i32
      %dma_start3A_143 = arith.constant 0 : i32
      %dma_start3A_144 = tpu.memref_slice %arg7[%dma_start3A_142, %dma_start3A_143] : memref<10x40xi32, #tpu.memory_space<vmem>> -> memref<1x40xi32, #tpu.memory_space<vmem>>
      %dma_start3A_145 = tpu.memref_squeeze %dma_start3A_144 : memref<1x40xi32, #tpu.memory_space<vmem>> -> memref<40xi32, #tpu.memory_space<vmem>>
      %dma_start3A_146 = arith.constant 0 : i32
      %dma_start3A_147 = arith.constant 0 : i32
      %dma_start3A_148 = tpu.memref_slice %arg2[%dma_start3A_146, %dma_start3A_147] : memref<10000x128xf32, #tpu.memory_space<hbm>> -> memref<10000x128xf32, #tpu.memory_space<hbm>>
      tpu.enqueue_indirect_dma source(%dma_start3A_148 : memref<10000x128xf32, #tpu.memory_space<hbm>>) target(%arg11 : memref<40x128xf32, #tpu.memory_space<vmem>>) offsets(%dma_start3A_145 : memref<40xi32, #tpu.memory_space<vmem>>) semaphore(%arg16 : memref<!tpu.dma_semaphore, #tpu.memory_space<semaphore_mem>>)
      %gt3A_149 = arith.constant 0 : i32
      %gt3A_150 = arith.cmpi sgt, %scan3A_101, %gt3A_149 : i32
      %convert_element_type3A_151 = arith.extui %gt3A_150 : i1 to i32
      %cond3A_152 = arith.constant 0 : i32
      %cond3A_153 = arith.cmpi ne, %convert_element_type3A_151, %cond3A_152 : i32
      scf.if %cond3A_153 {
        %dma_wait3A_411 = arith.constant 8 : i32
        %dma_wait3A_412 = arith.constant 0 : i32
        %dma_wait3A_413 = tpu.memref_slice %arg7[%dma_wait3A_411, %dma_wait3A_412] : memref<10x40xi32, #tpu.memory_space<vmem>> -> memref<1x40xi32, #tpu.memory_space<vmem>>
        %dma_wait3A_414 = tpu.memref_squeeze %dma_wait3A_413 : memref<1x40xi32, #tpu.memory_space<vmem>> -> memref<40xi32, #tpu.memory_space<vmem>>
        %dma_wait3A_415 = arith.constant 0 : i32
        %dma_wait3A_416 = arith.constant 0 : i32
        %dma_wait3A_417 = tpu.memref_slice %arg5[%dma_wait3A_415, %dma_wait3A_416] : memref<10240x128xf32, #tpu.memory_space<vmem_shared>> -> memref<10240x128xf32, #tpu.memory_space<vmem_shared>>
        tpu.wait_indirect_dma semaphore(%arg22 : memref<!tpu.dma_semaphore, #tpu.memory_space<semaphore_mem>>) src(%arg12 : memref<40x128xf32, #tpu.memory_space<vmem>>) dst(%dma_wait3A_417 : memref<10240x128xf32, #tpu.memory_space<vmem_shared>>)
      } else {
      }
      %dma_start3A_154 = arith.constant 3 : i32
      %dma_start3A_155 = arith.constant 0 : i32
      %dma_start3A_156 = tpu.memref_slice %arg7[%dma_start3A_154, %dma_start3A_155] : memref<10x40xi32, #tpu.memory_space<vmem>> -> memref<1x40xi32, #tpu.memory_space<vmem>>
      %dma_start3A_157 = tpu.memref_squeeze %dma_start3A_156 : memref<1x40xi32, #tpu.memory_space<vmem>> -> memref<40xi32, #tpu.memory_space<vmem>>
      %dma_start3A_158 = arith.constant 0 : i32
      %dma_start3A_159 = arith.constant 0 : i32
      %dma_start3A_160 = tpu.memref_slice %arg2[%dma_start3A_158, %dma_start3A_159] : memref<10000x128xf32, #tpu.memory_space<hbm>> -> memref<10000x128xf32, #tpu.memory_space<hbm>>
      tpu.enqueue_indirect_dma source(%dma_start3A_160 : memref<10000x128xf32, #tpu.memory_space<hbm>>) target(%arg12 : memref<40x128xf32, #tpu.memory_space<vmem>>) offsets(%dma_start3A_157 : memref<40xi32, #tpu.memory_space<vmem>>) semaphore(%arg17 : memref<!tpu.dma_semaphore, #tpu.memory_space<semaphore_mem>>)
      %gt3A_161 = arith.constant 0 : i32
      %gt3A_162 = arith.cmpi sgt, %scan3A_101, %gt3A_161 : i32
      %convert_element_type3A_163 = arith.extui %gt3A_162 : i1 to i32
      %cond3A_164 = arith.constant 0 : i32
      %cond3A_165 = arith.cmpi ne, %convert_element_type3A_163, %cond3A_164 : i32
      scf.if %cond3A_165 {
        %dma_wait3A_411 = arith.constant 9 : i32
        %dma_wait3A_412 = arith.constant 0 : i32
        %dma_wait3A_413 = tpu.memref_slice %arg7[%dma_wait3A_411, %dma_wait3A_412] : memref<10x40xi32, #tpu.memory_space<vmem>> -> memref<1x40xi32, #tpu.memory_space<vmem>>
        %dma_wait3A_414 = tpu.memref_squeeze %dma_wait3A_413 : memref<1x40xi32, #tpu.memory_space<vmem>> -> memref<40xi32, #tpu.memory_space<vmem>>
        %dma_wait3A_415 = arith.constant 0 : i32
        %dma_wait3A_416 = arith.constant 0 : i32
        %dma_wait3A_417 = tpu.memref_slice %arg5[%dma_wait3A_415, %dma_wait3A_416] : memref<10240x128xf32, #tpu.memory_space<vmem_shared>> -> memref<10240x128xf32, #tpu.memory_space<vmem_shared>>
        tpu.wait_indirect_dma semaphore(%arg23 : memref<!tpu.dma_semaphore, #tpu.memory_space<semaphore_mem>>) src(%arg13 : memref<40x128xf32, #tpu.memory_space<vmem>>) dst(%dma_wait3A_417 : memref<10240x128xf32, #tpu.memory_space<vmem_shared>>)
      } else {
      }
      %dma_start3A_166 = arith.constant 4 : i32
      %dma_start3A_167 = arith.constant 0 : i32
      %dma_start3A_168 = tpu.memref_slice %arg7[%dma_start3A_166, %dma_start3A_167] : memref<10x40xi32, #tpu.memory_space<vmem>> -> memref<1x40xi32, #tpu.memory_space<vmem>>
      %dma_start3A_169 = tpu.memref_squeeze %dma_start3A_168 : memref<1x40xi32, #tpu.memory_space<vmem>> -> memref<40xi32, #tpu.memory_space<vmem>>
      %dma_start3A_170 = arith.constant 0 : i32
      %dma_start3A_171 = arith.constant 0 : i32
      %dma_start3A_172 = tpu.memref_slice %arg2[%dma_start3A_170, %dma_start3A_171] : memref<10000x128xf32, #tpu.memory_space<hbm>> -> memref<10000x128xf32, #tpu.memory_space<hbm>>
      tpu.enqueue_indirect_dma source(%dma_start3A_172 : memref<10000x128xf32, #tpu.memory_space<hbm>>) target(%arg13 : memref<40x128xf32, #tpu.memory_space<vmem>>) offsets(%dma_start3A_169 : memref<40xi32, #tpu.memory_space<vmem>>) semaphore(%arg18 : memref<!tpu.dma_semaphore, #tpu.memory_space<semaphore_mem>>)
      %add3A_173 = arith.constant 1 : i32
      %add3A_174 = arith.addi %add3A_106, %add3A_173 : i32
      %dma_start3A_175 = arith.constant 0 : i32
      %dma_start3A_176 = arith.constant 0 : i32
      %dma_start3A_177 = tpu.memref_slice %arg3[%add3A, %add3A_174, %dma_start3A_175, %dma_start3A_176] : memref<32x50x10x40xi32, #tpu.memory_space<hbm>> -> memref<1x1x10x40xi32, #tpu.memory_space<hbm>>
      %dma_start3A_178 = tpu.memref_squeeze %dma_start3A_177 : memref<1x1x10x40xi32, #tpu.memory_space<hbm>> -> memref<10x40xi32, #tpu.memory_space<hbm>>
      %dma_start3A_179 = arith.constant 0 : i32
      %dma_start3A_180 = arith.constant 0 : i32
      %dma_start3A_181 = tpu.memref_slice %arg3[%add3A, %add3A_174, %dma_start3A_179, %dma_start3A_180] : memref<32x50x10x40xi32, #tpu.memory_space<hbm>> -> memref<1x1x10x40xi32, #tpu.memory_space<hbm>>
      %dma_start3A_182 = tpu.memref_squeeze %dma_start3A_181 : memref<1x1x10x40xi32, #tpu.memory_space<hbm>> -> memref<10x40xi32, #tpu.memory_space<hbm>>
      tpu.enqueue_dma source(%dma_start3A_182 : memref<10x40xi32, #tpu.memory_space<hbm>>) target(%arg8 : memref<10x40xi32, #tpu.memory_space<vmem>>) target_semaphore(%arg25 : memref<!tpu.dma_semaphore, #tpu.memory_space<semaphore_mem>>)
      %dma_wait3A_183 = arith.constant 0 : i32
      %dma_wait3A_184 = arith.constant 0 : i32
      %dma_wait3A_185 = tpu.memref_slice %arg7[%dma_wait3A_183, %dma_wait3A_184] : memref<10x40xi32, #tpu.memory_space<vmem>> -> memref<1x40xi32, #tpu.memory_space<vmem>>
      %dma_wait3A_186 = tpu.memref_squeeze %dma_wait3A_185 : memref<1x40xi32, #tpu.memory_space<vmem>> -> memref<40xi32, #tpu.memory_space<vmem>>
      %dma_wait3A_187 = arith.constant 0 : i32
      %dma_wait3A_188 = arith.constant 0 : i32
      %dma_wait3A_189 = tpu.memref_slice %arg2[%dma_wait3A_187, %dma_wait3A_188] : memref<10000x128xf32, #tpu.memory_space<hbm>> -> memref<10000x128xf32, #tpu.memory_space<hbm>>
      tpu.wait_indirect_dma semaphore(%arg14 : memref<!tpu.dma_semaphore, #tpu.memory_space<semaphore_mem>>) src(%dma_wait3A_189 : memref<10000x128xf32, #tpu.memory_space<hbm>>) dst(%arg9 : memref<40x128xf32, #tpu.memory_space<vmem>>)
      %dma_start3A_190 = arith.constant 5 : i32
      %dma_start3A_191 = arith.constant 0 : i32
      %dma_start3A_192 = tpu.memref_slice %arg7[%dma_start3A_190, %dma_start3A_191] : memref<10x40xi32, #tpu.memory_space<vmem>> -> memref<1x40xi32, #tpu.memory_space<vmem>>
      %dma_start3A_193 = tpu.memref_squeeze %dma_start3A_192 : memref<1x40xi32, #tpu.memory_space<vmem>> -> memref<40xi32, #tpu.memory_space<vmem>>
      %dma_start3A_194 = arith.constant 0 : i32
      %dma_start3A_195 = arith.constant 0 : i32
      %dma_start3A_196 = tpu.memref_slice %arg5[%dma_start3A_194, %dma_start3A_195] : memref<10240x128xf32, #tpu.memory_space<vmem_shared>> -> memref<10240x128xf32, #tpu.memory_space<vmem_shared>>
      tpu.enqueue_indirect_dma source(%arg9 : memref<40x128xf32, #tpu.memory_space<vmem>>) target(%dma_start3A_196 : memref<10240x128xf32, #tpu.memory_space<vmem_shared>>) offsets(%dma_start3A_193 : memref<40xi32, #tpu.memory_space<vmem>>) semaphore(%arg19 : memref<!tpu.dma_semaphore, #tpu.memory_space<semaphore_mem>>) {add = true}
      %dma_wait3A_197 = arith.constant 1 : i32
      %dma_wait3A_198 = arith.constant 0 : i32
      %dma_wait3A_199 = tpu.memref_slice %arg7[%dma_wait3A_197, %dma_wait3A_198] : memref<10x40xi32, #tpu.memory_space<vmem>> -> memref<1x40xi32, #tpu.memory_space<vmem>>
      %dma_wait3A_200 = tpu.memref_squeeze %dma_wait3A_199 : memref<1x40xi32, #tpu.memory_space<vmem>> -> memref<40xi32, #tpu.memory_space<vmem>>
      %dma_wait3A_201 = arith.constant 0 : i32
      %dma_wait3A_202 = arith.constant 0 : i32
      %dma_wait3A_203 = tpu.memref_slice %arg2[%dma_wait3A_201, %dma_wait3A_202] : memref<10000x128xf32, #tpu.memory_space<hbm>> -> memref<10000x128xf32, #tpu.memory_space<hbm>>
      tpu.wait_indirect_dma semaphore(%arg15 : memref<!tpu.dma_semaphore, #tpu.memory_space<semaphore_mem>>) src(%dma_wait3A_203 : memref<10000x128xf32, #tpu.memory_space<hbm>>) dst(%arg10 : memref<40x128xf32, #tpu.memory_space<vmem>>)
      %dma_start3A_204 = arith.constant 6 : i32
      %dma_start3A_205 = arith.constant 0 : i32
      %dma_start3A_206 = tpu.memref_slice %arg7[%dma_start3A_204, %dma_start3A_205] : memref<10x40xi32, #tpu.memory_space<vmem>> -> memref<1x40xi32, #tpu.memory_space<vmem>>
      %dma_start3A_207 = tpu.memref_squeeze %dma_start3A_206 : memref<1x40xi32, #tpu.memory_space<vmem>> -> memref<40xi32, #tpu.memory_space<vmem>>
      %dma_start3A_208 = arith.constant 0 : i32
      %dma_start3A_209 = arith.constant 0 : i32
      %dma_start3A_210 = tpu.memref_slice %arg5[%dma_start3A_208, %dma_start3A_209] : memref<10240x128xf32, #tpu.memory_space<vmem_shared>> -> memref<10240x128xf32, #tpu.memory_space<vmem_shared>>
      tpu.enqueue_indirect_dma source(%arg10 : memref<40x128xf32, #tpu.memory_space<vmem>>) target(%dma_start3A_210 : memref<10240x128xf32, #tpu.memory_space<vmem_shared>>) offsets(%dma_start3A_207 : memref<40xi32, #tpu.memory_space<vmem>>) semaphore(%arg20 : memref<!tpu.dma_semaphore, #tpu.memory_space<semaphore_mem>>) {add = true}
      %dma_wait3A_211 = arith.constant 2 : i32
      %dma_wait3A_212 = arith.constant 0 : i32
      %dma_wait3A_213 = tpu.memref_slice %arg7[%dma_wait3A_211, %dma_wait3A_212] : memref<10x40xi32, #tpu.memory_space<vmem>> -> memref<1x40xi32, #tpu.memory_space<vmem>>
      %dma_wait3A_214 = tpu.memref_squeeze %dma_wait3A_213 : memref<1x40xi32, #tpu.memory_space<vmem>> -> memref<40xi32, #tpu.memory_space<vmem>>
      %dma_wait3A_215 = arith.constant 0 : i32
      %dma_wait3A_216 = arith.constant 0 : i32
      %dma_wait3A_217 = tpu.memref_slice %arg2[%dma_wait3A_215, %dma_wait3A_216] : memref<10000x128xf32, #tpu.memory_space<hbm>> -> memref<10000x128xf32, #tpu.memory_space<hbm>>
      tpu.wait_indirect_dma semaphore(%arg16 : memref<!tpu.dma_semaphore, #tpu.memory_space<semaphore_mem>>) src(%dma_wait3A_217 : memref<10000x128xf32, #tpu.memory_space<hbm>>) dst(%arg11 : memref<40x128xf32, #tpu.memory_space<vmem>>)
      %dma_start3A_218 = arith.constant 7 : i32
      %dma_start3A_219 = arith.constant 0 : i32
      %dma_start3A_220 = tpu.memref_slice %arg7[%dma_start3A_218, %dma_start3A_219] : memref<10x40xi32, #tpu.memory_space<vmem>> -> memref<1x40xi32, #tpu.memory_space<vmem>>
      %dma_start3A_221 = tpu.memref_squeeze %dma_start3A_220 : memref<1x40xi32, #tpu.memory_space<vmem>> -> memref<40xi32, #tpu.memory_space<vmem>>
      %dma_start3A_222 = arith.constant 0 : i32
      %dma_start3A_223 = arith.constant 0 : i32
      %dma_start3A_224 = tpu.memref_slice %arg5[%dma_start3A_222, %dma_start3A_223] : memref<10240x128xf32, #tpu.memory_space<vmem_shared>> -> memref<10240x128xf32, #tpu.memory_space<vmem_shared>>
      tpu.enqueue_indirect_dma source(%arg11 : memref<40x128xf32, #tpu.memory_space<vmem>>) target(%dma_start3A_224 : memref<10240x128xf32, #tpu.memory_space<vmem_shared>>) offsets(%dma_start3A_221 : memref<40xi32, #tpu.memory_space<vmem>>) semaphore(%arg21 : memref<!tpu.dma_semaphore, #tpu.memory_space<semaphore_mem>>) {add = true}
      %dma_wait3A_225 = arith.constant 3 : i32
      %dma_wait3A_226 = arith.constant 0 : i32
      %dma_wait3A_227 = tpu.memref_slice %arg7[%dma_wait3A_225, %dma_wait3A_226] : memref<10x40xi32, #tpu.memory_space<vmem>> -> memref<1x40xi32, #tpu.memory_space<vmem>>
      %dma_wait3A_228 = tpu.memref_squeeze %dma_wait3A_227 : memref<1x40xi32, #tpu.memory_space<vmem>> -> memref<40xi32, #tpu.memory_space<vmem>>
      %dma_wait3A_229 = arith.constant 0 : i32
      %dma_wait3A_230 = arith.constant 0 : i32
      %dma_wait3A_231 = tpu.memref_slice %arg2[%dma_wait3A_229, %dma_wait3A_230] : memref<10000x128xf32, #tpu.memory_space<hbm>> -> memref<10000x128xf32, #tpu.memory_space<hbm>>
      tpu.wait_indirect_dma semaphore(%arg17 : memref<!tpu.dma_semaphore, #tpu.memory_space<semaphore_mem>>) src(%dma_wait3A_231 : memref<10000x128xf32, #tpu.memory_space<hbm>>) dst(%arg12 : memref<40x128xf32, #tpu.memory_space<vmem>>)
      %dma_start3A_232 = arith.constant 8 : i32
      %dma_start3A_233 = arith.constant 0 : i32
      %dma_start3A_234 = tpu.memref_slice %arg7[%dma_start3A_232, %dma_start3A_233] : memref<10x40xi32, #tpu.memory_space<vmem>> -> memref<1x40xi32, #tpu.memory_space<vmem>>
      %dma_start3A_235 = tpu.memref_squeeze %dma_start3A_234 : memref<1x40xi32, #tpu.memory_space<vmem>> -> memref<40xi32, #tpu.memory_space<vmem>>
      %dma_start3A_236 = arith.constant 0 : i32
      %dma_start3A_237 = arith.constant 0 : i32
      %dma_start3A_238 = tpu.memref_slice %arg5[%dma_start3A_236, %dma_start3A_237] : memref<10240x128xf32, #tpu.memory_space<vmem_shared>> -> memref<10240x128xf32, #tpu.memory_space<vmem_shared>>
      tpu.enqueue_indirect_dma source(%arg12 : memref<40x128xf32, #tpu.memory_space<vmem>>) target(%dma_start3A_238 : memref<10240x128xf32, #tpu.memory_space<vmem_shared>>) offsets(%dma_start3A_235 : memref<40xi32, #tpu.memory_space<vmem>>) semaphore(%arg22 : memref<!tpu.dma_semaphore, #tpu.memory_space<semaphore_mem>>) {add = true}
      %dma_wait3A_239 = arith.constant 4 : i32
      %dma_wait3A_240 = arith.constant 0 : i32
      %dma_wait3A_241 = tpu.memref_slice %arg7[%dma_wait3A_239, %dma_wait3A_240] : memref<10x40xi32, #tpu.memory_space<vmem>> -> memref<1x40xi32, #tpu.memory_space<vmem>>
      %dma_wait3A_242 = tpu.memref_squeeze %dma_wait3A_241 : memref<1x40xi32, #tpu.memory_space<vmem>> -> memref<40xi32, #tpu.memory_space<vmem>>
      %dma_wait3A_243 = arith.constant 0 : i32
      %dma_wait3A_244 = arith.constant 0 : i32
      %dma_wait3A_245 = tpu.memref_slice %arg2[%dma_wait3A_243, %dma_wait3A_244] : memref<10000x128xf32, #tpu.memory_space<hbm>> -> memref<10000x128xf32, #tpu.memory_space<hbm>>
      tpu.wait_indirect_dma semaphore(%arg18 : memref<!tpu.dma_semaphore, #tpu.memory_space<semaphore_mem>>) src(%dma_wait3A_245 : memref<10000x128xf32, #tpu.memory_space<hbm>>) dst(%arg13 : memref<40x128xf32, #tpu.memory_space<vmem>>)
      %dma_start3A_246 = arith.constant 9 : i32
      %dma_start3A_247 = arith.constant 0 : i32
      %dma_start3A_248 = tpu.memref_slice %arg7[%dma_start3A_246, %dma_start3A_247] : memref<10x40xi32, #tpu.memory_space<vmem>> -> memref<1x40xi32, #tpu.memory_space<vmem>>
      %dma_start3A_249 = tpu.memref_squeeze %dma_start3A_248 : memref<1x40xi32, #tpu.memory_space<vmem>> -> memref<40xi32, #tpu.memory_space<vmem>>
      %dma_start3A_250 = arith.constant 0 : i32
      %dma_start3A_251 = arith.constant 0 : i32
      %dma_start3A_252 = tpu.memref_slice %arg5[%dma_start3A_250, %dma_start3A_251] : memref<10240x128xf32, #tpu.memory_space<vmem_shared>> -> memref<10240x128xf32, #tpu.memory_space<vmem_shared>>
      tpu.enqueue_indirect_dma source(%arg13 : memref<40x128xf32, #tpu.memory_space<vmem>>) target(%dma_start3A_252 : memref<10240x128xf32, #tpu.memory_space<vmem_shared>>) offsets(%dma_start3A_249 : memref<40xi32, #tpu.memory_space<vmem>>) semaphore(%arg23 : memref<!tpu.dma_semaphore, #tpu.memory_space<semaphore_mem>>) {add = true}
      %mul3A_253 = arith.constant 2 : i32
      %mul3A_254 = arith.muli %mul3A_253, %scan3A_101 : i32
      %add3A_255 = arith.constant 1 : i32
      %add3A_256 = arith.addi %mul3A_254, %add3A_255 : i32
      %dma_wait3A_257 = arith.constant 0 : i32
      %dma_wait3A_258 = arith.constant 0 : i32
      %dma_wait3A_259 = arith.constant 0 : i32
      %dma_wait3A_260 = tpu.memref_slice %arg3[%add3A, %dma_wait3A_257, %dma_wait3A_258, %dma_wait3A_259] : memref<32x50x10x40xi32, #tpu.memory_space<hbm>> -> memref<1x1x10x40xi32, #tpu.memory_space<hbm>>
      %dma_wait3A_261 = tpu.memref_squeeze %dma_wait3A_260 : memref<1x1x10x40xi32, #tpu.memory_space<hbm>> -> memref<10x40xi32, #tpu.memory_space<hbm>>
      %dma_wait3A_262 = arith.constant 0 : i32
      %dma_wait3A_263 = arith.constant 0 : i32
      %dma_wait3A_264 = tpu.memref_slice %arg3[%add3A, %dma_wait3A_257, %dma_wait3A_262, %dma_wait3A_263] : memref<32x50x10x40xi32, #tpu.memory_space<hbm>> -> memref<1x1x10x40xi32, #tpu.memory_space<hbm>>
      %dma_wait3A_265 = tpu.memref_squeeze %dma_wait3A_264 : memref<1x1x10x40xi32, #tpu.memory_space<hbm>> -> memref<10x40xi32, #tpu.memory_space<hbm>>
      tpu.wait_dma2 semaphore(%arg25 : memref<!tpu.dma_semaphore, #tpu.memory_space<semaphore_mem>>) src(%dma_wait3A_265 : memref<10x40xi32, #tpu.memory_space<hbm>>) dst(%arg8 : memref<10x40xi32, #tpu.memory_space<vmem>>)
      %dma_wait3A_266 = arith.constant 5 : i32
      %dma_wait3A_267 = arith.constant 0 : i32
      %dma_wait3A_268 = tpu.memref_slice %arg8[%dma_wait3A_266, %dma_wait3A_267] : memref<10x40xi32, #tpu.memory_space<vmem>> -> memref<1x40xi32, #tpu.memory_space<vmem>>
      %dma_wait3A_269 = tpu.memref_squeeze %dma_wait3A_268 : memref<1x40xi32, #tpu.memory_space<vmem>> -> memref<40xi32, #tpu.memory_space<vmem>>
      %dma_wait3A_270 = arith.constant 0 : i32
      %dma_wait3A_271 = arith.constant 0 : i32
      %dma_wait3A_272 = tpu.memref_slice %arg5[%dma_wait3A_270, %dma_wait3A_271] : memref<10240x128xf32, #tpu.memory_space<vmem_shared>> -> memref<10240x128xf32, #tpu.memory_space<vmem_shared>>
      tpu.wait_indirect_dma semaphore(%arg19 : memref<!tpu.dma_semaphore, #tpu.memory_space<semaphore_mem>>) src(%arg9 : memref<40x128xf32, #tpu.memory_space<vmem>>) dst(%dma_wait3A_272 : memref<10240x128xf32, #tpu.memory_space<vmem_shared>>)
      %dma_start3A_273 = arith.constant 0 : i32
      %dma_start3A_274 = arith.constant 0 : i32
      %dma_start3A_275 = tpu.memref_slice %arg8[%dma_start3A_273, %dma_start3A_274] : memref<10x40xi32, #tpu.memory_space<vmem>> -> memref<1x40xi32, #tpu.memory_space<vmem>>
      %dma_start3A_276 = tpu.memref_squeeze %dma_start3A_275 : memref<1x40xi32, #tpu.memory_space<vmem>> -> memref<40xi32, #tpu.memory_space<vmem>>
      %dma_start3A_277 = arith.constant 0 : i32
      %dma_start3A_278 = arith.constant 0 : i32
      %dma_start3A_279 = tpu.memref_slice %arg2[%dma_start3A_277, %dma_start3A_278] : memref<10000x128xf32, #tpu.memory_space<hbm>> -> memref<10000x128xf32, #tpu.memory_space<hbm>>
      tpu.enqueue_indirect_dma source(%dma_start3A_279 : memref<10000x128xf32, #tpu.memory_space<hbm>>) target(%arg9 : memref<40x128xf32, #tpu.memory_space<vmem>>) offsets(%dma_start3A_276 : memref<40xi32, #tpu.memory_space<vmem>>) semaphore(%arg14 : memref<!tpu.dma_semaphore, #tpu.memory_space<semaphore_mem>>)
      %dma_wait3A_280 = arith.constant 6 : i32
      %dma_wait3A_281 = arith.constant 0 : i32
      %dma_wait3A_282 = tpu.memref_slice %arg8[%dma_wait3A_280, %dma_wait3A_281] : memref<10x40xi32, #tpu.memory_space<vmem>> -> memref<1x40xi32, #tpu.memory_space<vmem>>
      %dma_wait3A_283 = tpu.memref_squeeze %dma_wait3A_282 : memref<1x40xi32, #tpu.memory_space<vmem>> -> memref<40xi32, #tpu.memory_space<vmem>>
      %dma_wait3A_284 = arith.constant 0 : i32
      %dma_wait3A_285 = arith.constant 0 : i32
      %dma_wait3A_286 = tpu.memref_slice %arg5[%dma_wait3A_284, %dma_wait3A_285] : memref<10240x128xf32, #tpu.memory_space<vmem_shared>> -> memref<10240x128xf32, #tpu.memory_space<vmem_shared>>
      tpu.wait_indirect_dma semaphore(%arg20 : memref<!tpu.dma_semaphore, #tpu.memory_space<semaphore_mem>>) src(%arg10 : memref<40x128xf32, #tpu.memory_space<vmem>>) dst(%dma_wait3A_286 : memref<10240x128xf32, #tpu.memory_space<vmem_shared>>)
      %dma_start3A_287 = arith.constant 1 : i32
      %dma_start3A_288 = arith.constant 0 : i32
      %dma_start3A_289 = tpu.memref_slice %arg8[%dma_start3A_287, %dma_start3A_288] : memref<10x40xi32, #tpu.memory_space<vmem>> -> memref<1x40xi32, #tpu.memory_space<vmem>>
      %dma_start3A_290 = tpu.memref_squeeze %dma_start3A_289 : memref<1x40xi32, #tpu.memory_space<vmem>> -> memref<40xi32, #tpu.memory_space<vmem>>
      %dma_start3A_291 = arith.constant 0 : i32
      %dma_start3A_292 = arith.constant 0 : i32
      %dma_start3A_293 = tpu.memref_slice %arg2[%dma_start3A_291, %dma_start3A_292] : memref<10000x128xf32, #tpu.memory_space<hbm>> -> memref<10000x128xf32, #tpu.memory_space<hbm>>
      tpu.enqueue_indirect_dma source(%dma_start3A_293 : memref<10000x128xf32, #tpu.memory_space<hbm>>) target(%arg10 : memref<40x128xf32, #tpu.memory_space<vmem>>) offsets(%dma_start3A_290 : memref<40xi32, #tpu.memory_space<vmem>>) semaphore(%arg15 : memref<!tpu.dma_semaphore, #tpu.memory_space<semaphore_mem>>)
      %dma_wait3A_294 = arith.constant 7 : i32
      %dma_wait3A_295 = arith.constant 0 : i32
      %dma_wait3A_296 = tpu.memref_slice %arg8[%dma_wait3A_294, %dma_wait3A_295] : memref<10x40xi32, #tpu.memory_space<vmem>> -> memref<1x40xi32, #tpu.memory_space<vmem>>
      %dma_wait3A_297 = tpu.memref_squeeze %dma_wait3A_296 : memref<1x40xi32, #tpu.memory_space<vmem>> -> memref<40xi32, #tpu.memory_space<vmem>>
      %dma_wait3A_298 = arith.constant 0 : i32
      %dma_wait3A_299 = arith.constant 0 : i32
      %dma_wait3A_300 = tpu.memref_slice %arg5[%dma_wait3A_298, %dma_wait3A_299] : memref<10240x128xf32, #tpu.memory_space<vmem_shared>> -> memref<10240x128xf32, #tpu.memory_space<vmem_shared>>
      tpu.wait_indirect_dma semaphore(%arg21 : memref<!tpu.dma_semaphore, #tpu.memory_space<semaphore_mem>>) src(%arg11 : memref<40x128xf32, #tpu.memory_space<vmem>>) dst(%dma_wait3A_300 : memref<10240x128xf32, #tpu.memory_space<vmem_shared>>)
      %dma_start3A_301 = arith.constant 2 : i32
      %dma_start3A_302 = arith.constant 0 : i32
      %dma_start3A_303 = tpu.memref_slice %arg8[%dma_start3A_301, %dma_start3A_302] : memref<10x40xi32, #tpu.memory_space<vmem>> -> memref<1x40xi32, #tpu.memory_space<vmem>>
      %dma_start3A_304 = tpu.memref_squeeze %dma_start3A_303 : memref<1x40xi32, #tpu.memory_space<vmem>> -> memref<40xi32, #tpu.memory_space<vmem>>
      %dma_start3A_305 = arith.constant 0 : i32
      %dma_start3A_306 = arith.constant 0 : i32
      %dma_start3A_307 = tpu.memref_slice %arg2[%dma_start3A_305, %dma_start3A_306] : memref<10000x128xf32, #tpu.memory_space<hbm>> -> memref<10000x128xf32, #tpu.memory_space<hbm>>
      tpu.enqueue_indirect_dma source(%dma_start3A_307 : memref<10000x128xf32, #tpu.memory_space<hbm>>) target(%arg11 : memref<40x128xf32, #tpu.memory_space<vmem>>) offsets(%dma_start3A_304 : memref<40xi32, #tpu.memory_space<vmem>>) semaphore(%arg16 : memref<!tpu.dma_semaphore, #tpu.memory_space<semaphore_mem>>)
      %dma_wait3A_308 = arith.constant 8 : i32
      %dma_wait3A_309 = arith.constant 0 : i32
      %dma_wait3A_310 = tpu.memref_slice %arg8[%dma_wait3A_308, %dma_wait3A_309] : memref<10x40xi32, #tpu.memory_space<vmem>> -> memref<1x40xi32, #tpu.memory_space<vmem>>
      %dma_wait3A_311 = tpu.memref_squeeze %dma_wait3A_310 : memref<1x40xi32, #tpu.memory_space<vmem>> -> memref<40xi32, #tpu.memory_space<vmem>>
      %dma_wait3A_312 = arith.constant 0 : i32
      %dma_wait3A_313 = arith.constant 0 : i32
      %dma_wait3A_314 = tpu.memref_slice %arg5[%dma_wait3A_312, %dma_wait3A_313] : memref<10240x128xf32, #tpu.memory_space<vmem_shared>> -> memref<10240x128xf32, #tpu.memory_space<vmem_shared>>
      tpu.wait_indirect_dma semaphore(%arg22 : memref<!tpu.dma_semaphore, #tpu.memory_space<semaphore_mem>>) src(%arg12 : memref<40x128xf32, #tpu.memory_space<vmem>>) dst(%dma_wait3A_314 : memref<10240x128xf32, #tpu.memory_space<vmem_shared>>)
      %dma_start3A_315 = arith.constant 3 : i32
      %dma_start3A_316 = arith.constant 0 : i32
      %dma_start3A_317 = tpu.memref_slice %arg8[%dma_start3A_315, %dma_start3A_316] : memref<10x40xi32, #tpu.memory_space<vmem>> -> memref<1x40xi32, #tpu.memory_space<vmem>>
      %dma_start3A_318 = tpu.memref_squeeze %dma_start3A_317 : memref<1x40xi32, #tpu.memory_space<vmem>> -> memref<40xi32, #tpu.memory_space<vmem>>
      %dma_start3A_319 = arith.constant 0 : i32
      %dma_start3A_320 = arith.constant 0 : i32
      %dma_start3A_321 = tpu.memref_slice %arg2[%dma_start3A_319, %dma_start3A_320] : memref<10000x128xf32, #tpu.memory_space<hbm>> -> memref<10000x128xf32, #tpu.memory_space<hbm>>
      tpu.enqueue_indirect_dma source(%dma_start3A_321 : memref<10000x128xf32, #tpu.memory_space<hbm>>) target(%arg12 : memref<40x128xf32, #tpu.memory_space<vmem>>) offsets(%dma_start3A_318 : memref<40xi32, #tpu.memory_space<vmem>>) semaphore(%arg17 : memref<!tpu.dma_semaphore, #tpu.memory_space<semaphore_mem>>)
      %dma_wait3A_322 = arith.constant 9 : i32
      %dma_wait3A_323 = arith.constant 0 : i32
      %dma_wait3A_324 = tpu.memref_slice %arg8[%dma_wait3A_322, %dma_wait3A_323] : memref<10x40xi32, #tpu.memory_space<vmem>> -> memref<1x40xi32, #tpu.memory_space<vmem>>
      %dma_wait3A_325 = tpu.memref_squeeze %dma_wait3A_324 : memref<1x40xi32, #tpu.memory_space<vmem>> -> memref<40xi32, #tpu.memory_space<vmem>>
      %dma_wait3A_326 = arith.constant 0 : i32
      %dma_wait3A_327 = arith.constant 0 : i32
      %dma_wait3A_328 = tpu.memref_slice %arg5[%dma_wait3A_326, %dma_wait3A_327] : memref<10240x128xf32, #tpu.memory_space<vmem_shared>> -> memref<10240x128xf32, #tpu.memory_space<vmem_shared>>
      tpu.wait_indirect_dma semaphore(%arg23 : memref<!tpu.dma_semaphore, #tpu.memory_space<semaphore_mem>>) src(%arg13 : memref<40x128xf32, #tpu.memory_space<vmem>>) dst(%dma_wait3A_328 : memref<10240x128xf32, #tpu.memory_space<vmem_shared>>)
      %dma_start3A_329 = arith.constant 4 : i32
      %dma_start3A_330 = arith.constant 0 : i32
      %dma_start3A_331 = tpu.memref_slice %arg8[%dma_start3A_329, %dma_start3A_330] : memref<10x40xi32, #tpu.memory_space<vmem>> -> memref<1x40xi32, #tpu.memory_space<vmem>>
      %dma_start3A_332 = tpu.memref_squeeze %dma_start3A_331 : memref<1x40xi32, #tpu.memory_space<vmem>> -> memref<40xi32, #tpu.memory_space<vmem>>
      %dma_start3A_333 = arith.constant 0 : i32
      %dma_start3A_334 = arith.constant 0 : i32
      %dma_start3A_335 = tpu.memref_slice %arg2[%dma_start3A_333, %dma_start3A_334] : memref<10000x128xf32, #tpu.memory_space<hbm>> -> memref<10000x128xf32, #tpu.memory_space<hbm>>
      tpu.enqueue_indirect_dma source(%dma_start3A_335 : memref<10000x128xf32, #tpu.memory_space<hbm>>) target(%arg13 : memref<40x128xf32, #tpu.memory_space<vmem>>) offsets(%dma_start3A_332 : memref<40xi32, #tpu.memory_space<vmem>>) semaphore(%arg18 : memref<!tpu.dma_semaphore, #tpu.memory_space<semaphore_mem>>)
      %lt3A = arith.constant 24 : i32
      %lt3A_336 = arith.cmpi slt, %scan3A_101, %lt3A : i32
      %convert_element_type3A_337 = arith.extui %lt3A_336 : i1 to i32
      %cond3A_338 = arith.constant 0 : i32
      %cond3A_339 = arith.cmpi ne, %convert_element_type3A_337, %cond3A_338 : i32
      scf.if %cond3A_339 {
        %add3A_411 = arith.constant 1 : i32
        %add3A_412 = arith.addi %add3A_256, %add3A_411 : i32
        %dma_start3A_413 = arith.constant 0 : i32
        %dma_start3A_414 = arith.constant 0 : i32
        %dma_start3A_415 = tpu.memref_slice %arg3[%add3A, %add3A_412, %dma_start3A_413, %dma_start3A_414] : memref<32x50x10x40xi32, #tpu.memory_space<hbm>> -> memref<1x1x10x40xi32, #tpu.memory_space<hbm>>
        %dma_start3A_416 = tpu.memref_squeeze %dma_start3A_415 : memref<1x1x10x40xi32, #tpu.memory_space<hbm>> -> memref<10x40xi32, #tpu.memory_space<hbm>>
        %dma_start3A_417 = arith.constant 0 : i32
        %dma_start3A_418 = arith.constant 0 : i32
        %dma_start3A_419 = tpu.memref_slice %arg3[%add3A, %add3A_412, %dma_start3A_417, %dma_start3A_418] : memref<32x50x10x40xi32, #tpu.memory_space<hbm>> -> memref<1x1x10x40xi32, #tpu.memory_space<hbm>>
        %dma_start3A_420 = tpu.memref_squeeze %dma_start3A_419 : memref<1x1x10x40xi32, #tpu.memory_space<hbm>> -> memref<10x40xi32, #tpu.memory_space<hbm>>
        tpu.enqueue_dma source(%dma_start3A_420 : memref<10x40xi32, #tpu.memory_space<hbm>>) target(%arg7 : memref<10x40xi32, #tpu.memory_space<vmem>>) target_semaphore(%arg24 : memref<!tpu.dma_semaphore, #tpu.memory_space<semaphore_mem>>)
      } else {
      }
      %dma_wait3A_340 = arith.constant 0 : i32
      %dma_wait3A_341 = arith.constant 0 : i32
      %dma_wait3A_342 = tpu.memref_slice %arg8[%dma_wait3A_340, %dma_wait3A_341] : memref<10x40xi32, #tpu.memory_space<vmem>> -> memref<1x40xi32, #tpu.memory_space<vmem>>
      %dma_wait3A_343 = tpu.memref_squeeze %dma_wait3A_342 : memref<1x40xi32, #tpu.memory_space<vmem>> -> memref<40xi32, #tpu.memory_space<vmem>>
      %dma_wait3A_344 = arith.constant 0 : i32
      %dma_wait3A_345 = arith.constant 0 : i32
      %dma_wait3A_346 = tpu.memref_slice %arg2[%dma_wait3A_344, %dma_wait3A_345] : memref<10000x128xf32, #tpu.memory_space<hbm>> -> memref<10000x128xf32, #tpu.memory_space<hbm>>
      tpu.wait_indirect_dma semaphore(%arg14 : memref<!tpu.dma_semaphore, #tpu.memory_space<semaphore_mem>>) src(%dma_wait3A_346 : memref<10000x128xf32, #tpu.memory_space<hbm>>) dst(%arg9 : memref<40x128xf32, #tpu.memory_space<vmem>>)
      %dma_start3A_347 = arith.constant 5 : i32
      %dma_start3A_348 = arith.constant 0 : i32
      %dma_start3A_349 = tpu.memref_slice %arg8[%dma_start3A_347, %dma_start3A_348] : memref<10x40xi32, #tpu.memory_space<vmem>> -> memref<1x40xi32, #tpu.memory_space<vmem>>
      %dma_start3A_350 = tpu.memref_squeeze %dma_start3A_349 : memref<1x40xi32, #tpu.memory_space<vmem>> -> memref<40xi32, #tpu.memory_space<vmem>>
      %dma_start3A_351 = arith.constant 0 : i32
      %dma_start3A_352 = arith.constant 0 : i32
      %dma_start3A_353 = tpu.memref_slice %arg5[%dma_start3A_351, %dma_start3A_352] : memref<10240x128xf32, #tpu.memory_space<vmem_shared>> -> memref<10240x128xf32, #tpu.memory_space<vmem_shared>>
      tpu.enqueue_indirect_dma source(%arg9 : memref<40x128xf32, #tpu.memory_space<vmem>>) target(%dma_start3A_353 : memref<10240x128xf32, #tpu.memory_space<vmem_shared>>) offsets(%dma_start3A_350 : memref<40xi32, #tpu.memory_space<vmem>>) semaphore(%arg19 : memref<!tpu.dma_semaphore, #tpu.memory_space<semaphore_mem>>) {add = true}
      %dma_wait3A_354 = arith.constant 1 : i32
      %dma_wait3A_355 = arith.constant 0 : i32
      %dma_wait3A_356 = tpu.memref_slice %arg8[%dma_wait3A_354, %dma_wait3A_355] : memref<10x40xi32, #tpu.memory_space<vmem>> -> memref<1x40xi32, #tpu.memory_space<vmem>>
      %dma_wait3A_357 = tpu.memref_squeeze %dma_wait3A_356 : memref<1x40xi32, #tpu.memory_space<vmem>> -> memref<40xi32, #tpu.memory_space<vmem>>
      %dma_wait3A_358 = arith.constant 0 : i32
      %dma_wait3A_359 = arith.constant 0 : i32
      %dma_wait3A_360 = tpu.memref_slice %arg2[%dma_wait3A_358, %dma_wait3A_359] : memref<10000x128xf32, #tpu.memory_space<hbm>> -> memref<10000x128xf32, #tpu.memory_space<hbm>>
      tpu.wait_indirect_dma semaphore(%arg15 : memref<!tpu.dma_semaphore, #tpu.memory_space<semaphore_mem>>) src(%dma_wait3A_360 : memref<10000x128xf32, #tpu.memory_space<hbm>>) dst(%arg10 : memref<40x128xf32, #tpu.memory_space<vmem>>)
      %dma_start3A_361 = arith.constant 6 : i32
      %dma_start3A_362 = arith.constant 0 : i32
      %dma_start3A_363 = tpu.memref_slice %arg8[%dma_start3A_361, %dma_start3A_362] : memref<10x40xi32, #tpu.memory_space<vmem>> -> memref<1x40xi32, #tpu.memory_space<vmem>>
      %dma_start3A_364 = tpu.memref_squeeze %dma_start3A_363 : memref<1x40xi32, #tpu.memory_space<vmem>> -> memref<40xi32, #tpu.memory_space<vmem>>
      %dma_start3A_365 = arith.constant 0 : i32
      %dma_start3A_366 = arith.constant 0 : i32
      %dma_start3A_367 = tpu.memref_slice %arg5[%dma_start3A_365, %dma_start3A_366] : memref<10240x128xf32, #tpu.memory_space<vmem_shared>> -> memref<10240x128xf32, #tpu.memory_space<vmem_shared>>
      tpu.enqueue_indirect_dma source(%arg10 : memref<40x128xf32, #tpu.memory_space<vmem>>) target(%dma_start3A_367 : memref<10240x128xf32, #tpu.memory_space<vmem_shared>>) offsets(%dma_start3A_364 : memref<40xi32, #tpu.memory_space<vmem>>) semaphore(%arg20 : memref<!tpu.dma_semaphore, #tpu.memory_space<semaphore_mem>>) {add = true}
      %dma_wait3A_368 = arith.constant 2 : i32
      %dma_wait3A_369 = arith.constant 0 : i32
      %dma_wait3A_370 = tpu.memref_slice %arg8[%dma_wait3A_368, %dma_wait3A_369] : memref<10x40xi32, #tpu.memory_space<vmem>> -> memref<1x40xi32, #tpu.memory_space<vmem>>
      %dma_wait3A_371 = tpu.memref_squeeze %dma_wait3A_370 : memref<1x40xi32, #tpu.memory_space<vmem>> -> memref<40xi32, #tpu.memory_space<vmem>>
      %dma_wait3A_372 = arith.constant 0 : i32
      %dma_wait3A_373 = arith.constant 0 : i32
      %dma_wait3A_374 = tpu.memref_slice %arg2[%dma_wait3A_372, %dma_wait3A_373] : memref<10000x128xf32, #tpu.memory_space<hbm>> -> memref<10000x128xf32, #tpu.memory_space<hbm>>
      tpu.wait_indirect_dma semaphore(%arg16 : memref<!tpu.dma_semaphore, #tpu.memory_space<semaphore_mem>>) src(%dma_wait3A_374 : memref<10000x128xf32, #tpu.memory_space<hbm>>) dst(%arg11 : memref<40x128xf32, #tpu.memory_space<vmem>>)
      %dma_start3A_375 = arith.constant 7 : i32
      %dma_start3A_376 = arith.constant 0 : i32
      %dma_start3A_377 = tpu.memref_slice %arg8[%dma_start3A_375, %dma_start3A_376] : memref<10x40xi32, #tpu.memory_space<vmem>> -> memref<1x40xi32, #tpu.memory_space<vmem>>
      %dma_start3A_378 = tpu.memref_squeeze %dma_start3A_377 : memref<1x40xi32, #tpu.memory_space<vmem>> -> memref<40xi32, #tpu.memory_space<vmem>>
      %dma_start3A_379 = arith.constant 0 : i32
      %dma_start3A_380 = arith.constant 0 : i32
      %dma_start3A_381 = tpu.memref_slice %arg5[%dma_start3A_379, %dma_start3A_380] : memref<10240x128xf32, #tpu.memory_space<vmem_shared>> -> memref<10240x128xf32, #tpu.memory_space<vmem_shared>>
      tpu.enqueue_indirect_dma source(%arg11 : memref<40x128xf32, #tpu.memory_space<vmem>>) target(%dma_start3A_381 : memref<10240x128xf32, #tpu.memory_space<vmem_shared>>) offsets(%dma_start3A_378 : memref<40xi32, #tpu.memory_space<vmem>>) semaphore(%arg21 : memref<!tpu.dma_semaphore, #tpu.memory_space<semaphore_mem>>) {add = true}
      %dma_wait3A_382 = arith.constant 3 : i32
      %dma_wait3A_383 = arith.constant 0 : i32
      %dma_wait3A_384 = tpu.memref_slice %arg8[%dma_wait3A_382, %dma_wait3A_383] : memref<10x40xi32, #tpu.memory_space<vmem>> -> memref<1x40xi32, #tpu.memory_space<vmem>>
      %dma_wait3A_385 = tpu.memref_squeeze %dma_wait3A_384 : memref<1x40xi32, #tpu.memory_space<vmem>> -> memref<40xi32, #tpu.memory_space<vmem>>
      %dma_wait3A_386 = arith.constant 0 : i32
      %dma_wait3A_387 = arith.constant 0 : i32
      %dma_wait3A_388 = tpu.memref_slice %arg2[%dma_wait3A_386, %dma_wait3A_387] : memref<10000x128xf32, #tpu.memory_space<hbm>> -> memref<10000x128xf32, #tpu.memory_space<hbm>>
      tpu.wait_indirect_dma semaphore(%arg17 : memref<!tpu.dma_semaphore, #tpu.memory_space<semaphore_mem>>) src(%dma_wait3A_388 : memref<10000x128xf32, #tpu.memory_space<hbm>>) dst(%arg12 : memref<40x128xf32, #tpu.memory_space<vmem>>)
      %dma_start3A_389 = arith.constant 8 : i32
      %dma_start3A_390 = arith.constant 0 : i32
      %dma_start3A_391 = tpu.memref_slice %arg8[%dma_start3A_389, %dma_start3A_390] : memref<10x40xi32, #tpu.memory_space<vmem>> -> memref<1x40xi32, #tpu.memory_space<vmem>>
      %dma_start3A_392 = tpu.memref_squeeze %dma_start3A_391 : memref<1x40xi32, #tpu.memory_space<vmem>> -> memref<40xi32, #tpu.memory_space<vmem>>
      %dma_start3A_393 = arith.constant 0 : i32
      %dma_start3A_394 = arith.constant 0 : i32
      %dma_start3A_395 = tpu.memref_slice %arg5[%dma_start3A_393, %dma_start3A_394] : memref<10240x128xf32, #tpu.memory_space<vmem_shared>> -> memref<10240x128xf32, #tpu.memory_space<vmem_shared>>
      tpu.enqueue_indirect_dma source(%arg12 : memref<40x128xf32, #tpu.memory_space<vmem>>) target(%dma_start3A_395 : memref<10240x128xf32, #tpu.memory_space<vmem_shared>>) offsets(%dma_start3A_392 : memref<40xi32, #tpu.memory_space<vmem>>) semaphore(%arg22 : memref<!tpu.dma_semaphore, #tpu.memory_space<semaphore_mem>>) {add = true}
      %dma_wait3A_396 = arith.constant 4 : i32
      %dma_wait3A_397 = arith.constant 0 : i32
      %dma_wait3A_398 = tpu.memref_slice %arg8[%dma_wait3A_396, %dma_wait3A_397] : memref<10x40xi32, #tpu.memory_space<vmem>> -> memref<1x40xi32, #tpu.memory_space<vmem>>
      %dma_wait3A_399 = tpu.memref_squeeze %dma_wait3A_398 : memref<1x40xi32, #tpu.memory_space<vmem>> -> memref<40xi32, #tpu.memory_space<vmem>>
      %dma_wait3A_400 = arith.constant 0 : i32
      %dma_wait3A_401 = arith.constant 0 : i32
      %dma_wait3A_402 = tpu.memref_slice %arg2[%dma_wait3A_400, %dma_wait3A_401] : memref<10000x128xf32, #tpu.memory_space<hbm>> -> memref<10000x128xf32, #tpu.memory_space<hbm>>
      tpu.wait_indirect_dma semaphore(%arg18 : memref<!tpu.dma_semaphore, #tpu.memory_space<semaphore_mem>>) src(%dma_wait3A_402 : memref<10000x128xf32, #tpu.memory_space<hbm>>) dst(%arg13 : memref<40x128xf32, #tpu.memory_space<vmem>>)
      %dma_start3A_403 = arith.constant 9 : i32
      %dma_start3A_404 = arith.constant 0 : i32
      %dma_start3A_405 = tpu.memref_slice %arg8[%dma_start3A_403, %dma_start3A_404] : memref<10x40xi32, #tpu.memory_space<vmem>> -> memref<1x40xi32, #tpu.memory_space<vmem>>
      %dma_start3A_406 = tpu.memref_squeeze %dma_start3A_405 : memref<1x40xi32, #tpu.memory_space<vmem>> -> memref<40xi32, #tpu.memory_space<vmem>>
      %dma_start3A_407 = arith.constant 0 : i32
      %dma_start3A_408 = arith.constant 0 : i32
      %dma_start3A_409 = tpu.memref_slice %arg5[%dma_start3A_407, %dma_start3A_408] : memref<10240x128xf32, #tpu.memory_space<vmem_shared>> -> memref<10240x128xf32, #tpu.memory_space<vmem_shared>>
      tpu.enqueue_indirect_dma source(%arg13 : memref<40x128xf32, #tpu.memory_space<vmem>>) target(%dma_start3A_409 : memref<10240x128xf32, #tpu.memory_space<vmem_shared>>) offsets(%dma_start3A_406 : memref<40xi32, #tpu.memory_space<vmem>>) semaphore(%arg23 : memref<!tpu.dma_semaphore, #tpu.memory_space<semaphore_mem>>) {add = true}
      %scan3A_410 = arith.constant 0 : i32
      scf.yield %scan3A_410 : i32
    }
    %scan3A_61 = arith.constant 25 : i32
    %dma_wait3A = arith.constant 5 : i32
    %dma_wait3A_62 = arith.constant 0 : i32
    %dma_wait3A_63 = tpu.memref_slice %arg8[%dma_wait3A, %dma_wait3A_62] : memref<10x40xi32, #tpu.memory_space<vmem>> -> memref<1x40xi32, #tpu.memory_space<vmem>>
    %dma_wait3A_64 = tpu.memref_squeeze %dma_wait3A_63 : memref<1x40xi32, #tpu.memory_space<vmem>> -> memref<40xi32, #tpu.memory_space<vmem>>
    %dma_wait3A_65 = arith.constant 0 : i32
    %dma_wait3A_66 = arith.constant 0 : i32
    %dma_wait3A_67 = tpu.memref_slice %arg5[%dma_wait3A_65, %dma_wait3A_66] : memref<10240x128xf32, #tpu.memory_space<vmem_shared>> -> memref<10240x128xf32, #tpu.memory_space<vmem_shared>>
    tpu.wait_indirect_dma semaphore(%arg19 : memref<!tpu.dma_semaphore, #tpu.memory_space<semaphore_mem>>) src(%arg9 : memref<40x128xf32, #tpu.memory_space<vmem>>) dst(%dma_wait3A_67 : memref<10240x128xf32, #tpu.memory_space<vmem_shared>>)
    %dma_wait3A_68 = arith.constant 6 : i32
    %dma_wait3A_69 = arith.constant 0 : i32
    %dma_wait3A_70 = tpu.memref_slice %arg8[%dma_wait3A_68, %dma_wait3A_69] : memref<10x40xi32, #tpu.memory_space<vmem>> -> memref<1x40xi32, #tpu.memory_space<vmem>>
    %dma_wait3A_71 = tpu.memref_squeeze %dma_wait3A_70 : memref<1x40xi32, #tpu.memory_space<vmem>> -> memref<40xi32, #tpu.memory_space<vmem>>
    %dma_wait3A_72 = arith.constant 0 : i32
    %dma_wait3A_73 = arith.constant 0 : i32
    %dma_wait3A_74 = tpu.memref_slice %arg5[%dma_wait3A_72, %dma_wait3A_73] : memref<10240x128xf32, #tpu.memory_space<vmem_shared>> -> memref<10240x128xf32, #tpu.memory_space<vmem_shared>>
    tpu.wait_indirect_dma semaphore(%arg20 : memref<!tpu.dma_semaphore, #tpu.memory_space<semaphore_mem>>) src(%arg10 : memref<40x128xf32, #tpu.memory_space<vmem>>) dst(%dma_wait3A_74 : memref<10240x128xf32, #tpu.memory_space<vmem_shared>>)
    %dma_wait3A_75 = arith.constant 7 : i32
    %dma_wait3A_76 = arith.constant 0 : i32
    %dma_wait3A_77 = tpu.memref_slice %arg8[%dma_wait3A_75, %dma_wait3A_76] : memref<10x40xi32, #tpu.memory_space<vmem>> -> memref<1x40xi32, #tpu.memory_space<vmem>>
    %dma_wait3A_78 = tpu.memref_squeeze %dma_wait3A_77 : memref<1x40xi32, #tpu.memory_space<vmem>> -> memref<40xi32, #tpu.memory_space<vmem>>
    %dma_wait3A_79 = arith.constant 0 : i32
    %dma_wait3A_80 = arith.constant 0 : i32
    %dma_wait3A_81 = tpu.memref_slice %arg5[%dma_wait3A_79, %dma_wait3A_80] : memref<10240x128xf32, #tpu.memory_space<vmem_shared>> -> memref<10240x128xf32, #tpu.memory_space<vmem_shared>>
    tpu.wait_indirect_dma semaphore(%arg21 : memref<!tpu.dma_semaphore, #tpu.memory_space<semaphore_mem>>) src(%arg11 : memref<40x128xf32, #tpu.memory_space<vmem>>) dst(%dma_wait3A_81 : memref<10240x128xf32, #tpu.memory_space<vmem_shared>>)
    %dma_wait3A_82 = arith.constant 8 : i32
    %dma_wait3A_83 = arith.constant 0 : i32
    %dma_wait3A_84 = tpu.memref_slice %arg8[%dma_wait3A_82, %dma_wait3A_83] : memref<10x40xi32, #tpu.memory_space<vmem>> -> memref<1x40xi32, #tpu.memory_space<vmem>>
    %dma_wait3A_85 = tpu.memref_squeeze %dma_wait3A_84 : memref<1x40xi32, #tpu.memory_space<vmem>> -> memref<40xi32, #tpu.memory_space<vmem>>
    %dma_wait3A_86 = arith.constant 0 : i32
    %dma_wait3A_87 = arith.constant 0 : i32
    %dma_wait3A_88 = tpu.memref_slice %arg5[%dma_wait3A_86, %dma_wait3A_87] : memref<10240x128xf32, #tpu.memory_space<vmem_shared>> -> memref<10240x128xf32, #tpu.memory_space<vmem_shared>>
    tpu.wait_indirect_dma semaphore(%arg22 : memref<!tpu.dma_semaphore, #tpu.memory_space<semaphore_mem>>) src(%arg12 : memref<40x128xf32, #tpu.memory_space<vmem>>) dst(%dma_wait3A_88 : memref<10240x128xf32, #tpu.memory_space<vmem_shared>>)
    %dma_wait3A_89 = arith.constant 9 : i32
    %dma_wait3A_90 = arith.constant 0 : i32
    %dma_wait3A_91 = tpu.memref_slice %arg8[%dma_wait3A_89, %dma_wait3A_90] : memref<10x40xi32, #tpu.memory_space<vmem>> -> memref<1x40xi32, #tpu.memory_space<vmem>>
    %dma_wait3A_92 = tpu.memref_squeeze %dma_wait3A_91 : memref<1x40xi32, #tpu.memory_space<vmem>> -> memref<40xi32, #tpu.memory_space<vmem>>
    %dma_wait3A_93 = arith.constant 0 : i32
    %dma_wait3A_94 = arith.constant 0 : i32
    %dma_wait3A_95 = tpu.memref_slice %arg5[%dma_wait3A_93, %dma_wait3A_94] : memref<10240x128xf32, #tpu.memory_space<vmem_shared>> -> memref<10240x128xf32, #tpu.memory_space<vmem_shared>>
    tpu.wait_indirect_dma semaphore(%arg23 : memref<!tpu.dma_semaphore, #tpu.memory_space<semaphore_mem>>) src(%arg13 : memref<40x128xf32, #tpu.memory_space<vmem>>) dst(%dma_wait3A_95 : memref<10240x128xf32, #tpu.memory_space<vmem_shared>>)
    %barrier3A_96 = arith.constant 0 : index
    tpu.barrier barrier_id(%barrier3A_96)
    %mul3A_97 = arith.constant 640 : i32
    %mul3A_98 = arith.muli %arg1, %mul3A_97 : i32
    %mul3A_99 = arith.constant 640 : i32
    %mul3A_100 = arith.muli %arg1, %mul3A_99 : i32
    "tpu.region"() ({
      %run_scoped3A = tpu.sem_alloc : memref<!tpu.dma_semaphore, #tpu.memory_space<semaphore_mem>>
      %dma_start3A_101 = arith.constant 0 : i32
      %dma_start3A_102 = tpu.memref_slice %arg4[%arg0, %mul3A_100, %dma_start3A_101] : memref<2x10240x128xf32, #tpu.memory_space<hbm>> -> memref<1x640x128xf32, #tpu.memory_space<hbm>>
      %dma_start3A_103 = tpu.memref_squeeze %dma_start3A_102 : memref<1x640x128xf32, #tpu.memory_space<hbm>> -> memref<640x128xf32, #tpu.memory_space<hbm>>
      %dma_start3A_104 = arith.constant 0 : i32
      %dma_start3A_105 = tpu.memref_slice %arg5[%mul3A_98, %dma_start3A_104] : memref<10240x128xf32, #tpu.memory_space<vmem_shared>> -> memref<640x128xf32, #tpu.memory_space<vmem_shared>>
      tpu.enqueue_dma source(%dma_start3A_105 : memref<640x128xf32, #tpu.memory_space<vmem_shared>>) target(%dma_start3A_103 : memref<640x128xf32, #tpu.memory_space<hbm>>) target_semaphore(%run_scoped3A : memref<!tpu.dma_semaphore, #tpu.memory_space<semaphore_mem>>)
      %dma_wait3A_106 = arith.constant 0 : i32
      %dma_wait3A_107 = tpu.memref_slice %arg4[%arg0, %mul3A_100, %dma_wait3A_106] : memref<2x10240x128xf32, #tpu.memory_space<hbm>> -> memref<1x640x128xf32, #tpu.memory_space<hbm>>
      %dma_wait3A_108 = tpu.memref_squeeze %dma_wait3A_107 : memref<1x640x128xf32, #tpu.memory_space<hbm>> -> memref<640x128xf32, #tpu.memory_space<hbm>>
      %dma_wait3A_109 = arith.constant 0 : i32
      %dma_wait3A_110 = tpu.memref_slice %arg5[%mul3A_98, %dma_wait3A_109] : memref<10240x128xf32, #tpu.memory_space<vmem_shared>> -> memref<640x128xf32, #tpu.memory_space<vmem_shared>>
      tpu.wait_dma2 semaphore(%run_scoped3A : memref<!tpu.dma_semaphore, #tpu.memory_space<semaphore_mem>>) src(%dma_wait3A_110 : memref<640x128xf32, #tpu.memory_space<vmem_shared>>) dst(%dma_wait3A_108 : memref<640x128xf32, #tpu.memory_space<hbm>>)
      tpu.yield
    }) : () -> ()
    return
  }
}

module attributes {stable_mosaic.version = 14 : i64} {
  func.func @_update1_body(%arg0: i32, %arg1: memref<1000x1xi32, #tpu.memory_space<vmem>>, %arg2: memref<1x1000x3xf32, #tpu.memory_space<vmem>>, %arg3: memref<1x1000x3xf32, #tpu.memory_space<vmem>>, %arg4: memref<3x128xf32, #tpu.memory_space<vmem>>, %arg5: memref<1x128xf32, #tpu.memory_space<vmem>>, %arg6: memref<128x128xf32, #tpu.memory_space<vmem>>, %arg7: memref<1x128xf32, #tpu.memory_space<vmem>>, %arg8: memref<1000x128xf32, #tpu.memory_space<vmem>>, %arg9: memref<1000x1xf32, #tpu.memory_space<vmem>>) attributes {dimension_semantics = [#tpu.dimension_semantics<arbitrary>], iteration_bounds = array<i64: 10>, scalar_prefetch = 0 : i64, scratch_operands = 0 : i64, tpu.core_type = #tpu.core_type<tc>, window_params = [{transform_indices = @transform_0, window_bounds = array<i64: 1000, 1>}, {transform_indices = @transform_1, window_bounds = array<i64: 1, 1000, 3>}, {transform_indices = @transform_2, window_bounds = array<i64: 1, 1000, 3>}, {pipeline_mode = #tpu.pipeline_mode<synchronous>, transform_indices = @transform_3, window_bounds = array<i64: 3, 128>}, {pipeline_mode = #tpu.pipeline_mode<synchronous>, transform_indices = @transform_4, window_bounds = array<i64: 1, 128>}, {pipeline_mode = #tpu.pipeline_mode<synchronous>, transform_indices = @transform_5, window_bounds = array<i64: 128, 128>}, {pipeline_mode = #tpu.pipeline_mode<synchronous>, transform_indices = @transform_6, window_bounds = array<i64: 1, 128>}, {transform_indices = @transform_7, window_bounds = array<i64: 1000, 128>}, {transform_indices = @transform_8, window_bounds = array<i64: 1000, 1>}]} {
    %get3A = arith.constant 0 : index
    %get3A_0 = arith.constant 0 : index
    %get3A_1 = vector.load %arg1[%get3A, %get3A_0] : memref<1000x1xi32, #tpu.memory_space<vmem>>, vector<1000x1xi32>
    %eq3A = arith.constant 0 : i32
    %eq3A_2 = vector.broadcast %eq3A : i32 to vector<1000x1xi32>
    %eq3A_3 = arith.cmpi eq, %get3A_1, %eq3A_2 : vector<1000x1xi32>
    %get3A_4 = arith.constant 0 : index
    %get3A_5 = arith.constant 0 : index
    %get3A_6 = vector.load %arg4[%get3A_4, %get3A_5] : memref<3x128xf32, #tpu.memory_space<vmem>>, vector<1x128xf32>
    %eq3A_7 = arith.constant 1 : i32
    %eq3A_8 = vector.broadcast %eq3A_7 : i32 to vector<1000x1xi32>
    %eq3A_9 = arith.cmpi eq, %get3A_1, %eq3A_8 : vector<1000x1xi32>
    %get3A_10 = arith.constant 1 : index
    %get3A_11 = arith.constant 0 : index
    %get3A_12 = vector.load %arg4[%get3A_10, %get3A_11] : memref<3x128xf32, #tpu.memory_space<vmem>>, vector<1x128xf32>
    %get3A_13 = arith.constant 2 : index
    %get3A_14 = arith.constant 0 : index
    %get3A_15 = vector.load %arg4[%get3A_13, %get3A_14] : memref<3x128xf32, #tpu.memory_space<vmem>>, vector<1x128xf32>
    %broadcast_in_dim3A = vector.shape_cast %eq3A_9 : vector<1000x1xi1> to vector<1000x1xi1>
    %broadcast_in_dim3A_16 = vector.broadcast %broadcast_in_dim3A : vector<1000x1xi1> to vector<1000x128xi1>
    %broadcast_in_dim3A_17 = vector.shape_cast %get3A_12 : vector<1x128xf32> to vector<1x128xf32>
    %broadcast_in_dim3A_18 = vector.broadcast %broadcast_in_dim3A_17 : vector<1x128xf32> to vector<1000x128xf32>
    %broadcast_in_dim3A_19 = vector.shape_cast %get3A_15 : vector<1x128xf32> to vector<1x128xf32>
    %broadcast_in_dim3A_20 = vector.broadcast %broadcast_in_dim3A_19 : vector<1x128xf32> to vector<1000x128xf32>
    %select_n3A = arith.select %broadcast_in_dim3A_16, %broadcast_in_dim3A_18, %broadcast_in_dim3A_20 : vector<1000x128xi1>, vector<1000x128xf32>
    %broadcast_in_dim3A_21 = vector.shape_cast %eq3A_3 : vector<1000x1xi1> to vector<1000x1xi1>
    %broadcast_in_dim3A_22 = vector.broadcast %broadcast_in_dim3A_21 : vector<1000x1xi1> to vector<1000x128xi1>
    %broadcast_in_dim3A_23 = vector.shape_cast %get3A_6 : vector<1x128xf32> to vector<1x128xf32>
    %broadcast_in_dim3A_24 = vector.broadcast %broadcast_in_dim3A_23 : vector<1x128xf32> to vector<1000x128xf32>
    %select_n3A_25 = arith.select %broadcast_in_dim3A_22, %broadcast_in_dim3A_24, %select_n3A : vector<1000x128xi1>, vector<1000x128xf32>
    %get3A_26 = arith.constant 0 : index
    %get3A_27 = arith.constant 0 : index
    %get3A_28 = vector.load %arg5[%get3A_26, %get3A_27] : memref<1x128xf32, #tpu.memory_space<vmem>>, vector<1x128xf32>
    %add3A = vector.broadcast %get3A_28 : vector<1x128xf32> to vector<1000x128xf32>
    %add3A_29 = arith.addf %select_n3A_25, %add3A : vector<1000x128xf32>
    %get3A_30 = arith.constant 0 : index
    %get3A_31 = arith.constant 0 : index
    %get3A_32 = arith.constant 0 : index
    %get3A_33 = vector.load %arg2[%get3A_30, %get3A_31, %get3A_32] : memref<1x1000x3xf32, #tpu.memory_space<vmem>>, vector<1x1000x3xf32>
    %get3A_34 = vector.shape_cast %get3A_33 : vector<1x1000x3xf32> to vector<1000x3xf32>
    %get3A_35 = arith.constant 0 : index
    %get3A_36 = arith.constant 0 : index
    %get3A_37 = arith.constant 0 : index
    %get3A_38 = vector.load %arg3[%get3A_35, %get3A_36, %get3A_37] : memref<1x1000x3xf32, #tpu.memory_space<vmem>>, vector<1x1000x3xf32>
    %get3A_39 = vector.shape_cast %get3A_38 : vector<1x1000x3xf32> to vector<1000x3xf32>
    %add3A_40 = arith.addf %get3A_34, %get3A_39 : vector<1000x3xf32>
    %reduce_sum3A = arith.constant dense<0.000000e+00> : vector<1000xf32>
    %reduce_sum3A_41 = vector.multi_reduction <add>, %add3A_40, %reduce_sum3A [1] : vector<1000x3xf32> to vector<1000xf32>
    %broadcast_in_dim3A_42 = vector.shape_cast %reduce_sum3A_41 : vector<1000xf32> to vector<1000x1xf32>
    %get3A_43 = arith.constant 0 : index
    %get3A_44 = arith.constant 0 : index
    %get3A_45 = vector.load %arg4[%get3A_43, %get3A_44] : memref<3x128xf32, #tpu.memory_space<vmem>>, vector<3x128xf32>
    %dot_general3A = arith.constant dense<0.000000e+00> : vector<1000x128xf32>
    %dot_general3A_46 = tpu.matmul %add3A_40, %get3A_45, %dot_general3A {dimension_numbers = #tpu.dot_dimension_numbers<[1], [0], [0], [1], [0, 0, 1, 1], [], []>, transpose_lhs_hint = false} : vector<1000x3xf32>, vector<3x128xf32>, vector<1000x128xf32> -> vector<1000x128xf32>
    %get3A_47 = arith.constant 0 : index
    %get3A_48 = arith.constant 0 : index
    %get3A_49 = vector.load %arg5[%get3A_47, %get3A_48] : memref<1x128xf32, #tpu.memory_space<vmem>>, vector<1x128xf32>
    %mul3A = vector.broadcast %broadcast_in_dim3A_42 : vector<1000x1xf32> to vector<1000x128xf32>
    %mul3A_50 = vector.broadcast %get3A_49 : vector<1x128xf32> to vector<1000x128xf32>
    %mul3A_51 = arith.mulf %mul3A, %mul3A_50 : vector<1000x128xf32>
    %add3A_52 = arith.addf %dot_general3A_46, %mul3A_51 : vector<1000x128xf32>
    %max3A = arith.constant 1.000000e+00 : f32
    %max3A_53 = vector.broadcast %max3A : f32 to vector<1000x1xf32>
    %max3A_54 = arith.maximumf %broadcast_in_dim3A_42, %max3A_53 : vector<1000x1xf32>
    %div3A = vector.broadcast %max3A_54 : vector<1000x1xf32> to vector<1000x128xf32>
    %div3A_55 = arith.divf %add3A_52, %div3A : vector<1000x128xf32>
    %get3A_56 = arith.constant 0 : index
    %get3A_57 = arith.constant 0 : index
    %get3A_58 = vector.load %arg6[%get3A_56, %get3A_57] : memref<128x128xf32, #tpu.memory_space<vmem>>, vector<128x128xf32>
    %dot_general3A_59 = arith.constant dense<0.000000e+00> : vector<1000x128xf32>
    %dot_general3A_60 = tpu.matmul %div3A_55, %get3A_58, %dot_general3A_59 {dimension_numbers = #tpu.dot_dimension_numbers<[1], [0], [0], [1], [0, 0, 1, 1], [], []>, transpose_lhs_hint = false} : vector<1000x128xf32>, vector<128x128xf32>, vector<1000x128xf32> -> vector<1000x128xf32>
    %get3A_61 = arith.constant 0 : index
    %get3A_62 = arith.constant 0 : index
    %get3A_63 = vector.load %arg7[%get3A_61, %get3A_62] : memref<1x128xf32, #tpu.memory_space<vmem>>, vector<1x128xf32>
    %add3A_64 = vector.broadcast %get3A_63 : vector<1x128xf32> to vector<1000x128xf32>
    %add3A_65 = arith.addf %dot_general3A_60, %add3A_64 : vector<1000x128xf32>
    %max3A_66 = arith.constant 0.000000e+00 : f32
    %max3A_67 = vector.broadcast %max3A_66 : f32 to vector<1000x128xf32>
    %max3A_68 = arith.maximumf %add3A_65, %max3A_67 : vector<1000x128xf32>
    %add3A_69 = arith.addf %add3A_29, %max3A_68 : vector<1000x128xf32>
    %swap3A = arith.constant 0 : index
    %swap3A_70 = arith.constant 0 : index
    %swap3A_71 = vector.load %arg8[%swap3A, %swap3A_70] : memref<1000x128xf32, #tpu.memory_space<vmem>>, vector<1000x128xf32>
    tpu.vector_store %arg8[%swap3A, %swap3A_70], %add3A_69 {strides = array<i32>} : memref<1000x128xf32, #tpu.memory_space<vmem>>, vector<1000x128xf32>,
    %swap3A_72 = arith.constant 0 : index
    %swap3A_73 = arith.constant 0 : index
    %swap3A_74 = vector.load %arg9[%swap3A_72, %swap3A_73] : memref<1000x1xf32, #tpu.memory_space<vmem>>, vector<1000x1xf32>
    tpu.vector_store %arg9[%swap3A_72, %swap3A_73], %max3A_54 {strides = array<i32>} : memref<1000x1xf32, #tpu.memory_space<vmem>>, vector<1000x1xf32>,
    return
  }
  func.func @transform_0(%arg0: i32) -> (i32, i32) {
    %c0_i32 = arith.constant 0 : i32
    %c0_i32_0 = arith.constant 0 : i32
    return %arg0, %c0_i32 : i32, i32
  }
  func.func @transform_1(%arg0: i32) -> (i32, i32, i32) {
    %c0_i32 = arith.constant 0 : i32
    %c0_i32_0 = arith.constant 0 : i32
    %c0_i32_1 = arith.constant 0 : i32
    return %c0_i32, %arg0, %c0_i32_0 : i32, i32, i32
  }
  func.func @transform_2(%arg0: i32) -> (i32, i32, i32) {
    %c1_i32 = arith.constant 1 : i32
    %c0_i32 = arith.constant 0 : i32
    %c0_i32_0 = arith.constant 0 : i32
    return %c1_i32, %arg0, %c0_i32 : i32, i32, i32
  }
  func.func @transform_3(%arg0: i32) -> (i32, i32) {
    %c0_i32 = arith.constant 0 : i32
    %c0_i32_0 = arith.constant 0 : i32
    %c0_i32_1 = arith.constant 0 : i32
    return %c0_i32, %c0_i32_0 : i32, i32
  }
  func.func @transform_4(%arg0: i32) -> (i32, i32) {
    %c0_i32 = arith.constant 0 : i32
    %c0_i32_0 = arith.constant 0 : i32
    %c0_i32_1 = arith.constant 0 : i32
    return %c0_i32, %c0_i32_0 : i32, i32
  }
  func.func @transform_5(%arg0: i32) -> (i32, i32) {
    %c0_i32 = arith.constant 0 : i32
    %c0_i32_0 = arith.constant 0 : i32
    %c0_i32_1 = arith.constant 0 : i32
    return %c0_i32, %c0_i32_0 : i32, i32
  }
  func.func @transform_6(%arg0: i32) -> (i32, i32) {
    %c0_i32 = arith.constant 0 : i32
    %c0_i32_0 = arith.constant 0 : i32
    %c0_i32_1 = arith.constant 0 : i32
    return %c0_i32, %c0_i32_0 : i32, i32
  }
  func.func @transform_7(%arg0: i32) -> (i32, i32) {
    %c0_i32 = arith.constant 0 : i32
    %c0_i32_0 = arith.constant 0 : i32
    return %arg0, %c0_i32 : i32, i32
  }
  func.func @transform_8(%arg0: i32) -> (i32, i32) {
    %c0_i32 = arith.constant 0 : i32
    %c0_i32_0 = arith.constant 0 : i32
    return %arg0, %c0_i32 : i32, i32
  }
}

module attributes {stable_mosaic.version = 14 : i64} {
  func.func @_update_body(%arg0: i32, %arg1: memref<1000x128xf32, #tpu.memory_space<vmem>>, %arg2: memref<1x1000x128xf32, #tpu.memory_space<vmem>>, %arg3: memref<1x1000x128xf32, #tpu.memory_space<vmem>>, %arg4: memref<1000x1xf32, #tpu.memory_space<vmem>>, %arg5: memref<128x128xf32, #tpu.memory_space<vmem>>, %arg6: memref<1x128xf32, #tpu.memory_space<vmem>>, %arg7: memref<1000x128xf32, #tpu.memory_space<vmem>>) attributes {dimension_semantics = [#tpu.dimension_semantics<arbitrary>], iteration_bounds = array<i64: 10>, scalar_prefetch = 0 : i64, scratch_operands = 0 : i64, tpu.core_type = #tpu.core_type<tc>, window_params = [{transform_indices = @transform_0, window_bounds = array<i64: 1000, 128>}, {transform_indices = @transform_1, window_bounds = array<i64: 1, 1000, 128>}, {transform_indices = @transform_2, window_bounds = array<i64: 1, 1000, 128>}, {transform_indices = @transform_3, window_bounds = array<i64: 1000, 1>}, {pipeline_mode = #tpu.pipeline_mode<synchronous>, transform_indices = @transform_4, window_bounds = array<i64: 128, 128>}, {pipeline_mode = #tpu.pipeline_mode<synchronous>, transform_indices = @transform_5, window_bounds = array<i64: 1, 128>}, {transform_indices = @transform_6, window_bounds = array<i64: 1000, 128>}]} {
    %get3A = arith.constant 0 : index
    %get3A_0 = arith.constant 0 : index
    %get3A_1 = arith.constant 0 : index
    %get3A_2 = vector.load %arg2[%get3A, %get3A_0, %get3A_1] : memref<1x1000x128xf32, #tpu.memory_space<vmem>>, vector<1x1000x128xf32>
    %get3A_3 = vector.shape_cast %get3A_2 : vector<1x1000x128xf32> to vector<1000x128xf32>
    %get3A_4 = arith.constant 0 : index
    %get3A_5 = arith.constant 0 : index
    %get3A_6 = arith.constant 0 : index
    %get3A_7 = vector.load %arg3[%get3A_4, %get3A_5, %get3A_6] : memref<1x1000x128xf32, #tpu.memory_space<vmem>>, vector<1x1000x128xf32>
    %get3A_8 = vector.shape_cast %get3A_7 : vector<1x1000x128xf32> to vector<1000x128xf32>
    %add3A = arith.addf %get3A_3, %get3A_8 : vector<1000x128xf32>
    %get3A_9 = arith.constant 0 : index
    %get3A_10 = arith.constant 0 : index
    %get3A_11 = vector.load %arg4[%get3A_9, %get3A_10] : memref<1000x1xf32, #tpu.memory_space<vmem>>, vector<1000x1xf32>
    %div3A = vector.broadcast %get3A_11 : vector<1000x1xf32> to vector<1000x128xf32>
    %div3A_12 = arith.divf %add3A, %div3A : vector<1000x128xf32>
    %get3A_13 = arith.constant 0 : index
    %get3A_14 = arith.constant 0 : index
    %get3A_15 = vector.load %arg5[%get3A_13, %get3A_14] : memref<128x128xf32, #tpu.memory_space<vmem>>, vector<128x128xf32>
    %dot_general3A = arith.constant dense<0.000000e+00> : vector<1000x128xf32>
    %dot_general3A_16 = tpu.matmul %div3A_12, %get3A_15, %dot_general3A {dimension_numbers = #tpu.dot_dimension_numbers<[1], [0], [0], [1], [0, 0, 1, 1], [], []>, transpose_lhs_hint = false} : vector<1000x128xf32>, vector<128x128xf32>, vector<1000x128xf32> -> vector<1000x128xf32>
    %get3A_17 = arith.constant 0 : index
    %get3A_18 = arith.constant 0 : index
    %get3A_19 = vector.load %arg6[%get3A_17, %get3A_18] : memref<1x128xf32, #tpu.memory_space<vmem>>, vector<1x128xf32>
    %add3A_20 = vector.broadcast %get3A_19 : vector<1x128xf32> to vector<1000x128xf32>
    %add3A_21 = arith.addf %dot_general3A_16, %add3A_20 : vector<1000x128xf32>
    %get3A_22 = arith.constant 0 : index
    %get3A_23 = arith.constant 0 : index
    %get3A_24 = vector.load %arg1[%get3A_22, %get3A_23] : memref<1000x128xf32, #tpu.memory_space<vmem>>, vector<1000x128xf32>
    %max3A = arith.constant 0.000000e+00 : f32
    %max3A_25 = vector.broadcast %max3A : f32 to vector<1000x128xf32>
    %max3A_26 = arith.maximumf %add3A_21, %max3A_25 : vector<1000x128xf32>
    %add3A_27 = arith.addf %get3A_24, %max3A_26 : vector<1000x128xf32>
    %swap3A = arith.constant 0 : index
    %swap3A_28 = arith.constant 0 : index
    %swap3A_29 = vector.load %arg7[%swap3A, %swap3A_28] : memref<1000x128xf32, #tpu.memory_space<vmem>>, vector<1000x128xf32>
    tpu.vector_store %arg7[%swap3A, %swap3A_28], %add3A_27 {strides = array<i32>} : memref<1000x128xf32, #tpu.memory_space<vmem>>, vector<1000x128xf32>,
    return
  }
  func.func @transform_0(%arg0: i32) -> (i32, i32) {
    %c0_i32 = arith.constant 0 : i32
    %c0_i32_0 = arith.constant 0 : i32
    return %arg0, %c0_i32 : i32, i32
  }
  func.func @transform_1(%arg0: i32) -> (i32, i32, i32) {
    %c0_i32 = arith.constant 0 : i32
    %c0_i32_0 = arith.constant 0 : i32
    %c0_i32_1 = arith.constant 0 : i32
    return %c0_i32, %arg0, %c0_i32_0 : i32, i32, i32
  }
  func.func @transform_2(%arg0: i32) -> (i32, i32, i32) {
    %c1_i32 = arith.constant 1 : i32
    %c0_i32 = arith.constant 0 : i32
    %c0_i32_0 = arith.constant 0 : i32
    return %c1_i32, %arg0, %c0_i32 : i32, i32, i32
  }
  func.func @transform_3(%arg0: i32) -> (i32, i32) {
    %c0_i32 = arith.constant 0 : i32
    %c0_i32_0 = arith.constant 0 : i32
    return %arg0, %c0_i32 : i32, i32
  }
  func.func @transform_4(%arg0: i32) -> (i32, i32) {
    %c0_i32 = arith.constant 0 : i32
    %c0_i32_0 = arith.constant 0 : i32
    %c0_i32_1 = arith.constant 0 : i32
    return %c0_i32, %c0_i32_0 : i32, i32
  }
  func.func @transform_5(%arg0: i32) -> (i32, i32) {
    %c0_i32 = arith.constant 0 : i32
    %c0_i32_0 = arith.constant 0 : i32
    %c0_i32_1 = arith.constant 0 : i32
    return %c0_i32, %c0_i32_0 : i32, i32
  }
  func.func @transform_6(%arg0: i32) -> (i32, i32) {
    %c0_i32 = arith.constant 0 : i32
    %c0_i32_0 = arith.constant 0 : i32
    return %arg0, %c0_i32 : i32, i32
  }
}

module attributes {stable_mosaic.version = 14 : i64} {
  func.func @_policy_body(%arg0: i32, %arg1: memref<512x128xf32, #tpu.memory_space<vmem>>, %arg2: memref<1x512x128xf32, #tpu.memory_space<vmem>>, %arg3: memref<1x512x128xf32, #tpu.memory_space<vmem>>, %arg4: memref<512x1xf32, #tpu.memory_space<vmem>>, %arg5: memref<128x128xf32, #tpu.memory_space<vmem>>, %arg6: memref<1x128xf32, #tpu.memory_space<vmem>>, %arg7: memref<128x128xf32, #tpu.memory_space<vmem>>, %arg8: memref<1x128xf32, #tpu.memory_space<vmem>>, %arg9: memref<1x256xi32, #tpu.memory_space<vmem>>, %arg10: memref<64x64xf32, #tpu.memory_space<vmem>>, %arg11: memref<64x256xf32, #tpu.memory_space<vmem>>, %arg12: memref<1x64xi32, #tpu.memory_space<vmem>>, %arg13: memref<1x64xi32, #tpu.memory_space<vmem>>) attributes {dimension_semantics = [#tpu.dimension_semantics<arbitrary>], iteration_bounds = array<i64: 1>, scalar_prefetch = 0 : i64, scratch_operands = 0 : i64, tpu.core_type = #tpu.core_type<tc>, window_params = [{pipeline_mode = #tpu.pipeline_mode<synchronous>, transform_indices = @transform_0, window_bounds = array<i64: 512, 128>}, {transform_indices = @transform_1, window_bounds = array<i64: 1, 512, 128>}, {transform_indices = @transform_2, window_bounds = array<i64: 1, 512, 128>}, {pipeline_mode = #tpu.pipeline_mode<synchronous>, transform_indices = @transform_3, window_bounds = array<i64: 512, 1>}, {pipeline_mode = #tpu.pipeline_mode<synchronous>, transform_indices = @transform_4, window_bounds = array<i64: 128, 128>}, {pipeline_mode = #tpu.pipeline_mode<synchronous>, transform_indices = @transform_5, window_bounds = array<i64: 1, 128>}, {pipeline_mode = #tpu.pipeline_mode<synchronous>, transform_indices = @transform_6, window_bounds = array<i64: 128, 128>}, {pipeline_mode = #tpu.pipeline_mode<synchronous>, transform_indices = @transform_7, window_bounds = array<i64: 1, 128>}, {pipeline_mode = #tpu.pipeline_mode<synchronous>, transform_indices = @transform_8, window_bounds = array<i64: 1, 256>}, {pipeline_mode = #tpu.pipeline_mode<synchronous>, transform_indices = @transform_9, window_bounds = array<i64: 64, 64>}, {pipeline_mode = #tpu.pipeline_mode<synchronous>, transform_indices = @transform_10, window_bounds = array<i64: 64, 256>}, {pipeline_mode = #tpu.pipeline_mode<synchronous>, transform_indices = @transform_11, window_bounds = array<i64: 1, 64>}, {pipeline_mode = #tpu.pipeline_mode<synchronous>, transform_indices = @transform_12, window_bounds = array<i64: 1, 64>}]} {
    %get3A = arith.constant 0 : index
    %get3A_0 = arith.constant 0 : index
    %get3A_1 = arith.constant 0 : index
    %get3A_2 = vector.load %arg2[%get3A, %get3A_0, %get3A_1] : memref<1x512x128xf32, #tpu.memory_space<vmem>>, vector<1x512x128xf32>
    %get3A_3 = vector.shape_cast %get3A_2 : vector<1x512x128xf32> to vector<512x128xf32>
    %get3A_4 = arith.constant 0 : index
    %get3A_5 = arith.constant 0 : index
    %get3A_6 = arith.constant 0 : index
    %get3A_7 = vector.load %arg3[%get3A_4, %get3A_5, %get3A_6] : memref<1x512x128xf32, #tpu.memory_space<vmem>>, vector<1x512x128xf32>
    %get3A_8 = vector.shape_cast %get3A_7 : vector<1x512x128xf32> to vector<512x128xf32>
    %add3A = arith.addf %get3A_3, %get3A_8 : vector<512x128xf32>
    %get3A_9 = arith.constant 0 : index
    %get3A_10 = arith.constant 0 : index
    %get3A_11 = vector.load %arg4[%get3A_9, %get3A_10] : memref<512x1xf32, #tpu.memory_space<vmem>>, vector<512x1xf32>
    %div3A = vector.broadcast %get3A_11 : vector<512x1xf32> to vector<512x128xf32>
    %div3A_12 = arith.divf %add3A, %div3A : vector<512x128xf32>
    %get3A_13 = arith.constant 0 : index
    %get3A_14 = arith.constant 0 : index
    %get3A_15 = vector.load %arg1[%get3A_13, %get3A_14] : memref<512x128xf32, #tpu.memory_space<vmem>>, vector<512x128xf32>
    %get3A_16 = arith.constant 0 : index
    %get3A_17 = arith.constant 0 : index
    %get3A_18 = vector.load %arg5[%get3A_16, %get3A_17] : memref<128x128xf32, #tpu.memory_space<vmem>>, vector<128x128xf32>
    %dot_general3A = arith.constant dense<0.000000e+00> : vector<512x128xf32>
    %dot_general3A_19 = tpu.matmul %div3A_12, %get3A_18, %dot_general3A {dimension_numbers = #tpu.dot_dimension_numbers<[1], [0], [0], [1], [0, 0, 1, 1], [], []>, transpose_lhs_hint = false} : vector<512x128xf32>, vector<128x128xf32>, vector<512x128xf32> -> vector<512x128xf32>
    %get3A_20 = arith.constant 0 : index
    %get3A_21 = arith.constant 0 : index
    %get3A_22 = vector.load %arg6[%get3A_20, %get3A_21] : memref<1x128xf32, #tpu.memory_space<vmem>>, vector<1x128xf32>
    %add3A_23 = vector.broadcast %get3A_22 : vector<1x128xf32> to vector<512x128xf32>
    %add3A_24 = arith.addf %dot_general3A_19, %add3A_23 : vector<512x128xf32>
    %max3A = arith.constant 0.000000e+00 : f32
    %max3A_25 = vector.broadcast %max3A : f32 to vector<512x128xf32>
    %max3A_26 = arith.maximumf %add3A_24, %max3A_25 : vector<512x128xf32>
    %add3A_27 = arith.addf %get3A_15, %max3A_26 : vector<512x128xf32>
    %slice3A = vector.extract_strided_slice %add3A_27 {offsets = [0, 0], sizes = [64, 128], strides = [1, 1]} : vector<512x128xf32> to vector<64x128xf32>
    %slice3A_28 = vector.extract_strided_slice %add3A_27 {offsets = [64, 0], sizes = [256, 128], strides = [1, 1]} : vector<512x128xf32> to vector<256x128xf32>
    %get3A_29 = arith.constant 0 : index
    %get3A_30 = arith.constant 0 : index
    %get3A_31 = vector.load %arg7[%get3A_29, %get3A_30] : memref<128x128xf32, #tpu.memory_space<vmem>>, vector<128x128xf32>
    %dot_general3A_32 = arith.constant dense<0.000000e+00> : vector<64x128xf32>
    %dot_general3A_33 = tpu.matmul %slice3A, %get3A_31, %dot_general3A_32 {dimension_numbers = #tpu.dot_dimension_numbers<[1], [0], [0], [1], [0, 0, 1, 1], [], []>, transpose_lhs_hint = false} : vector<64x128xf32>, vector<128x128xf32>, vector<64x128xf32> -> vector<64x128xf32>
    %dot_general3A_34 = arith.constant dense<0.000000e+00> : vector<64x256xf32>
    %dot_general3A_35 = tpu.matmul %dot_general3A_33, %slice3A_28, %dot_general3A_34 {dimension_numbers = #tpu.dot_dimension_numbers<[1], [1], [0], [0], [0, 0, 1, 0], [], []>, transpose_lhs_hint = false} : vector<64x128xf32>, vector<256x128xf32>, vector<64x256xf32> -> vector<64x256xf32>
    %reduce_max3A = arith.constant dense<0xFF800000> : vector<64xf32>
    %reduce_max3A_36 = vector.multi_reduction <maximumf>, %dot_general3A_35, %reduce_max3A [1] : vector<64x256xf32> to vector<64xf32>
    %broadcast_in_dim3A = vector.shape_cast %reduce_max3A_36 : vector<64xf32> to vector<64x1xf32>
    %sub3A = vector.broadcast %broadcast_in_dim3A : vector<64x1xf32> to vector<64x256xf32>
    %sub3A_37 = arith.subf %dot_general3A_35, %sub3A : vector<64x256xf32>
    %exp3A = math.exp %sub3A_37 : vector<64x256xf32>
    %reduce_sum3A = arith.constant dense<0.000000e+00> : vector<64xf32>
    %reduce_sum3A_38 = vector.multi_reduction <add>, %exp3A, %reduce_sum3A [1] : vector<64x256xf32> to vector<64xf32>
    %broadcast_in_dim3A_39 = vector.shape_cast %reduce_sum3A_38 : vector<64xf32> to vector<64x1xf32>
    %div3A_40 = vector.broadcast %broadcast_in_dim3A_39 : vector<64x1xf32> to vector<64x256xf32>
    %div3A_41 = arith.divf %exp3A, %div3A_40 : vector<64x256xf32>
    %get3A_42 = arith.constant 0 : index
    %get3A_43 = arith.constant 0 : index
    %get3A_44 = vector.load %arg9[%get3A_42, %get3A_43] : memref<1x256xi32, #tpu.memory_space<vmem>>, vector<1x256xi32>
    %ne3A = arith.constant 0 : i32
    %ne3A_45 = vector.broadcast %ne3A : i32 to vector<1x256xi32>
    %ne3A_46 = arith.cmpi ne, %get3A_44, %ne3A_45 : vector<1x256xi32>
    %jit3A = arith.constant 0.000000e+00 : f32
    %broadcast_in_dim3A_47 = vector.shape_cast %ne3A_46 : vector<1x256xi1> to vector<1x256xi1>
    %broadcast_in_dim3A_48 = vector.broadcast %broadcast_in_dim3A_47 : vector<1x256xi1> to vector<64x256xi1>
    %broadcast_in_dim3A_49 = vector.broadcast %jit3A : f32 to vector<64x256xf32>
    %select_n3A = arith.select %broadcast_in_dim3A_48, %broadcast_in_dim3A_49, %div3A_41 : vector<64x256xi1>, vector<64x256xf32>
    %get3A_50 = arith.constant 0 : index
    %get3A_51 = arith.constant 0 : index
    %get3A_52 = vector.load %arg8[%get3A_50, %get3A_51] : memref<1x128xf32, #tpu.memory_space<vmem>>, vector<1x128xf32>
    %dot_general3A_53 = arith.constant dense<0.000000e+00> : vector<1x64xf32>
    %dot_general3A_54 = tpu.matmul %get3A_52, %slice3A, %dot_general3A_53 {dimension_numbers = #tpu.dot_dimension_numbers<[1], [1], [0], [0], [0, 0, 1, 0], [], []>, transpose_lhs_hint = false} : vector<1x128xf32>, vector<64x128xf32>, vector<1x64xf32> -> vector<1x64xf32>
    %reduce_max3A_55 = arith.constant dense<0xFF800000> : vector<1xf32>
    %reduce_max3A_56 = vector.multi_reduction <maximumf>, %dot_general3A_54, %reduce_max3A_55 [1] : vector<1x64xf32> to vector<1xf32>
    %broadcast_in_dim3A_57 = vector.shape_cast %reduce_max3A_56 : vector<1xf32> to vector<1x1xf32>
    %sub3A_58 = vector.broadcast %broadcast_in_dim3A_57 : vector<1x1xf32> to vector<1x64xf32>
    %sub3A_59 = arith.subf %dot_general3A_54, %sub3A_58 : vector<1x64xf32>
    %exp3A_60 = math.exp %sub3A_59 : vector<1x64xf32>
    %reduce_sum3A_61 = arith.constant dense<0.000000e+00> : vector<1xf32>
    %reduce_sum3A_62 = vector.multi_reduction <add>, %exp3A_60, %reduce_sum3A_61 [1] : vector<1x64xf32> to vector<1xf32>
    %broadcast_in_dim3A_63 = vector.shape_cast %reduce_sum3A_62 : vector<1xf32> to vector<1x1xf32>
    %div3A_64 = vector.broadcast %broadcast_in_dim3A_63 : vector<1x1xf32> to vector<1x64xf32>
    %div3A_65 = arith.divf %exp3A_60, %div3A_64 : vector<1x64xf32>
    %iota3A = tpu.iota {dimensions = array<i32: 1>} : vector<1x64xi32>
    %iota3A_66 = tpu.iota {dimensions = array<i32: 0>} : vector<64x1xi32>
    %iota3A_67 = tpu.iota {dimensions = array<i32: 1>} : vector<1x256xi32>
    %add3A_68 = arith.constant 9.99999968E-21 : f32
    %add3A_69 = vector.broadcast %add3A_68 : f32 to vector<1x64xf32>
    %add3A_70 = arith.addf %div3A_65, %add3A_69 : vector<1x64xf32>
    %log3A = math.log %add3A_70 : vector<1x64xf32>
    %add3A_71 = arith.constant 9.99999968E-21 : f32
    %add3A_72 = vector.broadcast %add3A_71 : f32 to vector<64x256xf32>
    %add3A_73 = arith.addf %select_n3A, %add3A_72 : vector<64x256xf32>
    %log3A_74 = math.log %add3A_73 : vector<64x256xf32>
    %broadcast_in_dim3A_75 = arith.constant 0.000000e+00 : f32
    %broadcast_in_dim3A_76 = vector.broadcast %broadcast_in_dim3A_75 : f32 to vector<1x1xf32>
    %add3A_77 = arith.constant 9.99999968E-21 : f32
    %add3A_78 = vector.broadcast %add3A_77 : f32 to vector<1x1xf32>
    %add3A_79 = arith.addf %broadcast_in_dim3A_76, %add3A_78 : vector<1x1xf32>
    %log3A_80 = math.log %add3A_79 : vector<1x1xf32>
    %broadcast_in_dim3A_81 = arith.constant 0 : i32
    %broadcast_in_dim3A_82 = vector.broadcast %broadcast_in_dim3A_81 : i32 to vector<1x64xi32>
    %broadcast_in_dim3A_83 = arith.constant 0 : i32
    %broadcast_in_dim3A_84 = vector.broadcast %broadcast_in_dim3A_83 : i32 to vector<1x64xi32>
    %scan3A = arith.constant 1073741824 : i32
    %scan3A_85 = arith.constant 0 : i32
    %scan3A_86 = arith.constant 64 : i32
    %scan3A_87 = arith.addi %scan3A_85, %scan3A_86 : i32
    %scan3A_88 = arith.constant 1 : i32
    %scan3A_89:4 = scf.for %scan3A_96 = %scan3A_85 to %scan3A_87 step %scan3A_88 iter_args(%scan3A_97 = %log3A, %scan3A_98 = %log3A_74, %scan3A_99 = %broadcast_in_dim3A_82, %scan3A_100 = %broadcast_in_dim3A_84) -> (vector<1x64xf32>, vector<64x256xf32>, vector<1x64xi32>, vector<1x64xi32>)  : i32 {
      %get3A_101 = arith.index_cast %scan3A_96 : i32 to index
      %get3A_102 = arith.constant 0 : index
      %get3A_103 = vector.load %arg10[%get3A_101, %get3A_102] : memref<64x64xf32, #tpu.memory_space<vmem>>, vector<1x64xf32>
      %add3A_104 = arith.addf %scan3A_97, %get3A_103 : vector<1x64xf32>
      %reduce_max3A_105 = arith.constant dense<0xFF800000> : vector<1xf32>
      %reduce_max3A_106 = vector.multi_reduction <maximumf>, %add3A_104, %reduce_max3A_105 [1] : vector<1x64xf32> to vector<1xf32>
      %broadcast_in_dim3A_107 = vector.shape_cast %reduce_max3A_106 : vector<1xf32> to vector<1x1xf32>
      %eq3A = vector.broadcast %broadcast_in_dim3A_107 : vector<1x1xf32> to vector<1x64xf32>
      %eq3A_108 = arith.cmpf oeq, %add3A_104, %eq3A : vector<1x64xf32>
      %broadcast_in_dim3A_109 = vector.broadcast %scan3A : i32 to vector<1x64xi32>
      %select_n3A_110 = arith.select %eq3A_108, %iota3A, %broadcast_in_dim3A_109 : vector<1x64xi1>, vector<1x64xi32>
      %reduce_min3A = arith.constant dense<2147483647> : vector<1xi32>
      %reduce_min3A_111 = vector.multi_reduction <minsi>, %select_n3A_110, %reduce_min3A [1] : vector<1x64xi32> to vector<1xi32>
      %broadcast_in_dim3A_112 = vector.shape_cast %reduce_min3A_111 : vector<1xi32> to vector<1x1xi32>
      %eq3A_113 = vector.broadcast %broadcast_in_dim3A_112 : vector<1x1xi32> to vector<1x64xi32>
      %eq3A_114 = arith.cmpi eq, %iota3A, %eq3A_113 : vector<1x64xi32>
      %eq3A_115 = vector.broadcast %broadcast_in_dim3A_112 : vector<1x1xi32> to vector<64x1xi32>
      %eq3A_116 = arith.cmpi eq, %iota3A_66, %eq3A_115 : vector<64x1xi32>
      %jit3A_117 = arith.constant 0.000000e+00 : f32
      %broadcast_in_dim3A_118 = vector.shape_cast %eq3A_116 : vector<64x1xi1> to vector<64x1xi1>
      %broadcast_in_dim3A_119 = vector.broadcast %broadcast_in_dim3A_118 : vector<64x1xi1> to vector<64x256xi1>
      %broadcast_in_dim3A_120 = vector.broadcast %jit3A_117 : f32 to vector<64x256xf32>
      %select_n3A_121 = arith.select %broadcast_in_dim3A_119, %scan3A_98, %broadcast_in_dim3A_120 : vector<64x256xi1>, vector<64x256xf32>
      %reduce_sum3A_122 = arith.constant dense<0.000000e+00> : vector<256xf32>
      %reduce_sum3A_123 = vector.multi_reduction <add>, %select_n3A_121, %reduce_sum3A_122 [0] : vector<64x256xf32> to vector<256xf32>
      %broadcast_in_dim3A_124 = vector.shape_cast %reduce_sum3A_123 : vector<256xf32> to vector<1x256xf32>
      %get3A_125 = arith.index_cast %scan3A_96 : i32 to index
      %get3A_126 = arith.constant 0 : index
      %get3A_127 = vector.load %arg11[%get3A_125, %get3A_126] : memref<64x256xf32, #tpu.memory_space<vmem>>, vector<1x256xf32>
      %add3A_128 = arith.addf %broadcast_in_dim3A_124, %get3A_127 : vector<1x256xf32>
      %reduce_max3A_129 = arith.constant dense<0xFF800000> : vector<1xf32>
      %reduce_max3A_130 = vector.multi_reduction <maximumf>, %add3A_128, %reduce_max3A_129 [1] : vector<1x256xf32> to vector<1xf32>
      %broadcast_in_dim3A_131 = vector.shape_cast %reduce_max3A_130 : vector<1xf32> to vector<1x1xf32>
      %eq3A_132 = vector.broadcast %broadcast_in_dim3A_131 : vector<1x1xf32> to vector<1x256xf32>
      %eq3A_133 = arith.cmpf oeq, %add3A_128, %eq3A_132 : vector<1x256xf32>
      %broadcast_in_dim3A_134 = vector.broadcast %scan3A : i32 to vector<1x256xi32>
      %select_n3A_135 = arith.select %eq3A_133, %iota3A_67, %broadcast_in_dim3A_134 : vector<1x256xi1>, vector<1x256xi32>
      %reduce_min3A_136 = arith.constant dense<2147483647> : vector<1xi32>
      %reduce_min3A_137 = vector.multi_reduction <minsi>, %select_n3A_135, %reduce_min3A_136 [1] : vector<1x256xi32> to vector<1xi32>
      %broadcast_in_dim3A_138 = vector.shape_cast %reduce_min3A_137 : vector<1xi32> to vector<1x1xi32>
      %eq3A_139 = vector.broadcast %broadcast_in_dim3A_138 : vector<1x1xi32> to vector<1x256xi32>
      %eq3A_140 = arith.cmpi eq, %iota3A_67, %eq3A_139 : vector<1x256xi32>
      %broadcast_in_dim3A_141 = vector.shape_cast %log3A_80 : vector<1x1xf32> to vector<1x1xf32>
      %broadcast_in_dim3A_142 = vector.broadcast %broadcast_in_dim3A_141 : vector<1x1xf32> to vector<1x64xf32>
      %select_n3A_143 = arith.select %eq3A_114, %broadcast_in_dim3A_142, %scan3A_97 : vector<1x64xi1>, vector<1x64xf32>
      %broadcast_in_dim3A_144 = vector.shape_cast %eq3A_140 : vector<1x256xi1> to vector<1x256xi1>
      %broadcast_in_dim3A_145 = vector.broadcast %broadcast_in_dim3A_144 : vector<1x256xi1> to vector<64x256xi1>
      %broadcast_in_dim3A_146 = vector.shape_cast %log3A_80 : vector<1x1xf32> to vector<1x1xf32>
      %broadcast_in_dim3A_147 = vector.broadcast %broadcast_in_dim3A_146 : vector<1x1xf32> to vector<64x256xf32>
      %select_n3A_148 = arith.select %broadcast_in_dim3A_145, %broadcast_in_dim3A_147, %scan3A_98 : vector<64x256xi1>, vector<64x256xf32>
      %eq3A_149 = vector.broadcast %scan3A_96 : i32 to vector<1x64xi32>
      %eq3A_150 = arith.cmpi eq, %iota3A, %eq3A_149 : vector<1x64xi32>
      %broadcast_in_dim3A_151 = vector.shape_cast %broadcast_in_dim3A_112 : vector<1x1xi32> to vector<1x1xi32>
      %broadcast_in_dim3A_152 = vector.broadcast %broadcast_in_dim3A_151 : vector<1x1xi32> to vector<1x64xi32>
      %select_n3A_153 = arith.select %eq3A_150, %broadcast_in_dim3A_152, %scan3A_99 : vector<1x64xi1>, vector<1x64xi32>
      %broadcast_in_dim3A_154 = vector.shape_cast %broadcast_in_dim3A_138 : vector<1x1xi32> to vector<1x1xi32>
      %broadcast_in_dim3A_155 = vector.broadcast %broadcast_in_dim3A_154 : vector<1x1xi32> to vector<1x64xi32>
      %select_n3A_156 = arith.select %eq3A_150, %broadcast_in_dim3A_155, %scan3A_100 : vector<1x64xi1>, vector<1x64xi32>
      scf.yield %select_n3A_143, %select_n3A_148, %select_n3A_153, %select_n3A_156 : vector<1x64xf32>, vector<64x256xf32>, vector<1x64xi32>, vector<1x64xi32>
    }
    %scan3A_90 = arith.constant 64 : i32
    %swap3A = arith.constant 0 : index
    %swap3A_91 = arith.constant 0 : index
    %swap3A_92 = vector.load %arg12[%swap3A, %swap3A_91] : memref<1x64xi32, #tpu.memory_space<vmem>>, vector<1x64xi32>
    tpu.vector_store %arg12[%swap3A, %swap3A_91], %scan3A_89#2 {strides = array<i32>} : memref<1x64xi32, #tpu.memory_space<vmem>>, vector<1x64xi32>,
    %swap3A_93 = arith.constant 0 : index
    %swap3A_94 = arith.constant 0 : index
    %swap3A_95 = vector.load %arg13[%swap3A_93, %swap3A_94] : memref<1x64xi32, #tpu.memory_space<vmem>>, vector<1x64xi32>
    tpu.vector_store %arg13[%swap3A_93, %swap3A_94], %scan3A_89#3 {strides = array<i32>} : memref<1x64xi32, #tpu.memory_space<vmem>>, vector<1x64xi32>,
    return
  }
  func.func @transform_0(%arg0: i32) -> (i32, i32) {
    %c0_i32 = arith.constant 0 : i32
    %c0_i32_0 = arith.constant 0 : i32
    %c0_i32_1 = arith.constant 0 : i32
    return %c0_i32, %c0_i32_0 : i32, i32
  }
  func.func @transform_1(%arg0: i32) -> (i32, i32, i32) {
    %c0_i32 = arith.constant 0 : i32
    %c0_i32_0 = arith.constant 0 : i32
    %c0_i32_1 = arith.constant 0 : i32
    %c0_i32_2 = arith.constant 0 : i32
    return %c0_i32, %c0_i32_0, %c0_i32_1 : i32, i32, i32
  }
  func.func @transform_2(%arg0: i32) -> (i32, i32, i32) {
    %c1_i32 = arith.constant 1 : i32
    %c0_i32 = arith.constant 0 : i32
    %c0_i32_0 = arith.constant 0 : i32
    %c0_i32_1 = arith.constant 0 : i32
    return %c1_i32, %c0_i32, %c0_i32_0 : i32, i32, i32
  }
  func.func @transform_3(%arg0: i32) -> (i32, i32) {
    %c0_i32 = arith.constant 0 : i32
    %c0_i32_0 = arith.constant 0 : i32
    %c0_i32_1 = arith.constant 0 : i32
    return %c0_i32, %c0_i32_0 : i32, i32
  }
  func.func @transform_4(%arg0: i32) -> (i32, i32) {
    %c0_i32 = arith.constant 0 : i32
    %c0_i32_0 = arith.constant 0 : i32
    %c0_i32_1 = arith.constant 0 : i32
    return %c0_i32, %c0_i32_0 : i32, i32
  }
  func.func @transform_5(%arg0: i32) -> (i32, i32) {
    %c0_i32 = arith.constant 0 : i32
    %c0_i32_0 = arith.constant 0 : i32
    %c0_i32_1 = arith.constant 0 : i32
    return %c0_i32, %c0_i32_0 : i32, i32
  }
  func.func @transform_6(%arg0: i32) -> (i32, i32) {
    %c0_i32 = arith.constant 0 : i32
    %c0_i32_0 = arith.constant 0 : i32
    %c0_i32_1 = arith.constant 0 : i32
    return %c0_i32, %c0_i32_0 : i32, i32
  }
  func.func @transform_7(%arg0: i32) -> (i32, i32) {
    %c0_i32 = arith.constant 0 : i32
    %c0_i32_0 = arith.constant 0 : i32
    %c0_i32_1 = arith.constant 0 : i32
    return %c0_i32, %c0_i32_0 : i32, i32
  }
  func.func @transform_8(%arg0: i32) -> (i32, i32) {
    %c0_i32 = arith.constant 0 : i32
    %c0_i32_0 = arith.constant 0 : i32
    %c0_i32_1 = arith.constant 0 : i32
    return %c0_i32, %c0_i32_0 : i32, i32
  }
  func.func @transform_9(%arg0: i32) -> (i32, i32) {
    %c0_i32 = arith.constant 0 : i32
    %c0_i32_0 = arith.constant 0 : i32
    %c0_i32_1 = arith.constant 0 : i32
    return %c0_i32, %c0_i32_0 : i32, i32
  }
  func.func @transform_10(%arg0: i32) -> (i32, i32) {
    %c0_i32 = arith.constant 0 : i32
    %c0_i32_0 = arith.constant 0 : i32
    %c0_i32_1 = arith.constant 0 : i32
    return %c0_i32, %c0_i32_0 : i32, i32
  }
  func.func @transform_11(%arg0: i32) -> (i32, i32) {
    %c0_i32 = arith.constant 0 : i32
    %c0_i32_0 = arith.constant 0 : i32
    %c0_i32_1 = arith.constant 0 : i32
    return %c0_i32, %c0_i32_0 : i32, i32
  }
  func.func @transform_12(%arg0: i32) -> (i32, i32) {
    %c0_i32 = arith.constant 0 : i32
    %c0_i32_0 = arith.constant 0 : i32
    %c0_i32_1 = arith.constant 0 : i32
    return %c0_i32, %c0_i32_0 : i32, i32
  }
}

</mosaic_0001>

<sc_bundles>
// kernel: kernel.11.cloned.1.call-start
scs
__scs_entry_jumppad:
0x0: {  	(pc) =	sbr.rel $0x88, $3  }
0x1: {  	(tag) =	ssettag $0x0;
	lr =	simm.s32 $0x1  }
0x2: {  	[smem:$0x3F96] =	sst lr;
	_ =	strace $0xD0000000  }
0x3: {  	_ = 	snop  }
0x4: {  	_ = 	snop  }
0x5: {  	_ = 	snop  }
0x6: {  	_ = 	snop  }
0x7: {  	_ = 	snop  }
__scs_overlays_trampoline_lowered:
0x8: {  	[smem:$0x3FA5] =	sst s0  }
0x9: {  	[smem:$0x3FA6] =	sst s1  }
0xa: {  	[smem:$0x3FA7] =	sst s2  }
0xb: {  	[smem:$0x3FA8] =	sst s3  }
0xc: {  	[smem:$0x3FA9] =	sst s4  }
0xd: {  	[smem:$0x3FAA] =	sst s5  }
0xe: {  	[smem:$0x3FAB] =	sst s6  }
0xf: {  	[smem:$0x3FAC] =	sst s7  }
0x10: {  	[smem:$0x3FAD] =	sst s8  }
0x11: {  	[smem:$0x3FAE] =	sst s9;
	s0 =	simm.s32 @!p0 $0x0  }
0x12: {  	s1 =	sld [smem:$0x3F94];
	s0 =	simm.s32 @p0 $0x1  }
0x13: {  	[smem:$0x3FAF] =	sst s0;
	s0 =	simm.s32 @!p1 $0x0  }
0x14: {  	s2 =	sld [smem:$0x3F93];
	s0 =	simm.s32 @p1 $0x1  }
0x15: {  	[smem:$0x3FB0] =	sst s0;
	s0 =	simm.s32 @!p2 $0x0  }
0x16: {  	s3 =	sld [smem:$0x3FDB];
	s0 =	simm.s32 @p2 $0x1  }
0x17: {  	s4 =	simm.s32 $0x1BF5;
	[smem:$0x3FB2] =	sst s0  }
0x18: {  	s0 =	sld [smem:$0x3F95];
	_ =	swait.ge [sflag:s4], $0x0  }
0x19: {  	s7 =	sld [smem:$0x3F96]  }
0x1a: {  	s8 =	sadd.s32 $0xFFFFE003, lr  }
0x1b: {  	s9 =	sadd.s32 $0xFFFFFEF7, lr;
	s5 =	simm.s32 $0xFFFFFFFF;
	p2 =	slt.u32 s8, $0xFFFFF086  }
0x1c: {  	p1 =	slt.u32 s9, $0xF7A;
	s5 =	simm.s32 @!p2 $0x0  }
0x1d: {  	s5 =	simm.s32 @p1 $0x1;
	p0 =	seq.s32 s7, s2  }
0x1e: {  	s7 =	smul.u32 @!p0 $0xF7A, s2;
	p2 =	seq.s32 @!p0 s5, $0x0  }
0x1f: {  	s9 =	smul.u32 $0xF7A, s1;
	s8 =	simm.s32 @!p0 $0x1BF5;
	p2 =	por !p2, p0  }
0x20: {  	[sflag:s8] =	ssyncset.s32 @!p0 $0xFFFFF086;
	s6 =	sadd.s32 @!p0 s3, s7;
	s7 =	simm.s32 @!p0 $0x108  }
0x21: {  	s3 =	sadd.s32 s3, s9;
	s6 =	sadd.s32 @!p0 $0x88, s6;
	s7 =	simm.s32 @p2 $0x1082  }
0x22: {  	[simem:s7], [sflag:s8] =	dma.local @!p0 [hbm:s6], $0xF7A  }
0x23: {  	s9 =	sor.u32 $0xD0000000, s2;
	s6 =	simm.s32 $0x108;
	_ =	swait.ge @!p0 [sflag:s8], $0x0  }
0x24: {  	s3 =	sadd.s32 $0x88, s3;
	s6 =	simm.s32 @!p1 $0x1082;
	[sflag:s4] =	ssyncset.s32 $0xFFFFF086  }
0x25: {  	[simem:s6], [sflag:s4] =	dma.local [hbm:s3], $0xF7A  }
0x26: {  	[smem:$0x3F96] =	sst s1;
	(tag) =	ssettag s2;
	_ =	strace s9  }
0x27: {  	s1 =	sld [smem:$0x3FA6]  }
0x28: {  	s2 =	sld [smem:$0x3FA7]  }
0x29: {  	s4 =	sld [smem:$0x3FA9]  }
0x2a: {  	p0 =	seq.s32 s5, $0x0;
	s5 =	sld [smem:$0x3FAA]  }
0x2b: {  	s6 =	sld [smem:$0x3FAB]  }
0x2c: {  	s7 =	sld [smem:$0x3FAC]  }
0x2d: {  	s3 =	simm.s32 $0x108;
	s8 =	sld [smem:$0x3FAD]  }
0x2e: {  	s3 =	simm.s32 @!p0 $0x1082;
	s9 =	sld [smem:$0x3FAE]  }
0x2f: {  	lr =	sadd.s32 s0, s3;
	s0 =	sld [smem:$0x3FA5]  }
0x30: {  	s3 =	sld [smem:$0x3FA8]  }
0x31: {  	[smem:$0x3FB1] =	sst s10  }
0x32: {  	s10 =	sld [smem:$0x3FAF];
	_ =	sdelay $0x3  }
0x33: {  	p0 =	seq.s32 s10, $0x1;
	s10 =	sld [smem:$0x3FB1];
	_ =	sdelay $0x3  }
0x34: {  	[smem:$0x3FB1] =	sst s10  }
0x35: {  	s10 =	sld [smem:$0x3FB0];
	_ =	sdelay $0x3  }
0x36: {  	p1 =	seq.s32 s10, $0x1;
	s10 =	sld [smem:$0x3FB1];
	_ =	sdelay $0x3  }
0x37: {  	[smem:$0x3FB1] =	sst s10  }
0x38: {  	s10 =	sld [smem:$0x3FB2]  }
0x39: {  	_ = 	snop;
	(pc) =	sbr.ind lr, $3  }
0x3a: {  	_ = 	snop  }
0x3b: {  	_ = 	snop  }
0x3c: {  	p2 =	seq.s32 s10, $0x1;
	s10 =	sld [smem:$0x3FB1]  }
0x3d: {  	_ =	shalt  }
0x3e: {  	_ =	shalt  }
0x3f: {  	_ =	shalt  }
0x40: {  	_ =	shalt  }
0x41: {  	_ =	shalt  }
0x42: {  	_ =	shalt  }
0x43: {  	_ =	shalt  }
0x44: {  	_ =	shalt  }
0x45: {  	_ =	shalt  }
0x46: {  	_ =	shalt  }
0x47: {  	_ =	shalt  }
0x48: {  	_ =	shalt  }
0x49: {  	_ =	shalt  }
0x4a: {  	_ =	shalt  }
0x4b: {  	_ =	shalt  }
0x4c: {  	_ =	shalt  }
0x4d: {  	_ =	shalt  }
0x4e: {  	_ =	shalt  }
0x4f: {  	_ =	shalt  }
0x50: {  	_ =	shalt  }
0x51: {  	_ =	shalt  }
0x52: {  	_ =	shalt  }
0x53: {  	_ =	shalt  }
0x54: {  	_ =	shalt  }
0x55: {  	_ =	shalt  }
0x56: {  	_ =	shalt  }
0x57: {  	_ =	shalt  }
0x58: {  	_ =	shalt  }
0x59: {  	_ =	shalt  }
0x5a: {  	_ =	shalt  }
0x5b: {  	_ =	shalt  }
0x5c: {  	_ =	shalt  }
0x5d: {  	_ =	shalt  }
0x5e: {  	_ =	shalt  }
0x5f: {  	_ =	shalt  }
0x60: {  	_ =	shalt  }
0x61: {  	_ =	shalt  }
0x62: {  	_ =	shalt  }
0x63: {  	_ =	shalt  }
0x64: {  	_ =	shalt  }
0x65: {  	_ =	shalt  }
0x66: {  	_ =	shalt  }
0x67: {  	_ =	shalt  }
0x68: {  	_ =	shalt  }
0x69: {  	_ =	shalt  }
0x6a: {  	_ =	shalt  }
0x6b: {  	_ =	shalt  }
0x6c: {  	_ =	shalt  }
0x6d: {  	_ =	shalt  }
0x6e: {  	_ =	shalt  }
0x6f: {  	_ =	shalt  }
0x70: {  	_ =	shalt  }
0x71: {  	_ =	shalt  }
0x72: {  	_ =	shalt  }
0x73: {  	_ =	shalt  }
0x74: {  	_ =	shalt  }
0x75: {  	_ =	shalt  }
0x76: {  	_ =	shalt  }
0x77: {  	_ =	shalt  }
0x78: {  	_ =	shalt  }
0x79: {  	_ =	shalt  }
0x7a: {  	_ =	shalt  }
0x7b: {  	_ =	shalt  }
0x7c: {  	_ =	shalt  }
0x7d: {  	_ =	shalt  }
0x7e: {  	_ =	shalt  }
0x7f: {  	_ =	shalt  }
0x80: {  	_ =	shalt  }
0x81: {  	_ =	shalt  }
0x82: {  	_ =	shalt  }
0x83: {  	_ =	shalt  }
0x84: {  	_ =	shalt  }
0x85: {  	_ =	shalt  }
0x86: {  	_ =	shalt  }
0x87: {  	_ =	shalt  }
.Lfunc_end0:
.L_simem_size_0:
called_computation.1_lowered:
.L_overlay_start_0:
0x88: {  	s2 =	sld [smem:$0x3FD9]  }
0x89: {  	s3 =	sld [smem:$0x3FFE];
	_ =	sdelay $0x1  }
0x8a: {  	s1 =	srdreg.scid  }
0x8b: {  	s0 =	sand.u32 $0x1, s1  }
0x8c: {  	s16 =	sshll.u32 s0, $0xA;
	s2 =	sadd.s32 s3, s2  }
0x8d: {  	s2 =	sadd.s32 s2, s16  }
0x8e: {  	[smem:$0x3FBD] =	sst s2  }
0x8f: {  	_ = 	snop  }
0x90: {  	(tm) =	ssettm $0x1  }
0x91: {  	s17 =	sld [smem:$0x3FFB];
	_ =	sdelay $0x3  }
0x92: {  	_ =	strace s17  }
0x93: {  	s2 =	sld [smem:$0x3FFC];
	_ =	sdelay $0x3  }
0x94: {  	_ =	strace s2  }
0x95: {  	s2 =	sld [smem:$0x3FFD];
	_ =	sdelay $0x3  }
0x96: {  	_ =	strace s2  }
0x97: {  	_ =	strace $0x8FFFFFFF  }
0x98: {  	s18 =	sld [smem:$0x3FDB];
	_ =	sdelay $0x1  }
0x99: {  	s19 =	simm.s32 $_scs_section_size  }
0x9a: {  	s4 =	simm.s32 $_size__tile_overlayer_lowered;
	s5 =	simm.s32 $_tile_overlayer_lowered  }
0x9b: {  	s22 =	simm.s32 $0x1BFF;
	s21 =	sshll.u32 s5, $0x1;
	s2 =	sadd.s32 s19, s18  }
0x9c: {  	s6 =	simm.s32 $0x0;
	s20 =	sshll.u32 s4, $0x1;
	s4 =	sadd.s32 s21, s2  }
0x9d: {  	[timem:s6], [sflag:s22] =	dma.local [hbm:s4], s20  }
0x9e: {  	_ =	swait.ge [sflag:s22], s20  }
0x9f: {  	s3 =	ssub.s32 $0x0, s20;
	[sflag:s22] =	ssyncset.done $0x0  }
0xa0: {  	[sflag:s22] =	ssyncadd.s32 s3;
	_ =	sdelay $0x1  }
0xa1: {  	s23 =	simm.s32 $0x1B8B  }
0xa2: {  	_ =	swait.ge [sflag:s23], $0x1  }
0xa3: {  	[sflag:s23] =	ssyncset.done $0x0  }
0xa4: {  	s25 =	simm.s32 $0x1B8E;
	s24 =	sld [smem:$0x3FFE];
	[sflag:s23] =	ssyncadd.s32 $0xFFFFFFFF  }
0xa5: {  	s26 =	simm.s32 $execute0_lowered;
	[smem:$0x3FD2] =	sst s25  }
0xa6: {  	s4 =	sshll.u32 s26, $0x1;
	_ =	strace $0x80000049;
	[dreg:$0x1] =	wrdreg $0xFFFFFFFF  }
0xa7: {  	s28 =	simm.s32 $_size_execute0_lowered;
	s2 =	sadd.s32 s2, s4;
	[dreg:$0x0] =	wrdreg $0x0  }
0xa8: {  	s4 =	sshll.u32 s28, $0x1;
	[dreg:$0x2] =	wrdreg s2  }
0xa9: {  	[dreg:$0x3] =	wrdreg s4  }
0xaa: {  	[dreg:$0x4] =	wrdreg $0xC0  }
0xab: {  	_ =	task [dreg:s6], $0x5FFFF  }
0xac: {  	[dreg:$0x1] =	wrdreg $0xFFFFFFFF  }
0xad: {  	[dreg:$0x0] =	wrdreg $0x60  }
0xae: {  	[dreg:$0x2] =	wrdreg s24  }
0xaf: {  	[dreg:$0x3] =	wrdreg $0x0  }
0xb0: {  	[dreg:$0x4] =	wrdreg $0x9  }
0xb1: {  	_ =	task.clear_ibuf [dreg:s6], $0x5FFFF;
	_ =	strace $0x90000049  }
0xb2: {  	s29 =	simm.s32 $0x9;
	_ =	strace $0x8000004B  }
0xb3: {  	_ =	swait.ge [sflag:s29], $0x1  }
0xb4: {  	[sflag:s29] =	ssyncadd.s32 $0xFFFFFFFF  }
0xb5: {  	_ =	strace $0x9000004B  }
0xb6: {  	_ =	sfence  }
0xb7: {  	s30 =	sld [smem:$0x0];
	_ =	sdelay $0x2  }
0xb8: {  	s31 =	sshll.u32 s1, $0xD;
	s1 =	sshrl.u32 s1, $0x2  }
0xb9: {  	s3 =	sand.u32 $0x4000, s31;
	s1 =	sadd.s32 s1, s30  }
0xba: {  	s0 =	sor.u32 s3, s0;
	s1 =	sshll.u32 s1, $0x11  }
0xbb: {  	s0 =	sor.u32 s1, s0  }
0xbc: {  	s0 =	sadd.s32 $0x8F2B, s0  }
0xbd: {  	[sflag:s0] =	ssyncadd.remote.s32 $0x1  }
0xbe: {  	_ =	sfence.sel $0xFFFF  }
0xbf: {  	[dreg:$0x0] =	wrdreg $0xFFFFFFFF;
	(pc) =	sbr.abs _section_cstart, $3  }
0xc0: {  	[dreg:$0x1] =	wrdreg $0xFFFFFFFF  }
0xc1: {  	_ =	task.clear_ibuf [dreg:s6], $0x2FFFF;
	_ =	strace $0x9FFFFFFF  }
0xc2: {  	(tm) =	ssettm $0x7FFFFFFF  }
0xc3: {  	_ =	shalt  }
tec
execute0_lowered:
.L_overlay_start_1:
0x0: {  	(tag) =	ssettag $0x1  }
0x1: {  	s0 =	rddreg [dreg:$0x0];
	s1 =	srdreg.scid  }
0x2: {  	s2 =	rddreg [dreg:$0x1];
	s11 =	stileid.u32;
	s3 =	simm.s32 $0x0  }
0x3: {  	s23 =	simm.s32 $0x16200;
	s25 =	simm.s32 $0x16280;
	s13 =	simm.s32 $0x16400  }
0x4: {  	s28 =	simm.s32 $0x1;
	s29 =	simm.s32 $0x17000;
	s5 =	smul.u32 $0x14000, s11  }
0x5: {  	s30 =	simm.s32 $0x2;
	s31 =	simm.s32 $0x18400;
	s7 =	smul.u32 $0x50000, s11  }
0x6: {  	s1 =	sand.u32 $0x1, s1;
	[smem:$0x7FF] =	sst s3;
	s10 =	smul.u32 $0x19000, s11  }
0x7: {  	s4 =	smul.u32 $0x140000, s1;
	_ =	strace $0x8000004A;
	[dreg:$0x4] =	wrdreg s23  }
0x8: {  	s8 =	ssub.s32 $0x2, s1;
	s15 =	smul.u32 $0x190000, s1;
	[dreg:$0x5] =	wrdreg s25  }
0x9: {  	s1 =	sshll.u32 s1, $0x4;
	[dreg:$0x8] =	wrdreg s13;
	s23 =	simm.s32 $0x16B00  }
0xa: {  	s25 =	simm.s32 $0x16C00;
	s13 =	simm.s32 $0x9;
	s9 =	sshrl.u32 s8, $0x1  }
0xb: {  	s14 =	sshrl.u32 s7, $0x2;
	s1 =	sor.u32 s11, s1;
	[dreg:$0xf] =	wrdreg s23  }
0xc: {  	s11 =	simm.s32 $0x16380;
	[dreg:$0x11] =	wrdreg s25;
	s23 =	simm.s32 $0xB  }
0xd: {  	s7 =	sadd.s32 s10, s15;
	s10 =	simm.s32 $0x16300;
	[dreg:$0x7] =	wrdreg s11  }
0xe: {  	s18 =	sadd.s32 s14, s2;
	s14 =	simm.s32 $0x16480;
	[dreg:$0x6] =	wrdreg s10  }
0xf: {  	s25 =	simm.s32 $0x1C000;
	s15 =	simm.s32 $0x16880;
	[dreg:$0x9] =	wrdreg s14  }
0x10: {  	s5 =	sadd.s32 s5, s4;
	s4 =	sadd.s32 $0x88C00, s0;
	[dreg:$0xa] =	wrdreg s15  }
0x11: {  	s8 =	ssub.s32 s8, s9;
	s16 =	sadd.s32 $0x4000, s18;
	[dreg:$0x13] =	wrdreg s18  }
0x12: {  	s1 =	smul.u32 $0x19000, s1;
	s17 =	sadd.s32 $0x6000, s18;
	[dreg:$0x15] =	wrdreg s16  }
0x13: {  	s9 =	simm.s32 $0xC;
	s19 =	sadd.s32 $0x8000, s18;
	[dreg:$0x16] =	wrdreg s17  }
0x14: {  	s11 =	simm.s32 $0x7;
	s20 =	sadd.s32 $0xA000, s18;
	[dreg:$0x17] =	wrdreg s19  }
0x15: {  	s6 =	sshrl.u32 s5, $0x3;
	s22 =	sadd.s32 $0xC000, s18;
	[dreg:$0x18] =	wrdreg s20  }
0x16: {  	s5 =	sadd.s32 $0x24C00, s0;
	s21 =	sadd.s32 $0x1000, s7;
	[dreg:$0x19] =	wrdreg s22  }
0x17: {  	s24 =	sadd.s32 $0xE000, s18;
	s26 =	sadd.s32 $0x10000, s18;
	[dreg:$0x3] =	wrdreg s21  }
0x18: {  	s12 =	sadd.s32 $0x12000, s18;
	s10 =	simm.s32 $0x6;
	[dreg:$0x1a] =	wrdreg s24  }
0x19: {  	s14 =	simm.s32 $0xA;
	s15 =	simm.s32 $0x0;
	[dreg:$0x1b] =	wrdreg s26  }
0x1a: {  	s0 =	sadd.s32 s6, s0;
	s6 =	sadd.s32 $0x2000, s18;
	[dreg:$0x1c] =	wrdreg s12  }
0x1b: {  	s1 =	sshrl.u32 s1, $0x3;
	s17 =	smax.u32 s8, $0x1;
	[dreg:$0x14] =	wrdreg s6  }
0x1c: {  	s16 =	simm.s32 $0x16900;
	s19 =	simm.s32 $0x16980;
	[dreg:$0x1f] =	wrdreg s17  }
0x1d: {  	s20 =	sor.u32 $0x800, s7;
	s21 =	simm.s32 $0x16A00;
	[dreg:$0xb] =	wrdreg s16  }
0x1e: {  	s22 =	simm.s32 $0x16A80;
	s24 =	simm.s32 $0x16B80;
	[dreg:$0xc] =	wrdreg s19  }
0x1f: {  	s26 =	simm.s32 $0x16C80;
	s7 =	simm.s32 $0x1AC00;
	[dreg:$0xd] =	wrdreg s21  }
0x20: {  	s8 =	simm.s32 $0x5;
	s12 =	simm.s32 $0x8;
	[dreg:$0xe] =	wrdreg s22  }
0x21: {  	s1 =	sadd.s32 s5, s1;
	s0 =	sadd.s32 $0xAFE00, s0;
	[dreg:$0x10] =	wrdreg s24  }
0x22: {  	s21 =	simm.s32 $0xD;
	s24 =	simm.s32 $0x28;
	[dreg:$0x12] =	wrdreg s26  }
0x23: {  	s26 =	simm.s32 $0x16800;
	[dreg:$0x1d] =	wrdreg s1;
	s1 =	sshrl.u32 s20, $0x3  }
0x24: {  	s22 =	simm.s32 $0x19800;
	[dreg:$0x1e] =	wrdreg s0;
	s1 =	sadd.s32 s1, s5  }
0x25: {  	v0 =	vimm.f32 $0.0e+00;
	s0 =	simm.s32 $0x3;
	[smem:$0x7FD] =	sst s1;
	s1 =	simm.s32 $0x4  }
.LBB2_1:
0x26: {  	[smem:$0x7FC] =	sst s15;
	s16 =	simm.s32 $0x10;
	s17 =	sand.u32 $0x1FF0, s3  }
.LBB2_2:
0x27: {  	p0 =	sne.s32 s16, $0x1FF0;
	[tilespmem:s17+$0x14000] =	vst v0;
	s17 =	smov.u32 s16;
	s16 =	sadd.s32 $0x10, s16  }
.Ltmp0:
0x28: {  	(pc) =	sbr.rel @p0 .LBB2_2-.Ltmp0, $2  }
0x29: {  	_ =	sdelay $0x2  }
0x2a: {  	s17 =	sand.u32 $0x1FF0, s17  }
0x2b: {  	[tilespmem:s17+$0x14000] =	vst v0;
	s15 =	simm.s32 $0x14000  }
0x2c: {  	[spmem:s18] =	stream.linear.scatter [tilespmem:s15], [sflag:$0xD], $0x2000, $0x38;
	[tilespmem:$0x1D400] =	vst v63  }
0x2d: {  	_ =	swait.ge [sflag:s21], $0x2000  }
0x2e: {  	[sflag:s21] =	ssyncset.done $0x0  }
0x2f: {  	s6 =	rddreg [dreg:$0x14];
	[sflag:s21] =	ssyncadd.s32 $0xFFFFE000  }
0x30: {  	[spmem:s6] =	stream.linear.scatter [tilespmem:s15], [sflag:$0xD], $0x2000, $0x38;
	[tilespmem:$0x1D400] =	vst v63  }
0x31: {  	_ =	swait.ge [sflag:s21], $0x2000  }
0x32: {  	[sflag:s21] =	ssyncset.done $0x0  }
0x33: {  	s16 =	rddreg [dreg:$0x15];
	[sflag:s21] =	ssyncadd.s32 $0xFFFFE000  }
0x34: {  	[spmem:s16] =	stream.linear.scatter [tilespmem:s15], [sflag:$0xD], $0x2000, $0x38;
	[tilespmem:$0x1D400] =	vst v63  }
0x35: {  	_ =	swait.ge [sflag:s21], $0x2000  }
0x36: {  	[sflag:s21] =	ssyncset.done $0x0  }
0x37: {  	s17 =	rddreg [dreg:$0x16];
	[sflag:s21] =	ssyncadd.s32 $0xFFFFE000  }
0x38: {  	[spmem:s17] =	stream.linear.scatter [tilespmem:s15], [sflag:$0xD], $0x2000, $0x38;
	[tilespmem:$0x1D400] =	vst v63  }
0x39: {  	_ =	swait.ge [sflag:s21], $0x2000  }
0x3a: {  	[sflag:s21] =	ssyncset.done $0x0  }
0x3b: {  	s18 =	rddreg [dreg:$0x17];
	[sflag:s21] =	ssyncadd.s32 $0xFFFFE000  }
0x3c: {  	[spmem:s18] =	stream.linear.scatter [tilespmem:s15], [sflag:$0xD], $0x2000, $0x38;
	[tilespmem:$0x1D400] =	vst v63  }
0x3d: {  	_ =	swait.ge [sflag:s21], $0x2000  }
0x3e: {  	[sflag:s21] =	ssyncset.done $0x0  }
0x3f: {  	s19 =	rddreg [dreg:$0x18];
	[sflag:s21] =	ssyncadd.s32 $0xFFFFE000  }
0x40: {  	[spmem:s19] =	stream.linear.scatter [tilespmem:s15], [sflag:$0xD], $0x2000, $0x38;
	[tilespmem:$0x1D400] =	vst v63  }
0x41: {  	_ =	swait.ge [sflag:s21], $0x2000  }
0x42: {  	[sflag:s21] =	ssyncset.done $0x0  }
0x43: {  	s20 =	rddreg [dreg:$0x19];
	[sflag:s21] =	ssyncadd.s32 $0xFFFFE000  }
0x44: {  	[spmem:s20] =	stream.linear.scatter [tilespmem:s15], [sflag:$0xD], $0x2000, $0x38;
	[tilespmem:$0x1D400] =	vst v63  }
0x45: {  	_ =	swait.ge [sflag:s21], $0x2000  }
0x46: {  	[sflag:s21] =	ssyncset.done $0x0  }
0x47: {  	s16 =	rddreg [dreg:$0x1a];
	[sflag:s21] =	ssyncadd.s32 $0xFFFFE000  }
0x48: {  	[spmem:s16] =	stream.linear.scatter [tilespmem:s15], [sflag:$0xD], $0x2000, $0x38;
	[tilespmem:$0x1D400] =	vst v63  }
0x49: {  	_ =	swait.ge [sflag:s21], $0x2000  }
0x4a: {  	[sflag:s21] =	ssyncset.done $0x0  }
0x4b: {  	s17 =	rddreg [dreg:$0x1b];
	[sflag:s21] =	ssyncadd.s32 $0xFFFFE000  }
0x4c: {  	[spmem:s17] =	stream.linear.scatter [tilespmem:s15], [sflag:$0xD], $0x2000, $0x38;
	[tilespmem:$0x1D400] =	vst v63  }
0x4d: {  	_ =	swait.ge [sflag:s21], $0x2000  }
0x4e: {  	[sflag:s21] =	ssyncset.done $0x0  }
0x4f: {  	s18 =	rddreg [dreg:$0x1c];
	[sflag:s21] =	ssyncadd.s32 $0xFFFFE000  }
0x50: {  	[spmem:s18] =	stream.linear.scatter [tilespmem:s15], [sflag:$0xD], $0x2000, $0x38;
	[tilespmem:$0x1D400] =	vst v63  }
0x51: {  	_ =	swait.ge [sflag:s21], $0x2000  }
0x52: {  	[sflag:s21] =	ssyncset.done $0x0  }
0x53: {  	[sflag:s21] =	ssyncadd.s32 $0xFFFFE000  }
0x54: {  	[bflag:$0x0] =	sbarrier.arrive $0xFFFF  }
0x55: {  	s20 =	simm.s32 $0x16000;
	s16 =	simm.s32 $0x0;
	s19 =	rddreg [dreg:$0x1d]  }
0x56: {  	[tilespmem:s20], [sflag:$0xB] =	stream.linear.gather [hbm4b:s19+s16], $0x500, $0x38;
	[tilespmem:$0x1D400] =	vst v63  }
0x57: {  	_ =	swait.ge [sflag:s23], $0x500  }
0x58: {  	p0 =	por $0x0, $0x0;
	[sflag:s23] =	ssyncset.done $0x0  }
0x59: {  	s16 =	simm.s32 @p0 $0x6;
	[sflag:s23] =	ssyncadd.s32 $0xFFFFFB00  }
0x5a: {  	_ =	swait.ge @p0 [sflag:s16], $0x1400  }
0x5b: {  	s17 =	simm.s32 @p0 $0x17000;
	s18 =	simm.s32 @p0 $0x7;
	[sflag:s16] =	ssyncset.done @p0 $0x0  }
0x5c: {  	s19 =	simm.s32 @p0 $0x16000;
	[sflag:s16] =	ssyncadd.s32 @p0 $0xFFFFEC00;
	s16 =	simm.s32 @p0 $0x28  }
0x5d: {  	[tilespmem:s17], [sflag:$0x1] =	stream.indirect.gather @p0 [hbm4b:s4+s16], $0x80, s19, s16, $0xb8;
	[tilespmem:$0x1D400] =	vst v63  }
0x5e: {  	_ =	swait.ge @p0 [sflag:s18], $0x1400  }
0x5f: {  	s17 =	simm.s32 @p0 $0x8;
	[sflag:s18] =	ssyncset.done @p0 $0x0  }
0x60: {  	s19 =	simm.s32 @p0 $0x18400;
	[sflag:s18] =	ssyncadd.s32 @p0 $0xFFFFEC00;
	s18 =	simm.s32 @p0 $0x16080  }
0x61: {  	[tilespmem:s19], [sflag:$0x2] =	stream.indirect.gather @p0 [hbm4b:s4+s16], $0x80, s18, s16, $0xb8;
	[tilespmem:$0x1D400] =	vst v63  }
0x62: {  	_ =	swait.ge @p0 [sflag:s17], $0x1400  }
0x63: {  	s18 =	simm.s32 @p0 $0x9;
	[sflag:s17] =	ssyncset.done @p0 $0x0  }
0x64: {  	s19 =	simm.s32 @p0 $0x19800;
	[sflag:s17] =	ssyncadd.s32 @p0 $0xFFFFEC00;
	s17 =	simm.s32 @p0 $0x16100  }
0x65: {  	[tilespmem:s19], [sflag:$0x3] =	stream.indirect.gather @p0 [hbm4b:s4+s16], $0x80, s17, s16, $0xb8;
	[tilespmem:$0x1D400] =	vst v63  }
0x66: {  	_ =	swait.ge @p0 [sflag:s18], $0x1400  }
0x67: {  	s17 =	simm.s32 @p0 $0xA;
	[sflag:s18] =	ssyncset.done @p0 $0x0  }
0x68: {  	s19 =	simm.s32 @p0 $0x1AC00;
	[sflag:s18] =	ssyncadd.s32 @p0 $0xFFFFEC00;
	s18 =	simm.s32 @p0 $0x16180  }
0x69: {  	[tilespmem:s19], [sflag:$0x4] =	stream.indirect.gather @p0 [hbm4b:s4+s16], $0x80, s18, s16, $0xb8;
	[tilespmem:$0x1D400] =	vst v63  }
0x6a: {  	_ =	swait.ge @p0 [sflag:s17], $0x1400  }
0x6b: {  	s16 =	simm.s32 @!p0 $0x17000;
	[sflag:s17] =	ssyncset.done @p0 $0x0  }
0x6c: {  	s18 =	simm.s32 @!p0 $0x16000;
	[sflag:s17] =	ssyncadd.s32 @p0 $0xFFFFEC00;
	s17 =	simm.s32 @!p0 $0x28  }
0x6d: {  	[tilespmem:s16], [sflag:$0x1] =	stream.indirect.gather @!p0 [hbm4b:s4+s17], $0x80, s18, s17, $0xb8;
	[tilespmem:$0x1D400] =	vst v63  }
0x6e: {  	s16 =	simm.s32 @!p0 $0x16080;
	s18 =	simm.s32 @!p0 $0x18400  }
0x6f: {  	[tilespmem:s18], [sflag:$0x2] =	stream.indirect.gather @!p0 [hbm4b:s4+s17], $0x80, s16, s17, $0xb8;
	[tilespmem:$0x1D400] =	vst v63  }
0x70: {  	s16 =	simm.s32 @!p0 $0x16100;
	s18 =	simm.s32 @!p0 $0x19800  }
0x71: {  	[tilespmem:s18], [sflag:$0x3] =	stream.indirect.gather @!p0 [hbm4b:s4+s17], $0x80, s16, s17, $0xb8;
	[tilespmem:$0x1D400] =	vst v63  }
0x72: {  	s15 =	rddreg [dreg:$0x4];
	s16 =	simm.s32 @!p0 $0x16180;
	s18 =	simm.s32 @!p0 $0x1AC00  }
0x73: {  	[tilespmem:s18], [sflag:$0x4] =	stream.indirect.gather @!p0 [hbm4b:s4+s17], $0x80, s16, s17, $0xb8;
	[tilespmem:$0x1D400] =	vst v63  }
0x74: {  	s19 =	sld [smem:$0x7FD]  }
0x75: {  	[tilespmem:s25], [sflag:$0x5] =	stream.indirect.gather [hbm4b:s4+s24], $0x80, s15, s24, $0xb8;
	[tilespmem:$0x1D400] =	vst v63  }
0x76: {  	_ = 	snop  }
0x77: {  	[tilespmem:s26], [sflag:$0xC] =	stream.linear.gather [hbm4b:s19+s3], $0x500, $0x38;
	[tilespmem:$0x1D400] =	vst v63  }
0x78: {  	_ =	swait.ge [sflag:s28], $0x1400  }
0x79: {  	[sflag:s28] =	ssyncset.done $0x0  }
0x7a: {  	s17 =	rddreg [dreg:$0x5];
	[sflag:s28] =	ssyncadd.s32 $0xFFFFEC00  }
0x7b: {  	[spmem:s2] =	stream.indirect.scatter.add.f32 [tilespmem:s29], [sflag:$0x6], $0x80, s17, s24, $0xb8;
	[tilespmem:$0x1D400] =	vst v63  }
0x7c: {  	_ =	swait.ge [sflag:s30], $0x1400  }
0x7d: {  	[sflag:s30] =	ssyncset.done $0x0  }
0x7e: {  	s18 =	rddreg [dreg:$0x6];
	[sflag:s30] =	ssyncadd.s32 $0xFFFFEC00  }
0x7f: {  	[spmem:s2] =	stream.indirect.scatter.add.f32 [tilespmem:s31], [sflag:$0x7], $0x80, s18, s24, $0xb8;
	[tilespmem:$0x1D400] =	vst v63  }
0x80: {  	_ =	swait.ge [sflag:s0], $0x1400  }
0x81: {  	[sflag:s0] =	ssyncset.done $0x0  }
0x82: {  	s20 =	rddreg [dreg:$0x7];
	[sflag:s0] =	ssyncadd.s32 $0xFFFFEC00  }
0x83: {  	[spmem:s2] =	stream.indirect.scatter.add.f32 [tilespmem:s22], [sflag:$0x8], $0x80, s20, s24, $0xb8;
	[tilespmem:$0x1D400] =	vst v63  }
0x84: {  	_ =	swait.ge [sflag:s1], $0x1400  }
0x85: {  	[sflag:s1] =	ssyncset.done $0x0  }
0x86: {  	s6 =	rddreg [dreg:$0x8];
	[sflag:s1] =	ssyncadd.s32 $0xFFFFEC00  }
0x87: {  	[spmem:s2] =	stream.indirect.scatter.add.f32 [tilespmem:s7], [sflag:$0x9], $0x80, s6, s24, $0xb8;
	[tilespmem:$0x1D400] =	vst v63  }
0x88: {  	_ =	swait.ge [sflag:s8], $0x1400  }
0x89: {  	[sflag:s8] =	ssyncset.done $0x0  }
0x8a: {  	s15 =	rddreg [dreg:$0x9];
	[sflag:s8] =	ssyncadd.s32 $0xFFFFEC00  }
0x8b: {  	[spmem:s2] =	stream.indirect.scatter.add.f32 [tilespmem:s25], [sflag:$0xA], $0x80, s15, s24, $0xb8;
	[tilespmem:$0x1D400] =	vst v63  }
0x8c: {  	_ =	swait.ge [sflag:s9], $0x500  }
0x8d: {  	[sflag:s9] =	ssyncset.done $0x0  }
0x8e: {  	[sflag:s9] =	ssyncadd.s32 $0xFFFFFB00  }
0x8f: {  	_ =	swait.ge [sflag:s10], $0x1400  }
0x90: {  	[sflag:s10] =	ssyncset.done $0x0  }
0x91: {  	[sflag:s10] =	ssyncadd.s32 $0xFFFFEC00  }
0x92: {  	[tilespmem:s29], [sflag:$0x1] =	stream.indirect.gather [hbm4b:s4+s24], $0x80, s26, s24, $0xb8;
	[tilespmem:$0x1D400] =	vst v63  }
0x93: {  	_ =	swait.ge [sflag:s11], $0x1400  }
0x94: {  	[sflag:s11] =	ssyncset.done $0x0  }
0x95: {  	s17 =	rddreg [dreg:$0xa];
	[sflag:s11] =	ssyncadd.s32 $0xFFFFEC00  }
0x96: {  	[tilespmem:s31], [sflag:$0x2] =	stream.indirect.gather [hbm4b:s4+s24], $0x80, s17, s24, $0xb8;
	[tilespmem:$0x1D400] =	vst v63  }
0x97: {  	_ =	swait.ge [sflag:s12], $0x1400  }
0x98: {  	[sflag:s12] =	ssyncset.done $0x0  }
0x99: {  	s18 =	rddreg [dreg:$0xb];
	[sflag:s12] =	ssyncadd.s32 $0xFFFFEC00  }
0x9a: {  	[tilespmem:s22], [sflag:$0x3] =	stream.indirect.gather [hbm4b:s4+s24], $0x80, s18, s24, $0xb8;
	[tilespmem:$0x1D400] =	vst v63  }
0x9b: {  	_ =	swait.ge [sflag:s13], $0x1400  }
0x9c: {  	[sflag:s13] =	ssyncset.done $0x0  }
0x9d: {  	s20 =	rddreg [dreg:$0xc];
	[sflag:s13] =	ssyncadd.s32 $0xFFFFEC00  }
0x9e: {  	[tilespmem:s7], [sflag:$0x4] =	stream.indirect.gather [hbm4b:s4+s24], $0x80, s20, s24, $0xb8;
	[tilespmem:$0x1D400] =	vst v63  }
0x9f: {  	_ =	swait.ge [sflag:s14], $0x1400  }
0xa0: {  	p0 =	por $0x0, $0x0;
	s16 =	rddreg [dreg:$0x3]  }
0xa1: {  	[sflag:s14] =	ssyncset.done $0x0;
	s16 =	sadd.s32 @!p0 $0x0, s16  }
0xa2: {  	s6 =	rddreg [dreg:$0xd];
	[sflag:s14] =	ssyncadd.s32 $0xFFFFEC00;
	s16 =	sshrl.u32 @!p0 s16, $0x3  }
0xa3: {  	[tilespmem:s25], [sflag:$0x5] =	stream.indirect.gather [hbm4b:s4+s24], $0x80, s6, s24, $0xb8;
	[tilespmem:$0x1D400] =	vst v63  }
0xa4: {  	s17 =	simm.s32 @!p0 $0x0;
	s18 =	simm.s32 @!p0 $0x16000;
	s16 =	sadd.s32 @!p0 s5, s16  }
0xa5: {  	[tilespmem:s18], [sflag:$0xB] =	stream.linear.gather @!p0 [hbm4b:s16+s17], $0x500, $0x38;
	[tilespmem:$0x1D400] =	vst v63  }
0xa6: {  	_ =	swait.ge [sflag:s28], $0x1400  }
0xa7: {  	[sflag:s28] =	ssyncset.done $0x0  }
0xa8: {  	s15 =	rddreg [dreg:$0xe];
	[sflag:s28] =	ssyncadd.s32 $0xFFFFEC00  }
0xa9: {  	[spmem:s2] =	stream.indirect.scatter.add.f32 [tilespmem:s29], [sflag:$0x6], $0x80, s15, s24, $0xb8;
	[tilespmem:$0x1D400] =	vst v63  }
0xaa: {  	_ =	swait.ge [sflag:s30], $0x1400  }
0xab: {  	[sflag:s30] =	ssyncset.done $0x0  }
0xac: {  	s17 =	rddreg [dreg:$0xf];
	[sflag:s30] =	ssyncadd.s32 $0xFFFFEC00  }
0xad: {  	[spmem:s2] =	stream.indirect.scatter.add.f32 [tilespmem:s31], [sflag:$0x7], $0x80, s17, s24, $0xb8;
	[tilespmem:$0x1D400] =	vst v63  }
0xae: {  	_ =	swait.ge [sflag:s0], $0x1400  }
0xaf: {  	[sflag:s0] =	ssyncset.done $0x0  }
0xb0: {  	s18 =	rddreg [dreg:$0x10];
	[sflag:s0] =	ssyncadd.s32 $0xFFFFEC00  }
0xb1: {  	[spmem:s2] =	stream.indirect.scatter.add.f32 [tilespmem:s22], [sflag:$0x8], $0x80, s18, s24, $0xb8;
	[tilespmem:$0x1D400] =	vst v63  }
0xb2: {  	_ =	swait.ge [sflag:s1], $0x1400  }
0xb3: {  	[sflag:s1] =	ssyncset.done $0x0  }
0xb4: {  	s20 =	rddreg [dreg:$0x11];
	[sflag:s1] =	ssyncadd.s32 $0xFFFFEC00  }
0xb5: {  	[spmem:s2] =	stream.indirect.scatter.add.f32 [tilespmem:s7], [sflag:$0x9], $0x80, s20, s24, $0xb8;
	[tilespmem:$0x1D400] =	vst v63  }
0xb6: {  	_ =	swait.ge [sflag:s8], $0x1400  }
0xb7: {  	s16 =	simm.s32 $0x1000;
	[sflag:s8] =	ssyncset.done $0x0;
	s17 =	rddreg [dreg:$0x12]  }
.LBB2_4:
0xb8: {  	[sflag:s8] =	ssyncadd.s32 $0xFFFFEC00  }
0xb9: {  	[spmem:s2] =	stream.indirect.scatter.add.f32 [tilespmem:s25], [sflag:$0xA], $0x80, s17, s24, $0xb8;
	[tilespmem:$0x1D400] =	vst v63  }
0xba: {  	s18 =	smov.u32 s16;
	_ =	swait.ge [sflag:s23], $0x500  }
0xbb: {  	p1 =	sne.s32 s18, $0x0;
	[sflag:s23] =	ssyncset.done $0x0  }
0xbc: {  	s17 =	simm.s32 @p1 $0x6;
	[sflag:s23] =	ssyncadd.s32 $0xFFFFFB00  }
0xbd: {  	_ =	swait.ge @p1 [sflag:s17], $0x1400  }
0xbe: {  	s6 =	simm.s32 @p1 $0x17000;
	s20 =	simm.s32 @p1 $0x7;
	[sflag:s17] =	ssyncset.done @p1 $0x0  }
0xbf: {  	s15 =	simm.s32 @p1 $0x16000;
	[sflag:s17] =	ssyncadd.s32 @p1 $0xFFFFEC00;
	s17 =	simm.s32 @p1 $0x28  }
0xc0: {  	[tilespmem:s6], [sflag:$0x1] =	stream.indirect.gather @p1 [hbm4b:s4+s17], $0x80, s15, s17, $0xb8;
	[tilespmem:$0x1D400] =	vst v63  }
0xc1: {  	_ =	swait.ge @p1 [sflag:s20], $0x1400  }
0xc2: {  	s6 =	simm.s32 @p1 $0x8;
	[sflag:s20] =	ssyncset.done @p1 $0x0  }
0xc3: {  	s15 =	simm.s32 @p1 $0x16080;
	[sflag:s20] =	ssyncadd.s32 @p1 $0xFFFFEC00;
	s20 =	simm.s32 @p1 $0x18400  }
0xc4: {  	[tilespmem:s20], [sflag:$0x2] =	stream.indirect.gather @p1 [hbm4b:s4+s17], $0x80, s15, s17, $0xb8;
	[tilespmem:$0x1D400] =	vst v63  }
0xc5: {  	_ =	swait.ge @p1 [sflag:s6], $0x1400  }
0xc6: {  	s15 =	simm.s32 @p1 $0x9;
	[sflag:s6] =	ssyncset.done @p1 $0x0  }
0xc7: {  	s20 =	simm.s32 @p1 $0x19800;
	[sflag:s6] =	ssyncadd.s32 @p1 $0xFFFFEC00;
	s6 =	simm.s32 @p1 $0x16100  }
0xc8: {  	[tilespmem:s20], [sflag:$0x3] =	stream.indirect.gather @p1 [hbm4b:s4+s17], $0x80, s6, s17, $0xb8;
	[tilespmem:$0x1D400] =	vst v63  }
0xc9: {  	_ =	swait.ge @p1 [sflag:s15], $0x1400  }
0xca: {  	s6 =	simm.s32 @p1 $0xA;
	[sflag:s15] =	ssyncset.done @p1 $0x0  }
0xcb: {  	s20 =	simm.s32 @p1 $0x1AC00;
	[sflag:s15] =	ssyncadd.s32 @p1 $0xFFFFEC00;
	s15 =	simm.s32 @p1 $0x16180  }
0xcc: {  	[tilespmem:s20], [sflag:$0x4] =	stream.indirect.gather @p1 [hbm4b:s4+s17], $0x80, s15, s17, $0xb8;
	[tilespmem:$0x1D400] =	vst v63  }
0xcd: {  	_ =	swait.ge @p1 [sflag:s6], $0x1400  }
0xce: {  	s15 =	simm.s32 @!p1 $0x17000;
	[sflag:s6] =	ssyncset.done @p1 $0x0  }
0xcf: {  	s17 =	simm.s32 @!p1 $0x16000;
	[sflag:s6] =	ssyncadd.s32 @p1 $0xFFFFEC00;
	s6 =	simm.s32 @!p1 $0x28  }
0xd0: {  	[tilespmem:s15], [sflag:$0x1] =	stream.indirect.gather @!p1 [hbm4b:s4+s6], $0x80, s17, s6, $0xb8;
	[tilespmem:$0x1D400] =	vst v63  }
0xd1: {  	s15 =	simm.s32 @!p1 $0x16080;
	s17 =	simm.s32 @!p1 $0x18400  }
0xd2: {  	[tilespmem:s17], [sflag:$0x2] =	stream.indirect.gather @!p1 [hbm4b:s4+s6], $0x80, s15, s6, $0xb8;
	[tilespmem:$0x1D400] =	vst v63  }
0xd3: {  	s15 =	simm.s32 @!p1 $0x16100;
	s17 =	simm.s32 @!p1 $0x19800  }
0xd4: {  	[tilespmem:s17], [sflag:$0x3] =	stream.indirect.gather @!p1 [hbm4b:s4+s6], $0x80, s15, s6, $0xb8;
	[tilespmem:$0x1D400] =	vst v63  }
0xd5: {  	s15 =	simm.s32 @!p1 $0x16180;
	s17 =	simm.s32 @!p1 $0x1AC00  }
0xd6: {  	[tilespmem:s17], [sflag:$0x4] =	stream.indirect.gather @!p1 [hbm4b:s4+s6], $0x80, s15, s6, $0xb8;
	[tilespmem:$0x1D400] =	vst v63  }
0xd7: {  	s20 =	rddreg [dreg:$0x4]  }
0xd8: {  	[tilespmem:s25], [sflag:$0x5] =	stream.indirect.gather [hbm4b:s4+s24], $0x80, s20, s24, $0xb8;
	[tilespmem:$0x1D400] =	vst v63  }
0xd9: {  	s19 =	sadd.s32 $0x200, s19  }
0xda: {  	[tilespmem:s26], [sflag:$0xC] =	stream.linear.gather [hbm4b:s19+s3], $0x500, $0x38;
	[tilespmem:$0x1D400] =	vst v63  }
0xdb: {  	_ =	swait.ge [sflag:s28], $0x1400  }
0xdc: {  	[sflag:s28] =	ssyncset.done $0x0  }
0xdd: {  	s15 =	rddreg [dreg:$0x5];
	[sflag:s28] =	ssyncadd.s32 $0xFFFFEC00  }
0xde: {  	[spmem:s2] =	stream.indirect.scatter.add.f32 [tilespmem:s29], [sflag:$0x6], $0x80, s15, s24, $0xb8;
	[tilespmem:$0x1D400] =	vst v63  }
0xdf: {  	_ =	swait.ge [sflag:s30], $0x1400  }
0xe0: {  	[sflag:s30] =	ssyncset.done $0x0  }
0xe1: {  	s17 =	rddreg [dreg:$0x6];
	[sflag:s30] =	ssyncadd.s32 $0xFFFFEC00  }
0xe2: {  	[spmem:s2] =	stream.indirect.scatter.add.f32 [tilespmem:s31], [sflag:$0x7], $0x80, s17, s24, $0xb8;
	[tilespmem:$0x1D400] =	vst v63  }
0xe3: {  	_ =	swait.ge [sflag:s0], $0x1400  }
0xe4: {  	[sflag:s0] =	ssyncset.done $0x0  }
0xe5: {  	s20 =	rddreg [dreg:$0x7];
	[sflag:s0] =	ssyncadd.s32 $0xFFFFEC00  }
0xe6: {  	[spmem:s2] =	stream.indirect.scatter.add.f32 [tilespmem:s22], [sflag:$0x8], $0x80, s20, s24, $0xb8;
	[tilespmem:$0x1D400] =	vst v63  }
0xe7: {  	_ =	swait.ge [sflag:s1], $0x1400  }
0xe8: {  	[sflag:s1] =	ssyncset.done $0x0  }
0xe9: {  	s15 =	rddreg [dreg:$0x8];
	[sflag:s1] =	ssyncadd.s32 $0xFFFFEC00  }
0xea: {  	[spmem:s2] =	stream.indirect.scatter.add.f32 [tilespmem:s7], [sflag:$0x9], $0x80, s15, s24, $0xb8;
	[tilespmem:$0x1D400] =	vst v63  }
0xeb: {  	_ =	swait.ge [sflag:s8], $0x1400  }
0xec: {  	[sflag:s8] =	ssyncset.done $0x0  }
0xed: {  	s17 =	rddreg [dreg:$0x9];
	[sflag:s8] =	ssyncadd.s32 $0xFFFFEC00  }
0xee: {  	[spmem:s2] =	stream.indirect.scatter.add.f32 [tilespmem:s25], [sflag:$0xA], $0x80, s17, s24, $0xb8;
	[tilespmem:$0x1D400] =	vst v63  }
0xef: {  	_ =	swait.ge [sflag:s9], $0x500  }
0xf0: {  	[sflag:s9] =	ssyncset.done $0x0  }
0xf1: {  	[sflag:s9] =	ssyncadd.s32 $0xFFFFFB00  }
0xf2: {  	_ =	swait.ge [sflag:s10], $0x1400  }
0xf3: {  	[sflag:s10] =	ssyncset.done $0x0  }
0xf4: {  	[sflag:s10] =	ssyncadd.s32 $0xFFFFEC00  }
0xf5: {  	[tilespmem:s29], [sflag:$0x1] =	stream.indirect.gather [hbm4b:s4+s24], $0x80, s26, s24, $0xb8;
	[tilespmem:$0x1D400] =	vst v63  }
0xf6: {  	_ =	swait.ge [sflag:s11], $0x1400  }
0xf7: {  	[sflag:s11] =	ssyncset.done $0x0  }
0xf8: {  	s20 =	rddreg [dreg:$0xa];
	[sflag:s11] =	ssyncadd.s32 $0xFFFFEC00  }
0xf9: {  	[tilespmem:s31], [sflag:$0x2] =	stream.indirect.gather [hbm4b:s4+s24], $0x80, s20, s24, $0xb8;
	[tilespmem:$0x1D400] =	vst v63  }
0xfa: {  	_ =	swait.ge [sflag:s12], $0x1400  }
0xfb: {  	[sflag:s12] =	ssyncset.done $0x0  }
0xfc: {  	s15 =	rddreg [dreg:$0xb];
	[sflag:s12] =	ssyncadd.s32 $0xFFFFEC00  }
0xfd: {  	[tilespmem:s22], [sflag:$0x3] =	stream.indirect.gather [hbm4b:s4+s24], $0x80, s15, s24, $0xb8;
	[tilespmem:$0x1D400] =	vst v63  }
0xfe: {  	_ =	swait.ge [sflag:s13], $0x1400  }
0xff: {  	[sflag:s13] =	ssyncset.done $0x0  }
0x100: {  	s17 =	rddreg [dreg:$0xc];
	[sflag:s13] =	ssyncadd.s32 $0xFFFFEC00  }
0x101: {  	[tilespmem:s7], [sflag:$0x4] =	stream.indirect.gather [hbm4b:s4+s24], $0x80, s17, s24, $0xb8;
	[tilespmem:$0x1D400] =	vst v63  }
0x102: {  	_ =	swait.ge [sflag:s14], $0x1400  }
0x103: {  	p1 =	seq.s32 s18, $0x18000;
	s6 =	rddreg [dreg:$0x3]  }
0x104: {  	[sflag:s14] =	ssyncset.done $0x0;
	s6 =	sadd.s32 @!p1 s18, s6  }
0x105: {  	s20 =	rddreg [dreg:$0xd];
	[sflag:s14] =	ssyncadd.s32 $0xFFFFEC00;
	s6 =	sshrl.u32 @!p1 s6, $0x3  }
0x106: {  	[tilespmem:s25], [sflag:$0x5] =	stream.indirect.gather [hbm4b:s4+s24], $0x80, s20, s24, $0xb8;
	[tilespmem:$0x1D400] =	vst v63  }
0x107: {  	s17 =	simm.s32 @!p1 $0x0;
	s18 =	simm.s32 @!p1 $0x16000;
	s6 =	sadd.s32 @!p1 s5, s6  }
0x108: {  	[tilespmem:s18], [sflag:$0xB] =	stream.linear.gather @!p1 [hbm4b:s6+s17], $0x500, $0x38;
	[tilespmem:$0x1D400] =	vst v63  }
0x109: {  	_ =	swait.ge [sflag:s28], $0x1400  }
0x10a: {  	[sflag:s28] =	ssyncset.done $0x0  }
0x10b: {  	s15 =	rddreg [dreg:$0xe];
	[sflag:s28] =	ssyncadd.s32 $0xFFFFEC00  }
0x10c: {  	[spmem:s2] =	stream.indirect.scatter.add.f32 [tilespmem:s29], [sflag:$0x6], $0x80, s15, s24, $0xb8;
	[tilespmem:$0x1D400] =	vst v63  }
0x10d: {  	_ =	swait.ge [sflag:s30], $0x1400  }
0x10e: {  	[sflag:s30] =	ssyncset.done $0x0  }
0x10f: {  	s17 =	rddreg [dreg:$0xf];
	[sflag:s30] =	ssyncadd.s32 $0xFFFFEC00  }
0x110: {  	[spmem:s2] =	stream.indirect.scatter.add.f32 [tilespmem:s31], [sflag:$0x7], $0x80, s17, s24, $0xb8;
	[tilespmem:$0x1D400] =	vst v63  }
0x111: {  	_ =	swait.ge [sflag:s0], $0x1400  }
0x112: {  	[sflag:s0] =	ssyncset.done $0x0  }
0x113: {  	s16 =	sadd.s32 $0x1000, s16;
	s18 =	rddreg [dreg:$0x10];
	[sflag:s0] =	ssyncadd.s32 $0xFFFFEC00  }
0x114: {  	[spmem:s2] =	stream.indirect.scatter.add.f32 [tilespmem:s22], [sflag:$0x8], $0x80, s18, s24, $0xb8;
	[tilespmem:$0x1D400] =	vst v63  }
0x115: {  	p0 =	sne.s32 s16, $0x19000;
	_ =	swait.ge [sflag:s1], $0x1400  }
.Ltmp1:
0x116: {  	[sflag:s1] =	ssyncset.done $0x0;
	(pc) =	sbr.rel @p0 .LBB2_4-.Ltmp1, $4  }
0x117: {  	s20 =	rddreg [dreg:$0x11];
	[sflag:s1] =	ssyncadd.s32 $0xFFFFEC00  }
0x118: {  	[spmem:s2] =	stream.indirect.scatter.add.f32 [tilespmem:s7], [sflag:$0x9], $0x80, s20, s24, $0xb8;
	[tilespmem:$0x1D400] =	vst v63  }
0x119: {  	_ =	swait.ge [sflag:s8], $0x1400  }
0x11a: {  	[sflag:s8] =	ssyncset.done $0x0;
	s17 =	rddreg [dreg:$0x12]  }
0x11b: {  	[sflag:s8] =	ssyncadd.s32 $0xFFFFEC00  }
0x11c: {  	[spmem:s2] =	stream.indirect.scatter.add.f32 [tilespmem:s25], [sflag:$0xA], $0x80, s17, s24, $0xb8;
	[tilespmem:$0x1D400] =	vst v63  }
0x11d: {  	_ =	swait.ge [sflag:s10], $0x1400  }
0x11e: {  	[sflag:s10] =	ssyncset.done $0x0  }
0x11f: {  	[sflag:s10] =	ssyncadd.s32 $0xFFFFEC00  }
0x120: {  	_ =	swait.ge [sflag:s11], $0x1400  }
0x121: {  	[sflag:s11] =	ssyncset.done $0x0  }
0x122: {  	[sflag:s11] =	ssyncadd.s32 $0xFFFFEC00  }
0x123: {  	_ =	swait.ge [sflag:s12], $0x1400  }
0x124: {  	[sflag:s12] =	ssyncset.done $0x0  }
0x125: {  	[sflag:s12] =	ssyncadd.s32 $0xFFFFEC00  }
0x126: {  	_ =	swait.ge [sflag:s13], $0x1400  }
0x127: {  	[sflag:s13] =	ssyncset.done $0x0  }
0x128: {  	[sflag:s13] =	ssyncadd.s32 $0xFFFFEC00  }
0x129: {  	_ =	swait.ge [sflag:s14], $0x1400  }
0x12a: {  	[sflag:s14] =	ssyncset.done $0x0  }
0x12b: {  	[sflag:s14] =	ssyncadd.s32 $0xFFFFEC00  }
0x12c: {  	s6 =	stileid.u32;
	[bflag:$0x0] =	sbarrier.arrive $0xFFFF  }
0x12d: {  	s6 =	sshll.u32 s6, $0x6;
	s18 =	rddreg [dreg:$0x13]  }
0x12e: {  	s6 =	sor.u32 $0x1C0D, s6;
	s16 =	rddreg [dreg:$0x1e];
	s15 =	sshrl.u32 s18, $0x3  }
0x12f: {  	[hbm:s16], [sflag:s6] =	dma.local [spmem:s15], $0x2800  }
0x130: {  	_ =	swait.ge [sflag:s21], $0x2800  }
0x131: {  	s19 =	sld [smem:$0x7FC];
	_ =	sdelay $0x2  }
0x132: {  	s20 =	rddreg [dreg:$0x1f];
	s15 =	sadd.s32 $0x1, s19  }
0x133: {  	p0 =	sne.s32 s15, s20  }
.Ltmp2:
0x134: {  	_ = 	snop;
	(pc) =	sbr.rel @p0 .LBB2_1-.Ltmp2, $3  }
0x135: {  	_ =	sdelay $0x1  }
0x136: {  	[sflag:s21] =	ssyncset.done $0x0  }
0x137: {  	[sflag:s21] =	ssyncadd.s32 $0xFFFFD800  }
0x138: {  	_ =	sfence.sel $0x180000  }
0x139: {  	[bflag:$0x0] =	sbarrier.arrive $0xFFFF  }
0x13a: {  	_ =	strace $0x9000004A  }
0x13b: {  	s0 =	stileid.u32;
	[bflag:$0x2] =	sbarrier.arrive $0xFFFF  }
0x13c: {  	p0 =	sne.s32 s0, $0x0;
	s0 =	rddreg [dreg:$0x2]  }
0x13d: {  	s0 =	sadd.s32 @!p0 $0x100000, s0  }
0x13e: {  	[sflag:s0] =	ssyncadd.tile.s32 @!p0 $0x1;
	_ =	shalt  }
.Lfunc_end2:
_tile_overlayer_lowered:
.L_overlay_start_2:
0x13f: {  	(tag) =	ssettag $0x2  }
0x140: {  	s0 =	rddreg [dreg:$0x0];
	s2 =	stileid.u32  }
0x141: {  	s1 =	rddreg [dreg:$0x1];
	p0 =	sne.s32 s2, $0x0  }
0x142: {  	s3 =	rddreg [dreg:$0x2];
	[bflag:$0x3] =	sbarrier.arrive $0xFFFF;
	s2 =	simm.s32 @!p0 $0x1C0D  }
0x143: {  	[timem:s3], [sflag:s2] =	dma.local @!p0 [hbm:s0], s1  }
0x144: {  	s0 =	simm.s32 @!p0 $0xD  }
0x145: {  	_ =	swait.ge @!p0 [sflag:s0], s1  }
0x146: {  	s1 =	ssub.s32 @!p0 $0x0, s1;
	[sflag:s0] =	ssyncset.done @!p0 $0x0  }
0x147: {  	[sflag:s0] =	ssyncadd.s32 @!p0 s1  }
0x148: {  	[bflag:$0x3] =	sbarrier.arrive $0xFFFF  }
0x149: {  	_ =	shalt  }

// kernel: kernel.14.cloned.1.call-start
scs
__scs_entry_jumppad:
0x0: {  	(pc) =	sbr.rel $0x88, $3  }
0x1: {  	(tag) =	ssettag $0x0;
	lr =	simm.s32 $0x1  }
0x2: {  	[smem:$0x3F96] =	sst lr;
	_ =	strace $0xD0000000  }
0x3: {  	_ = 	snop  }
0x4: {  	_ = 	snop  }
0x5: {  	_ = 	snop  }
0x6: {  	_ = 	snop  }
0x7: {  	_ = 	snop  }
__scs_overlays_trampoline_lowered:
0x8: {  	[smem:$0x3FA5] =	sst s0  }
0x9: {  	[smem:$0x3FA6] =	sst s1  }
0xa: {  	[smem:$0x3FA7] =	sst s2  }
0xb: {  	[smem:$0x3FA8] =	sst s3  }
0xc: {  	[smem:$0x3FA9] =	sst s4  }
0xd: {  	[smem:$0x3FAA] =	sst s5  }
0xe: {  	[smem:$0x3FAB] =	sst s6  }
0xf: {  	[smem:$0x3FAC] =	sst s7  }
0x10: {  	[smem:$0x3FAD] =	sst s8  }
0x11: {  	[smem:$0x3FAE] =	sst s9;
	s0 =	simm.s32 @!p0 $0x0  }
0x12: {  	s1 =	sld [smem:$0x3F94];
	s0 =	simm.s32 @p0 $0x1  }
0x13: {  	[smem:$0x3FAF] =	sst s0;
	s0 =	simm.s32 @!p1 $0x0  }
0x14: {  	s2 =	sld [smem:$0x3F93];
	s0 =	simm.s32 @p1 $0x1  }
0x15: {  	[smem:$0x3FB0] =	sst s0;
	s0 =	simm.s32 @!p2 $0x0  }
0x16: {  	s3 =	sld [smem:$0x3FDB];
	s0 =	simm.s32 @p2 $0x1  }
0x17: {  	s4 =	simm.s32 $0x1BF5;
	[smem:$0x3FB2] =	sst s0  }
0x18: {  	s0 =	sld [smem:$0x3F95];
	_ =	swait.ge [sflag:s4], $0x0  }
0x19: {  	s7 =	sld [smem:$0x3F96]  }
0x1a: {  	s8 =	sadd.s32 $0xFFFFE003, lr  }
0x1b: {  	s9 =	sadd.s32 $0xFFFFFEF7, lr;
	s5 =	simm.s32 $0xFFFFFFFF;
	p2 =	slt.u32 s8, $0xFFFFF086  }
0x1c: {  	p1 =	slt.u32 s9, $0xF7A;
	s5 =	simm.s32 @!p2 $0x0  }
0x1d: {  	s5 =	simm.s32 @p1 $0x1;
	p0 =	seq.s32 s7, s2  }
0x1e: {  	s7 =	smul.u32 @!p0 $0xF7A, s2;
	p2 =	seq.s32 @!p0 s5, $0x0  }
0x1f: {  	s9 =	smul.u32 $0xF7A, s1;
	s8 =	simm.s32 @!p0 $0x1BF5;
	p2 =	por !p2, p0  }
0x20: {  	[sflag:s8] =	ssyncset.s32 @!p0 $0xFFFFF086;
	s6 =	sadd.s32 @!p0 s3, s7;
	s7 =	simm.s32 @!p0 $0x108  }
0x21: {  	s3 =	sadd.s32 s3, s9;
	s6 =	sadd.s32 @!p0 $0x88, s6;
	s7 =	simm.s32 @p2 $0x1082  }
0x22: {  	[simem:s7], [sflag:s8] =	dma.local @!p0 [hbm:s6], $0xF7A  }
0x23: {  	s9 =	sor.u32 $0xD0000000, s2;
	s6 =	simm.s32 $0x108;
	_ =	swait.ge @!p0 [sflag:s8], $0x0  }
0x24: {  	s3 =	sadd.s32 $0x88, s3;
	s6 =	simm.s32 @!p1 $0x1082;
	[sflag:s4] =	ssyncset.s32 $0xFFFFF086  }
0x25: {  	[simem:s6], [sflag:s4] =	dma.local [hbm:s3], $0xF7A  }
0x26: {  	[smem:$0x3F96] =	sst s1;
	(tag) =	ssettag s2;
	_ =	strace s9  }
0x27: {  	s1 =	sld [smem:$0x3FA6]  }
0x28: {  	s2 =	sld [smem:$0x3FA7]  }
0x29: {  	s4 =	sld [smem:$0x3FA9]  }
0x2a: {  	p0 =	seq.s32 s5, $0x0;
	s5 =	sld [smem:$0x3FAA]  }
0x2b: {  	s6 =	sld [smem:$0x3FAB]  }
0x2c: {  	s7 =	sld [smem:$0x3FAC]  }
0x2d: {  	s3 =	simm.s32 $0x108;
	s8 =	sld [smem:$0x3FAD]  }
0x2e: {  	s3 =	simm.s32 @!p0 $0x1082;
	s9 =	sld [smem:$0x3FAE]  }
0x2f: {  	lr =	sadd.s32 s0, s3;
	s0 =	sld [smem:$0x3FA5]  }
0x30: {  	s3 =	sld [smem:$0x3FA8]  }
0x31: {  	[smem:$0x3FB1] =	sst s10  }
0x32: {  	s10 =	sld [smem:$0x3FAF];
	_ =	sdelay $0x3  }
0x33: {  	p0 =	seq.s32 s10, $0x1;
	s10 =	sld [smem:$0x3FB1];
	_ =	sdelay $0x3  }
0x34: {  	[smem:$0x3FB1] =	sst s10  }
0x35: {  	s10 =	sld [smem:$0x3FB0];
	_ =	sdelay $0x3  }
0x36: {  	p1 =	seq.s32 s10, $0x1;
	s10 =	sld [smem:$0x3FB1];
	_ =	sdelay $0x3  }
0x37: {  	[smem:$0x3FB1] =	sst s10  }
0x38: {  	s10 =	sld [smem:$0x3FB2]  }
0x39: {  	_ = 	snop;
	(pc) =	sbr.ind lr, $3  }
0x3a: {  	_ = 	snop  }
0x3b: {  	_ = 	snop  }
0x3c: {  	p2 =	seq.s32 s10, $0x1;
	s10 =	sld [smem:$0x3FB1]  }
0x3d: {  	_ =	shalt  }
0x3e: {  	_ =	shalt  }
0x3f: {  	_ =	shalt  }
0x40: {  	_ =	shalt  }
0x41: {  	_ =	shalt  }
0x42: {  	_ =	shalt  }
0x43: {  	_ =	shalt  }
0x44: {  	_ =	shalt  }
0x45: {  	_ =	shalt  }
0x46: {  	_ =	shalt  }
0x47: {  	_ =	shalt  }
0x48: {  	_ =	shalt  }
0x49: {  	_ =	shalt  }
0x4a: {  	_ =	shalt  }
0x4b: {  	_ =	shalt  }
0x4c: {  	_ =	shalt  }
0x4d: {  	_ =	shalt  }
0x4e: {  	_ =	shalt  }
0x4f: {  	_ =	shalt  }
0x50: {  	_ =	shalt  }
0x51: {  	_ =	shalt  }
0x52: {  	_ =	shalt  }
0x53: {  	_ =	shalt  }
0x54: {  	_ =	shalt  }
0x55: {  	_ =	shalt  }
0x56: {  	_ =	shalt  }
0x57: {  	_ =	shalt  }
0x58: {  	_ =	shalt  }
0x59: {  	_ =	shalt  }
0x5a: {  	_ =	shalt  }
0x5b: {  	_ =	shalt  }
0x5c: {  	_ =	shalt  }
0x5d: {  	_ =	shalt  }
0x5e: {  	_ =	shalt  }
0x5f: {  	_ =	shalt  }
0x60: {  	_ =	shalt  }
0x61: {  	_ =	shalt  }
0x62: {  	_ =	shalt  }
0x63: {  	_ =	shalt  }
0x64: {  	_ =	shalt  }
0x65: {  	_ =	shalt  }
0x66: {  	_ =	shalt  }
0x67: {  	_ =	shalt  }
0x68: {  	_ =	shalt  }
0x69: {  	_ =	shalt  }
0x6a: {  	_ =	shalt  }
0x6b: {  	_ =	shalt  }
0x6c: {  	_ =	shalt  }
0x6d: {  	_ =	shalt  }
0x6e: {  	_ =	shalt  }
0x6f: {  	_ =	shalt  }
0x70: {  	_ =	shalt  }
0x71: {  	_ =	shalt  }
0x72: {  	_ =	shalt  }
0x73: {  	_ =	shalt  }
0x74: {  	_ =	shalt  }
0x75: {  	_ =	shalt  }
0x76: {  	_ =	shalt  }
0x77: {  	_ =	shalt  }
0x78: {  	_ =	shalt  }
0x79: {  	_ =	shalt  }
0x7a: {  	_ =	shalt  }
0x7b: {  	_ =	shalt  }
0x7c: {  	_ =	shalt  }
0x7d: {  	_ =	shalt  }
0x7e: {  	_ =	shalt  }
0x7f: {  	_ =	shalt  }
0x80: {  	_ =	shalt  }
0x81: {  	_ =	shalt  }
0x82: {  	_ =	shalt  }
0x83: {  	_ =	shalt  }
0x84: {  	_ =	shalt  }
0x85: {  	_ =	shalt  }
0x86: {  	_ =	shalt  }
0x87: {  	_ =	shalt  }
.Lfunc_end0:
.L_simem_size_0:
called_computation.2_lowered:
.L_overlay_start_0:
0x88: {  	s2 =	sld [smem:$0x3FD9]  }
0x89: {  	s3 =	sld [smem:$0x3FFE];
	_ =	sdelay $0x1  }
0x8a: {  	s1 =	srdreg.scid  }
0x8b: {  	s0 =	sand.u32 $0x1, s1  }
0x8c: {  	s16 =	sshll.u32 s0, $0xA;
	s2 =	sadd.s32 s3, s2  }
0x8d: {  	s2 =	sadd.s32 s2, s16  }
0x8e: {  	[smem:$0x3FBD] =	sst s2  }
0x8f: {  	_ = 	snop  }
0x90: {  	(tm) =	ssettm $0x1  }
0x91: {  	s17 =	sld [smem:$0x3FFB];
	_ =	sdelay $0x3  }
0x92: {  	_ =	strace s17  }
0x93: {  	s2 =	sld [smem:$0x3FFC];
	_ =	sdelay $0x3  }
0x94: {  	_ =	strace s2  }
0x95: {  	s2 =	sld [smem:$0x3FFD];
	_ =	sdelay $0x3  }
0x96: {  	_ =	strace s2  }
0x97: {  	_ =	strace $0x8FFFFFFF  }
0x98: {  	s18 =	sld [smem:$0x3FDB];
	_ =	sdelay $0x1  }
0x99: {  	s19 =	simm.s32 $_scs_section_size  }
0x9a: {  	s4 =	simm.s32 $_size__tile_overlayer_lowered;
	s5 =	simm.s32 $_tile_overlayer_lowered  }
0x9b: {  	s22 =	simm.s32 $0x1BFF;
	s21 =	sshll.u32 s5, $0x1;
	s2 =	sadd.s32 s19, s18  }
0x9c: {  	s6 =	simm.s32 $0x0;
	s20 =	sshll.u32 s4, $0x1;
	s4 =	sadd.s32 s21, s2  }
0x9d: {  	[timem:s6], [sflag:s22] =	dma.local [hbm:s4], s20  }
0x9e: {  	_ =	swait.ge [sflag:s22], s20  }
0x9f: {  	s3 =	ssub.s32 $0x0, s20;
	[sflag:s22] =	ssyncset.done $0x0  }
0xa0: {  	[sflag:s22] =	ssyncadd.s32 s3;
	_ =	sdelay $0x1  }
0xa1: {  	s23 =	simm.s32 $0x1B8B  }
0xa2: {  	_ =	swait.ge [sflag:s23], $0x1  }
0xa3: {  	[sflag:s23] =	ssyncset.done $0x0  }
0xa4: {  	s25 =	simm.s32 $0x1B8E;
	s24 =	sld [smem:$0x3FFE];
	[sflag:s23] =	ssyncadd.s32 $0xFFFFFFFF  }
0xa5: {  	s26 =	simm.s32 $execute0_lowered;
	[smem:$0x3FD2] =	sst s25  }
0xa6: {  	s4 =	sshll.u32 s26, $0x1;
	_ =	strace $0x8000004C;
	[dreg:$0x1] =	wrdreg $0xFFFFFFFF  }
0xa7: {  	s28 =	simm.s32 $_size_execute0_lowered;
	s2 =	sadd.s32 s2, s4;
	[dreg:$0x0] =	wrdreg $0x0  }
0xa8: {  	s4 =	sshll.u32 s28, $0x1;
	[dreg:$0x2] =	wrdreg s2  }
0xa9: {  	[dreg:$0x3] =	wrdreg s4  }
0xaa: {  	[dreg:$0x4] =	wrdreg $0xC0  }
0xab: {  	_ =	task [dreg:s6], $0x5FFFF  }
0xac: {  	[dreg:$0x1] =	wrdreg $0xFFFFFFFF  }
0xad: {  	[dreg:$0x0] =	wrdreg $0x60  }
0xae: {  	[dreg:$0x2] =	wrdreg s24  }
0xaf: {  	[dreg:$0x3] =	wrdreg $0x0  }
0xb0: {  	[dreg:$0x4] =	wrdreg $0x9  }
0xb1: {  	_ =	task.clear_ibuf [dreg:s6], $0x5FFFF;
	_ =	strace $0x9000004C  }
0xb2: {  	s29 =	simm.s32 $0x9;
	_ =	strace $0x8000004E  }
0xb3: {  	_ =	swait.ge [sflag:s29], $0x1  }
0xb4: {  	[sflag:s29] =	ssyncadd.s32 $0xFFFFFFFF  }
0xb5: {  	_ =	strace $0x9000004E  }
0xb6: {  	_ =	sfence  }
0xb7: {  	s30 =	sld [smem:$0x0];
	_ =	sdelay $0x2  }
0xb8: {  	s31 =	sshll.u32 s1, $0xD;
	s1 =	sshrl.u32 s1, $0x2  }
0xb9: {  	s3 =	sand.u32 $0x4000, s31;
	s1 =	sadd.s32 s1, s30  }
0xba: {  	s0 =	sor.u32 s3, s0;
	s1 =	sshll.u32 s1, $0x11  }
0xbb: {  	s0 =	sor.u32 s1, s0  }
0xbc: {  	s0 =	sadd.s32 $0x8F2B, s0  }
0xbd: {  	[sflag:s0] =	ssyncadd.remote.s32 $0x1  }
0xbe: {  	_ =	sfence.sel $0xFFFF  }
0xbf: {  	[dreg:$0x0] =	wrdreg $0xFFFFFFFF;
	(pc) =	sbr.abs _section_cstart, $3  }
0xc0: {  	[dreg:$0x1] =	wrdreg $0xFFFFFFFF  }
0xc1: {  	_ =	task.clear_ibuf [dreg:s6], $0x2FFFF;
	_ =	strace $0x9FFFFFFF  }
0xc2: {  	(tm) =	ssettm $0x7FFFFFFF  }
0xc3: {  	_ =	shalt  }
tec
execute0_lowered:
.L_overlay_start_1:
0x0: {  	(tag) =	ssettag $0x1  }
0x1: {  	s3 =	rddreg [dreg:$0x0]  }
0x2: {  	s1 =	rddreg [dreg:$0x1];
	s2 =	simm.s32 $0x0  }
0x3: {  	s12 =	stileid.u32;
	s24 =	srdreg.scid;
	s21 =	simm.s32 $0x16200  }
0x4: {  	s23 =	simm.s32 $0x16280;
	s28 =	simm.s32 $0xB;
	s29 =	simm.s32 $0x28  }
0x5: {  	[smem:$0x7FF] =	sst s2;
	s4 =	sadd.s32 $0x88C00, s3;
	s0 =	sadd.s32 $0x3000, s3  }
0x6: {  	s5 =	sadd.s32 $0x24C00, s3;
	_ =	strace $0x8000004D;
	[dreg:$0x13] =	wrdreg s0  }
0x7: {  	s6 =	sshll.u32 s12, $0x9;
	s8 =	smul.u32 $0x50000, s12;
	[dreg:$0x4] =	wrdreg s21  }
0x8: {  	s7 =	sshll.u32 s12, $0x2;
	[dreg:$0x5] =	wrdreg s23;
	s21 =	simm.s32 $0x16A80  }
0x9: {  	s23 =	simm.s32 $0x16B80;
	s8 =	sshrl.u32 s8, $0x2;
	[dreg:$0xe] =	wrdreg s21  }
0xa: {  	s26 =	smul.u32 $0x19000, s12;
	[dreg:$0x10] =	wrdreg s23;
	s13 =	sadd.s32 s8, s1  }
0xb: {  	s0 =	sand.u32 $0x1, s24;
	s14 =	sadd.s32 $0x2000, s13;
	[dreg:$0x14] =	wrdreg s13  }
0xc: {  	s6 =	sadd.s32 s6, s3;
	s15 =	sadd.s32 $0x4000, s13;
	[dreg:$0x15] =	wrdreg s14  }
0xd: {  	s3 =	sadd.s32 s7, s3;
	s16 =	sadd.s32 $0x6000, s13;
	[dreg:$0x16] =	wrdreg s15  }
0xe: {  	s25 =	ssub.s32 $0x2, s0;
	s17 =	sadd.s32 $0x8000, s13;
	[dreg:$0x17] =	wrdreg s16  }
0xf: {  	s10 =	smul.u32 $0x190000, s0;
	s18 =	sadd.s32 $0xA000, s13;
	[dreg:$0x18] =	wrdreg s17  }
0x10: {  	s11 =	sshll.u32 s0, $0x4;
	s20 =	sadd.s32 $0xC000, s13;
	[dreg:$0x19] =	wrdreg s18  }
0x11: {  	s9 =	sshrl.u32 s25, $0x1;
	s22 =	sadd.s32 $0xE000, s13;
	[dreg:$0x1a] =	wrdreg s20  }
0x12: {  	s12 =	sor.u32 s12, s11;
	s24 =	sadd.s32 $0x10000, s13;
	[dreg:$0x1b] =	wrdreg s22  }
0x13: {  	s7 =	ssub.s32 s25, s9;
	s25 =	simm.s32 $0x16300;
	[dreg:$0x1c] =	wrdreg s24  }
0x14: {  	s9 =	smul.u32 $0x19000, s12;
	s12 =	sadd.s32 $0x12000, s13;
	[dreg:$0x6] =	wrdreg s25  }
0x15: {  	s8 =	sadd.s32 s26, s10;
	s26 =	simm.s32 $0x16380;
	[dreg:$0x1d] =	wrdreg s12  }
0x16: {  	s30 =	simm.s32 $0x1C000;
	s13 =	simm.s32 $0x16400;
	[dreg:$0x7] =	wrdreg s26  }
0x17: {  	s31 =	simm.s32 $0x16800;
	s19 =	sadd.s32 $0x1000, s8;
	[dreg:$0x8] =	wrdreg s13  }
0x18: {  	p0 =	sne.s32 s0, $0x0;
	s14 =	simm.s32 $0x16480;
	[dreg:$0x3] =	wrdreg s19  }
0x19: {  	s11 =	simm.s32 $0x1AC00;
	s16 =	sadd.s32 $0x2E00, s3;
	[dreg:$0x9] =	wrdreg s14  }
0x1a: {  	s15 =	simm.s32 $0x16880;
	s17 =	simm.s32 $0x16900;
	[dreg:$0x1f] =	wrdreg s16  }
0x1b: {  	s18 =	sshll.u32 s0, $0xD;
	s20 =	simm.s32 $0x16A00;
	[dreg:$0xa] =	wrdreg s15  }
0x1c: {  	s22 =	simm.s32 $0x16B00;
	s3 =	sadd.s32 $0x3600, s3;
	[dreg:$0xb] =	wrdreg s17  }
0x1d: {  	s24 =	sor.u32 $0x800, s8;
	s25 =	simm.s32 $0x16C00;
	[dreg:$0xd] =	wrdreg s20  }
0x1e: {  	s26 =	simm.s32 $0x16C80;
	s7 =	smax.u32 s7, $0x1;
	[smem:$0x7FB] =	sst s3  }
0x1f: {  	s0 =	simm.s32 $0x1;
	s8 =	simm.s32 $0x3;
	[dreg:$0xf] =	wrdreg s22  }
0x20: {  	s12 =	simm.s32 $0x5;
	s13 =	simm.s32 $0xC;
	[dreg:$0x11] =	wrdreg s25  }
0x21: {  	s9 =	sshrl.u32 s9, $0x3;
	s19 =	simm.s32 $0x16980;
	[smem:$0x7FC] =	sst s7  }
0x22: {  	s10 =	sadd.s32 s18, s6;
	s6 =	sadd.s32 $0x7800, s6;
	[dreg:$0x12] =	wrdreg s26  }
0x23: {  	s25 =	simm.s32 $0xD;
	s3 =	simm.s32 $0x17000;
	s26 =	simm.s32 $0x2  }
0x24: {  	s14 =	simm.s32 $0x6;
	s15 =	simm.s32 $0x7;
	s16 =	simm.s32 $0x8  }
0x25: {  	s17 =	simm.s32 $0x9;
	s18 =	simm.s32 $0xA;
	[dreg:$0xc] =	wrdreg s19  }
0x26: {  	s9 =	sadd.s32 s5, s9;
	s10 =	sadd.s32 $0x3800, s10;
	[smem:$0x7FA] =	sst s6  }
0x27: {  	s6 =	sshrl.u32 s24, $0x3;
	s19 =	simm.s32 $0x0;
	[dreg:$0x1e] =	wrdreg s9  }
0x28: {  	[smem:$0x7F9] =	sst s10;
	s6 =	sadd.s32 s6, s5;
	s9 =	simm.s32 $0x19800  }
0x29: {  	v0 =	vimm.f32 $0.0e+00;
	s10 =	simm.s32 $0x4;
	[smem:$0x7FD] =	sst s6;
	s6 =	simm.s32 $0x18400  }
.LBB2_1:
0x2a: {  	[smem:$0x7F8] =	sst s19;
	s7 =	simm.s32 $0x10;
	s20 =	sand.u32 $0x1FF0, s2  }
.LBB2_2:
0x2b: {  	p1 =	sne.s32 s7, $0x1FF0;
	[tilespmem:s20+$0x14000] =	vst v0;
	s20 =	smov.u32 s7;
	s7 =	sadd.s32 $0x10, s7  }
.Ltmp0:
0x2c: {  	(pc) =	sbr.rel @p1 .LBB2_2-.Ltmp0, $2  }
0x2d: {  	_ =	sdelay $0x2  }
0x2e: {  	s20 =	sand.u32 $0x1FF0, s20  }
0x2f: {  	[tilespmem:s20+$0x14000] =	vst v0;
	s7 =	rddreg [dreg:$0x14];
	s19 =	simm.s32 $0x14000  }
0x30: {  	[spmem:s7] =	stream.linear.scatter [tilespmem:s19], [sflag:$0xD], $0x2000, $0x38;
	[tilespmem:$0x1E500] =	vst v63  }
0x31: {  	_ =	swait.ge [sflag:s25], $0x2000  }
0x32: {  	[sflag:s25] =	ssyncset.done $0x0  }
0x33: {  	s23 =	rddreg [dreg:$0x15];
	[sflag:s25] =	ssyncadd.s32 $0xFFFFE000  }
0x34: {  	[spmem:s23] =	stream.linear.scatter [tilespmem:s19], [sflag:$0xD], $0x2000, $0x38;
	[tilespmem:$0x1E500] =	vst v63  }
0x35: {  	_ =	swait.ge [sflag:s25], $0x2000  }
0x36: {  	[sflag:s25] =	ssyncset.done $0x0  }
0x37: {  	s24 =	rddreg [dreg:$0x16];
	[sflag:s25] =	ssyncadd.s32 $0xFFFFE000  }
0x38: {  	[spmem:s24] =	stream.linear.scatter [tilespmem:s19], [sflag:$0xD], $0x2000, $0x38;
	[tilespmem:$0x1E500] =	vst v63  }
0x39: {  	_ =	swait.ge [sflag:s25], $0x2000  }
0x3a: {  	[sflag:s25] =	ssyncset.done $0x0  }
0x3b: {  	s20 =	rddreg [dreg:$0x17];
	[sflag:s25] =	ssyncadd.s32 $0xFFFFE000  }
0x3c: {  	[spmem:s20] =	stream.linear.scatter [tilespmem:s19], [sflag:$0xD], $0x2000, $0x38;
	[tilespmem:$0x1E500] =	vst v63  }
0x3d: {  	_ =	swait.ge [sflag:s25], $0x2000  }
0x3e: {  	[sflag:s25] =	ssyncset.done $0x0  }
0x3f: {  	s21 =	rddreg [dreg:$0x18];
	[sflag:s25] =	ssyncadd.s32 $0xFFFFE000  }
0x40: {  	[spmem:s21] =	stream.linear.scatter [tilespmem:s19], [sflag:$0xD], $0x2000, $0x38;
	[tilespmem:$0x1E500] =	vst v63  }
0x41: {  	_ =	swait.ge [sflag:s25], $0x2000  }
0x42: {  	[sflag:s25] =	ssyncset.done $0x0  }
0x43: {  	s22 =	rddreg [dreg:$0x19];
	[sflag:s25] =	ssyncadd.s32 $0xFFFFE000  }
0x44: {  	[spmem:s22] =	stream.linear.scatter [tilespmem:s19], [sflag:$0xD], $0x2000, $0x38;
	[tilespmem:$0x1E500] =	vst v63  }
0x45: {  	_ =	swait.ge [sflag:s25], $0x2000  }
0x46: {  	[sflag:s25] =	ssyncset.done $0x0  }
0x47: {  	s23 =	rddreg [dreg:$0x1a];
	[sflag:s25] =	ssyncadd.s32 $0xFFFFE000  }
0x48: {  	[spmem:s23] =	stream.linear.scatter [tilespmem:s19], [sflag:$0xD], $0x2000, $0x38;
	[tilespmem:$0x1E500] =	vst v63  }
0x49: {  	_ =	swait.ge [sflag:s25], $0x2000  }
0x4a: {  	[sflag:s25] =	ssyncset.done $0x0  }
0x4b: {  	s24 =	rddreg [dreg:$0x1b];
	[sflag:s25] =	ssyncadd.s32 $0xFFFFE000  }
0x4c: {  	[spmem:s24] =	stream.linear.scatter [tilespmem:s19], [sflag:$0xD], $0x2000, $0x38;
	[tilespmem:$0x1E500] =	vst v63  }
0x4d: {  	_ =	swait.ge [sflag:s25], $0x2000  }
0x4e: {  	[sflag:s25] =	ssyncset.done $0x0  }
0x4f: {  	s20 =	rddreg [dreg:$0x1c];
	[sflag:s25] =	ssyncadd.s32 $0xFFFFE000  }
0x50: {  	[spmem:s20] =	stream.linear.scatter [tilespmem:s19], [sflag:$0xD], $0x2000, $0x38;
	[tilespmem:$0x1E500] =	vst v63  }
0x51: {  	_ =	swait.ge [sflag:s25], $0x2000  }
0x52: {  	[sflag:s25] =	ssyncset.done $0x0  }
0x53: {  	s21 =	rddreg [dreg:$0x1d];
	[sflag:s25] =	ssyncadd.s32 $0xFFFFE000  }
0x54: {  	[spmem:s21] =	stream.linear.scatter [tilespmem:s19], [sflag:$0xD], $0x2000, $0x38;
	[tilespmem:$0x1E500] =	vst v63  }
0x55: {  	_ =	swait.ge [sflag:s25], $0x2000  }
0x56: {  	[sflag:s25] =	ssyncset.done $0x0  }
0x57: {  	[sflag:s25] =	ssyncadd.s32 $0xFFFFE000  }
0x58: {  	[bflag:$0x0] =	sbarrier.arrive $0xFFFF  }
0x59: {  	s22 =	simm.s32 $0x0;
	s24 =	simm.s32 $0x16000;
	s23 =	rddreg [dreg:$0x1e]  }
0x5a: {  	[tilespmem:s24], [sflag:$0xB] =	stream.linear.gather [hbm4b:s23+s22], $0x500, $0x38;
	[tilespmem:$0x1E500] =	vst v63  }
0x5b: {  	_ =	swait.ge [sflag:s28], $0x500  }
0x5c: {  	p1 =	por $0x0, $0x0;
	[sflag:s28] =	ssyncset.done $0x0  }
0x5d: {  	s7 =	simm.s32 @p1 $0x6;
	[sflag:s28] =	ssyncadd.s32 $0xFFFFFB00  }
0x5e: {  	_ =	swait.ge @p1 [sflag:s7], $0x1400  }
0x5f: {  	s20 =	simm.s32 @p1 $0x17000;
	s22 =	simm.s32 @p1 $0x7;
	[sflag:s7] =	ssyncset.done @p1 $0x0  }
0x60: {  	s23 =	simm.s32 @p1 $0x16000;
	[sflag:s7] =	ssyncadd.s32 @p1 $0xFFFFEC00;
	s7 =	simm.s32 @p1 $0x28  }
0x61: {  	[tilespmem:s20], [sflag:$0x1] =	stream.indirect.gather @p1 [hbm4b:s4+s7], $0x80, s23, s7, $0xb8;
	[tilespmem:$0x1E500] =	vst v63  }
0x62: {  	_ =	swait.ge @p1 [sflag:s22], $0x1400  }
0x63: {  	s20 =	simm.s32 @p1 $0x8;
	[sflag:s22] =	ssyncset.done @p1 $0x0  }
0x64: {  	s23 =	simm.s32 @p1 $0x18400;
	[sflag:s22] =	ssyncadd.s32 @p1 $0xFFFFEC00;
	s22 =	simm.s32 @p1 $0x16080  }
0x65: {  	[tilespmem:s23], [sflag:$0x2] =	stream.indirect.gather @p1 [hbm4b:s4+s7], $0x80, s22, s7, $0xb8;
	[tilespmem:$0x1E500] =	vst v63  }
0x66: {  	_ =	swait.ge @p1 [sflag:s20], $0x1400  }
0x67: {  	s22 =	simm.s32 @p1 $0x9;
	[sflag:s20] =	ssyncset.done @p1 $0x0  }
0x68: {  	s23 =	simm.s32 @p1 $0x19800;
	[sflag:s20] =	ssyncadd.s32 @p1 $0xFFFFEC00;
	s20 =	simm.s32 @p1 $0x16100  }
0x69: {  	[tilespmem:s23], [sflag:$0x3] =	stream.indirect.gather @p1 [hbm4b:s4+s7], $0x80, s20, s7, $0xb8;
	[tilespmem:$0x1E500] =	vst v63  }
0x6a: {  	_ =	swait.ge @p1 [sflag:s22], $0x1400  }
0x6b: {  	s20 =	simm.s32 @p1 $0xA;
	[sflag:s22] =	ssyncset.done @p1 $0x0  }
0x6c: {  	s23 =	simm.s32 @p1 $0x1AC00;
	[sflag:s22] =	ssyncadd.s32 @p1 $0xFFFFEC00;
	s22 =	simm.s32 @p1 $0x16180  }
0x6d: {  	[tilespmem:s23], [sflag:$0x4] =	stream.indirect.gather @p1 [hbm4b:s4+s7], $0x80, s22, s7, $0xb8;
	[tilespmem:$0x1E500] =	vst v63  }
0x6e: {  	_ =	swait.ge @p1 [sflag:s20], $0x1400  }
0x6f: {  	s7 =	simm.s32 @!p1 $0x17000;
	[sflag:s20] =	ssyncset.done @p1 $0x0  }
0x70: {  	s22 =	simm.s32 @!p1 $0x16000;
	[sflag:s20] =	ssyncadd.s32 @p1 $0xFFFFEC00;
	s20 =	simm.s32 @!p1 $0x28  }
0x71: {  	[tilespmem:s7], [sflag:$0x1] =	stream.indirect.gather @!p1 [hbm4b:s4+s20], $0x80, s22, s20, $0xb8;
	[tilespmem:$0x1E500] =	vst v63  }
0x72: {  	s7 =	simm.s32 @!p1 $0x16080;
	s22 =	simm.s32 @!p1 $0x18400  }
0x73: {  	[tilespmem:s22], [sflag:$0x2] =	stream.indirect.gather @!p1 [hbm4b:s4+s20], $0x80, s7, s20, $0xb8;
	[tilespmem:$0x1E500] =	vst v63  }
0x74: {  	s7 =	simm.s32 @!p1 $0x16100;
	s22 =	simm.s32 @!p1 $0x19800  }
0x75: {  	[tilespmem:s22], [sflag:$0x3] =	stream.indirect.gather @!p1 [hbm4b:s4+s20], $0x80, s7, s20, $0xb8;
	[tilespmem:$0x1E500] =	vst v63  }
0x76: {  	s19 =	rddreg [dreg:$0x4];
	s7 =	simm.s32 @!p1 $0x16180;
	s22 =	simm.s32 @!p1 $0x1AC00  }
0x77: {  	[tilespmem:s22], [sflag:$0x4] =	stream.indirect.gather @!p1 [hbm4b:s4+s20], $0x80, s7, s20, $0xb8;
	[tilespmem:$0x1E500] =	vst v63  }
0x78: {  	s23 =	sld [smem:$0x7FD]  }
0x79: {  	[tilespmem:s30], [sflag:$0x5] =	stream.indirect.gather [hbm4b:s4+s29], $0x80, s19, s29, $0xb8;
	[tilespmem:$0x1E500] =	vst v63  }
0x7a: {  	_ = 	snop  }
0x7b: {  	[tilespmem:s31], [sflag:$0xC] =	stream.linear.gather [hbm4b:s23+s2], $0x500, $0x38;
	[tilespmem:$0x1E500] =	vst v63  }
0x7c: {  	_ =	swait.ge [sflag:s0], $0x1400  }
0x7d: {  	[sflag:s0] =	ssyncset.done $0x0  }
0x7e: {  	s21 =	rddreg [dreg:$0x5];
	[sflag:s0] =	ssyncadd.s32 $0xFFFFEC00  }
0x7f: {  	[spmem:s1] =	stream.indirect.scatter.add.f32 [tilespmem:s3], [sflag:$0x6], $0x80, s21, s29, $0xb8;
	[tilespmem:$0x1E500] =	vst v63  }
0x80: {  	_ =	swait.ge [sflag:s26], $0x1400  }
0x81: {  	[sflag:s26] =	ssyncset.done $0x0  }
0x82: {  	s22 =	rddreg [dreg:$0x6];
	[sflag:s26] =	ssyncadd.s32 $0xFFFFEC00  }
0x83: {  	[spmem:s1] =	stream.indirect.scatter.add.f32 [tilespmem:s6], [sflag:$0x7], $0x80, s22, s29, $0xb8;
	[tilespmem:$0x1E500] =	vst v63  }
0x84: {  	_ =	swait.ge [sflag:s8], $0x1400  }
0x85: {  	[sflag:s8] =	ssyncset.done $0x0  }
0x86: {  	s24 =	rddreg [dreg:$0x7];
	[sflag:s8] =	ssyncadd.s32 $0xFFFFEC00  }
0x87: {  	[spmem:s1] =	stream.indirect.scatter.add.f32 [tilespmem:s9], [sflag:$0x8], $0x80, s24, s29, $0xb8;
	[tilespmem:$0x1E500] =	vst v63  }
0x88: {  	_ =	swait.ge [sflag:s10], $0x1400  }
0x89: {  	[sflag:s10] =	ssyncset.done $0x0  }
0x8a: {  	s19 =	rddreg [dreg:$0x8];
	[sflag:s10] =	ssyncadd.s32 $0xFFFFEC00  }
0x8b: {  	[spmem:s1] =	stream.indirect.scatter.add.f32 [tilespmem:s11], [sflag:$0x9], $0x80, s19, s29, $0xb8;
	[tilespmem:$0x1E500] =	vst v63  }
0x8c: {  	_ =	swait.ge [sflag:s12], $0x1400  }
0x8d: {  	[sflag:s12] =	ssyncset.done $0x0  }
0x8e: {  	s20 =	rddreg [dreg:$0x9];
	[sflag:s12] =	ssyncadd.s32 $0xFFFFEC00  }
0x8f: {  	[spmem:s1] =	stream.indirect.scatter.add.f32 [tilespmem:s30], [sflag:$0xA], $0x80, s20, s29, $0xb8;
	[tilespmem:$0x1E500] =	vst v63  }
0x90: {  	_ =	swait.ge [sflag:s13], $0x500  }
0x91: {  	[sflag:s13] =	ssyncset.done $0x0  }
0x92: {  	[sflag:s13] =	ssyncadd.s32 $0xFFFFFB00  }
0x93: {  	_ =	swait.ge [sflag:s14], $0x1400  }
0x94: {  	[sflag:s14] =	ssyncset.done $0x0  }
0x95: {  	[sflag:s14] =	ssyncadd.s32 $0xFFFFEC00  }
0x96: {  	[tilespmem:s3], [sflag:$0x1] =	stream.indirect.gather [hbm4b:s4+s29], $0x80, s31, s29, $0xb8;
	[tilespmem:$0x1E500] =	vst v63  }
0x97: {  	_ =	swait.ge [sflag:s15], $0x1400  }
0x98: {  	[sflag:s15] =	ssyncset.done $0x0  }
0x99: {  	s21 =	rddreg [dreg:$0xa];
	[sflag:s15] =	ssyncadd.s32 $0xFFFFEC00  }
0x9a: {  	[tilespmem:s6], [sflag:$0x2] =	stream.indirect.gather [hbm4b:s4+s29], $0x80, s21, s29, $0xb8;
	[tilespmem:$0x1E500] =	vst v63  }
0x9b: {  	_ =	swait.ge [sflag:s16], $0x1400  }
0x9c: {  	[sflag:s16] =	ssyncset.done $0x0  }
0x9d: {  	s22 =	rddreg [dreg:$0xb];
	[sflag:s16] =	ssyncadd.s32 $0xFFFFEC00  }
0x9e: {  	[tilespmem:s9], [sflag:$0x3] =	stream.indirect.gather [hbm4b:s4+s29], $0x80, s22, s29, $0xb8;
	[tilespmem:$0x1E500] =	vst v63  }
0x9f: {  	_ =	swait.ge [sflag:s17], $0x1400  }
0xa0: {  	[sflag:s17] =	ssyncset.done $0x0  }
0xa1: {  	s24 =	rddreg [dreg:$0xc];
	[sflag:s17] =	ssyncadd.s32 $0xFFFFEC00  }
0xa2: {  	[tilespmem:s11], [sflag:$0x4] =	stream.indirect.gather [hbm4b:s4+s29], $0x80, s24, s29, $0xb8;
	[tilespmem:$0x1E500] =	vst v63  }
0xa3: {  	_ =	swait.ge [sflag:s18], $0x1400  }
0xa4: {  	p1 =	por $0x0, $0x0;
	s7 =	rddreg [dreg:$0x3]  }
0xa5: {  	[sflag:s18] =	ssyncset.done $0x0;
	s7 =	sadd.s32 @!p1 $0x0, s7  }
0xa6: {  	s19 =	rddreg [dreg:$0xd];
	[sflag:s18] =	ssyncadd.s32 $0xFFFFEC00;
	s7 =	sshrl.u32 @!p1 s7, $0x3  }
0xa7: {  	[tilespmem:s30], [sflag:$0x5] =	stream.indirect.gather [hbm4b:s4+s29], $0x80, s19, s29, $0xb8;
	[tilespmem:$0x1E500] =	vst v63  }
0xa8: {  	s20 =	simm.s32 @!p1 $0x0;
	s22 =	simm.s32 @!p1 $0x16000;
	s7 =	sadd.s32 @!p1 s5, s7  }
0xa9: {  	[tilespmem:s22], [sflag:$0xB] =	stream.linear.gather @!p1 [hbm4b:s7+s20], $0x500, $0x38;
	[tilespmem:$0x1E500] =	vst v63  }
0xaa: {  	_ =	swait.ge [sflag:s0], $0x1400  }
0xab: {  	[sflag:s0] =	ssyncset.done $0x0  }
0xac: {  	s20 =	rddreg [dreg:$0xe];
	[sflag:s0] =	ssyncadd.s32 $0xFFFFEC00  }
0xad: {  	[spmem:s1] =	stream.indirect.scatter.add.f32 [tilespmem:s3], [sflag:$0x6], $0x80, s20, s29, $0xb8;
	[tilespmem:$0x1E500] =	vst v63  }
0xae: {  	_ =	swait.ge [sflag:s26], $0x1400  }
0xaf: {  	[sflag:s26] =	ssyncset.done $0x0  }
0xb0: {  	s21 =	rddreg [dreg:$0xf];
	[sflag:s26] =	ssyncadd.s32 $0xFFFFEC00  }
0xb1: {  	[spmem:s1] =	stream.indirect.scatter.add.f32 [tilespmem:s6], [sflag:$0x7], $0x80, s21, s29, $0xb8;
	[tilespmem:$0x1E500] =	vst v63  }
0xb2: {  	_ =	swait.ge [sflag:s8], $0x1400  }
0xb3: {  	[sflag:s8] =	ssyncset.done $0x0  }
0xb4: {  	s22 =	rddreg [dreg:$0x10];
	[sflag:s8] =	ssyncadd.s32 $0xFFFFEC00  }
0xb5: {  	[spmem:s1] =	stream.indirect.scatter.add.f32 [tilespmem:s9], [sflag:$0x8], $0x80, s22, s29, $0xb8;
	[tilespmem:$0x1E500] =	vst v63  }
0xb6: {  	_ =	swait.ge [sflag:s10], $0x1400  }
0xb7: {  	[sflag:s10] =	ssyncset.done $0x0  }
0xb8: {  	s24 =	rddreg [dreg:$0x11];
	[sflag:s10] =	ssyncadd.s32 $0xFFFFEC00  }
0xb9: {  	[spmem:s1] =	stream.indirect.scatter.add.f32 [tilespmem:s11], [sflag:$0x9], $0x80, s24, s29, $0xb8;
	[tilespmem:$0x1E500] =	vst v63  }
0xba: {  	_ =	swait.ge [sflag:s12], $0x1400  }
0xbb: {  	s22 =	simm.s32 $0x1000;
	[sflag:s12] =	ssyncset.done $0x0;
	s7 =	rddreg [dreg:$0x12]  }
.LBB2_4:
0xbc: {  	[sflag:s12] =	ssyncadd.s32 $0xFFFFEC00  }
0xbd: {  	[spmem:s1] =	stream.indirect.scatter.add.f32 [tilespmem:s30], [sflag:$0xA], $0x80, s7, s29, $0xb8;
	[tilespmem:$0x1E500] =	vst v63  }
0xbe: {  	s20 =	smov.u32 s22;
	_ =	swait.ge [sflag:s28], $0x500  }
0xbf: {  	p2 =	sne.s32 s20, $0x0;
	[sflag:s28] =	ssyncset.done $0x0  }
0xc0: {  	s7 =	simm.s32 @p2 $0x6;
	[sflag:s28] =	ssyncadd.s32 $0xFFFFFB00  }
0xc1: {  	_ =	swait.ge @p2 [sflag:s7], $0x1400  }
0xc2: {  	s19 =	simm.s32 @p2 $0x17000;
	s24 =	simm.s32 @p2 $0x7;
	[sflag:s7] =	ssyncset.done @p2 $0x0  }
0xc3: {  	s21 =	simm.s32 @p2 $0x16000;
	[sflag:s7] =	ssyncadd.s32 @p2 $0xFFFFEC00;
	s7 =	simm.s32 @p2 $0x28  }
0xc4: {  	[tilespmem:s19], [sflag:$0x1] =	stream.indirect.gather @p2 [hbm4b:s4+s7], $0x80, s21, s7, $0xb8;
	[tilespmem:$0x1E500] =	vst v63  }
0xc5: {  	_ =	swait.ge @p2 [sflag:s24], $0x1400  }
0xc6: {  	s19 =	simm.s32 @p2 $0x8;
	[sflag:s24] =	ssyncset.done @p2 $0x0  }
0xc7: {  	s21 =	simm.s32 @p2 $0x16080;
	[sflag:s24] =	ssyncadd.s32 @p2 $0xFFFFEC00;
	s24 =	simm.s32 @p2 $0x18400  }
0xc8: {  	[tilespmem:s24], [sflag:$0x2] =	stream.indirect.gather @p2 [hbm4b:s4+s7], $0x80, s21, s7, $0xb8;
	[tilespmem:$0x1E500] =	vst v63  }
0xc9: {  	_ =	swait.ge @p2 [sflag:s19], $0x1400  }
0xca: {  	s21 =	simm.s32 @p2 $0x9;
	[sflag:s19] =	ssyncset.done @p2 $0x0  }
0xcb: {  	s24 =	simm.s32 @p2 $0x19800;
	[sflag:s19] =	ssyncadd.s32 @p2 $0xFFFFEC00;
	s19 =	simm.s32 @p2 $0x16100  }
0xcc: {  	[tilespmem:s24], [sflag:$0x3] =	stream.indirect.gather @p2 [hbm4b:s4+s7], $0x80, s19, s7, $0xb8;
	[tilespmem:$0x1E500] =	vst v63  }
0xcd: {  	_ =	swait.ge @p2 [sflag:s21], $0x1400  }
0xce: {  	s19 =	simm.s32 @p2 $0xA;
	[sflag:s21] =	ssyncset.done @p2 $0x0  }
0xcf: {  	s24 =	simm.s32 @p2 $0x1AC00;
	[sflag:s21] =	ssyncadd.s32 @p2 $0xFFFFEC00;
	s21 =	simm.s32 @p2 $0x16180  }
0xd0: {  	[tilespmem:s24], [sflag:$0x4] =	stream.indirect.gather @p2 [hbm4b:s4+s7], $0x80, s21, s7, $0xb8;
	[tilespmem:$0x1E500] =	vst v63  }
0xd1: {  	_ =	swait.ge @p2 [sflag:s19], $0x1400  }
0xd2: {  	s7 =	simm.s32 @!p2 $0x17000;
	[sflag:s19] =	ssyncset.done @p2 $0x0  }
0xd3: {  	s21 =	simm.s32 @!p2 $0x16000;
	[sflag:s19] =	ssyncadd.s32 @p2 $0xFFFFEC00;
	s19 =	simm.s32 @!p2 $0x28  }
0xd4: {  	[tilespmem:s7], [sflag:$0x1] =	stream.indirect.gather @!p2 [hbm4b:s4+s19], $0x80, s21, s19, $0xb8;
	[tilespmem:$0x1E500] =	vst v63  }
0xd5: {  	s7 =	simm.s32 @!p2 $0x16080;
	s21 =	simm.s32 @!p2 $0x18400  }
0xd6: {  	[tilespmem:s21], [sflag:$0x2] =	stream.indirect.gather @!p2 [hbm4b:s4+s19], $0x80, s7, s19, $0xb8;
	[tilespmem:$0x1E500] =	vst v63  }
0xd7: {  	s7 =	simm.s32 @!p2 $0x16100;
	s21 =	simm.s32 @!p2 $0x19800  }
0xd8: {  	[tilespmem:s21], [sflag:$0x3] =	stream.indirect.gather @!p2 [hbm4b:s4+s19], $0x80, s7, s19, $0xb8;
	[tilespmem:$0x1E500] =	vst v63  }
0xd9: {  	s7 =	simm.s32 @!p2 $0x16180;
	s21 =	simm.s32 @!p2 $0x1AC00  }
0xda: {  	[tilespmem:s21], [sflag:$0x4] =	stream.indirect.gather @!p2 [hbm4b:s4+s19], $0x80, s7, s19, $0xb8;
	[tilespmem:$0x1E500] =	vst v63  }
0xdb: {  	s24 =	rddreg [dreg:$0x4]  }
0xdc: {  	[tilespmem:s30], [sflag:$0x5] =	stream.indirect.gather [hbm4b:s4+s29], $0x80, s24, s29, $0xb8;
	[tilespmem:$0x1E500] =	vst v63  }
0xdd: {  	s23 =	sadd.s32 $0x200, s23  }
0xde: {  	[tilespmem:s31], [sflag:$0xC] =	stream.linear.gather [hbm4b:s23+s2], $0x500, $0x38;
	[tilespmem:$0x1E500] =	vst v63  }
0xdf: {  	_ =	swait.ge [sflag:s0], $0x1400  }
0xe0: {  	[sflag:s0] =	ssyncset.done $0x0  }
0xe1: {  	s19 =	rddreg [dreg:$0x5];
	[sflag:s0] =	ssyncadd.s32 $0xFFFFEC00  }
0xe2: {  	[spmem:s1] =	stream.indirect.scatter.add.f32 [tilespmem:s3], [sflag:$0x6], $0x80, s19, s29, $0xb8;
	[tilespmem:$0x1E500] =	vst v63  }
0xe3: {  	_ =	swait.ge [sflag:s26], $0x1400  }
0xe4: {  	[sflag:s26] =	ssyncset.done $0x0  }
0xe5: {  	s21 =	rddreg [dreg:$0x6];
	[sflag:s26] =	ssyncadd.s32 $0xFFFFEC00  }
0xe6: {  	[spmem:s1] =	stream.indirect.scatter.add.f32 [tilespmem:s6], [sflag:$0x7], $0x80, s21, s29, $0xb8;
	[tilespmem:$0x1E500] =	vst v63  }
0xe7: {  	_ =	swait.ge [sflag:s8], $0x1400  }
0xe8: {  	[sflag:s8] =	ssyncset.done $0x0  }
0xe9: {  	s24 =	rddreg [dreg:$0x7];
	[sflag:s8] =	ssyncadd.s32 $0xFFFFEC00  }
0xea: {  	[spmem:s1] =	stream.indirect.scatter.add.f32 [tilespmem:s9], [sflag:$0x8], $0x80, s24, s29, $0xb8;
	[tilespmem:$0x1E500] =	vst v63  }
0xeb: {  	_ =	swait.ge [sflag:s10], $0x1400  }
0xec: {  	[sflag:s10] =	ssyncset.done $0x0  }
0xed: {  	s19 =	rddreg [dreg:$0x8];
	[sflag:s10] =	ssyncadd.s32 $0xFFFFEC00  }
0xee: {  	[spmem:s1] =	stream.indirect.scatter.add.f32 [tilespmem:s11], [sflag:$0x9], $0x80, s19, s29, $0xb8;
	[tilespmem:$0x1E500] =	vst v63  }
0xef: {  	_ =	swait.ge [sflag:s12], $0x1400  }
0xf0: {  	[sflag:s12] =	ssyncset.done $0x0  }
0xf1: {  	s21 =	rddreg [dreg:$0x9];
	[sflag:s12] =	ssyncadd.s32 $0xFFFFEC00  }
0xf2: {  	[spmem:s1] =	stream.indirect.scatter.add.f32 [tilespmem:s30], [sflag:$0xA], $0x80, s21, s29, $0xb8;
	[tilespmem:$0x1E500] =	vst v63  }
0xf3: {  	_ =	swait.ge [sflag:s13], $0x500  }
0xf4: {  	[sflag:s13] =	ssyncset.done $0x0  }
0xf5: {  	[sflag:s13] =	ssyncadd.s32 $0xFFFFFB00  }
0xf6: {  	_ =	swait.ge [sflag:s14], $0x1400  }
0xf7: {  	[sflag:s14] =	ssyncset.done $0x0  }
0xf8: {  	[sflag:s14] =	ssyncadd.s32 $0xFFFFEC00  }
0xf9: {  	[tilespmem:s3], [sflag:$0x1] =	stream.indirect.gather [hbm4b:s4+s29], $0x80, s31, s29, $0xb8;
	[tilespmem:$0x1E500] =	vst v63  }
0xfa: {  	_ =	swait.ge [sflag:s15], $0x1400  }
0xfb: {  	[sflag:s15] =	ssyncset.done $0x0  }
0xfc: {  	s24 =	rddreg [dreg:$0xa];
	[sflag:s15] =	ssyncadd.s32 $0xFFFFEC00  }
0xfd: {  	[tilespmem:s6], [sflag:$0x2] =	stream.indirect.gather [hbm4b:s4+s29], $0x80, s24, s29, $0xb8;
	[tilespmem:$0x1E500] =	vst v63  }
0xfe: {  	_ =	swait.ge [sflag:s16], $0x1400  }
0xff: {  	[sflag:s16] =	ssyncset.done $0x0  }
0x100: {  	s19 =	rddreg [dreg:$0xb];
	[sflag:s16] =	ssyncadd.s32 $0xFFFFEC00  }
0x101: {  	[tilespmem:s9], [sflag:$0x3] =	stream.indirect.gather [hbm4b:s4+s29], $0x80, s19, s29, $0xb8;
	[tilespmem:$0x1E500] =	vst v63  }
0x102: {  	_ =	swait.ge [sflag:s17], $0x1400  }
0x103: {  	[sflag:s17] =	ssyncset.done $0x0  }
0x104: {  	s21 =	rddreg [dreg:$0xc];
	[sflag:s17] =	ssyncadd.s32 $0xFFFFEC00  }
0x105: {  	[tilespmem:s11], [sflag:$0x4] =	stream.indirect.gather [hbm4b:s4+s29], $0x80, s21, s29, $0xb8;
	[tilespmem:$0x1E500] =	vst v63  }
0x106: {  	_ =	swait.ge [sflag:s18], $0x1400  }
0x107: {  	p2 =	seq.s32 s20, $0x18000;
	s7 =	rddreg [dreg:$0x3]  }
0x108: {  	[sflag:s18] =	ssyncset.done $0x0;
	s7 =	sadd.s32 @!p2 s20, s7  }
0x109: {  	s24 =	rddreg [dreg:$0xd];
	[sflag:s18] =	ssyncadd.s32 $0xFFFFEC00;
	s7 =	sshrl.u32 @!p2 s7, $0x3  }
0x10a: {  	[tilespmem:s30], [sflag:$0x5] =	stream.indirect.gather [hbm4b:s4+s29], $0x80, s24, s29, $0xb8;
	[tilespmem:$0x1E500] =	vst v63  }
0x10b: {  	s21 =	simm.s32 @!p2 $0x16000;
	s20 =	simm.s32 @!p2 $0x0;
	s7 =	sadd.s32 @!p2 s5, s7  }
0x10c: {  	[tilespmem:s21], [sflag:$0xB] =	stream.linear.gather @!p2 [hbm4b:s7+s20], $0x500, $0x38;
	[tilespmem:$0x1E500] =	vst v63  }
0x10d: {  	_ =	swait.ge [sflag:s0], $0x1400  }
0x10e: {  	[sflag:s0] =	ssyncset.done $0x0  }
0x10f: {  	s19 =	rddreg [dreg:$0xe];
	[sflag:s0] =	ssyncadd.s32 $0xFFFFEC00  }
0x110: {  	[spmem:s1] =	stream.indirect.scatter.add.f32 [tilespmem:s3], [sflag:$0x6], $0x80, s19, s29, $0xb8;
	[tilespmem:$0x1E500] =	vst v63  }
0x111: {  	_ =	swait.ge [sflag:s26], $0x1400  }
0x112: {  	[sflag:s26] =	ssyncset.done $0x0  }
0x113: {  	s20 =	rddreg [dreg:$0xf];
	[sflag:s26] =	ssyncadd.s32 $0xFFFFEC00  }
0x114: {  	[spmem:s1] =	stream.indirect.scatter.add.f32 [tilespmem:s6], [sflag:$0x7], $0x80, s20, s29, $0xb8;
	[tilespmem:$0x1E500] =	vst v63  }
0x115: {  	_ =	swait.ge [sflag:s8], $0x1400  }
0x116: {  	[sflag:s8] =	ssyncset.done $0x0  }
0x117: {  	s22 =	sadd.s32 $0x1000, s22;
	s21 =	rddreg [dreg:$0x10];
	[sflag:s8] =	ssyncadd.s32 $0xFFFFEC00  }
0x118: {  	[spmem:s1] =	stream.indirect.scatter.add.f32 [tilespmem:s9], [sflag:$0x8], $0x80, s21, s29, $0xb8;
	[tilespmem:$0x1E500] =	vst v63  }
0x119: {  	p1 =	sne.s32 s22, $0x19000;
	_ =	swait.ge [sflag:s10], $0x1400  }
.Ltmp1:
0x11a: {  	[sflag:s10] =	ssyncset.done $0x0;
	(pc) =	sbr.rel @p1 .LBB2_4-.Ltmp1, $4  }
0x11b: {  	s24 =	rddreg [dreg:$0x11];
	[sflag:s10] =	ssyncadd.s32 $0xFFFFEC00  }
0x11c: {  	[spmem:s1] =	stream.indirect.scatter.add.f32 [tilespmem:s11], [sflag:$0x9], $0x80, s24, s29, $0xb8;
	[tilespmem:$0x1E500] =	vst v63  }
0x11d: {  	_ =	swait.ge [sflag:s12], $0x1400  }
0x11e: {  	[sflag:s12] =	ssyncset.done $0x0;
	s7 =	rddreg [dreg:$0x12]  }
0x11f: {  	[sflag:s12] =	ssyncadd.s32 $0xFFFFEC00  }
0x120: {  	[spmem:s1] =	stream.indirect.scatter.add.f32 [tilespmem:s30], [sflag:$0xA], $0x80, s7, s29, $0xb8;
	[tilespmem:$0x1E500] =	vst v63  }
0x121: {  	_ =	swait.ge [sflag:s14], $0x1400  }
0x122: {  	[sflag:s14] =	ssyncset.done $0x0  }
0x123: {  	[sflag:s14] =	ssyncadd.s32 $0xFFFFEC00  }
0x124: {  	_ =	swait.ge [sflag:s15], $0x1400  }
0x125: {  	[sflag:s15] =	ssyncset.done $0x0  }
0x126: {  	[sflag:s15] =	ssyncadd.s32 $0xFFFFEC00  }
0x127: {  	_ =	swait.ge [sflag:s16], $0x1400  }
0x128: {  	[sflag:s16] =	ssyncset.done $0x0  }
0x129: {  	[sflag:s16] =	ssyncadd.s32 $0xFFFFEC00  }
0x12a: {  	_ =	swait.ge [sflag:s17], $0x1400  }
0x12b: {  	[sflag:s17] =	ssyncset.done $0x0  }
0x12c: {  	[sflag:s17] =	ssyncadd.s32 $0xFFFFEC00  }
0x12d: {  	_ =	swait.ge [sflag:s18], $0x1400  }
0x12e: {  	[sflag:s18] =	ssyncset.done $0x0  }
0x12f: {  	[sflag:s18] =	ssyncadd.s32 $0xFFFFEC00  }
0x130: {  	[bflag:$0x0] =	sbarrier.arrive $0xFFFF  }
0x131: {  	s19 =	simm.s32 $0x1D400;
	s20 =	rddreg [dreg:$0x1f]  }
0x132: {  	[tilespmem:s19], [sflag:$0xD] =	stream.linear.gather [hbm4b:s20+s2], $0x20, $0x38;
	[tilespmem:$0x1E500] =	vst v63  }
0x133: {  	_ =	swait.ge [sflag:s25], $0x20  }
0x134: {  	[sflag:s25] =	ssyncset.done $0x0  }
0x135: {  	s21 =	simm.s32 $0x20;
	s20 =	simm.s32 $0x1D480;
	[sflag:s25] =	ssyncadd.s32 $0xFFFFFFE0  }
0x136: {  	[tilespmem:s20], [sflag:$0x1] =	stream.indirect.gather [spmem:s1], $0x80, s19, s21, $0xb8;
	[tilespmem:$0x1E500] =	vst v63  }
0x137: {  	_ =	swait.ge [sflag:s0], $0x1000  }
0x138: {  	s22 =	sld [smem:$0x7F9]  }
0x139: {  	[sflag:s0] =	ssyncset.done $0x0  }
0x13a: {  	[sflag:s0] =	ssyncadd.s32 $0xFFFFF000  }
0x13b: {  	[hbm4b:s22+s2] =	stream.linear.scatter [tilespmem:s20], [sflag:$0xD], $0x1000, $0x38;
	[tilespmem:$0x1E500] =	vst v63  }
0x13c: {  	_ =	swait.ge [sflag:s25], $0x1000  }
0x13d: {  	s7 =	simm.s32 @!p0 $0x20;
	s19 =	simm.s32 @!p0 $0x1D400;
	[sflag:s25] =	ssyncset.done $0x0  }
0x13e: {  	s21 =	simm.s32 @!p0 $0x1;
	s20 =	simm.s32 @!p0 $0x1D480;
	[sflag:s25] =	ssyncadd.s32 $0xFFFFF000  }
0x13f: {  	[tilespmem:s20], [sflag:$0x1] =	stream.indirect.gather @!p0 [hbm4b:s4+s7], $0x80, s19, s7, $0xb8;
	[tilespmem:$0x1E500] =	vst v63  }
0x140: {  	_ =	swait.ge @!p0 [sflag:s21], $0x1000  }
0x141: {  	s23 =	sld [smem:$0x7FA]  }
0x142: {  	[sflag:s21] =	ssyncset.done @!p0 $0x0  }
0x143: {  	s22 =	simm.s32 @!p0 $0x0;
	[sflag:s21] =	ssyncadd.s32 @!p0 $0xFFFFF000  }
0x144: {  	[hbm4b:s23+s22] =	stream.linear.scatter @!p0 [tilespmem:s20], [sflag:$0xD], $0x1000, $0x38;
	[tilespmem:$0x1E500] =	vst v63  }
0x145: {  	s20 =	simm.s32 @!p0 $0xD  }
0x146: {  	_ =	swait.ge @!p0 [sflag:s20], $0x1000  }
0x147: {  	[sflag:s20] =	ssyncset.done @!p0 $0x0  }
0x148: {  	s23 =	simm.s32 @!p0 $0x1E480;
	s24 =	rddreg [dreg:$0x13];
	[sflag:s20] =	ssyncadd.s32 @!p0 $0xFFFFF000  }
0x149: {  	[tilespmem:s23], [sflag:$0x1] =	stream.indirect.gather @!p0 [hbm4b:s24+s7], $0x1, s19, s7, $0xb8;
	[tilespmem:$0x1E500] =	vst v63  }
0x14a: {  	_ =	swait.ge @!p0 [sflag:s21], $0x20  }
0x14b: {  	s7 =	sld [smem:$0x7FB]  }
0x14c: {  	[sflag:s21] =	ssyncset.done @!p0 $0x0  }
0x14d: {  	[sflag:s21] =	ssyncadd.s32 @!p0 $0xFFFFFFE0  }
0x14e: {  	[hbm4b:s7+s22] =	stream.linear.scatter @!p0 [tilespmem:s23], [sflag:$0xD], $0x20, $0x38;
	[tilespmem:$0x1E500] =	vst v63  }
0x14f: {  	_ =	swait.ge @!p0 [sflag:s20], $0x20  }
0x150: {  	s23 =	sld [smem:$0x7F8]  }
0x151: {  	s24 =	sld [smem:$0x7FC];
	_ =	sdelay $0x1  }
0x152: {  	s19 =	sadd.s32 $0x1, s23  }
0x153: {  	p1 =	sne.s32 s19, s24  }
.Ltmp2:
0x154: {  	_ = 	snop;
	(pc) =	sbr.rel @p1 .LBB2_1-.Ltmp2, $3  }
0x155: {  	_ =	sdelay $0x1  }
0x156: {  	[sflag:s20] =	ssyncset.done @!p0 $0x0  }
0x157: {  	[sflag:s20] =	ssyncadd.s32 @!p0 $0xFFFFFFE0  }
0x158: {  	_ =	sfence.sel $0x180000  }
0x159: {  	[bflag:$0x0] =	sbarrier.arrive $0xFFFF  }
0x15a: {  	_ =	strace $0x9000004D  }
0x15b: {  	s0 =	stileid.u32;
	[bflag:$0x2] =	sbarrier.arrive $0xFFFF  }
0x15c: {  	p0 =	sne.s32 s0, $0x0;
	s0 =	rddreg [dreg:$0x2]  }
0x15d: {  	s0 =	sadd.s32 @!p0 $0x100000, s0  }
0x15e: {  	[sflag:s0] =	ssyncadd.tile.s32 @!p0 $0x1;
	_ =	shalt  }
.Lfunc_end2:
_tile_overlayer_lowered:
.L_overlay_start_2:
0x15f: {  	(tag) =	ssettag $0x2  }
0x160: {  	s0 =	rddreg [dreg:$0x0];
	s2 =	stileid.u32  }
0x161: {  	s1 =	rddreg [dreg:$0x1];
	p0 =	sne.s32 s2, $0x0  }
0x162: {  	s3 =	rddreg [dreg:$0x2];
	[bflag:$0x3] =	sbarrier.arrive $0xFFFF;
	s2 =	simm.s32 @!p0 $0x1C0D  }
0x163: {  	[timem:s3], [sflag:s2] =	dma.local @!p0 [hbm:s0], s1  }
0x164: {  	s0 =	simm.s32 @!p0 $0xD  }
0x165: {  	_ =	swait.ge @!p0 [sflag:s0], s1  }
0x166: {  	s1 =	ssub.s32 @!p0 $0x0, s1;
	[sflag:s0] =	ssyncset.done @!p0 $0x0  }
0x167: {  	[sflag:s0] =	ssyncadd.s32 @!p0 s1  }
0x168: {  	[bflag:$0x3] =	sbarrier.arrive $0xFFFF  }
0x169: {  	_ =	shalt  }

// kernel: kernel.8.cloned.1.call-start
scs
__scs_entry_jumppad:
0x0: {  	(pc) =	sbr.rel $0x88, $3  }
0x1: {  	(tag) =	ssettag $0x0;
	lr =	simm.s32 $0x1  }
0x2: {  	[smem:$0x3F96] =	sst lr;
	_ =	strace $0xD0000000  }
0x3: {  	_ = 	snop  }
0x4: {  	_ = 	snop  }
0x5: {  	_ = 	snop  }
0x6: {  	_ = 	snop  }
0x7: {  	_ = 	snop  }
__scs_overlays_trampoline_lowered:
0x8: {  	[smem:$0x3FA5] =	sst s0  }
0x9: {  	[smem:$0x3FA6] =	sst s1  }
0xa: {  	[smem:$0x3FA7] =	sst s2  }
0xb: {  	[smem:$0x3FA8] =	sst s3  }
0xc: {  	[smem:$0x3FA9] =	sst s4  }
0xd: {  	[smem:$0x3FAA] =	sst s5  }
0xe: {  	[smem:$0x3FAB] =	sst s6  }
0xf: {  	[smem:$0x3FAC] =	sst s7  }
0x10: {  	[smem:$0x3FAD] =	sst s8  }
0x11: {  	[smem:$0x3FAE] =	sst s9;
	s0 =	simm.s32 @!p0 $0x0  }
0x12: {  	s1 =	sld [smem:$0x3F94];
	s0 =	simm.s32 @p0 $0x1  }
0x13: {  	[smem:$0x3FAF] =	sst s0;
	s0 =	simm.s32 @!p1 $0x0  }
0x14: {  	s2 =	sld [smem:$0x3F93];
	s0 =	simm.s32 @p1 $0x1  }
0x15: {  	[smem:$0x3FB0] =	sst s0;
	s0 =	simm.s32 @!p2 $0x0  }
0x16: {  	s3 =	sld [smem:$0x3FDB];
	s0 =	simm.s32 @p2 $0x1  }
0x17: {  	s4 =	simm.s32 $0x1BF5;
	[smem:$0x3FB2] =	sst s0  }
0x18: {  	s0 =	sld [smem:$0x3F95];
	_ =	swait.ge [sflag:s4], $0x0  }
0x19: {  	s7 =	sld [smem:$0x3F96]  }
0x1a: {  	s8 =	sadd.s32 $0xFFFFE003, lr  }
0x1b: {  	s9 =	sadd.s32 $0xFFFFFEF7, lr;
	s5 =	simm.s32 $0xFFFFFFFF;
	p2 =	slt.u32 s8, $0xFFFFF086  }
0x1c: {  	p1 =	slt.u32 s9, $0xF7A;
	s5 =	simm.s32 @!p2 $0x0  }
0x1d: {  	s5 =	simm.s32 @p1 $0x1;
	p0 =	seq.s32 s7, s2  }
0x1e: {  	s7 =	smul.u32 @!p0 $0xF7A, s2;
	p2 =	seq.s32 @!p0 s5, $0x0  }
0x1f: {  	s9 =	smul.u32 $0xF7A, s1;
	s8 =	simm.s32 @!p0 $0x1BF5;
	p2 =	por !p2, p0  }
0x20: {  	[sflag:s8] =	ssyncset.s32 @!p0 $0xFFFFF086;
	s6 =	sadd.s32 @!p0 s3, s7;
	s7 =	simm.s32 @!p0 $0x108  }
0x21: {  	s3 =	sadd.s32 s3, s9;
	s6 =	sadd.s32 @!p0 $0x88, s6;
	s7 =	simm.s32 @p2 $0x1082  }
0x22: {  	[simem:s7], [sflag:s8] =	dma.local @!p0 [hbm:s6], $0xF7A  }
0x23: {  	s9 =	sor.u32 $0xD0000000, s2;
	s6 =	simm.s32 $0x108;
	_ =	swait.ge @!p0 [sflag:s8], $0x0  }
0x24: {  	s3 =	sadd.s32 $0x88, s3;
	s6 =	simm.s32 @!p1 $0x1082;
	[sflag:s4] =	ssyncset.s32 $0xFFFFF086  }
0x25: {  	[simem:s6], [sflag:s4] =	dma.local [hbm:s3], $0xF7A  }
0x26: {  	[smem:$0x3F96] =	sst s1;
	(tag) =	ssettag s2;
	_ =	strace s9  }
0x27: {  	s1 =	sld [smem:$0x3FA6]  }
0x28: {  	s2 =	sld [smem:$0x3FA7]  }
0x29: {  	s4 =	sld [smem:$0x3FA9]  }
0x2a: {  	p0 =	seq.s32 s5, $0x0;
	s5 =	sld [smem:$0x3FAA]  }
0x2b: {  	s6 =	sld [smem:$0x3FAB]  }
0x2c: {  	s7 =	sld [smem:$0x3FAC]  }
0x2d: {  	s3 =	simm.s32 $0x108;
	s8 =	sld [smem:$0x3FAD]  }
0x2e: {  	s3 =	simm.s32 @!p0 $0x1082;
	s9 =	sld [smem:$0x3FAE]  }
0x2f: {  	lr =	sadd.s32 s0, s3;
	s0 =	sld [smem:$0x3FA5]  }
0x30: {  	s3 =	sld [smem:$0x3FA8]  }
0x31: {  	[smem:$0x3FB1] =	sst s10  }
0x32: {  	s10 =	sld [smem:$0x3FAF];
	_ =	sdelay $0x3  }
0x33: {  	p0 =	seq.s32 s10, $0x1;
	s10 =	sld [smem:$0x3FB1];
	_ =	sdelay $0x3  }
0x34: {  	[smem:$0x3FB1] =	sst s10  }
0x35: {  	s10 =	sld [smem:$0x3FB0];
	_ =	sdelay $0x3  }
0x36: {  	p1 =	seq.s32 s10, $0x1;
	s10 =	sld [smem:$0x3FB1];
	_ =	sdelay $0x3  }
0x37: {  	[smem:$0x3FB1] =	sst s10  }
0x38: {  	s10 =	sld [smem:$0x3FB2]  }
0x39: {  	_ = 	snop;
	(pc) =	sbr.ind lr, $3  }
0x3a: {  	_ = 	snop  }
0x3b: {  	_ = 	snop  }
0x3c: {  	p2 =	seq.s32 s10, $0x1;
	s10 =	sld [smem:$0x3FB1]  }
0x3d: {  	_ =	shalt  }
0x3e: {  	_ =	shalt  }
0x3f: {  	_ =	shalt  }
0x40: {  	_ =	shalt  }
0x41: {  	_ =	shalt  }
0x42: {  	_ =	shalt  }
0x43: {  	_ =	shalt  }
0x44: {  	_ =	shalt  }
0x45: {  	_ =	shalt  }
0x46: {  	_ =	shalt  }
0x47: {  	_ =	shalt  }
0x48: {  	_ =	shalt  }
0x49: {  	_ =	shalt  }
0x4a: {  	_ =	shalt  }
0x4b: {  	_ =	shalt  }
0x4c: {  	_ =	shalt  }
0x4d: {  	_ =	shalt  }
0x4e: {  	_ =	shalt  }
0x4f: {  	_ =	shalt  }
0x50: {  	_ =	shalt  }
0x51: {  	_ =	shalt  }
0x52: {  	_ =	shalt  }
0x53: {  	_ =	shalt  }
0x54: {  	_ =	shalt  }
0x55: {  	_ =	shalt  }
0x56: {  	_ =	shalt  }
0x57: {  	_ =	shalt  }
0x58: {  	_ =	shalt  }
0x59: {  	_ =	shalt  }
0x5a: {  	_ =	shalt  }
0x5b: {  	_ =	shalt  }
0x5c: {  	_ =	shalt  }
0x5d: {  	_ =	shalt  }
0x5e: {  	_ =	shalt  }
0x5f: {  	_ =	shalt  }
0x60: {  	_ =	shalt  }
0x61: {  	_ =	shalt  }
0x62: {  	_ =	shalt  }
0x63: {  	_ =	shalt  }
0x64: {  	_ =	shalt  }
0x65: {  	_ =	shalt  }
0x66: {  	_ =	shalt  }
0x67: {  	_ =	shalt  }
0x68: {  	_ =	shalt  }
0x69: {  	_ =	shalt  }
0x6a: {  	_ =	shalt  }
0x6b: {  	_ =	shalt  }
0x6c: {  	_ =	shalt  }
0x6d: {  	_ =	shalt  }
0x6e: {  	_ =	shalt  }
0x6f: {  	_ =	shalt  }
0x70: {  	_ =	shalt  }
0x71: {  	_ =	shalt  }
0x72: {  	_ =	shalt  }
0x73: {  	_ =	shalt  }
0x74: {  	_ =	shalt  }
0x75: {  	_ =	shalt  }
0x76: {  	_ =	shalt  }
0x77: {  	_ =	shalt  }
0x78: {  	_ =	shalt  }
0x79: {  	_ =	shalt  }
0x7a: {  	_ =	shalt  }
0x7b: {  	_ =	shalt  }
0x7c: {  	_ =	shalt  }
0x7d: {  	_ =	shalt  }
0x7e: {  	_ =	shalt  }
0x7f: {  	_ =	shalt  }
0x80: {  	_ =	shalt  }
0x81: {  	_ =	shalt  }
0x82: {  	_ =	shalt  }
0x83: {  	_ =	shalt  }
0x84: {  	_ =	shalt  }
0x85: {  	_ =	shalt  }
0x86: {  	_ =	shalt  }
0x87: {  	_ =	shalt  }
.Lfunc_end0:
.L_simem_size_0:
called_computation_lowered:
.L_overlay_start_0:
0x88: {  	s2 =	sld [smem:$0x3FD9]  }
0x89: {  	s3 =	sld [smem:$0x3FFE];
	_ =	sdelay $0x1  }
0x8a: {  	s1 =	srdreg.scid  }
0x8b: {  	s0 =	sand.u32 $0x1, s1  }
0x8c: {  	s17 =	sshll.u32 s0, $0xA;
	s2 =	sadd.s32 s3, s2  }
0x8d: {  	s2 =	sadd.s32 s2, s17  }
0x8e: {  	[smem:$0x3FBD] =	sst s2  }
0x8f: {  	_ = 	snop  }
0x90: {  	s2 =	sld [smem:$0x3FC9];
	(tm) =	ssettm $0x1  }
0x91: {  	s18 =	sld [smem:$0x3FFB];
	_ =	sdelay $0x3  }
0x92: {  	_ =	strace s18  }
0x93: {  	s3 =	sld [smem:$0x3FFC];
	_ =	sdelay $0x3  }
0x94: {  	_ =	strace s3  }
0x95: {  	s3 =	sld [smem:$0x3FFD];
	_ =	sdelay $0x3  }
0x96: {  	_ =	strace s3  }
0x97: {  	_ =	strace $0x8FFFFFFF  }
0x98: {  	s19 =	sld [smem:$0x3FDB];
	_ =	sdelay $0x1  }
0x99: {  	s4 =	simm.s32 $_scs_section_size  }
0x9a: {  	s5 =	simm.s32 $_size__tile_overlayer_lowered;
	s6 =	simm.s32 $_tile_overlayer_lowered  }
0x9b: {  	s22 =	simm.s32 $0x1BFF;
	s21 =	sshll.u32 s6, $0x1;
	s3 =	sadd.s32 s4, s19  }
0x9c: {  	s7 =	simm.s32 $0x0;
	s20 =	sshll.u32 s5, $0x1;
	s5 =	sadd.s32 s21, s3  }
0x9d: {  	[timem:s7], [sflag:s22] =	dma.local [hbm:s5], s20  }
0x9e: {  	_ =	swait.ge [sflag:s22], s20  }
0x9f: {  	s4 =	ssub.s32 $0x0, s20;
	[sflag:s22] =	ssyncset.done $0x0  }
0xa0: {  	[sflag:s22] =	ssyncadd.s32 s4;
	_ =	sdelay $0x1  }
0xa1: {  	s23 =	simm.s32 $0x1B8B  }
0xa2: {  	_ =	swait.ge [sflag:s23], $0x1  }
0xa3: {  	[sflag:s23] =	ssyncset.done $0x0  }
0xa4: {  	s25 =	simm.s32 $0x1B8E;
	s24 =	sld [smem:$0x3FFE];
	[sflag:s23] =	ssyncadd.s32 $0xFFFFFFFF  }
0xa5: {  	s26 =	simm.s32 $execute0_lowered;
	[smem:$0x3FD2] =	sst s25  }
0xa6: {  	s5 =	sshll.u32 s26, $0x1;
	_ =	strace $0x80000046;
	[dreg:$0x1] =	wrdreg $0xFFFFFFFF  }
0xa7: {  	s28 =	simm.s32 $_size_execute0_lowered;
	s3 =	sadd.s32 s3, s5;
	[dreg:$0x0] =	wrdreg $0x0  }
0xa8: {  	s5 =	sshll.u32 s28, $0x1;
	[dreg:$0x2] =	wrdreg s3  }
0xa9: {  	[dreg:$0x3] =	wrdreg s5  }
0xaa: {  	[dreg:$0x4] =	wrdreg $0xC0  }
0xab: {  	_ =	task [dreg:s7], $0x5FFFF  }
0xac: {  	[dreg:$0x1] =	wrdreg $0xFFFFFFFF  }
0xad: {  	[dreg:$0x0] =	wrdreg $0x60  }
0xae: {  	[dreg:$0x2] =	wrdreg s2  }
0xaf: {  	[dreg:$0x3] =	wrdreg s24  }
0xb0: {  	[dreg:$0x4] =	wrdreg $0x0  }
0xb1: {  	[dreg:$0x5] =	wrdreg $0x9  }
0xb2: {  	_ =	task.clear_ibuf [dreg:s7], $0x6FFFF;
	_ =	strace $0x90000046  }
0xb3: {  	s29 =	simm.s32 $0x9;
	_ =	strace $0x80000048  }
0xb4: {  	_ =	swait.ge [sflag:s29], $0x1  }
0xb5: {  	[sflag:s29] =	ssyncadd.s32 $0xFFFFFFFF  }
0xb6: {  	_ =	strace $0x90000048  }
0xb7: {  	_ =	sfence  }
0xb8: {  	s30 =	sld [smem:$0x0];
	_ =	sdelay $0x2  }
0xb9: {  	s31 =	sshll.u32 s1, $0xD;
	s1 =	sshrl.u32 s1, $0x2  }
0xba: {  	s3 =	sand.u32 $0x4000, s31;
	s1 =	sadd.s32 s1, s30  }
0xbb: {  	s0 =	sor.u32 s3, s0;
	s1 =	sshll.u32 s1, $0x11  }
0xbc: {  	s0 =	sor.u32 s1, s0  }
0xbd: {  	s0 =	sadd.s32 $0x8F2B, s0  }
0xbe: {  	[sflag:s0] =	ssyncadd.remote.s32 $0x1  }
0xbf: {  	_ =	sfence.sel $0xFFFF  }
0xc0: {  	[dreg:$0x0] =	wrdreg $0xFFFFFFFF;
	(pc) =	sbr.abs _section_cstart, $3  }
0xc1: {  	[dreg:$0x1] =	wrdreg $0xFFFFFFFF  }
0xc2: {  	_ =	task.clear_ibuf [dreg:s7], $0x2FFFF;
	_ =	strace $0x9FFFFFFF  }
0xc3: {  	(tm) =	ssettm $0x7FFFFFFF  }
tec
execute0_lowered:
.L_overlay_start_1:
0x0: {  	(tag) =	ssettag $0x1  }
0x1: {  	s1 =	rddreg [dreg:$0x0]  }
0x2: {  	s0 =	rddreg [dreg:$0x1]  }
0x3: {  	s2 =	rddreg [dreg:$0x2]  }
0x4: {  	s3 =	simm.s32 $0x0;
	s20 =	srdreg.scid;
	s8 =	stileid.u32  }
0x5: {  	s11 =	simm.s32 $0xB;
	s14 =	simm.s32 $0x50;
	s15 =	simm.s32 $0x8F80  }
0x6: {  	s17 =	simm.s32 $0x9000;
	s19 =	simm.s32 $0x9080;
	s28 =	simm.s32 $0x2  }
0x7: {  	s29 =	simm.s32 $0x7;
	s30 =	simm.s32 $0x9280;
	s31 =	simm.s32 $0x3  }
0x8: {  	s12 =	simm.s32 $0x9300;
	s13 =	simm.s32 $0x4;
	s16 =	simm.s32 $0x9  }
0x9: {  	s18 =	simm.s32 $0x9380;
	s9 =	simm.s32 $0x20;
	[smem:$0x7FF] =	sst s3  }
0xa: {  	s3 =	sand.u32 $0x1, s20;
	s4 =	smul.u32 $0xF00, s8;
	s6 =	sshll.u32 s8, $0xB  }
0xb: {  	s22 =	smul.u32 $0x1E00, s8;
	s20 =	simm.s32 $0x5;
	_ =	strace $0x80000047  }
0xc: {  	s5 =	sshll.u32 s3, $0xF;
	s7 =	sshll.u32 s3, $0x7;
	s3 =	ssub.s32 $0x2, s3  }
0xd: {  	s5 =	sor.u32 s6, s5;
	s4 =	sor.u32 s7, s4;
	s21 =	sshrl.u32 s3, $0x1  }
0xe: {  	s25 =	sshrl.u32 s22, $0x2;
	s22 =	simm.s32 $0xA;
	s4 =	sshrl.u32 s4, $0x3  }
0xf: {  	s5 =	sadd.s32 s5, s0;
	s3 =	ssub.s32 s3, s21;
	s7 =	sadd.s32 s25, s2  }
0x10: {  	s21 =	simm.s32 $0x9100;
	s25 =	simm.s32 $0x9200;
	s0 =	sadd.s32 s4, s0  }
.Ltmp0:
0x11: {  	s23 =	sadd.s32 $0x12E00, s5;
	s24 =	sadd.s32 $0x2E00, s5;
	(pc) =	sbr.rel .LBB2_1-.Ltmp0, $4  }
0x12: {  	s26 =	smax.u32 s3, $0x1;
	s3 =	simm.s32 $0x9400;
	[dreg:$0x4] =	wrdreg s23  }
0x13: {  	s5 =	simm.s32 $0x0;
	[dreg:$0x5] =	wrdreg s24;
	s0 =	sadd.s32 $0x22E00, s0  }
0x14: {  	[dreg:$0x7] =	wrdreg s26;
	s23 =	simm.s32 $0x9180;
	s24 =	simm.s32 $0x1  }
0x15: {  	v0 =	vimm.f32 $0.0e+00;
	v1 =	vimm.f32 $1.000000000e+00;
	s26 =	simm.s32 $0xF00;
	[dreg:$0x6] =	wrdreg s0;
	s0 =	simm.s32 $0x8  }
.LBB2_22:
0x16: {  	s4 =	simm.s32 $0x6  }
0x17: {  	_ =	swait.ge [sflag:s4], $0x50  }
0x18: {  	[sflag:s4] =	ssyncset.done $0x0  }
0x19: {  	[sflag:s4] =	ssyncadd.s32 $0xFFFFFFB0  }
0x1a: {  	_ =	swait.ge [sflag:s29], $0x50  }
0x1b: {  	[sflag:s29] =	ssyncset.done $0x0  }
0x1c: {  	[sflag:s29] =	ssyncadd.s32 $0xFFFFFFB0  }
0x1d: {  	_ =	swait.ge [sflag:s0], $0x50  }
0x1e: {  	[sflag:s0] =	ssyncset.done $0x0  }
0x1f: {  	[sflag:s0] =	ssyncadd.s32 $0xFFFFFFB0  }
0x20: {  	_ =	swait.ge [sflag:s16], $0x50  }
0x21: {  	[sflag:s16] =	ssyncset.done $0x0  }
0x22: {  	[sflag:s16] =	ssyncadd.s32 $0xFFFFFFB0  }
0x23: {  	_ =	swait.ge [sflag:s22], $0x50  }
0x24: {  	[sflag:s22] =	ssyncset.done $0x0  }
0x25: {  	s6 =	stileid.u32;
	[sflag:s22] =	ssyncadd.s32 $0xFFFFFFB0  }
0x26: {  	s8 =	sshrl.u32 s7, $0x3;
	s6 =	sshll.u32 s6, $0x6;
	[bflag:$0x0] =	sbarrier.arrive $0xFFFF  }
0x27: {  	s6 =	sor.u32 $0x1C0B, s6;
	s4 =	simm.s32 $0x10;
	s10 =	rddreg [dreg:$0x6]  }
0x28: {  	[hbm:s10@s9], [sflag:s6] =	dma.strided [spmem:s8@s4], $0xF0, s24, $0x10   }
0x29: {  	_ =	swait.ge [sflag:s11], $0xF0  }
0x2a: {  	s5 =	sadd.s32 $0x1, s5;
	s10 =	rddreg [dreg:$0x7]  }
0x2b: {  	p0 =	sne.s32 s5, s10  }
.Ltmp1:
0x2c: {  	_ = 	snop;
	(pc) =	sbr.rel @!p0 .LBB2_23-.Ltmp1, $3  }
0x2d: {  	_ =	sdelay $0x1  }
0x2e: {  	[sflag:s11] =	ssyncset.done $0x0  }
0x2f: {  	[sflag:s11] =	ssyncadd.s32 $0xFFFFFF10  }
.LBB2_1:
0x30: {  	s6 =	simm.s32 $0x0;
	s8 =	rddreg [dreg:$0x4];
	s10 =	simm.s32 $0xF80  }
0x31: {  	[tilespmem:s10], [sflag:$0xB] =	stream.linear.gather [hbm4b:s8+s6], $0x3E80, $0x38;
	[tilespmem:$0x9480] =	vst v63  }
0x32: {  	_ =	swait.ge [sflag:s11], $0x3E80  }
0x33: {  	[sflag:s11] =	ssyncset.done $0x0  }
0x34: {  	s4 =	simm.s32 $0x4F80;
	s10 =	rddreg [dreg:$0x5];
	[sflag:s11] =	ssyncadd.s32 $0xFFFFC180  }
0x35: {  	[tilespmem:s4], [sflag:$0xB] =	stream.linear.gather [hbm4b:s10+s6], $0x3E80, $0x38;
	[tilespmem:$0x9480] =	vst v63  }
0x36: {  	_ =	swait.ge [sflag:s11], $0x3E80  }
0x37: {  	[sflag:s11] =	ssyncset.done $0x0  }
0x38: {  	s6 =	simm.s32 $0x40;
	s10 =	simm.s32 $0x0;
	[sflag:s11] =	ssyncadd.s32 $0xFFFFC180  }
.LBB2_2:
0x39: {  	p0 =	sne.s32 s6, $0x1DC0;
	[tilespmem:s10+$0x780] =	vst v0;
	s10 =	smov.u32 s6;
	s6 =	sadd.s32 $0x40, s6  }
.Ltmp2:
0x3a: {  	(pc) =	sbr.rel @p0 .LBB2_2-.Ltmp2, $2  }
0x3b: {  	_ =	sdelay $0x2  }
0x3c: {  	s10 =	sshra.s32 s10, $0x2  }
0x3d: {  	[tilespmem:s10+$0x780] =	vst v0  }
0x3e: {  	[tilespmem:$0xF00] =	vst v1  }
0x3f: {  	[tilespmem:$0xF10] =	vst v1  }
0x40: {  	[tilespmem:$0xF20] =	vst v1  }
0x41: {  	[tilespmem:$0xF30] =	vst v1  }
0x42: {  	s6 =	simm.s32 $0x780;
	[tilespmem:$0xF40] =	vst v1  }
0x43: {  	[spmem:s7] =	stream.linear.scatter [tilespmem:s6], [sflag:$0xB], $0x780, $0x38;
	[tilespmem:$0x9480] =	vst v63  }
0x44: {  	_ =	swait.ge [sflag:s11], $0x780  }
0x45: {  	[sflag:s11] =	ssyncset.done $0x0  }
0x46: {  	[sflag:s11] =	ssyncadd.s32 $0xFFFFF880  }
0x47: {  	s8 =	simm.s32 $0xF80;
	[bflag:$0x0] =	sbarrier.arrive $0xFFFF  }
0x48: {  	[tilespmem:s15], [sflag:$0x1] =	stream.indirect.gather [hbm4b:s1+s14], $0x1, s8, s14, $0xb8;
	[tilespmem:$0x9480] =	vst v63  }
0x49: {  	s10 =	simm.s32 $0x1000  }
0x4a: {  	[tilespmem:s17], [sflag:$0x2] =	stream.indirect.gather [hbm4b:s1+s14], $0x1, s10, s14, $0xb8;
	[tilespmem:$0x9480] =	vst v63  }
0x4b: {  	s4 =	simm.s32 $0x1080  }
0x4c: {  	[tilespmem:s19], [sflag:$0x3] =	stream.indirect.gather [hbm4b:s1+s14], $0x1, s4, s14, $0xb8;
	[tilespmem:$0x9480] =	vst v63  }
0x4d: {  	s8 =	simm.s32 $0x1100  }
0x4e: {  	[tilespmem:s21], [sflag:$0x4] =	stream.indirect.gather [hbm4b:s1+s14], $0x1, s8, s14, $0xb8;
	[tilespmem:$0x9480] =	vst v63  }
0x4f: {  	s10 =	simm.s32 $0x1180  }
0x50: {  	[tilespmem:s23], [sflag:$0x5] =	stream.indirect.gather [hbm4b:s1+s14], $0x1, s10, s14, $0xb8;
	[tilespmem:$0x9480] =	vst v63  }
0x51: {  	s10 =	simm.s32 $0x0  }
.LBB2_4:
0x52: {  	_ =	swait.ge [sflag:s24], $0x50  }
0x53: {  	p0 =	seq.s32 s10, $0x0;
	[sflag:s24] =	ssyncset.done $0x0  }
0x54: {  	s6 =	simm.s32 @!p0 $0x6;
	[sflag:s24] =	ssyncadd.s32 $0xFFFFFFB0  }
0x55: {  	_ =	swait.ge @!p0 [sflag:s6], $0x50  }
0x56: {  	[sflag:s6] =	ssyncset.done @!p0 $0x0  }
0x57: {  	[sflag:s6] =	ssyncadd.s32 @!p0 $0xFFFFFFB0;
	s6 =	sshra.s32 s10, $0x2  }
0x58: {  	v2 =	vld [tilespmem:s6+$0x4F80];
	_ =	sdelay $0x1  }
0x59: {  	v3 =	vld [tilespmem:$0x8F80];
	_ =	sdelay $0x2  }
0x5a: {  	v2 =	vmul.u32 $0x3, v2;
	_ =	sdelay $0x1  }
0x5b: {  	v2 =	vadd.s32 v3, v2  }
0x5c: {  	[tilespmem:$0x9200] =	vst v2  }
0x5d: {  	v2 =	vld [tilespmem:s6+$0x4F90];
	_ =	sdelay $0x1  }
0x5e: {  	v3 =	vld [tilespmem:$0x8F90];
	_ =	sdelay $0x2  }
0x5f: {  	v2 =	vmul.u32 $0x3, v2;
	_ =	sdelay $0x1  }
0x60: {  	v2 =	vadd.s32 v3, v2  }
0x61: {  	[tilespmem:$0x9210] =	vst v2  }
0x62: {  	v2 =	vld [tilespmem:s6+$0x4FA0];
	_ =	sdelay $0x1  }
0x63: {  	v3 =	vld [tilespmem:$0x8FA0];
	_ =	sdelay $0x2  }
0x64: {  	v2 =	vmul.u32 $0x3, v2;
	_ =	sdelay $0x1  }
0x65: {  	v2 =	vadd.s32 v3, v2  }
0x66: {  	[tilespmem:$0x9220] =	vst v2  }
0x67: {  	v2 =	vld [tilespmem:s6+$0x4FB0];
	_ =	sdelay $0x1  }
0x68: {  	v3 =	vld [tilespmem:$0x8FB0];
	_ =	sdelay $0x2  }
0x69: {  	v2 =	vmul.u32 $0x3, v2;
	_ =	sdelay $0x1  }
0x6a: {  	v2 =	vadd.s32 v3, v2  }
0x6b: {  	[tilespmem:$0x9230] =	vst v2  }
0x6c: {  	v2 =	vld [tilespmem:s6+$0x4FC0];
	_ =	sdelay $0x1  }
0x6d: {  	v3 =	vld [tilespmem:$0x8FC0];
	_ =	sdelay $0x1  }
0x6e: {  	p1 =	sne.s32 s10, $0xF000  }
.Ltmp3:
0x6f: {  	v2 =	vmul.u32 $0x3, v2;
	(pc) =	sbr.rel @p1 .LBB2_6-.Ltmp3, $4  }
0x70: {  	_ = 	snop  }
0x71: {  	v2 =	vadd.s32 v3, v2  }
0x72: {  	[tilespmem:$0x9240] =	vst v2  }
0x73: {  	[spmem:s2] =	stream.indirect.scatter.add.f32 [tilespmem:s26], [sflag:$0x6], $0x1, s25, s14, $0xb8;
	[tilespmem:$0x9480] =	vst v63  }
.Ltmp4:
0x74: {  	(pc) =	sbr.rel .LBB2_7-.Ltmp4, $4  }
0x75: {  	_ = 	snop  }
0x76: {  	_ =	swait.ge [sflag:s28], $0x50  }
0x77: {  	[sflag:s28] =	ssyncset.done $0x0  }
0x78: {  	[sflag:s28] =	ssyncadd.s32 $0xFFFFFFB0  }
.LBB2_6:
.Ltmp5:
0x79: {  	s8 =	sadd.s32 $0x1200, s6;
	(pc) =	sbr.rel @p0 .LBB2_8-.Ltmp5, $4  }
0x7a: {  	[tilespmem:s15], [sflag:$0x1] =	stream.indirect.gather [hbm4b:s1+s14], $0x1, s8, s14, $0xb8;
	[tilespmem:$0x9480] =	vst v63  }
0x7b: {  	_ =	swait.ge [sflag:s28], $0x50  }
0x7c: {  	[sflag:s28] =	ssyncset.done $0x0  }
0x7d: {  	[sflag:s28] =	ssyncadd.s32 $0xFFFFFFB0  }
.LBB2_7:
0x7e: {  	_ =	swait.ge [sflag:s29], $0x50  }
0x7f: {  	[sflag:s29] =	ssyncset.done $0x0  }
0x80: {  	[sflag:s29] =	ssyncadd.s32 $0xFFFFFFB0  }
.LBB2_8:
0x81: {  	v2 =	vld [tilespmem:s6+$0x5000];
	_ =	sdelay $0x1  }
0x82: {  	v3 =	vld [tilespmem:$0x9000];
	_ =	sdelay $0x2  }
0x83: {  	v2 =	vmul.u32 $0x3, v2;
	_ =	sdelay $0x1  }
0x84: {  	v2 =	vadd.s32 v3, v2  }
0x85: {  	[tilespmem:$0x9280] =	vst v2  }
0x86: {  	v2 =	vld [tilespmem:s6+$0x5010];
	_ =	sdelay $0x1  }
0x87: {  	v3 =	vld [tilespmem:$0x9010];
	_ =	sdelay $0x2  }
0x88: {  	v2 =	vmul.u32 $0x3, v2;
	_ =	sdelay $0x1  }
0x89: {  	v2 =	vadd.s32 v3, v2  }
0x8a: {  	[tilespmem:$0x9290] =	vst v2  }
0x8b: {  	v2 =	vld [tilespmem:s6+$0x5020];
	_ =	sdelay $0x1  }
0x8c: {  	v3 =	vld [tilespmem:$0x9020];
	_ =	sdelay $0x2  }
0x8d: {  	v2 =	vmul.u32 $0x3, v2;
	_ =	sdelay $0x1  }
0x8e: {  	v2 =	vadd.s32 v3, v2  }
0x8f: {  	[tilespmem:$0x92A0] =	vst v2  }
0x90: {  	v2 =	vld [tilespmem:s6+$0x5030];
	_ =	sdelay $0x1  }
0x91: {  	v3 =	vld [tilespmem:$0x9030];
	_ =	sdelay $0x2  }
0x92: {  	v2 =	vmul.u32 $0x3, v2;
	_ =	sdelay $0x1  }
0x93: {  	v2 =	vadd.s32 v3, v2  }
0x94: {  	[tilespmem:$0x92B0] =	vst v2  }
0x95: {  	v2 =	vld [tilespmem:s6+$0x5040];
	_ =	sdelay $0x1  }
0x96: {  	v3 =	vld [tilespmem:$0x9040];
	_ =	sdelay $0x2  }
.Ltmp6:
0x97: {  	v2 =	vmul.u32 $0x3, v2;
	(pc) =	sbr.rel @p1 .LBB2_10-.Ltmp6, $4  }
0x98: {  	_ = 	snop  }
0x99: {  	v2 =	vadd.s32 v3, v2  }
0x9a: {  	[tilespmem:$0x92C0] =	vst v2  }
0x9b: {  	[spmem:s2] =	stream.indirect.scatter.add.f32 [tilespmem:s26], [sflag:$0x7], $0x1, s30, s14, $0xb8;
	[tilespmem:$0x9480] =	vst v63  }
.Ltmp7:
0x9c: {  	(pc) =	sbr.rel .LBB2_11-.Ltmp7, $4  }
0x9d: {  	_ = 	snop  }
0x9e: {  	_ =	swait.ge [sflag:s31], $0x50  }
0x9f: {  	[sflag:s31] =	ssyncset.done $0x0  }
0xa0: {  	[sflag:s31] =	ssyncadd.s32 $0xFFFFFFB0  }
.LBB2_10:
.Ltmp8:
0xa1: {  	s8 =	sadd.s32 $0x1280, s6;
	(pc) =	sbr.rel @p0 .LBB2_12-.Ltmp8, $4  }
0xa2: {  	[tilespmem:s17], [sflag:$0x2] =	stream.indirect.gather [hbm4b:s1+s14], $0x1, s8, s14, $0xb8;
	[tilespmem:$0x9480] =	vst v63  }
0xa3: {  	_ =	swait.ge [sflag:s31], $0x50  }
0xa4: {  	[sflag:s31] =	ssyncset.done $0x0  }
0xa5: {  	[sflag:s31] =	ssyncadd.s32 $0xFFFFFFB0  }
.LBB2_11:
0xa6: {  	_ =	swait.ge [sflag:s0], $0x50  }
0xa7: {  	[sflag:s0] =	ssyncset.done $0x0  }
0xa8: {  	[sflag:s0] =	ssyncadd.s32 $0xFFFFFFB0  }
.LBB2_12:
0xa9: {  	v2 =	vld [tilespmem:s6+$0x5080];
	_ =	sdelay $0x1  }
0xaa: {  	v3 =	vld [tilespmem:$0x9080];
	_ =	sdelay $0x2  }
0xab: {  	v2 =	vmul.u32 $0x3, v2;
	_ =	sdelay $0x1  }
0xac: {  	v2 =	vadd.s32 v3, v2  }
0xad: {  	[tilespmem:$0x9300] =	vst v2  }
0xae: {  	v2 =	vld [tilespmem:s6+$0x5090];
	_ =	sdelay $0x1  }
0xaf: {  	v3 =	vld [tilespmem:$0x9090];
	_ =	sdelay $0x2  }
0xb0: {  	v2 =	vmul.u32 $0x3, v2;
	_ =	sdelay $0x1  }
0xb1: {  	v2 =	vadd.s32 v3, v2  }
0xb2: {  	[tilespmem:$0x9310] =	vst v2  }
0xb3: {  	v2 =	vld [tilespmem:s6+$0x50A0];
	_ =	sdelay $0x1  }
0xb4: {  	v3 =	vld [tilespmem:$0x90A0];
	_ =	sdelay $0x2  }
0xb5: {  	v2 =	vmul.u32 $0x3, v2;
	_ =	sdelay $0x1  }
0xb6: {  	v2 =	vadd.s32 v3, v2  }
0xb7: {  	[tilespmem:$0x9320] =	vst v2  }
0xb8: {  	v2 =	vld [tilespmem:s6+$0x50B0];
	_ =	sdelay $0x1  }
0xb9: {  	v3 =	vld [tilespmem:$0x90B0];
	_ =	sdelay $0x2  }
0xba: {  	v2 =	vmul.u32 $0x3, v2;
	_ =	sdelay $0x1  }
0xbb: {  	v2 =	vadd.s32 v3, v2  }
0xbc: {  	[tilespmem:$0x9330] =	vst v2  }
0xbd: {  	v2 =	vld [tilespmem:s6+$0x50C0];
	_ =	sdelay $0x1  }
0xbe: {  	v3 =	vld [tilespmem:$0x90C0];
	_ =	sdelay $0x2  }
.Ltmp9:
0xbf: {  	v2 =	vmul.u32 $0x3, v2;
	(pc) =	sbr.rel @p1 .LBB2_14-.Ltmp9, $4  }
0xc0: {  	_ = 	snop  }
0xc1: {  	v2 =	vadd.s32 v3, v2  }
0xc2: {  	[tilespmem:$0x9340] =	vst v2  }
0xc3: {  	[spmem:s2] =	stream.indirect.scatter.add.f32 [tilespmem:s26], [sflag:$0x8], $0x1, s12, s14, $0xb8;
	[tilespmem:$0x9480] =	vst v63  }
.Ltmp10:
0xc4: {  	(pc) =	sbr.rel .LBB2_15-.Ltmp10, $4  }
0xc5: {  	_ = 	snop  }
0xc6: {  	_ =	swait.ge [sflag:s13], $0x50  }
0xc7: {  	[sflag:s13] =	ssyncset.done $0x0  }
0xc8: {  	[sflag:s13] =	ssyncadd.s32 $0xFFFFFFB0  }
.LBB2_14:
.Ltmp11:
0xc9: {  	s8 =	sadd.s32 $0x1300, s6;
	(pc) =	sbr.rel @p0 .LBB2_16-.Ltmp11, $4  }
0xca: {  	[tilespmem:s19], [sflag:$0x3] =	stream.indirect.gather [hbm4b:s1+s14], $0x1, s8, s14, $0xb8;
	[tilespmem:$0x9480] =	vst v63  }
0xcb: {  	_ =	swait.ge [sflag:s13], $0x50  }
0xcc: {  	[sflag:s13] =	ssyncset.done $0x0  }
0xcd: {  	[sflag:s13] =	ssyncadd.s32 $0xFFFFFFB0  }
.LBB2_15:
0xce: {  	_ =	swait.ge [sflag:s16], $0x50  }
0xcf: {  	[sflag:s16] =	ssyncset.done $0x0  }
0xd0: {  	[sflag:s16] =	ssyncadd.s32 $0xFFFFFFB0  }
.LBB2_16:
0xd1: {  	v2 =	vld [tilespmem:s6+$0x5100];
	_ =	sdelay $0x1  }
0xd2: {  	v3 =	vld [tilespmem:$0x9100];
	_ =	sdelay $0x2  }
0xd3: {  	v2 =	vmul.u32 $0x3, v2;
	_ =	sdelay $0x1  }
0xd4: {  	v2 =	vadd.s32 v3, v2  }
0xd5: {  	[tilespmem:$0x9380] =	vst v2  }
0xd6: {  	v2 =	vld [tilespmem:s6+$0x5110];
	_ =	sdelay $0x1  }
0xd7: {  	v3 =	vld [tilespmem:$0x9110];
	_ =	sdelay $0x2  }
0xd8: {  	v2 =	vmul.u32 $0x3, v2;
	_ =	sdelay $0x1  }
0xd9: {  	v2 =	vadd.s32 v3, v2  }
0xda: {  	[tilespmem:$0x9390] =	vst v2  }
0xdb: {  	v2 =	vld [tilespmem:s6+$0x5120];
	_ =	sdelay $0x1  }
0xdc: {  	v3 =	vld [tilespmem:$0x9120];
	_ =	sdelay $0x2  }
0xdd: {  	v2 =	vmul.u32 $0x3, v2;
	_ =	sdelay $0x1  }
0xde: {  	v2 =	vadd.s32 v3, v2  }
0xdf: {  	[tilespmem:$0x93A0] =	vst v2  }
0xe0: {  	v2 =	vld [tilespmem:s6+$0x5130];
	_ =	sdelay $0x1  }
0xe1: {  	v3 =	vld [tilespmem:$0x9130];
	_ =	sdelay $0x2  }
0xe2: {  	v2 =	vmul.u32 $0x3, v2;
	_ =	sdelay $0x1  }
0xe3: {  	v2 =	vadd.s32 v3, v2  }
0xe4: {  	[tilespmem:$0x93B0] =	vst v2  }
0xe5: {  	v2 =	vld [tilespmem:s6+$0x5140];
	_ =	sdelay $0x1  }
0xe6: {  	v3 =	vld [tilespmem:$0x9140];
	_ =	sdelay $0x2  }
.Ltmp12:
0xe7: {  	v2 =	vmul.u32 $0x3, v2;
	(pc) =	sbr.rel @p1 .LBB2_18-.Ltmp12, $4  }
0xe8: {  	_ = 	snop  }
0xe9: {  	v2 =	vadd.s32 v3, v2  }
0xea: {  	[tilespmem:$0x93C0] =	vst v2  }
0xeb: {  	[spmem:s2] =	stream.indirect.scatter.add.f32 [tilespmem:s26], [sflag:$0x9], $0x1, s18, s14, $0xb8;
	[tilespmem:$0x9480] =	vst v63  }
.Ltmp13:
0xec: {  	(pc) =	sbr.rel .LBB2_19-.Ltmp13, $4  }
0xed: {  	_ = 	snop  }
0xee: {  	_ =	swait.ge [sflag:s20], $0x50  }
0xef: {  	[sflag:s20] =	ssyncset.done $0x0  }
0xf0: {  	[sflag:s20] =	ssyncadd.s32 $0xFFFFFFB0  }
.LBB2_18:
.Ltmp14:
0xf1: {  	s8 =	sadd.s32 $0x1380, s6;
	(pc) =	sbr.rel @p0 .LBB2_20-.Ltmp14, $4  }
0xf2: {  	[tilespmem:s21], [sflag:$0x4] =	stream.indirect.gather [hbm4b:s1+s14], $0x1, s8, s14, $0xb8;
	[tilespmem:$0x9480] =	vst v63  }
0xf3: {  	_ =	swait.ge [sflag:s20], $0x50  }
0xf4: {  	[sflag:s20] =	ssyncset.done $0x0  }
0xf5: {  	[sflag:s20] =	ssyncadd.s32 $0xFFFFFFB0  }
.LBB2_19:
0xf6: {  	_ =	swait.ge [sflag:s22], $0x50  }
0xf7: {  	[sflag:s22] =	ssyncset.done $0x0  }
0xf8: {  	[sflag:s22] =	ssyncadd.s32 $0xFFFFFFB0  }
.LBB2_20:
0xf9: {  	v2 =	vld [tilespmem:s6+$0x5180];
	_ =	sdelay $0x1  }
0xfa: {  	v3 =	vld [tilespmem:$0x9180];
	_ =	sdelay $0x2  }
0xfb: {  	v2 =	vmul.u32 $0x3, v2;
	_ =	sdelay $0x1  }
0xfc: {  	v2 =	vadd.s32 v3, v2  }
0xfd: {  	[tilespmem:$0x9400] =	vst v2  }
0xfe: {  	v2 =	vld [tilespmem:s6+$0x5190];
	_ =	sdelay $0x1  }
0xff: {  	v3 =	vld [tilespmem:$0x9190];
	_ =	sdelay $0x2  }
0x100: {  	v2 =	vmul.u32 $0x3, v2;
	_ =	sdelay $0x1  }
0x101: {  	v2 =	vadd.s32 v3, v2  }
0x102: {  	[tilespmem:$0x9410] =	vst v2  }
0x103: {  	v2 =	vld [tilespmem:s6+$0x51A0];
	_ =	sdelay $0x1  }
0x104: {  	v3 =	vld [tilespmem:$0x91A0];
	_ =	sdelay $0x2  }
0x105: {  	v2 =	vmul.u32 $0x3, v2;
	_ =	sdelay $0x1  }
0x106: {  	v2 =	vadd.s32 v3, v2  }
0x107: {  	[tilespmem:$0x9420] =	vst v2  }
0x108: {  	v2 =	vld [tilespmem:s6+$0x51B0];
	_ =	sdelay $0x1  }
0x109: {  	v3 =	vld [tilespmem:$0x91B0];
	_ =	sdelay $0x2  }
0x10a: {  	v2 =	vmul.u32 $0x3, v2;
	_ =	sdelay $0x1  }
0x10b: {  	v2 =	vadd.s32 v3, v2  }
0x10c: {  	[tilespmem:$0x9430] =	vst v2  }
0x10d: {  	v2 =	vld [tilespmem:s6+$0x51C0];
	_ =	sdelay $0x1  }
0x10e: {  	v3 =	vld [tilespmem:$0x91C0];
	_ =	sdelay $0x1  }
0x10f: {  	p0 =	seq.s32 s10, $0xF000  }
.Ltmp15:
0x110: {  	v2 =	vmul.u32 $0x3, v2;
	(pc) =	sbr.rel @p0 .LBB2_22-.Ltmp15, $4  }
0x111: {  	_ = 	snop  }
0x112: {  	v2 =	vadd.s32 v3, v2  }
0x113: {  	[tilespmem:$0x9440] =	vst v2  }
0x114: {  	[spmem:s2] =	stream.indirect.scatter.add.f32 [tilespmem:s26], [sflag:$0xA], $0x1, s3, s14, $0xb8;
	[tilespmem:$0x9480] =	vst v63  }
.Ltmp16:
0x115: {  	(pc) =	sbr.rel .LBB2_4-.Ltmp16, $3  }
0x116: {  	_ =	sdelay $0x1  }
0x117: {  	s6 =	sadd.s32 $0x1400, s6;
	s10 =	sadd.s32 $0xA00, s10  }
0x118: {  	[tilespmem:s23], [sflag:$0x5] =	stream.indirect.gather [hbm4b:s1+s14], $0x1, s6, s14, $0xb8;
	[tilespmem:$0x9480] =	vst v63  }
.LBB2_23:
0x119: {  	_ =	sfence.sel $0x180000  }
0x11a: {  	[bflag:$0x0] =	sbarrier.arrive $0xFFFF  }
0x11b: {  	_ =	strace $0x90000047  }
0x11c: {  	s0 =	stileid.u32;
	[bflag:$0x2] =	sbarrier.arrive $0xFFFF  }
0x11d: {  	p0 =	sne.s32 s0, $0x0;
	s0 =	rddreg [dreg:$0x3]  }
0x11e: {  	s0 =	sadd.s32 @!p0 $0x100000, s0  }
0x11f: {  	[sflag:s0] =	ssyncadd.tile.s32 @!p0 $0x1;
	_ =	shalt  }
.Lfunc_end2:
_tile_overlayer_lowered:
.L_overlay_start_2:
0x120: {  	(tag) =	ssettag $0x2  }
0x121: {  	s0 =	rddreg [dreg:$0x0];
	s2 =	stileid.u32  }
0x122: {  	s1 =	rddreg [dreg:$0x1];
	p0 =	sne.s32 s2, $0x0  }
0x123: {  	s3 =	rddreg [dreg:$0x2];
	[bflag:$0x3] =	sbarrier.arrive $0xFFFF;
	s2 =	simm.s32 @!p0 $0x1C0B  }
0x124: {  	[timem:s3], [sflag:s2] =	dma.local @!p0 [hbm:s0], s1  }
0x125: {  	s0 =	simm.s32 @!p0 $0xB  }
0x126: {  	_ =	swait.ge @!p0 [sflag:s0], s1  }
0x127: {  	s1 =	ssub.s32 @!p0 $0x0, s1;
	[sflag:s0] =	ssyncset.done @!p0 $0x0  }
0x128: {  	[sflag:s0] =	ssyncadd.s32 @!p0 s1  }
0x129: {  	[bflag:$0x3] =	sbarrier.arrive $0xFFFF  }
0x12a: {  	_ =	shalt  }

</sc_bundles>
